<compile_context>
chip_gen: v7x
topology: tpu7x:2x2x1
jax: 0.10.2.dev20260603
libtpu: 0.0.44.dev20260713+nightly
codegen_flags: <defaults>
</compile_context>

<pallas_src>
import functools

import jax
import jax.numpy as jnp
from jax import lax
from jax.experimental import pallas as pl
from jax.experimental.pallas import tpu as pltpu
from jax.experimental.pallas import tpu_sc as plsc

_N = 1024
_D = 64
_NPRED = 131072
_HI = lax.Precision.HIGHEST



def _gcn_body(adj_ref, x_ref, w1_ref, b1_ref, w2_ref, b2_ref,
              w3_ref, b3_ref, out_ref, a_scr):
    adj = adj_ref[...]
    a_scr[...] = ((adj + adj.T) > 0).astype(jnp.float32)
    a = a_scr[...]
    h = x_ref[...]
    for w_ref, b_ref, relu in ((w1_ref, b1_ref, True),
                               (w2_ref, b2_ref, True),
                               (w3_ref, b3_ref, False)):
        hw = jnp.dot(h, w_ref[...],
                     preferred_element_type=jnp.float32)
        o = jnp.dot(a, hw, precision=_HI,
                    preferred_element_type=jnp.float32) + b_ref[...]
        h = jnp.maximum(o, 0.0) if relu else o
    out_ref[...] = h


def _gcn_stack(adj, x, w1, b1, w2, b2, w3p, b3p):
    return pl.pallas_call(
        _gcn_body,
        out_shape=jax.ShapeDtypeStruct((_N, 128), jnp.float32),
        scratch_shapes=[pltpu.VMEM((_N, _N), jnp.float32)],
    )(adj, x, w1, b1, w2, b2, w3p, b3p)



def _sc_gather_mul(table, idx2d):
    nrow, ch = idx2d.shape
    b = nrow * ch // 2
    dp = table.shape[1]
    info = plsc.get_sparse_core_info()
    nw = info.num_cores * info.num_subcores
    edges_per_w = b // nw
    chunks = edges_per_w // ch
    mesh = plsc.VectorSubcoreMesh(core_axis_name="c", subcore_axis_name="s")

    @functools.partial(
        pl.kernel,
        mesh=mesh,
        out_type=jax.ShapeDtypeStruct((b, dp), jnp.float32),
        scratch_types=[
            pltpu.VMEM((2 * chunks, ch), jnp.int32),
            pltpu.VMEM((ch, dp), jnp.float32),
            pltpu.VMEM((ch, dp), jnp.float32),
            pltpu.VMEM((ch, dp), jnp.float32),
            pltpu.VMEM((ch, dp), jnp.float32),
            pltpu.VMEM_SHARED((table.shape[0], dp), jnp.float32),
            pltpu.SemaphoreType.DMA,
            pltpu.SemaphoreType.DMA,
            pltpu.SemaphoreType.DMA,
            pltpu.SemaphoreType.DMA,
            pltpu.SemaphoreType.DMA,
            pltpu.SemaphoreType.DMA,
        ],
    )
    def gather_k(table_hbm, idx_hbm, out_hbm, idx_v, a0, b0, a1, b1,
                 table_sh, ga0, gb0, ga1, gb1, w0, w1):
        wid = lax.axis_index("s") * info.num_cores + lax.axis_index("c")
        ebase = wid * edges_per_w
        @pl.when(lax.axis_index("s") == 0)
        def _():
            pltpu.sync_copy(table_hbm, table_sh)
        plsc.subcore_barrier()
        pltpu.sync_copy(idx_hbm.at[pl.ds(wid * 2 * chunks, 2 * chunks)],
                        idx_v)
        sets = ((a0, b0, ga0, gb0, w0), (a1, b1, ga1, gb1, w1))

        def start_gathers(s, abuf, bbuf, sa, sb):
            return (
                pltpu.async_copy(table_sh.at[idx_v.at[s]], abuf, sa),
                pltpu.async_copy(table_sh.at[idx_v.at[chunks + s]],
                                 bbuf, sb),
            )

        def mul_into_a(abuf, bbuf):
            def row(r, carry):
                for c in range(_D // 16):
                    sl = pl.ds(c * 16, 16)
                    abuf[r, sl] = abuf[r, sl] * bbuf[r, sl]
                return carry
            lax.fori_loop(0, ch, row, 0)

        gathers = [None, None]
        writes = [None, None]
        gathers[0] = start_gathers(0, a0, b0, ga0, gb0)
        for s in range(chunks):
            cur = s % 2
            nxt = (s + 1) % 2
            for cp in gathers[cur]:
                cp.wait()
            if s + 1 < chunks:
                if writes[nxt] is not None:
                    writes[nxt].wait()
                gathers[nxt] = start_gathers(s + 1, *sets[nxt][:4])
            mul_into_a(sets[cur][0], sets[cur][1])
            writes[cur] = pltpu.async_copy(
                sets[cur][0],
                out_hbm.at[pl.ds(ebase + s * ch, ch)],
                sets[cur][4])
        for w in writes:
            if w is not None:
                w.wait()

    return gather_k(table, idx2d)



def _pred_body(z_ref, p1_ref, pb1_ref, p2_ref, pb2_ref, p3_ref,
               pb3_ref, out_ref):
    z = z_ref[...]
    h = jnp.maximum(jnp.dot(z, p1_ref[...],
                            preferred_element_type=jnp.float32)
                    + pb1_ref[...], 0.0)
    h = jnp.maximum(jnp.dot(h, p2_ref[...],
                            preferred_element_type=jnp.float32)
                    + pb2_ref[...], 0.0)
    ot = lax.dot_general(p3_ref[...], h, (((0,), (1,)), ((), ())),
                         preferred_element_type=jnp.float32) + pb3_ref[...]
    v0 = ot[0:1, :]
    v1 = ot[1:2, :]
    nrm = jnp.sqrt(v0 * v0 + v1 * v1)
    d = (v1 - v0) / jnp.clip(nrm, 1e-12, None)
    out_ref[...] = jnp.concatenate(
        [-jnp.log1p(jnp.exp(d)), -jnp.log1p(jnp.exp(-d))], axis=0)


def _predictor(z, p1, pb1, p2, pb2, p3, pb3, f_dim):
    br = 8192
    nblk = _NPRED // br
    dp = z.shape[1]
    return pl.pallas_call(
        _pred_body,
        grid=(nblk,),
        in_specs=[
            pl.BlockSpec((br, dp), lambda i: (i, 0)),
            pl.BlockSpec((dp, _D), lambda i: (0, 0)),
            pl.BlockSpec((1, _D), lambda i: (0, 0)),
            pl.BlockSpec((_D, _D), lambda i: (0, 0)),
            pl.BlockSpec((1, _D), lambda i: (0, 0)),
            pl.BlockSpec((_D, f_dim), lambda i: (0, 0)),
            pl.BlockSpec((f_dim, 1), lambda i: (0, 0)),
        ],
        out_specs=pl.BlockSpec((f_dim, br), lambda i: (0, i)),
        out_shape=jax.ShapeDtypeStruct((f_dim, _NPRED), jnp.float32),
    )(z, p1, pb1, p2, pb2, p3, pb3)


def kernel(x, adj_t, train_edges, W1, b1, W2, b2, W3, b3,
           P1, pb1, P2, pb2, P3, pb3):
    w3p = jnp.pad(W3, ((0, 0), (0, 128 - W3.shape[1])))
    b3p = jnp.pad(b3.reshape(1, -1), ((0, 0), (0, 128 - b3.shape[0])))
    emb = _gcn_stack(adj_t, x, W1, b1.reshape(1, -1),
                     W2, b2.reshape(1, -1), w3p, b3p)

    info = plsc.get_sparse_core_info()
    nw = info.num_cores * info.num_subcores
    cpw = _NPRED // (nw * 128)
    src3 = train_edges[:, 0].astype(jnp.int32).reshape(nw, cpw, 128)
    dst3 = train_edges[:, 1].astype(jnp.int32).reshape(nw, cpw, 128)
    idx2d = jnp.concatenate([src3, dst3], axis=1).reshape(-1, 128)
    z = _sc_gather_mul(emb, idx2d)

    f_dim = P3.shape[1]
    p1p = jnp.pad(P1, ((0, z.shape[1] - P1.shape[0]), (0, 0)))
    out_t = _predictor(z, p1p, pb1.reshape(1, -1), P2, pb2.reshape(1, -1),
                       P3, pb3.reshape(-1, 1), f_dim)
    return out_t.T[None, :, :]

# --- scband reference (transcript-rebuilt; emitter-appended) ---
"""Pipeline reference for scband-gcn-78142634983506 (READ-ONLY COPY).

The authoritative reference and input builder live on the scoring server;
editing this copy changes nothing except your own understanding.
"""

import jax, jax.numpy as jnp
import numpy as np

N = 1024
D_IN = 64
D_HID = 64
D_OUT = 64
F_DIM = 2
N_PRED = 131072


def setup_inputs(seed: int = 0) -> dict:
    key = jax.random.key(seed)
    ks = jax.random.split(key, 16)
    s = 0.05
    inp = {}
    inp["x"] = jax.random.normal(ks[0], (N, D_IN), dtype=jnp.float32)
    inp["adj_t"] = jax.random.randint(ks[1], (N, N), 0, 2, dtype=jnp.int32)
    inp["train_edges"] = jax.random.randint(ks[2], (N_PRED, 2), 0, N, dtype=jnp.int32)
    inp["W1"] = jax.random.normal(ks[3], (D_IN, D_HID), dtype=jnp.float32) * s
    inp["b1"] = jnp.zeros((D_HID,), dtype=jnp.float32)
    inp["W2"] = jax.random.normal(ks[4], (D_HID, D_HID), dtype=jnp.float32) * s
    inp["b2"] = jnp.zeros((D_HID,), dtype=jnp.float32)
    inp["W3"] = jax.random.normal(ks[5], (D_HID, D_OUT), dtype=jnp.float32) * s
    inp["b3"] = jnp.zeros((D_OUT,), dtype=jnp.float32)
    inp["P1"] = jax.random.normal(ks[6], (D_OUT, D_HID), dtype=jnp.float32) * s
    inp["pb1"] = jnp.zeros((D_HID,), dtype=jnp.float32)
    inp["P2"] = jax.random.normal(ks[7], (D_HID, D_HID), dtype=jnp.float32) * s
    inp["pb2"] = jnp.zeros((D_HID,), dtype=jnp.float32)
    inp["P3"] = jax.random.normal(ks[8], (D_HID, F_DIM), dtype=jnp.float32) * s
    inp["pb3"] = jnp.zeros((F_DIM,), dtype=jnp.float32)
    return inp


def _gcn_layer(h, src, dst, W, b):
    # GCNConv(normalize=False, edge_weight=None): linear transform then
    # sum-aggregate source messages at target nodes (no self-loops when normalize=False).
    m = (h @ W)[src]
    return jax.ops.segment_sum(m, dst, num_segments=N) + b


def reference(x, adj_t, train_edges, W1, b1, W2, b2, W3, b3, P1, pb1, P2, pb2, P3, pb3):
    # torch path: adj_t is a torch.Tensor -> symmetrize and take nonzero -> edge_index [2, E]
    sym = adj_t + adj_t.T
    src, dst = jnp.nonzero(sym, size=N * N, fill_value=N)  # edge_index[0]=source, edge_index[1]=target
    # GCN stack (dropout p=0)
    h = jax.nn.relu(_gcn_layer(x, src, dst, W1, b1))
    h = jax.nn.relu(_gcn_layer(h, src, dst, W2, b2))
    emb = _gcn_layer(h, src, dst, W3, b3)
    # LinkPredictor on gathered endpoint embeddings
    xi = emb[train_edges[:, 0]]
    xj = emb[train_edges[:, 1]]
    z = xi * xj
    z = jax.nn.relu(z @ P1 + pb1)
    z = jax.nn.relu(z @ P2 + pb2)
    z = z @ P3 + pb3
    nrm = jnp.linalg.norm(z, ord=2, axis=-1, keepdims=True)
    z = z / jnp.clip(nrm, 1e-12, None)
    out = jax.nn.log_softmax(z, axis=-1)
    return out[None, :, :]

if __name__ == "__main__":
    import jax
    _d = setup_inputs()
    print(jax.jit(kernel)(*tuple(_d.values())))

</pallas_src>

<mosaic_0001>
#map = affine_map<(d0, d1) -> (0, 0)>
module attributes {stable_mosaic.version = 14 : i64} {
  func.func @gather_k(%arg0: i32, %arg1: i32, %arg2: memref<1024x128xf32, #tpu.memory_space<hbm>>, %arg3: memref<2048x128xi32, #tpu.memory_space<hbm>>, %arg4: memref<131072x128xf32, #tpu.memory_space<hbm>>, %arg5: memref<64x128xi32, #tpu.memory_space<vmem>>, %arg6: memref<128x128xf32, #tpu.memory_space<vmem>>, %arg7: memref<128x128xf32, #tpu.memory_space<vmem>>, %arg8: memref<128x128xf32, #tpu.memory_space<vmem>>, %arg9: memref<128x128xf32, #tpu.memory_space<vmem>>, %arg10: memref<1024x128xf32, #tpu.memory_space<vmem_shared>>, %arg11: memref<!tpu.dma_semaphore, #tpu.memory_space<semaphore_mem>>, %arg12: memref<!tpu.dma_semaphore, #tpu.memory_space<semaphore_mem>>, %arg13: memref<!tpu.dma_semaphore, #tpu.memory_space<semaphore_mem>>, %arg14: memref<!tpu.dma_semaphore, #tpu.memory_space<semaphore_mem>>, %arg15: memref<!tpu.dma_semaphore, #tpu.memory_space<semaphore_mem>>, %arg16: memref<!tpu.dma_semaphore, #tpu.memory_space<semaphore_mem>>) attributes {dimension_semantics = [#tpu.dimension_semantics<core_parallel>, #tpu.dimension_semantics<subcore_parallel>], iteration_bounds = array<i64: 2, 16>, scalar_prefetch = 0 : i64, scratch_operands = 12 : i64, tpu.core_type = #tpu.core_type<sc_vector_subcore>, window_params = [{transform_indices = #map}, {transform_indices = #map}, {transform_indices = #map}]} {
    %mul3A = arith.constant 2 : i32
    %mul3A_0 = arith.muli %arg1, %mul3A : i32
    %add3A = arith.addi %mul3A_0, %arg0 : i32
    %mul3A_1 = arith.constant 4096 : i32
    %mul3A_2 = arith.muli %add3A, %mul3A_1 : i32
    %eq3A = arith.constant 0 : i32
    %eq3A_3 = arith.cmpi eq, %arg1, %eq3A : i32
    %convert_element_type3A = arith.extui %eq3A_3 : i1 to i32
    %cond3A = arith.constant 0 : i32
    %cond3A_4 = arith.cmpi ne, %convert_element_type3A, %cond3A : i32
    scf.if %cond3A_4 {
      "tpu.region"() ({
        %run_scoped3A = tpu.sem_alloc : memref<!tpu.dma_semaphore, #tpu.memory_space<semaphore_mem>>
        tpu.enqueue_dma source(%arg2 : memref<1024x128xf32, #tpu.memory_space<hbm>>) target(%arg10 : memref<1024x128xf32, #tpu.memory_space<vmem_shared>>) target_semaphore(%run_scoped3A : memref<!tpu.dma_semaphore, #tpu.memory_space<semaphore_mem>>)
        tpu.wait_dma2 semaphore(%run_scoped3A : memref<!tpu.dma_semaphore, #tpu.memory_space<semaphore_mem>>) src(%arg2 : memref<1024x128xf32, #tpu.memory_space<hbm>>) dst(%arg10 : memref<1024x128xf32, #tpu.memory_space<vmem_shared>>)
        tpu.yield
      }) : () -> ()
    } else {
    }
    %barrier3A = arith.constant 0 : index
    tpu.barrier barrier_id(%barrier3A)
    %mul3A_5 = arith.constant 2 : i32
    %mul3A_6 = arith.muli %add3A, %mul3A_5 : i32
    %mul3A_7 = arith.constant 32 : i32
    %mul3A_8 = arith.muli %mul3A_6, %mul3A_7 : i32
    "tpu.region"() ({
      %run_scoped3A = tpu.sem_alloc : memref<!tpu.dma_semaphore, #tpu.memory_space<semaphore_mem>>
      %dma_start3A_1414 = arith.constant 0 : i32
      %dma_start3A_1415 = tpu.memref_slice %arg3[%mul3A_8, %dma_start3A_1414] : memref<2048x128xi32, #tpu.memory_space<hbm>> -> memref<64x128xi32, #tpu.memory_space<hbm>>
      %dma_start3A_1416 = arith.constant 0 : i32
      %dma_start3A_1417 = tpu.memref_slice %arg3[%mul3A_8, %dma_start3A_1416] : memref<2048x128xi32, #tpu.memory_space<hbm>> -> memref<64x128xi32, #tpu.memory_space<hbm>>
      tpu.enqueue_dma source(%dma_start3A_1417 : memref<64x128xi32, #tpu.memory_space<hbm>>) target(%arg5 : memref<64x128xi32, #tpu.memory_space<vmem>>) target_semaphore(%run_scoped3A : memref<!tpu.dma_semaphore, #tpu.memory_space<semaphore_mem>>)
      %dma_wait3A_1418 = arith.constant 0 : i32
      %dma_wait3A_1419 = tpu.memref_slice %arg3[%mul3A_8, %dma_wait3A_1418] : memref<2048x128xi32, #tpu.memory_space<hbm>> -> memref<64x128xi32, #tpu.memory_space<hbm>>
      %dma_wait3A_1420 = arith.constant 0 : i32
      %dma_wait3A_1421 = tpu.memref_slice %arg3[%mul3A_8, %dma_wait3A_1420] : memref<2048x128xi32, #tpu.memory_space<hbm>> -> memref<64x128xi32, #tpu.memory_space<hbm>>
      tpu.wait_dma2 semaphore(%run_scoped3A : memref<!tpu.dma_semaphore, #tpu.memory_space<semaphore_mem>>) src(%dma_wait3A_1421 : memref<64x128xi32, #tpu.memory_space<hbm>>) dst(%arg5 : memref<64x128xi32, #tpu.memory_space<vmem>>)
      tpu.yield
    }) : () -> ()
    %dma_start3A = arith.constant 0 : i32
    %dma_start3A_9 = arith.constant 0 : i32
    %dma_start3A_10 = tpu.memref_slice %arg5[%dma_start3A, %dma_start3A_9] : memref<64x128xi32, #tpu.memory_space<vmem>> -> memref<1x128xi32, #tpu.memory_space<vmem>>
    %dma_start3A_11 = tpu.memref_squeeze %dma_start3A_10 : memref<1x128xi32, #tpu.memory_space<vmem>> -> memref<128xi32, #tpu.memory_space<vmem>>
    %dma_start3A_12 = arith.constant 0 : i32
    %dma_start3A_13 = arith.constant 0 : i32
    %dma_start3A_14 = tpu.memref_slice %arg10[%dma_start3A_12, %dma_start3A_13] : memref<1024x128xf32, #tpu.memory_space<vmem_shared>> -> memref<1024x128xf32, #tpu.memory_space<vmem_shared>>
    tpu.enqueue_indirect_dma source(%dma_start3A_14 : memref<1024x128xf32, #tpu.memory_space<vmem_shared>>) target(%arg6 : memref<128x128xf32, #tpu.memory_space<vmem>>) offsets(%dma_start3A_11 : memref<128xi32, #tpu.memory_space<vmem>>) semaphore(%arg11 : memref<!tpu.dma_semaphore, #tpu.memory_space<semaphore_mem>>)
    %dma_start3A_15 = arith.constant 32 : i32
    %dma_start3A_16 = arith.constant 0 : i32
    %dma_start3A_17 = tpu.memref_slice %arg5[%dma_start3A_15, %dma_start3A_16] : memref<64x128xi32, #tpu.memory_space<vmem>> -> memref<1x128xi32, #tpu.memory_space<vmem>>
    %dma_start3A_18 = tpu.memref_squeeze %dma_start3A_17 : memref<1x128xi32, #tpu.memory_space<vmem>> -> memref<128xi32, #tpu.memory_space<vmem>>
    %dma_start3A_19 = arith.constant 0 : i32
    %dma_start3A_20 = arith.constant 0 : i32
    %dma_start3A_21 = tpu.memref_slice %arg10[%dma_start3A_19, %dma_start3A_20] : memref<1024x128xf32, #tpu.memory_space<vmem_shared>> -> memref<1024x128xf32, #tpu.memory_space<vmem_shared>>
    tpu.enqueue_indirect_dma source(%dma_start3A_21 : memref<1024x128xf32, #tpu.memory_space<vmem_shared>>) target(%arg7 : memref<128x128xf32, #tpu.memory_space<vmem>>) offsets(%dma_start3A_18 : memref<128xi32, #tpu.memory_space<vmem>>) semaphore(%arg12 : memref<!tpu.dma_semaphore, #tpu.memory_space<semaphore_mem>>)
    %dma_wait3A = arith.constant 0 : i32
    %dma_wait3A_22 = arith.constant 0 : i32
    %dma_wait3A_23 = tpu.memref_slice %arg5[%dma_wait3A, %dma_wait3A_22] : memref<64x128xi32, #tpu.memory_space<vmem>> -> memref<1x128xi32, #tpu.memory_space<vmem>>
    %dma_wait3A_24 = tpu.memref_squeeze %dma_wait3A_23 : memref<1x128xi32, #tpu.memory_space<vmem>> -> memref<128xi32, #tpu.memory_space<vmem>>
    %dma_wait3A_25 = arith.constant 0 : i32
    %dma_wait3A_26 = arith.constant 0 : i32
    %dma_wait3A_27 = tpu.memref_slice %arg10[%dma_wait3A_25, %dma_wait3A_26] : memref<1024x128xf32, #tpu.memory_space<vmem_shared>> -> memref<1024x128xf32, #tpu.memory_space<vmem_shared>>
    tpu.wait_indirect_dma semaphore(%arg11 : memref<!tpu.dma_semaphore, #tpu.memory_space<semaphore_mem>>) src(%dma_wait3A_27 : memref<1024x128xf32, #tpu.memory_space<vmem_shared>>) dst(%arg6 : memref<128x128xf32, #tpu.memory_space<vmem>>)
    %dma_wait3A_28 = arith.constant 32 : i32
    %dma_wait3A_29 = arith.constant 0 : i32
    %dma_wait3A_30 = tpu.memref_slice %arg5[%dma_wait3A_28, %dma_wait3A_29] : memref<64x128xi32, #tpu.memory_space<vmem>> -> memref<1x128xi32, #tpu.memory_space<vmem>>
    %dma_wait3A_31 = tpu.memref_squeeze %dma_wait3A_30 : memref<1x128xi32, #tpu.memory_space<vmem>> -> memref<128xi32, #tpu.memory_space<vmem>>
    %dma_wait3A_32 = arith.constant 0 : i32
    %dma_wait3A_33 = arith.constant 0 : i32
    %dma_wait3A_34 = tpu.memref_slice %arg10[%dma_wait3A_32, %dma_wait3A_33] : memref<1024x128xf32, #tpu.memory_space<vmem_shared>> -> memref<1024x128xf32, #tpu.memory_space<vmem_shared>>
    tpu.wait_indirect_dma semaphore(%arg12 : memref<!tpu.dma_semaphore, #tpu.memory_space<semaphore_mem>>) src(%dma_wait3A_34 : memref<1024x128xf32, #tpu.memory_space<vmem_shared>>) dst(%arg7 : memref<128x128xf32, #tpu.memory_space<vmem>>)
    %dma_start3A_35 = arith.constant 1 : i32
    %dma_start3A_36 = arith.constant 0 : i32
    %dma_start3A_37 = tpu.memref_slice %arg5[%dma_start3A_35, %dma_start3A_36] : memref<64x128xi32, #tpu.memory_space<vmem>> -> memref<1x128xi32, #tpu.memory_space<vmem>>
    %dma_start3A_38 = tpu.memref_squeeze %dma_start3A_37 : memref<1x128xi32, #tpu.memory_space<vmem>> -> memref<128xi32, #tpu.memory_space<vmem>>
    %dma_start3A_39 = arith.constant 0 : i32
    %dma_start3A_40 = arith.constant 0 : i32
    %dma_start3A_41 = tpu.memref_slice %arg10[%dma_start3A_39, %dma_start3A_40] : memref<1024x128xf32, #tpu.memory_space<vmem_shared>> -> memref<1024x128xf32, #tpu.memory_space<vmem_shared>>
    tpu.enqueue_indirect_dma source(%dma_start3A_41 : memref<1024x128xf32, #tpu.memory_space<vmem_shared>>) target(%arg8 : memref<128x128xf32, #tpu.memory_space<vmem>>) offsets(%dma_start3A_38 : memref<128xi32, #tpu.memory_space<vmem>>) semaphore(%arg13 : memref<!tpu.dma_semaphore, #tpu.memory_space<semaphore_mem>>)
    %dma_start3A_42 = arith.constant 33 : i32
    %dma_start3A_43 = arith.constant 0 : i32
    %dma_start3A_44 = tpu.memref_slice %arg5[%dma_start3A_42, %dma_start3A_43] : memref<64x128xi32, #tpu.memory_space<vmem>> -> memref<1x128xi32, #tpu.memory_space<vmem>>
    %dma_start3A_45 = tpu.memref_squeeze %dma_start3A_44 : memref<1x128xi32, #tpu.memory_space<vmem>> -> memref<128xi32, #tpu.memory_space<vmem>>
    %dma_start3A_46 = arith.constant 0 : i32
    %dma_start3A_47 = arith.constant 0 : i32
    %dma_start3A_48 = tpu.memref_slice %arg10[%dma_start3A_46, %dma_start3A_47] : memref<1024x128xf32, #tpu.memory_space<vmem_shared>> -> memref<1024x128xf32, #tpu.memory_space<vmem_shared>>
    tpu.enqueue_indirect_dma source(%dma_start3A_48 : memref<1024x128xf32, #tpu.memory_space<vmem_shared>>) target(%arg9 : memref<128x128xf32, #tpu.memory_space<vmem>>) offsets(%dma_start3A_45 : memref<128xi32, #tpu.memory_space<vmem>>) semaphore(%arg14 : memref<!tpu.dma_semaphore, #tpu.memory_space<semaphore_mem>>)
    %scan3A = arith.constant 0 : i32
    %scan3A_49 = arith.constant 0 : i32
    %scan3A_50 = arith.constant 128 : i32
    %scan3A_51 = arith.addi %scan3A_49, %scan3A_50 : i32
    %scan3A_52 = arith.constant 1 : i32
    scf.for %scan3A_1414 = %scan3A_49 to %scan3A_51 step %scan3A_52  : i32 {
      %get3A = arith.index_cast %scan3A_1414 : i32 to index
      %get3A_1415 = arith.constant 0 : index
      %get3A_1416 = tpu.vector_load %arg6[%get3A, %get3A_1415] {strides = array<i32>} : memref<128x128xf32, #tpu.memory_space<vmem>>, vector<1x16xf32>,
      %get3A_1417 = vector.shape_cast %get3A_1416 : vector<1x16xf32> to vector<16xf32>
      %get3A_1418 = arith.index_cast %scan3A_1414 : i32 to index
      %get3A_1419 = arith.constant 0 : index
      %get3A_1420 = tpu.vector_load %arg7[%get3A_1418, %get3A_1419] {strides = array<i32>} : memref<128x128xf32, #tpu.memory_space<vmem>>, vector<1x16xf32>,
      %get3A_1421 = vector.shape_cast %get3A_1420 : vector<1x16xf32> to vector<16xf32>
      %mul3A_1422 = arith.mulf %get3A_1417, %get3A_1421 : vector<16xf32>
      %swap3A = arith.index_cast %scan3A_1414 : i32 to index
      %swap3A_1423 = arith.constant 0 : index
      %swap3A_1424 = tpu.vector_load %arg6[%swap3A, %swap3A_1423] {strides = array<i32>} : memref<128x128xf32, #tpu.memory_space<vmem>>, vector<1x16xf32>,
      %swap3A_1425 = vector.shape_cast %swap3A_1424 : vector<1x16xf32> to vector<16xf32>
      %swap3A_1426 = vector.shape_cast %mul3A_1422 : vector<16xf32> to vector<1x16xf32>
      tpu.vector_store %arg6[%swap3A, %swap3A_1423], %swap3A_1426 {strides = array<i32>} : memref<128x128xf32, #tpu.memory_space<vmem>>, vector<1x16xf32>,
      %get3A_1427 = arith.index_cast %scan3A_1414 : i32 to index
      %get3A_1428 = arith.constant 16 : index
      %get3A_1429 = tpu.vector_load %arg6[%get3A_1427, %get3A_1428] {strides = array<i32>} : memref<128x128xf32, #tpu.memory_space<vmem>>, vector<1x16xf32>,
      %get3A_1430 = vector.shape_cast %get3A_1429 : vector<1x16xf32> to vector<16xf32>
      %get3A_1431 = arith.index_cast %scan3A_1414 : i32 to index
      %get3A_1432 = arith.constant 16 : index
      %get3A_1433 = tpu.vector_load %arg7[%get3A_1431, %get3A_1432] {strides = array<i32>} : memref<128x128xf32, #tpu.memory_space<vmem>>, vector<1x16xf32>,
      %get3A_1434 = vector.shape_cast %get3A_1433 : vector<1x16xf32> to vector<16xf32>
      %mul3A_1435 = arith.mulf %get3A_1430, %get3A_1434 : vector<16xf32>
      %swap3A_1436 = arith.index_cast %scan3A_1414 : i32 to index
      %swap3A_1437 = arith.constant 16 : index
      %swap3A_1438 = tpu.vector_load %arg6[%swap3A_1436, %swap3A_1437] {strides = array<i32>} : memref<128x128xf32, #tpu.memory_space<vmem>>, vector<1x16xf32>,
      %swap3A_1439 = vector.shape_cast %swap3A_1438 : vector<1x16xf32> to vector<16xf32>
      %swap3A_1440 = vector.shape_cast %mul3A_1435 : vector<16xf32> to vector<1x16xf32>
      tpu.vector_store %arg6[%swap3A_1436, %swap3A_1437], %swap3A_1440 {strides = array<i32>} : memref<128x128xf32, #tpu.memory_space<vmem>>, vector<1x16xf32>,
      %get3A_1441 = arith.index_cast %scan3A_1414 : i32 to index
      %get3A_1442 = arith.constant 32 : index
      %get3A_1443 = tpu.vector_load %arg6[%get3A_1441, %get3A_1442] {strides = array<i32>} : memref<128x128xf32, #tpu.memory_space<vmem>>, vector<1x16xf32>,
      %get3A_1444 = vector.shape_cast %get3A_1443 : vector<1x16xf32> to vector<16xf32>
      %get3A_1445 = arith.index_cast %scan3A_1414 : i32 to index
      %get3A_1446 = arith.constant 32 : index
      %get3A_1447 = tpu.vector_load %arg7[%get3A_1445, %get3A_1446] {strides = array<i32>} : memref<128x128xf32, #tpu.memory_space<vmem>>, vector<1x16xf32>,
      %get3A_1448 = vector.shape_cast %get3A_1447 : vector<1x16xf32> to vector<16xf32>
      %mul3A_1449 = arith.mulf %get3A_1444, %get3A_1448 : vector<16xf32>
      %swap3A_1450 = arith.index_cast %scan3A_1414 : i32 to index
      %swap3A_1451 = arith.constant 32 : index
      %swap3A_1452 = tpu.vector_load %arg6[%swap3A_1450, %swap3A_1451] {strides = array<i32>} : memref<128x128xf32, #tpu.memory_space<vmem>>, vector<1x16xf32>,
      %swap3A_1453 = vector.shape_cast %swap3A_1452 : vector<1x16xf32> to vector<16xf32>
      %swap3A_1454 = vector.shape_cast %mul3A_1449 : vector<16xf32> to vector<1x16xf32>
      tpu.vector_store %arg6[%swap3A_1450, %swap3A_1451], %swap3A_1454 {strides = array<i32>} : memref<128x128xf32, #tpu.memory_space<vmem>>, vector<1x16xf32>,
      %get3A_1455 = arith.index_cast %scan3A_1414 : i32 to index
      %get3A_1456 = arith.constant 48 : index
      %get3A_1457 = tpu.vector_load %arg6[%get3A_1455, %get3A_1456] {strides = array<i32>} : memref<128x128xf32, #tpu.memory_space<vmem>>, vector<1x16xf32>,
      %get3A_1458 = vector.shape_cast %get3A_1457 : vector<1x16xf32> to vector<16xf32>
      %get3A_1459 = arith.index_cast %scan3A_1414 : i32 to index
      %get3A_1460 = arith.constant 48 : index
      %get3A_1461 = tpu.vector_load %arg7[%get3A_1459, %get3A_1460] {strides = array<i32>} : memref<128x128xf32, #tpu.memory_space<vmem>>, vector<1x16xf32>,
      %get3A_1462 = vector.shape_cast %get3A_1461 : vector<1x16xf32> to vector<16xf32>
      %mul3A_1463 = arith.mulf %get3A_1458, %get3A_1462 : vector<16xf32>
      %swap3A_1464 = arith.index_cast %scan3A_1414 : i32 to index
      %swap3A_1465 = arith.constant 48 : index
      %swap3A_1466 = tpu.vector_load %arg6[%swap3A_1464, %swap3A_1465] {strides = array<i32>} : memref<128x128xf32, #tpu.memory_space<vmem>>, vector<1x16xf32>,
      %swap3A_1467 = vector.shape_cast %swap3A_1466 : vector<1x16xf32> to vector<16xf32>
      %swap3A_1468 = vector.shape_cast %mul3A_1463 : vector<16xf32> to vector<1x16xf32>
      tpu.vector_store %arg6[%swap3A_1464, %swap3A_1465], %swap3A_1468 {strides = array<i32>} : memref<128x128xf32, #tpu.memory_space<vmem>>, vector<1x16xf32>,
    }
    %scan3A_53 = arith.constant 128 : i32
    %add3A_54 = arith.constant 0 : i32
    %add3A_55 = arith.addi %mul3A_2, %add3A_54 : i32
    %dma_start3A_56 = arith.constant 0 : i32
    %dma_start3A_57 = tpu.memref_slice %arg4[%add3A_55, %dma_start3A_56] : memref<131072x128xf32, #tpu.memory_space<hbm>> -> memref<128x128xf32, #tpu.memory_space<hbm>>
    %dma_start3A_58 = arith.constant 0 : i32
    %dma_start3A_59 = tpu.memref_slice %arg4[%add3A_55, %dma_start3A_58] : memref<131072x128xf32, #tpu.memory_space<hbm>> -> memref<128x128xf32, #tpu.memory_space<hbm>>
    tpu.enqueue_dma source(%arg6 : memref<128x128xf32, #tpu.memory_space<vmem>>) target(%dma_start3A_59 : memref<128x128xf32, #tpu.memory_space<hbm>>) target_semaphore(%arg15 : memref<!tpu.dma_semaphore, #tpu.memory_space<semaphore_mem>>)
    %dma_wait3A_60 = arith.constant 1 : i32
    %dma_wait3A_61 = arith.constant 0 : i32
    %dma_wait3A_62 = tpu.memref_slice %arg5[%dma_wait3A_60, %dma_wait3A_61] : memref<64x128xi32, #tpu.memory_space<vmem>> -> memref<1x128xi32, #tpu.memory_space<vmem>>
    %dma_wait3A_63 = tpu.memref_squeeze %dma_wait3A_62 : memref<1x128xi32, #tpu.memory_space<vmem>> -> memref<128xi32, #tpu.memory_space<vmem>>
    %dma_wait3A_64 = arith.constant 0 : i32
    %dma_wait3A_65 = arith.constant 0 : i32
    %dma_wait3A_66 = tpu.memref_slice %arg10[%dma_wait3A_64, %dma_wait3A_65] : memref<1024x128xf32, #tpu.memory_space<vmem_shared>> -> memref<1024x128xf32, #tpu.memory_space<vmem_shared>>
    tpu.wait_indirect_dma semaphore(%arg13 : memref<!tpu.dma_semaphore, #tpu.memory_space<semaphore_mem>>) src(%dma_wait3A_66 : memref<1024x128xf32, #tpu.memory_space<vmem_shared>>) dst(%arg8 : memref<128x128xf32, #tpu.memory_space<vmem>>)
    %dma_wait3A_67 = arith.constant 33 : i32
    %dma_wait3A_68 = arith.constant 0 : i32
    %dma_wait3A_69 = tpu.memref_slice %arg5[%dma_wait3A_67, %dma_wait3A_68] : memref<64x128xi32, #tpu.memory_space<vmem>> -> memref<1x128xi32, #tpu.memory_space<vmem>>
    %dma_wait3A_70 = tpu.memref_squeeze %dma_wait3A_69 : memref<1x128xi32, #tpu.memory_space<vmem>> -> memref<128xi32, #tpu.memory_space<vmem>>
    %dma_wait3A_71 = arith.constant 0 : i32
    %dma_wait3A_72 = arith.constant 0 : i32
    %dma_wait3A_73 = tpu.memref_slice %arg10[%dma_wait3A_71, %dma_wait3A_72] : memref<1024x128xf32, #tpu.memory_space<vmem_shared>> -> memref<1024x128xf32, #tpu.memory_space<vmem_shared>>
    tpu.wait_indirect_dma semaphore(%arg14 : memref<!tpu.dma_semaphore, #tpu.memory_space<semaphore_mem>>) src(%dma_wait3A_73 : memref<1024x128xf32, #tpu.memory_space<vmem_shared>>) dst(%arg9 : memref<128x128xf32, #tpu.memory_space<vmem>>)
    %dma_wait3A_74 = arith.constant 0 : i32
    %dma_wait3A_75 = tpu.memref_slice %arg4[%add3A_55, %dma_wait3A_74] : memref<131072x128xf32, #tpu.memory_space<hbm>> -> memref<128x128xf32, #tpu.memory_space<hbm>>
    %dma_wait3A_76 = arith.constant 0 : i32
    %dma_wait3A_77 = tpu.memref_slice %arg4[%add3A_55, %dma_wait3A_76] : memref<131072x128xf32, #tpu.memory_space<hbm>> -> memref<128x128xf32, #tpu.memory_space<hbm>>
    tpu.wait_dma2 semaphore(%arg15 : memref<!tpu.dma_semaphore, #tpu.memory_space<semaphore_mem>>) src(%arg6 : memref<128x128xf32, #tpu.memory_space<vmem>>) dst(%dma_wait3A_77 : memref<128x128xf32, #tpu.memory_space<hbm>>)
    %dma_start3A_78 = arith.constant 2 : i32
    %dma_start3A_79 = arith.constant 0 : i32
    %dma_start3A_80 = tpu.memref_slice %arg5[%dma_start3A_78, %dma_start3A_79] : memref<64x128xi32, #tpu.memory_space<vmem>> -> memref<1x128xi32, #tpu.memory_space<vmem>>
    %dma_start3A_81 = tpu.memref_squeeze %dma_start3A_80 : memref<1x128xi32, #tpu.memory_space<vmem>> -> memref<128xi32, #tpu.memory_space<vmem>>
    %dma_start3A_82 = arith.constant 0 : i32
    %dma_start3A_83 = arith.constant 0 : i32
    %dma_start3A_84 = tpu.memref_slice %arg10[%dma_start3A_82, %dma_start3A_83] : memref<1024x128xf32, #tpu.memory_space<vmem_shared>> -> memref<1024x128xf32, #tpu.memory_space<vmem_shared>>
    tpu.enqueue_indirect_dma source(%dma_start3A_84 : memref<1024x128xf32, #tpu.memory_space<vmem_shared>>) target(%arg6 : memref<128x128xf32, #tpu.memory_space<vmem>>) offsets(%dma_start3A_81 : memref<128xi32, #tpu.memory_space<vmem>>) semaphore(%arg11 : memref<!tpu.dma_semaphore, #tpu.memory_space<semaphore_mem>>)
    %dma_start3A_85 = arith.constant 34 : i32
    %dma_start3A_86 = arith.constant 0 : i32
    %dma_start3A_87 = tpu.memref_slice %arg5[%dma_start3A_85, %dma_start3A_86] : memref<64x128xi32, #tpu.memory_space<vmem>> -> memref<1x128xi32, #tpu.memory_space<vmem>>
    %dma_start3A_88 = tpu.memref_squeeze %dma_start3A_87 : memref<1x128xi32, #tpu.memory_space<vmem>> -> memref<128xi32, #tpu.memory_space<vmem>>
    %dma_start3A_89 = arith.constant 0 : i32
    %dma_start3A_90 = arith.constant 0 : i32
    %dma_start3A_91 = tpu.memref_slice %arg10[%dma_start3A_89, %dma_start3A_90] : memref<1024x128xf32, #tpu.memory_space<vmem_shared>> -> memref<1024x128xf32, #tpu.memory_space<vmem_shared>>
    tpu.enqueue_indirect_dma source(%dma_start3A_91 : memref<1024x128xf32, #tpu.memory_space<vmem_shared>>) target(%arg7 : memref<128x128xf32, #tpu.memory_space<vmem>>) offsets(%dma_start3A_88 : memref<128xi32, #tpu.memory_space<vmem>>) semaphore(%arg12 : memref<!tpu.dma_semaphore, #tpu.memory_space<semaphore_mem>>)
    %scan3A_92 = arith.constant 0 : i32
    %scan3A_93 = arith.constant 0 : i32
    %scan3A_94 = arith.constant 128 : i32
    %scan3A_95 = arith.addi %scan3A_93, %scan3A_94 : i32
    %scan3A_96 = arith.constant 1 : i32
    scf.for %scan3A_1414 = %scan3A_93 to %scan3A_95 step %scan3A_96  : i32 {
      %get3A = arith.index_cast %scan3A_1414 : i32 to index
      %get3A_1415 = arith.constant 0 : index
      %get3A_1416 = tpu.vector_load %arg8[%get3A, %get3A_1415] {strides = array<i32>} : memref<128x128xf32, #tpu.memory_space<vmem>>, vector<1x16xf32>,
      %get3A_1417 = vector.shape_cast %get3A_1416 : vector<1x16xf32> to vector<16xf32>
      %get3A_1418 = arith.index_cast %scan3A_1414 : i32 to index
      %get3A_1419 = arith.constant 0 : index
      %get3A_1420 = tpu.vector_load %arg9[%get3A_1418, %get3A_1419] {strides = array<i32>} : memref<128x128xf32, #tpu.memory_space<vmem>>, vector<1x16xf32>,
      %get3A_1421 = vector.shape_cast %get3A_1420 : vector<1x16xf32> to vector<16xf32>
      %mul3A_1422 = arith.mulf %get3A_1417, %get3A_1421 : vector<16xf32>
      %swap3A = arith.index_cast %scan3A_1414 : i32 to index
      %swap3A_1423 = arith.constant 0 : index
      %swap3A_1424 = tpu.vector_load %arg8[%swap3A, %swap3A_1423] {strides = array<i32>} : memref<128x128xf32, #tpu.memory_space<vmem>>, vector<1x16xf32>,
      %swap3A_1425 = vector.shape_cast %swap3A_1424 : vector<1x16xf32> to vector<16xf32>
      %swap3A_1426 = vector.shape_cast %mul3A_1422 : vector<16xf32> to vector<1x16xf32>
      tpu.vector_store %arg8[%swap3A, %swap3A_1423], %swap3A_1426 {strides = array<i32>} : memref<128x128xf32, #tpu.memory_space<vmem>>, vector<1x16xf32>,
      %get3A_1427 = arith.index_cast %scan3A_1414 : i32 to index
      %get3A_1428 = arith.constant 16 : index
      %get3A_1429 = tpu.vector_load %arg8[%get3A_1427, %get3A_1428] {strides = array<i32>} : memref<128x128xf32, #tpu.memory_space<vmem>>, vector<1x16xf32>,
      %get3A_1430 = vector.shape_cast %get3A_1429 : vector<1x16xf32> to vector<16xf32>
      %get3A_1431 = arith.index_cast %scan3A_1414 : i32 to index
      %get3A_1432 = arith.constant 16 : index
      %get3A_1433 = tpu.vector_load %arg9[%get3A_1431, %get3A_1432] {strides = array<i32>} : memref<128x128xf32, #tpu.memory_space<vmem>>, vector<1x16xf32>,
      %get3A_1434 = vector.shape_cast %get3A_1433 : vector<1x16xf32> to vector<16xf32>
      %mul3A_1435 = arith.mulf %get3A_1430, %get3A_1434 : vector<16xf32>
      %swap3A_1436 = arith.index_cast %scan3A_1414 : i32 to index
      %swap3A_1437 = arith.constant 16 : index
      %swap3A_1438 = tpu.vector_load %arg8[%swap3A_1436, %swap3A_1437] {strides = array<i32>} : memref<128x128xf32, #tpu.memory_space<vmem>>, vector<1x16xf32>,
      %swap3A_1439 = vector.shape_cast %swap3A_1438 : vector<1x16xf32> to vector<16xf32>
      %swap3A_1440 = vector.shape_cast %mul3A_1435 : vector<16xf32> to vector<1x16xf32>
      tpu.vector_store %arg8[%swap3A_1436, %swap3A_1437], %swap3A_1440 {strides = array<i32>} : memref<128x128xf32, #tpu.memory_space<vmem>>, vector<1x16xf32>,
      %get3A_1441 = arith.index_cast %scan3A_1414 : i32 to index
      %get3A_1442 = arith.constant 32 : index
      %get3A_1443 = tpu.vector_load %arg8[%get3A_1441, %get3A_1442] {strides = array<i32>} : memref<128x128xf32, #tpu.memory_space<vmem>>, vector<1x16xf32>,
      %get3A_1444 = vector.shape_cast %get3A_1443 : vector<1x16xf32> to vector<16xf32>
      %get3A_1445 = arith.index_cast %scan3A_1414 : i32 to index
      %get3A_1446 = arith.constant 32 : index
      %get3A_1447 = tpu.vector_load %arg9[%get3A_1445, %get3A_1446] {strides = array<i32>} : memref<128x128xf32, #tpu.memory_space<vmem>>, vector<1x16xf32>,
      %get3A_1448 = vector.shape_cast %get3A_1447 : vector<1x16xf32> to vector<16xf32>
      %mul3A_1449 = arith.mulf %get3A_1444, %get3A_1448 : vector<16xf32>
      %swap3A_1450 = arith.index_cast %scan3A_1414 : i32 to index
      %swap3A_1451 = arith.constant 32 : index
      %swap3A_1452 = tpu.vector_load %arg8[%swap3A_1450, %swap3A_1451] {strides = array<i32>} : memref<128x128xf32, #tpu.memory_space<vmem>>, vector<1x16xf32>,
      %swap3A_1453 = vector.shape_cast %swap3A_1452 : vector<1x16xf32> to vector<16xf32>
      %swap3A_1454 = vector.shape_cast %mul3A_1449 : vector<16xf32> to vector<1x16xf32>
      tpu.vector_store %arg8[%swap3A_1450, %swap3A_1451], %swap3A_1454 {strides = array<i32>} : memref<128x128xf32, #tpu.memory_space<vmem>>, vector<1x16xf32>,
      %get3A_1455 = arith.index_cast %scan3A_1414 : i32 to index
      %get3A_1456 = arith.constant 48 : index
      %get3A_1457 = tpu.vector_load %arg8[%get3A_1455, %get3A_1456] {strides = array<i32>} : memref<128x128xf32, #tpu.memory_space<vmem>>, vector<1x16xf32>,
      %get3A_1458 = vector.shape_cast %get3A_1457 : vector<1x16xf32> to vector<16xf32>
      %get3A_1459 = arith.index_cast %scan3A_1414 : i32 to index
      %get3A_1460 = arith.constant 48 : index
      %get3A_1461 = tpu.vector_load %arg9[%get3A_1459, %get3A_1460] {strides = array<i32>} : memref<128x128xf32, #tpu.memory_space<vmem>>, vector<1x16xf32>,
      %get3A_1462 = vector.shape_cast %get3A_1461 : vector<1x16xf32> to vector<16xf32>
      %mul3A_1463 = arith.mulf %get3A_1458, %get3A_1462 : vector<16xf32>
      %swap3A_1464 = arith.index_cast %scan3A_1414 : i32 to index
      %swap3A_1465 = arith.constant 48 : index
      %swap3A_1466 = tpu.vector_load %arg8[%swap3A_1464, %swap3A_1465] {strides = array<i32>} : memref<128x128xf32, #tpu.memory_space<vmem>>, vector<1x16xf32>,
      %swap3A_1467 = vector.shape_cast %swap3A_1466 : vector<1x16xf32> to vector<16xf32>
      %swap3A_1468 = vector.shape_cast %mul3A_1463 : vector<16xf32> to vector<1x16xf32>
      tpu.vector_store %arg8[%swap3A_1464, %swap3A_1465], %swap3A_1468 {strides = array<i32>} : memref<128x128xf32, #tpu.memory_space<vmem>>, vector<1x16xf32>,
    }
    %scan3A_97 = arith.constant 128 : i32
    %add3A_98 = arith.constant 128 : i32
    %add3A_99 = arith.addi %mul3A_2, %add3A_98 : i32
    %dma_start3A_100 = arith.constant 0 : i32
    %dma_start3A_101 = tpu.memref_slice %arg4[%add3A_99, %dma_start3A_100] : memref<131072x128xf32, #tpu.memory_space<hbm>> -> memref<128x128xf32, #tpu.memory_space<hbm>>
    %dma_start3A_102 = arith.constant 0 : i32
    %dma_start3A_103 = tpu.memref_slice %arg4[%add3A_99, %dma_start3A_102] : memref<131072x128xf32, #tpu.memory_space<hbm>> -> memref<128x128xf32, #tpu.memory_space<hbm>>
    tpu.enqueue_dma source(%arg8 : memref<128x128xf32, #tpu.memory_space<vmem>>) target(%dma_start3A_103 : memref<128x128xf32, #tpu.memory_space<hbm>>) target_semaphore(%arg16 : memref<!tpu.dma_semaphore, #tpu.memory_space<semaphore_mem>>)
    %dma_wait3A_104 = arith.constant 2 : i32
    %dma_wait3A_105 = arith.constant 0 : i32
    %dma_wait3A_106 = tpu.memref_slice %arg5[%dma_wait3A_104, %dma_wait3A_105] : memref<64x128xi32, #tpu.memory_space<vmem>> -> memref<1x128xi32, #tpu.memory_space<vmem>>
    %dma_wait3A_107 = tpu.memref_squeeze %dma_wait3A_106 : memref<1x128xi32, #tpu.memory_space<vmem>> -> memref<128xi32, #tpu.memory_space<vmem>>
    %dma_wait3A_108 = arith.constant 0 : i32
    %dma_wait3A_109 = arith.constant 0 : i32
    %dma_wait3A_110 = tpu.memref_slice %arg10[%dma_wait3A_108, %dma_wait3A_109] : memref<1024x128xf32, #tpu.memory_space<vmem_shared>> -> memref<1024x128xf32, #tpu.memory_space<vmem_shared>>
    tpu.wait_indirect_dma semaphore(%arg11 : memref<!tpu.dma_semaphore, #tpu.memory_space<semaphore_mem>>) src(%dma_wait3A_110 : memref<1024x128xf32, #tpu.memory_space<vmem_shared>>) dst(%arg6 : memref<128x128xf32, #tpu.memory_space<vmem>>)
    %dma_wait3A_111 = arith.constant 34 : i32
    %dma_wait3A_112 = arith.constant 0 : i32
    %dma_wait3A_113 = tpu.memref_slice %arg5[%dma_wait3A_111, %dma_wait3A_112] : memref<64x128xi32, #tpu.memory_space<vmem>> -> memref<1x128xi32, #tpu.memory_space<vmem>>
    %dma_wait3A_114 = tpu.memref_squeeze %dma_wait3A_113 : memref<1x128xi32, #tpu.memory_space<vmem>> -> memref<128xi32, #tpu.memory_space<vmem>>
    %dma_wait3A_115 = arith.constant 0 : i32
    %dma_wait3A_116 = arith.constant 0 : i32
    %dma_wait3A_117 = tpu.memref_slice %arg10[%dma_wait3A_115, %dma_wait3A_116] : memref<1024x128xf32, #tpu.memory_space<vmem_shared>> -> memref<1024x128xf32, #tpu.memory_space<vmem_shared>>
    tpu.wait_indirect_dma semaphore(%arg12 : memref<!tpu.dma_semaphore, #tpu.memory_space<semaphore_mem>>) src(%dma_wait3A_117 : memref<1024x128xf32, #tpu.memory_space<vmem_shared>>) dst(%arg7 : memref<128x128xf32, #tpu.memory_space<vmem>>)
    %dma_wait3A_118 = arith.constant 0 : i32
    %dma_wait3A_119 = tpu.memref_slice %arg4[%add3A_99, %dma_wait3A_118] : memref<131072x128xf32, #tpu.memory_space<hbm>> -> memref<128x128xf32, #tpu.memory_space<hbm>>
    %dma_wait3A_120 = arith.constant 0 : i32
    %dma_wait3A_121 = tpu.memref_slice %arg4[%add3A_99, %dma_wait3A_120] : memref<131072x128xf32, #tpu.memory_space<hbm>> -> memref<128x128xf32, #tpu.memory_space<hbm>>
    tpu.wait_dma2 semaphore(%arg16 : memref<!tpu.dma_semaphore, #tpu.memory_space<semaphore_mem>>) src(%arg8 : memref<128x128xf32, #tpu.memory_space<vmem>>) dst(%dma_wait3A_121 : memref<128x128xf32, #tpu.memory_space<hbm>>)
    %dma_start3A_122 = arith.constant 3 : i32
    %dma_start3A_123 = arith.constant 0 : i32
    %dma_start3A_124 = tpu.memref_slice %arg5[%dma_start3A_122, %dma_start3A_123] : memref<64x128xi32, #tpu.memory_space<vmem>> -> memref<1x128xi32, #tpu.memory_space<vmem>>
    %dma_start3A_125 = tpu.memref_squeeze %dma_start3A_124 : memref<1x128xi32, #tpu.memory_space<vmem>> -> memref<128xi32, #tpu.memory_space<vmem>>
    %dma_start3A_126 = arith.constant 0 : i32
    %dma_start3A_127 = arith.constant 0 : i32
    %dma_start3A_128 = tpu.memref_slice %arg10[%dma_start3A_126, %dma_start3A_127] : memref<1024x128xf32, #tpu.memory_space<vmem_shared>> -> memref<1024x128xf32, #tpu.memory_space<vmem_shared>>
    tpu.enqueue_indirect_dma source(%dma_start3A_128 : memref<1024x128xf32, #tpu.memory_space<vmem_shared>>) target(%arg8 : memref<128x128xf32, #tpu.memory_space<vmem>>) offsets(%dma_start3A_125 : memref<128xi32, #tpu.memory_space<vmem>>) semaphore(%arg13 : memref<!tpu.dma_semaphore, #tpu.memory_space<semaphore_mem>>)
    %dma_start3A_129 = arith.constant 35 : i32
    %dma_start3A_130 = arith.constant 0 : i32
    %dma_start3A_131 = tpu.memref_slice %arg5[%dma_start3A_129, %dma_start3A_130] : memref<64x128xi32, #tpu.memory_space<vmem>> -> memref<1x128xi32, #tpu.memory_space<vmem>>
    %dma_start3A_132 = tpu.memref_squeeze %dma_start3A_131 : memref<1x128xi32, #tpu.memory_space<vmem>> -> memref<128xi32, #tpu.memory_space<vmem>>
    %dma_start3A_133 = arith.constant 0 : i32
    %dma_start3A_134 = arith.constant 0 : i32
    %dma_start3A_135 = tpu.memref_slice %arg10[%dma_start3A_133, %dma_start3A_134] : memref<1024x128xf32, #tpu.memory_space<vmem_shared>> -> memref<1024x128xf32, #tpu.memory_space<vmem_shared>>
    tpu.enqueue_indirect_dma source(%dma_start3A_135 : memref<1024x128xf32, #tpu.memory_space<vmem_shared>>) target(%arg9 : memref<128x128xf32, #tpu.memory_space<vmem>>) offsets(%dma_start3A_132 : memref<128xi32, #tpu.memory_space<vmem>>) semaphore(%arg14 : memref<!tpu.dma_semaphore, #tpu.memory_space<semaphore_mem>>)
    %scan3A_136 = arith.constant 0 : i32
    %scan3A_137 = arith.constant 0 : i32
    %scan3A_138 = arith.constant 128 : i32
    %scan3A_139 = arith.addi %scan3A_137, %scan3A_138 : i32
    %scan3A_140 = arith.constant 1 : i32
    scf.for %scan3A_1414 = %scan3A_137 to %scan3A_139 step %scan3A_140  : i32 {
      %get3A = arith.index_cast %scan3A_1414 : i32 to index
      %get3A_1415 = arith.constant 0 : index
      %get3A_1416 = tpu.vector_load %arg6[%get3A, %get3A_1415] {strides = array<i32>} : memref<128x128xf32, #tpu.memory_space<vmem>>, vector<1x16xf32>,
      %get3A_1417 = vector.shape_cast %get3A_1416 : vector<1x16xf32> to vector<16xf32>
      %get3A_1418 = arith.index_cast %scan3A_1414 : i32 to index
      %get3A_1419 = arith.constant 0 : index
      %get3A_1420 = tpu.vector_load %arg7[%get3A_1418, %get3A_1419] {strides = array<i32>} : memref<128x128xf32, #tpu.memory_space<vmem>>, vector<1x16xf32>,
      %get3A_1421 = vector.shape_cast %get3A_1420 : vector<1x16xf32> to vector<16xf32>
      %mul3A_1422 = arith.mulf %get3A_1417, %get3A_1421 : vector<16xf32>
      %swap3A = arith.index_cast %scan3A_1414 : i32 to index
      %swap3A_1423 = arith.constant 0 : index
      %swap3A_1424 = tpu.vector_load %arg6[%swap3A, %swap3A_1423] {strides = array<i32>} : memref<128x128xf32, #tpu.memory_space<vmem>>, vector<1x16xf32>,
      %swap3A_1425 = vector.shape_cast %swap3A_1424 : vector<1x16xf32> to vector<16xf32>
      %swap3A_1426 = vector.shape_cast %mul3A_1422 : vector<16xf32> to vector<1x16xf32>
      tpu.vector_store %arg6[%swap3A, %swap3A_1423], %swap3A_1426 {strides = array<i32>} : memref<128x128xf32, #tpu.memory_space<vmem>>, vector<1x16xf32>,
      %get3A_1427 = arith.index_cast %scan3A_1414 : i32 to index
      %get3A_1428 = arith.constant 16 : index
      %get3A_1429 = tpu.vector_load %arg6[%get3A_1427, %get3A_1428] {strides = array<i32>} : memref<128x128xf32, #tpu.memory_space<vmem>>, vector<1x16xf32>,
      %get3A_1430 = vector.shape_cast %get3A_1429 : vector<1x16xf32> to vector<16xf32>
      %get3A_1431 = arith.index_cast %scan3A_1414 : i32 to index
      %get3A_1432 = arith.constant 16 : index
      %get3A_1433 = tpu.vector_load %arg7[%get3A_1431, %get3A_1432] {strides = array<i32>} : memref<128x128xf32, #tpu.memory_space<vmem>>, vector<1x16xf32>,
      %get3A_1434 = vector.shape_cast %get3A_1433 : vector<1x16xf32> to vector<16xf32>
      %mul3A_1435 = arith.mulf %get3A_1430, %get3A_1434 : vector<16xf32>
      %swap3A_1436 = arith.index_cast %scan3A_1414 : i32 to index
      %swap3A_1437 = arith.constant 16 : index
      %swap3A_1438 = tpu.vector_load %arg6[%swap3A_1436, %swap3A_1437] {strides = array<i32>} : memref<128x128xf32, #tpu.memory_space<vmem>>, vector<1x16xf32>,
      %swap3A_1439 = vector.shape_cast %swap3A_1438 : vector<1x16xf32> to vector<16xf32>
      %swap3A_1440 = vector.shape_cast %mul3A_1435 : vector<16xf32> to vector<1x16xf32>
      tpu.vector_store %arg6[%swap3A_1436, %swap3A_1437], %swap3A_1440 {strides = array<i32>} : memref<128x128xf32, #tpu.memory_space<vmem>>, vector<1x16xf32>,
      %get3A_1441 = arith.index_cast %scan3A_1414 : i32 to index
      %get3A_1442 = arith.constant 32 : index
      %get3A_1443 = tpu.vector_load %arg6[%get3A_1441, %get3A_1442] {strides = array<i32>} : memref<128x128xf32, #tpu.memory_space<vmem>>, vector<1x16xf32>,
      %get3A_1444 = vector.shape_cast %get3A_1443 : vector<1x16xf32> to vector<16xf32>
      %get3A_1445 = arith.index_cast %scan3A_1414 : i32 to index
      %get3A_1446 = arith.constant 32 : index
      %get3A_1447 = tpu.vector_load %arg7[%get3A_1445, %get3A_1446] {strides = array<i32>} : memref<128x128xf32, #tpu.memory_space<vmem>>, vector<1x16xf32>,
      %get3A_1448 = vector.shape_cast %get3A_1447 : vector<1x16xf32> to vector<16xf32>
      %mul3A_1449 = arith.mulf %get3A_1444, %get3A_1448 : vector<16xf32>
      %swap3A_1450 = arith.index_cast %scan3A_1414 : i32 to index
      %swap3A_1451 = arith.constant 32 : index
      %swap3A_1452 = tpu.vector_load %arg6[%swap3A_1450, %swap3A_1451] {strides = array<i32>} : memref<128x128xf32, #tpu.memory_space<vmem>>, vector<1x16xf32>,
      %swap3A_1453 = vector.shape_cast %swap3A_1452 : vector<1x16xf32> to vector<16xf32>
      %swap3A_1454 = vector.shape_cast %mul3A_1449 : vector<16xf32> to vector<1x16xf32>
      tpu.vector_store %arg6[%swap3A_1450, %swap3A_1451], %swap3A_1454 {strides = array<i32>} : memref<128x128xf32, #tpu.memory_space<vmem>>, vector<1x16xf32>,
      %get3A_1455 = arith.index_cast %scan3A_1414 : i32 to index
      %get3A_1456 = arith.constant 48 : index
      %get3A_1457 = tpu.vector_load %arg6[%get3A_1455, %get3A_1456] {strides = array<i32>} : memref<128x128xf32, #tpu.memory_space<vmem>>, vector<1x16xf32>,
      %get3A_1458 = vector.shape_cast %get3A_1457 : vector<1x16xf32> to vector<16xf32>
      %get3A_1459 = arith.index_cast %scan3A_1414 : i32 to index
      %get3A_1460 = arith.constant 48 : index
      %get3A_1461 = tpu.vector_load %arg7[%get3A_1459, %get3A_1460] {strides = array<i32>} : memref<128x128xf32, #tpu.memory_space<vmem>>, vector<1x16xf32>,
      %get3A_1462 = vector.shape_cast %get3A_1461 : vector<1x16xf32> to vector<16xf32>
      %mul3A_1463 = arith.mulf %get3A_1458, %get3A_1462 : vector<16xf32>
      %swap3A_1464 = arith.index_cast %scan3A_1414 : i32 to index
      %swap3A_1465 = arith.constant 48 : index
      %swap3A_1466 = tpu.vector_load %arg6[%swap3A_1464, %swap3A_1465] {strides = array<i32>} : memref<128x128xf32, #tpu.memory_space<vmem>>, vector<1x16xf32>,
      %swap3A_1467 = vector.shape_cast %swap3A_1466 : vector<1x16xf32> to vector<16xf32>
      %swap3A_1468 = vector.shape_cast %mul3A_1463 : vector<16xf32> to vector<1x16xf32>
      tpu.vector_store %arg6[%swap3A_1464, %swap3A_1465], %swap3A_1468 {strides = array<i32>} : memref<128x128xf32, #tpu.memory_space<vmem>>, vector<1x16xf32>,
    }
    %scan3A_141 = arith.constant 128 : i32
    %add3A_142 = arith.constant 256 : i32
    %add3A_143 = arith.addi %mul3A_2, %add3A_142 : i32
    %dma_start3A_144 = arith.constant 0 : i32
    %dma_start3A_145 = tpu.memref_slice %arg4[%add3A_143, %dma_start3A_144] : memref<131072x128xf32, #tpu.memory_space<hbm>> -> memref<128x128xf32, #tpu.memory_space<hbm>>
    %dma_start3A_146 = arith.constant 0 : i32
    %dma_start3A_147 = tpu.memref_slice %arg4[%add3A_143, %dma_start3A_146] : memref<131072x128xf32, #tpu.memory_space<hbm>> -> memref<128x128xf32, #tpu.memory_space<hbm>>
    tpu.enqueue_dma source(%arg6 : memref<128x128xf32, #tpu.memory_space<vmem>>) target(%dma_start3A_147 : memref<128x128xf32, #tpu.memory_space<hbm>>) target_semaphore(%arg15 : memref<!tpu.dma_semaphore, #tpu.memory_space<semaphore_mem>>)
    %dma_wait3A_148 = arith.constant 3 : i32
    %dma_wait3A_149 = arith.constant 0 : i32
    %dma_wait3A_150 = tpu.memref_slice %arg5[%dma_wait3A_148, %dma_wait3A_149] : memref<64x128xi32, #tpu.memory_space<vmem>> -> memref<1x128xi32, #tpu.memory_space<vmem>>
    %dma_wait3A_151 = tpu.memref_squeeze %dma_wait3A_150 : memref<1x128xi32, #tpu.memory_space<vmem>> -> memref<128xi32, #tpu.memory_space<vmem>>
    %dma_wait3A_152 = arith.constant 0 : i32
    %dma_wait3A_153 = arith.constant 0 : i32
    %dma_wait3A_154 = tpu.memref_slice %arg10[%dma_wait3A_152, %dma_wait3A_153] : memref<1024x128xf32, #tpu.memory_space<vmem_shared>> -> memref<1024x128xf32, #tpu.memory_space<vmem_shared>>
    tpu.wait_indirect_dma semaphore(%arg13 : memref<!tpu.dma_semaphore, #tpu.memory_space<semaphore_mem>>) src(%dma_wait3A_154 : memref<1024x128xf32, #tpu.memory_space<vmem_shared>>) dst(%arg8 : memref<128x128xf32, #tpu.memory_space<vmem>>)
    %dma_wait3A_155 = arith.constant 35 : i32
    %dma_wait3A_156 = arith.constant 0 : i32
    %dma_wait3A_157 = tpu.memref_slice %arg5[%dma_wait3A_155, %dma_wait3A_156] : memref<64x128xi32, #tpu.memory_space<vmem>> -> memref<1x128xi32, #tpu.memory_space<vmem>>
    %dma_wait3A_158 = tpu.memref_squeeze %dma_wait3A_157 : memref<1x128xi32, #tpu.memory_space<vmem>> -> memref<128xi32, #tpu.memory_space<vmem>>
    %dma_wait3A_159 = arith.constant 0 : i32
    %dma_wait3A_160 = arith.constant 0 : i32
    %dma_wait3A_161 = tpu.memref_slice %arg10[%dma_wait3A_159, %dma_wait3A_160] : memref<1024x128xf32, #tpu.memory_space<vmem_shared>> -> memref<1024x128xf32, #tpu.memory_space<vmem_shared>>
    tpu.wait_indirect_dma semaphore(%arg14 : memref<!tpu.dma_semaphore, #tpu.memory_space<semaphore_mem>>) src(%dma_wait3A_161 : memref<1024x128xf32, #tpu.memory_space<vmem_shared>>) dst(%arg9 : memref<128x128xf32, #tpu.memory_space<vmem>>)
    %dma_wait3A_162 = arith.constant 0 : i32
    %dma_wait3A_163 = tpu.memref_slice %arg4[%add3A_143, %dma_wait3A_162] : memref<131072x128xf32, #tpu.memory_space<hbm>> -> memref<128x128xf32, #tpu.memory_space<hbm>>
    %dma_wait3A_164 = arith.constant 0 : i32
    %dma_wait3A_165 = tpu.memref_slice %arg4[%add3A_143, %dma_wait3A_164] : memref<131072x128xf32, #tpu.memory_space<hbm>> -> memref<128x128xf32, #tpu.memory_space<hbm>>
    tpu.wait_dma2 semaphore(%arg15 : memref<!tpu.dma_semaphore, #tpu.memory_space<semaphore_mem>>) src(%arg6 : memref<128x128xf32, #tpu.memory_space<vmem>>) dst(%dma_wait3A_165 : memref<128x128xf32, #tpu.memory_space<hbm>>)
    %dma_start3A_166 = arith.constant 4 : i32
    %dma_start3A_167 = arith.constant 0 : i32
    %dma_start3A_168 = tpu.memref_slice %arg5[%dma_start3A_166, %dma_start3A_167] : memref<64x128xi32, #tpu.memory_space<vmem>> -> memref<1x128xi32, #tpu.memory_space<vmem>>
    %dma_start3A_169 = tpu.memref_squeeze %dma_start3A_168 : memref<1x128xi32, #tpu.memory_space<vmem>> -> memref<128xi32, #tpu.memory_space<vmem>>
    %dma_start3A_170 = arith.constant 0 : i32
    %dma_start3A_171 = arith.constant 0 : i32
    %dma_start3A_172 = tpu.memref_slice %arg10[%dma_start3A_170, %dma_start3A_171] : memref<1024x128xf32, #tpu.memory_space<vmem_shared>> -> memref<1024x128xf32, #tpu.memory_space<vmem_shared>>
    tpu.enqueue_indirect_dma source(%dma_start3A_172 : memref<1024x128xf32, #tpu.memory_space<vmem_shared>>) target(%arg6 : memref<128x128xf32, #tpu.memory_space<vmem>>) offsets(%dma_start3A_169 : memref<128xi32, #tpu.memory_space<vmem>>) semaphore(%arg11 : memref<!tpu.dma_semaphore, #tpu.memory_space<semaphore_mem>>)
    %dma_start3A_173 = arith.constant 36 : i32
    %dma_start3A_174 = arith.constant 0 : i32
    %dma_start3A_175 = tpu.memref_slice %arg5[%dma_start3A_173, %dma_start3A_174] : memref<64x128xi32, #tpu.memory_space<vmem>> -> memref<1x128xi32, #tpu.memory_space<vmem>>
    %dma_start3A_176 = tpu.memref_squeeze %dma_start3A_175 : memref<1x128xi32, #tpu.memory_space<vmem>> -> memref<128xi32, #tpu.memory_space<vmem>>
    %dma_start3A_177 = arith.constant 0 : i32
    %dma_start3A_178 = arith.constant 0 : i32
    %dma_start3A_179 = tpu.memref_slice %arg10[%dma_start3A_177, %dma_start3A_178] : memref<1024x128xf32, #tpu.memory_space<vmem_shared>> -> memref<1024x128xf32, #tpu.memory_space<vmem_shared>>
    tpu.enqueue_indirect_dma source(%dma_start3A_179 : memref<1024x128xf32, #tpu.memory_space<vmem_shared>>) target(%arg7 : memref<128x128xf32, #tpu.memory_space<vmem>>) offsets(%dma_start3A_176 : memref<128xi32, #tpu.memory_space<vmem>>) semaphore(%arg12 : memref<!tpu.dma_semaphore, #tpu.memory_space<semaphore_mem>>)
    %scan3A_180 = arith.constant 0 : i32
    %scan3A_181 = arith.constant 0 : i32
    %scan3A_182 = arith.constant 128 : i32
    %scan3A_183 = arith.addi %scan3A_181, %scan3A_182 : i32
    %scan3A_184 = arith.constant 1 : i32
    scf.for %scan3A_1414 = %scan3A_181 to %scan3A_183 step %scan3A_184  : i32 {
      %get3A = arith.index_cast %scan3A_1414 : i32 to index
      %get3A_1415 = arith.constant 0 : index
      %get3A_1416 = tpu.vector_load %arg8[%get3A, %get3A_1415] {strides = array<i32>} : memref<128x128xf32, #tpu.memory_space<vmem>>, vector<1x16xf32>,
      %get3A_1417 = vector.shape_cast %get3A_1416 : vector<1x16xf32> to vector<16xf32>
      %get3A_1418 = arith.index_cast %scan3A_1414 : i32 to index
      %get3A_1419 = arith.constant 0 : index
      %get3A_1420 = tpu.vector_load %arg9[%get3A_1418, %get3A_1419] {strides = array<i32>} : memref<128x128xf32, #tpu.memory_space<vmem>>, vector<1x16xf32>,
      %get3A_1421 = vector.shape_cast %get3A_1420 : vector<1x16xf32> to vector<16xf32>
      %mul3A_1422 = arith.mulf %get3A_1417, %get3A_1421 : vector<16xf32>
      %swap3A = arith.index_cast %scan3A_1414 : i32 to index
      %swap3A_1423 = arith.constant 0 : index
      %swap3A_1424 = tpu.vector_load %arg8[%swap3A, %swap3A_1423] {strides = array<i32>} : memref<128x128xf32, #tpu.memory_space<vmem>>, vector<1x16xf32>,
      %swap3A_1425 = vector.shape_cast %swap3A_1424 : vector<1x16xf32> to vector<16xf32>
      %swap3A_1426 = vector.shape_cast %mul3A_1422 : vector<16xf32> to vector<1x16xf32>
      tpu.vector_store %arg8[%swap3A, %swap3A_1423], %swap3A_1426 {strides = array<i32>} : memref<128x128xf32, #tpu.memory_space<vmem>>, vector<1x16xf32>,
      %get3A_1427 = arith.index_cast %scan3A_1414 : i32 to index
      %get3A_1428 = arith.constant 16 : index
      %get3A_1429 = tpu.vector_load %arg8[%get3A_1427, %get3A_1428] {strides = array<i32>} : memref<128x128xf32, #tpu.memory_space<vmem>>, vector<1x16xf32>,
      %get3A_1430 = vector.shape_cast %get3A_1429 : vector<1x16xf32> to vector<16xf32>
      %get3A_1431 = arith.index_cast %scan3A_1414 : i32 to index
      %get3A_1432 = arith.constant 16 : index
      %get3A_1433 = tpu.vector_load %arg9[%get3A_1431, %get3A_1432] {strides = array<i32>} : memref<128x128xf32, #tpu.memory_space<vmem>>, vector<1x16xf32>,
      %get3A_1434 = vector.shape_cast %get3A_1433 : vector<1x16xf32> to vector<16xf32>
      %mul3A_1435 = arith.mulf %get3A_1430, %get3A_1434 : vector<16xf32>
      %swap3A_1436 = arith.index_cast %scan3A_1414 : i32 to index
      %swap3A_1437 = arith.constant 16 : index
      %swap3A_1438 = tpu.vector_load %arg8[%swap3A_1436, %swap3A_1437] {strides = array<i32>} : memref<128x128xf32, #tpu.memory_space<vmem>>, vector<1x16xf32>,
      %swap3A_1439 = vector.shape_cast %swap3A_1438 : vector<1x16xf32> to vector<16xf32>
      %swap3A_1440 = vector.shape_cast %mul3A_1435 : vector<16xf32> to vector<1x16xf32>
      tpu.vector_store %arg8[%swap3A_1436, %swap3A_1437], %swap3A_1440 {strides = array<i32>} : memref<128x128xf32, #tpu.memory_space<vmem>>, vector<1x16xf32>,
      %get3A_1441 = arith.index_cast %scan3A_1414 : i32 to index
      %get3A_1442 = arith.constant 32 : index
      %get3A_1443 = tpu.vector_load %arg8[%get3A_1441, %get3A_1442] {strides = array<i32>} : memref<128x128xf32, #tpu.memory_space<vmem>>, vector<1x16xf32>,
      %get3A_1444 = vector.shape_cast %get3A_1443 : vector<1x16xf32> to vector<16xf32>
      %get3A_1445 = arith.index_cast %scan3A_1414 : i32 to index
      %get3A_1446 = arith.constant 32 : index
      %get3A_1447 = tpu.vector_load %arg9[%get3A_1445, %get3A_1446] {strides = array<i32>} : memref<128x128xf32, #tpu.memory_space<vmem>>, vector<1x16xf32>,
      %get3A_1448 = vector.shape_cast %get3A_1447 : vector<1x16xf32> to vector<16xf32>
      %mul3A_1449 = arith.mulf %get3A_1444, %get3A_1448 : vector<16xf32>
      %swap3A_1450 = arith.index_cast %scan3A_1414 : i32 to index
      %swap3A_1451 = arith.constant 32 : index
      %swap3A_1452 = tpu.vector_load %arg8[%swap3A_1450, %swap3A_1451] {strides = array<i32>} : memref<128x128xf32, #tpu.memory_space<vmem>>, vector<1x16xf32>,
      %swap3A_1453 = vector.shape_cast %swap3A_1452 : vector<1x16xf32> to vector<16xf32>
      %swap3A_1454 = vector.shape_cast %mul3A_1449 : vector<16xf32> to vector<1x16xf32>
      tpu.vector_store %arg8[%swap3A_1450, %swap3A_1451], %swap3A_1454 {strides = array<i32>} : memref<128x128xf32, #tpu.memory_space<vmem>>, vector<1x16xf32>,
      %get3A_1455 = arith.index_cast %scan3A_1414 : i32 to index
      %get3A_1456 = arith.constant 48 : index
      %get3A_1457 = tpu.vector_load %arg8[%get3A_1455, %get3A_1456] {strides = array<i32>} : memref<128x128xf32, #tpu.memory_space<vmem>>, vector<1x16xf32>,
      %get3A_1458 = vector.shape_cast %get3A_1457 : vector<1x16xf32> to vector<16xf32>
      %get3A_1459 = arith.index_cast %scan3A_1414 : i32 to index
      %get3A_1460 = arith.constant 48 : index
      %get3A_1461 = tpu.vector_load %arg9[%get3A_1459, %get3A_1460] {strides = array<i32>} : memref<128x128xf32, #tpu.memory_space<vmem>>, vector<1x16xf32>,
      %get3A_1462 = vector.shape_cast %get3A_1461 : vector<1x16xf32> to vector<16xf32>
      %mul3A_1463 = arith.mulf %get3A_1458, %get3A_1462 : vector<16xf32>
      %swap3A_1464 = arith.index_cast %scan3A_1414 : i32 to index
      %swap3A_1465 = arith.constant 48 : index
      %swap3A_1466 = tpu.vector_load %arg8[%swap3A_1464, %swap3A_1465] {strides = array<i32>} : memref<128x128xf32, #tpu.memory_space<vmem>>, vector<1x16xf32>,
      %swap3A_1467 = vector.shape_cast %swap3A_1466 : vector<1x16xf32> to vector<16xf32>
      %swap3A_1468 = vector.shape_cast %mul3A_1463 : vector<16xf32> to vector<1x16xf32>
      tpu.vector_store %arg8[%swap3A_1464, %swap3A_1465], %swap3A_1468 {strides = array<i32>} : memref<128x128xf32, #tpu.memory_space<vmem>>, vector<1x16xf32>,
    }
    %scan3A_185 = arith.constant 128 : i32
    %add3A_186 = arith.constant 384 : i32
    %add3A_187 = arith.addi %mul3A_2, %add3A_186 : i32
    %dma_start3A_188 = arith.constant 0 : i32
    %dma_start3A_189 = tpu.memref_slice %arg4[%add3A_187, %dma_start3A_188] : memref<131072x128xf32, #tpu.memory_space<hbm>> -> memref<128x128xf32, #tpu.memory_space<hbm>>
    %dma_start3A_190 = arith.constant 0 : i32
    %dma_start3A_191 = tpu.memref_slice %arg4[%add3A_187, %dma_start3A_190] : memref<131072x128xf32, #tpu.memory_space<hbm>> -> memref<128x128xf32, #tpu.memory_space<hbm>>
    tpu.enqueue_dma source(%arg8 : memref<128x128xf32, #tpu.memory_space<vmem>>) target(%dma_start3A_191 : memref<128x128xf32, #tpu.memory_space<hbm>>) target_semaphore(%arg16 : memref<!tpu.dma_semaphore, #tpu.memory_space<semaphore_mem>>)
    %dma_wait3A_192 = arith.constant 4 : i32
    %dma_wait3A_193 = arith.constant 0 : i32
    %dma_wait3A_194 = tpu.memref_slice %arg5[%dma_wait3A_192, %dma_wait3A_193] : memref<64x128xi32, #tpu.memory_space<vmem>> -> memref<1x128xi32, #tpu.memory_space<vmem>>
    %dma_wait3A_195 = tpu.memref_squeeze %dma_wait3A_194 : memref<1x128xi32, #tpu.memory_space<vmem>> -> memref<128xi32, #tpu.memory_space<vmem>>
    %dma_wait3A_196 = arith.constant 0 : i32
    %dma_wait3A_197 = arith.constant 0 : i32
    %dma_wait3A_198 = tpu.memref_slice %arg10[%dma_wait3A_196, %dma_wait3A_197] : memref<1024x128xf32, #tpu.memory_space<vmem_shared>> -> memref<1024x128xf32, #tpu.memory_space<vmem_shared>>
    tpu.wait_indirect_dma semaphore(%arg11 : memref<!tpu.dma_semaphore, #tpu.memory_space<semaphore_mem>>) src(%dma_wait3A_198 : memref<1024x128xf32, #tpu.memory_space<vmem_shared>>) dst(%arg6 : memref<128x128xf32, #tpu.memory_space<vmem>>)
    %dma_wait3A_199 = arith.constant 36 : i32
    %dma_wait3A_200 = arith.constant 0 : i32
    %dma_wait3A_201 = tpu.memref_slice %arg5[%dma_wait3A_199, %dma_wait3A_200] : memref<64x128xi32, #tpu.memory_space<vmem>> -> memref<1x128xi32, #tpu.memory_space<vmem>>
    %dma_wait3A_202 = tpu.memref_squeeze %dma_wait3A_201 : memref<1x128xi32, #tpu.memory_space<vmem>> -> memref<128xi32, #tpu.memory_space<vmem>>
    %dma_wait3A_203 = arith.constant 0 : i32
    %dma_wait3A_204 = arith.constant 0 : i32
    %dma_wait3A_205 = tpu.memref_slice %arg10[%dma_wait3A_203, %dma_wait3A_204] : memref<1024x128xf32, #tpu.memory_space<vmem_shared>> -> memref<1024x128xf32, #tpu.memory_space<vmem_shared>>
    tpu.wait_indirect_dma semaphore(%arg12 : memref<!tpu.dma_semaphore, #tpu.memory_space<semaphore_mem>>) src(%dma_wait3A_205 : memref<1024x128xf32, #tpu.memory_space<vmem_shared>>) dst(%arg7 : memref<128x128xf32, #tpu.memory_space<vmem>>)
    %dma_wait3A_206 = arith.constant 0 : i32
    %dma_wait3A_207 = tpu.memref_slice %arg4[%add3A_187, %dma_wait3A_206] : memref<131072x128xf32, #tpu.memory_space<hbm>> -> memref<128x128xf32, #tpu.memory_space<hbm>>
    %dma_wait3A_208 = arith.constant 0 : i32
    %dma_wait3A_209 = tpu.memref_slice %arg4[%add3A_187, %dma_wait3A_208] : memref<131072x128xf32, #tpu.memory_space<hbm>> -> memref<128x128xf32, #tpu.memory_space<hbm>>
    tpu.wait_dma2 semaphore(%arg16 : memref<!tpu.dma_semaphore, #tpu.memory_space<semaphore_mem>>) src(%arg8 : memref<128x128xf32, #tpu.memory_space<vmem>>) dst(%dma_wait3A_209 : memref<128x128xf32, #tpu.memory_space<hbm>>)
    %dma_start3A_210 = arith.constant 5 : i32
    %dma_start3A_211 = arith.constant 0 : i32
    %dma_start3A_212 = tpu.memref_slice %arg5[%dma_start3A_210, %dma_start3A_211] : memref<64x128xi32, #tpu.memory_space<vmem>> -> memref<1x128xi32, #tpu.memory_space<vmem>>
    %dma_start3A_213 = tpu.memref_squeeze %dma_start3A_212 : memref<1x128xi32, #tpu.memory_space<vmem>> -> memref<128xi32, #tpu.memory_space<vmem>>
    %dma_start3A_214 = arith.constant 0 : i32
    %dma_start3A_215 = arith.constant 0 : i32
    %dma_start3A_216 = tpu.memref_slice %arg10[%dma_start3A_214, %dma_start3A_215] : memref<1024x128xf32, #tpu.memory_space<vmem_shared>> -> memref<1024x128xf32, #tpu.memory_space<vmem_shared>>
    tpu.enqueue_indirect_dma source(%dma_start3A_216 : memref<1024x128xf32, #tpu.memory_space<vmem_shared>>) target(%arg8 : memref<128x128xf32, #tpu.memory_space<vmem>>) offsets(%dma_start3A_213 : memref<128xi32, #tpu.memory_space<vmem>>) semaphore(%arg13 : memref<!tpu.dma_semaphore, #tpu.memory_space<semaphore_mem>>)
    %dma_start3A_217 = arith.constant 37 : i32
    %dma_start3A_218 = arith.constant 0 : i32
    %dma_start3A_219 = tpu.memref_slice %arg5[%dma_start3A_217, %dma_start3A_218] : memref<64x128xi32, #tpu.memory_space<vmem>> -> memref<1x128xi32, #tpu.memory_space<vmem>>
    %dma_start3A_220 = tpu.memref_squeeze %dma_start3A_219 : memref<1x128xi32, #tpu.memory_space<vmem>> -> memref<128xi32, #tpu.memory_space<vmem>>
    %dma_start3A_221 = arith.constant 0 : i32
    %dma_start3A_222 = arith.constant 0 : i32
    %dma_start3A_223 = tpu.memref_slice %arg10[%dma_start3A_221, %dma_start3A_222] : memref<1024x128xf32, #tpu.memory_space<vmem_shared>> -> memref<1024x128xf32, #tpu.memory_space<vmem_shared>>
    tpu.enqueue_indirect_dma source(%dma_start3A_223 : memref<1024x128xf32, #tpu.memory_space<vmem_shared>>) target(%arg9 : memref<128x128xf32, #tpu.memory_space<vmem>>) offsets(%dma_start3A_220 : memref<128xi32, #tpu.memory_space<vmem>>) semaphore(%arg14 : memref<!tpu.dma_semaphore, #tpu.memory_space<semaphore_mem>>)
    %scan3A_224 = arith.constant 0 : i32
    %scan3A_225 = arith.constant 0 : i32
    %scan3A_226 = arith.constant 128 : i32
    %scan3A_227 = arith.addi %scan3A_225, %scan3A_226 : i32
    %scan3A_228 = arith.constant 1 : i32
    scf.for %scan3A_1414 = %scan3A_225 to %scan3A_227 step %scan3A_228  : i32 {
      %get3A = arith.index_cast %scan3A_1414 : i32 to index
      %get3A_1415 = arith.constant 0 : index
      %get3A_1416 = tpu.vector_load %arg6[%get3A, %get3A_1415] {strides = array<i32>} : memref<128x128xf32, #tpu.memory_space<vmem>>, vector<1x16xf32>,
      %get3A_1417 = vector.shape_cast %get3A_1416 : vector<1x16xf32> to vector<16xf32>
      %get3A_1418 = arith.index_cast %scan3A_1414 : i32 to index
      %get3A_1419 = arith.constant 0 : index
      %get3A_1420 = tpu.vector_load %arg7[%get3A_1418, %get3A_1419] {strides = array<i32>} : memref<128x128xf32, #tpu.memory_space<vmem>>, vector<1x16xf32>,
      %get3A_1421 = vector.shape_cast %get3A_1420 : vector<1x16xf32> to vector<16xf32>
      %mul3A_1422 = arith.mulf %get3A_1417, %get3A_1421 : vector<16xf32>
      %swap3A = arith.index_cast %scan3A_1414 : i32 to index
      %swap3A_1423 = arith.constant 0 : index
      %swap3A_1424 = tpu.vector_load %arg6[%swap3A, %swap3A_1423] {strides = array<i32>} : memref<128x128xf32, #tpu.memory_space<vmem>>, vector<1x16xf32>,
      %swap3A_1425 = vector.shape_cast %swap3A_1424 : vector<1x16xf32> to vector<16xf32>
      %swap3A_1426 = vector.shape_cast %mul3A_1422 : vector<16xf32> to vector<1x16xf32>
      tpu.vector_store %arg6[%swap3A, %swap3A_1423], %swap3A_1426 {strides = array<i32>} : memref<128x128xf32, #tpu.memory_space<vmem>>, vector<1x16xf32>,
      %get3A_1427 = arith.index_cast %scan3A_1414 : i32 to index
      %get3A_1428 = arith.constant 16 : index
      %get3A_1429 = tpu.vector_load %arg6[%get3A_1427, %get3A_1428] {strides = array<i32>} : memref<128x128xf32, #tpu.memory_space<vmem>>, vector<1x16xf32>,
      %get3A_1430 = vector.shape_cast %get3A_1429 : vector<1x16xf32> to vector<16xf32>
      %get3A_1431 = arith.index_cast %scan3A_1414 : i32 to index
      %get3A_1432 = arith.constant 16 : index
      %get3A_1433 = tpu.vector_load %arg7[%get3A_1431, %get3A_1432] {strides = array<i32>} : memref<128x128xf32, #tpu.memory_space<vmem>>, vector<1x16xf32>,
      %get3A_1434 = vector.shape_cast %get3A_1433 : vector<1x16xf32> to vector<16xf32>
      %mul3A_1435 = arith.mulf %get3A_1430, %get3A_1434 : vector<16xf32>
      %swap3A_1436 = arith.index_cast %scan3A_1414 : i32 to index
      %swap3A_1437 = arith.constant 16 : index
      %swap3A_1438 = tpu.vector_load %arg6[%swap3A_1436, %swap3A_1437] {strides = array<i32>} : memref<128x128xf32, #tpu.memory_space<vmem>>, vector<1x16xf32>,
      %swap3A_1439 = vector.shape_cast %swap3A_1438 : vector<1x16xf32> to vector<16xf32>
      %swap3A_1440 = vector.shape_cast %mul3A_1435 : vector<16xf32> to vector<1x16xf32>
      tpu.vector_store %arg6[%swap3A_1436, %swap3A_1437], %swap3A_1440 {strides = array<i32>} : memref<128x128xf32, #tpu.memory_space<vmem>>, vector<1x16xf32>,
      %get3A_1441 = arith.index_cast %scan3A_1414 : i32 to index
      %get3A_1442 = arith.constant 32 : index
      %get3A_1443 = tpu.vector_load %arg6[%get3A_1441, %get3A_1442] {strides = array<i32>} : memref<128x128xf32, #tpu.memory_space<vmem>>, vector<1x16xf32>,
      %get3A_1444 = vector.shape_cast %get3A_1443 : vector<1x16xf32> to vector<16xf32>
      %get3A_1445 = arith.index_cast %scan3A_1414 : i32 to index
      %get3A_1446 = arith.constant 32 : index
      %get3A_1447 = tpu.vector_load %arg7[%get3A_1445, %get3A_1446] {strides = array<i32>} : memref<128x128xf32, #tpu.memory_space<vmem>>, vector<1x16xf32>,
      %get3A_1448 = vector.shape_cast %get3A_1447 : vector<1x16xf32> to vector<16xf32>
      %mul3A_1449 = arith.mulf %get3A_1444, %get3A_1448 : vector<16xf32>
      %swap3A_1450 = arith.index_cast %scan3A_1414 : i32 to index
      %swap3A_1451 = arith.constant 32 : index
      %swap3A_1452 = tpu.vector_load %arg6[%swap3A_1450, %swap3A_1451] {strides = array<i32>} : memref<128x128xf32, #tpu.memory_space<vmem>>, vector<1x16xf32>,
      %swap3A_1453 = vector.shape_cast %swap3A_1452 : vector<1x16xf32> to vector<16xf32>
      %swap3A_1454 = vector.shape_cast %mul3A_1449 : vector<16xf32> to vector<1x16xf32>
      tpu.vector_store %arg6[%swap3A_1450, %swap3A_1451], %swap3A_1454 {strides = array<i32>} : memref<128x128xf32, #tpu.memory_space<vmem>>, vector<1x16xf32>,
      %get3A_1455 = arith.index_cast %scan3A_1414 : i32 to index
      %get3A_1456 = arith.constant 48 : index
      %get3A_1457 = tpu.vector_load %arg6[%get3A_1455, %get3A_1456] {strides = array<i32>} : memref<128x128xf32, #tpu.memory_space<vmem>>, vector<1x16xf32>,
      %get3A_1458 = vector.shape_cast %get3A_1457 : vector<1x16xf32> to vector<16xf32>
      %get3A_1459 = arith.index_cast %scan3A_1414 : i32 to index
      %get3A_1460 = arith.constant 48 : index
      %get3A_1461 = tpu.vector_load %arg7[%get3A_1459, %get3A_1460] {strides = array<i32>} : memref<128x128xf32, #tpu.memory_space<vmem>>, vector<1x16xf32>,
      %get3A_1462 = vector.shape_cast %get3A_1461 : vector<1x16xf32> to vector<16xf32>
      %mul3A_1463 = arith.mulf %get3A_1458, %get3A_1462 : vector<16xf32>
      %swap3A_1464 = arith.index_cast %scan3A_1414 : i32 to index
      %swap3A_1465 = arith.constant 48 : index
      %swap3A_1466 = tpu.vector_load %arg6[%swap3A_1464, %swap3A_1465] {strides = array<i32>} : memref<128x128xf32, #tpu.memory_space<vmem>>, vector<1x16xf32>,
      %swap3A_1467 = vector.shape_cast %swap3A_1466 : vector<1x16xf32> to vector<16xf32>
      %swap3A_1468 = vector.shape_cast %mul3A_1463 : vector<16xf32> to vector<1x16xf32>
      tpu.vector_store %arg6[%swap3A_1464, %swap3A_1465], %swap3A_1468 {strides = array<i32>} : memref<128x128xf32, #tpu.memory_space<vmem>>, vector<1x16xf32>,
    }
    %scan3A_229 = arith.constant 128 : i32
    %add3A_230 = arith.constant 512 : i32
    %add3A_231 = arith.addi %mul3A_2, %add3A_230 : i32
    %dma_start3A_232 = arith.constant 0 : i32
    %dma_start3A_233 = tpu.memref_slice %arg4[%add3A_231, %dma_start3A_232] : memref<131072x128xf32, #tpu.memory_space<hbm>> -> memref<128x128xf32, #tpu.memory_space<hbm>>
    %dma_start3A_234 = arith.constant 0 : i32
    %dma_start3A_235 = tpu.memref_slice %arg4[%add3A_231, %dma_start3A_234] : memref<131072x128xf32, #tpu.memory_space<hbm>> -> memref<128x128xf32, #tpu.memory_space<hbm>>
    tpu.enqueue_dma source(%arg6 : memref<128x128xf32, #tpu.memory_space<vmem>>) target(%dma_start3A_235 : memref<128x128xf32, #tpu.memory_space<hbm>>) target_semaphore(%arg15 : memref<!tpu.dma_semaphore, #tpu.memory_space<semaphore_mem>>)
    %dma_wait3A_236 = arith.constant 5 : i32
    %dma_wait3A_237 = arith.constant 0 : i32
    %dma_wait3A_238 = tpu.memref_slice %arg5[%dma_wait3A_236, %dma_wait3A_237] : memref<64x128xi32, #tpu.memory_space<vmem>> -> memref<1x128xi32, #tpu.memory_space<vmem>>
    %dma_wait3A_239 = tpu.memref_squeeze %dma_wait3A_238 : memref<1x128xi32, #tpu.memory_space<vmem>> -> memref<128xi32, #tpu.memory_space<vmem>>
    %dma_wait3A_240 = arith.constant 0 : i32
    %dma_wait3A_241 = arith.constant 0 : i32
    %dma_wait3A_242 = tpu.memref_slice %arg10[%dma_wait3A_240, %dma_wait3A_241] : memref<1024x128xf32, #tpu.memory_space<vmem_shared>> -> memref<1024x128xf32, #tpu.memory_space<vmem_shared>>
    tpu.wait_indirect_dma semaphore(%arg13 : memref<!tpu.dma_semaphore, #tpu.memory_space<semaphore_mem>>) src(%dma_wait3A_242 : memref<1024x128xf32, #tpu.memory_space<vmem_shared>>) dst(%arg8 : memref<128x128xf32, #tpu.memory_space<vmem>>)
    %dma_wait3A_243 = arith.constant 37 : i32
    %dma_wait3A_244 = arith.constant 0 : i32
    %dma_wait3A_245 = tpu.memref_slice %arg5[%dma_wait3A_243, %dma_wait3A_244] : memref<64x128xi32, #tpu.memory_space<vmem>> -> memref<1x128xi32, #tpu.memory_space<vmem>>
    %dma_wait3A_246 = tpu.memref_squeeze %dma_wait3A_245 : memref<1x128xi32, #tpu.memory_space<vmem>> -> memref<128xi32, #tpu.memory_space<vmem>>
    %dma_wait3A_247 = arith.constant 0 : i32
    %dma_wait3A_248 = arith.constant 0 : i32
    %dma_wait3A_249 = tpu.memref_slice %arg10[%dma_wait3A_247, %dma_wait3A_248] : memref<1024x128xf32, #tpu.memory_space<vmem_shared>> -> memref<1024x128xf32, #tpu.memory_space<vmem_shared>>
    tpu.wait_indirect_dma semaphore(%arg14 : memref<!tpu.dma_semaphore, #tpu.memory_space<semaphore_mem>>) src(%dma_wait3A_249 : memref<1024x128xf32, #tpu.memory_space<vmem_shared>>) dst(%arg9 : memref<128x128xf32, #tpu.memory_space<vmem>>)
    %dma_wait3A_250 = arith.constant 0 : i32
    %dma_wait3A_251 = tpu.memref_slice %arg4[%add3A_231, %dma_wait3A_250] : memref<131072x128xf32, #tpu.memory_space<hbm>> -> memref<128x128xf32, #tpu.memory_space<hbm>>
    %dma_wait3A_252 = arith.constant 0 : i32
    %dma_wait3A_253 = tpu.memref_slice %arg4[%add3A_231, %dma_wait3A_252] : memref<131072x128xf32, #tpu.memory_space<hbm>> -> memref<128x128xf32, #tpu.memory_space<hbm>>
    tpu.wait_dma2 semaphore(%arg15 : memref<!tpu.dma_semaphore, #tpu.memory_space<semaphore_mem>>) src(%arg6 : memref<128x128xf32, #tpu.memory_space<vmem>>) dst(%dma_wait3A_253 : memref<128x128xf32, #tpu.memory_space<hbm>>)
    %dma_start3A_254 = arith.constant 6 : i32
    %dma_start3A_255 = arith.constant 0 : i32
    %dma_start3A_256 = tpu.memref_slice %arg5[%dma_start3A_254, %dma_start3A_255] : memref<64x128xi32, #tpu.memory_space<vmem>> -> memref<1x128xi32, #tpu.memory_space<vmem>>
    %dma_start3A_257 = tpu.memref_squeeze %dma_start3A_256 : memref<1x128xi32, #tpu.memory_space<vmem>> -> memref<128xi32, #tpu.memory_space<vmem>>
    %dma_start3A_258 = arith.constant 0 : i32
    %dma_start3A_259 = arith.constant 0 : i32
    %dma_start3A_260 = tpu.memref_slice %arg10[%dma_start3A_258, %dma_start3A_259] : memref<1024x128xf32, #tpu.memory_space<vmem_shared>> -> memref<1024x128xf32, #tpu.memory_space<vmem_shared>>
    tpu.enqueue_indirect_dma source(%dma_start3A_260 : memref<1024x128xf32, #tpu.memory_space<vmem_shared>>) target(%arg6 : memref<128x128xf32, #tpu.memory_space<vmem>>) offsets(%dma_start3A_257 : memref<128xi32, #tpu.memory_space<vmem>>) semaphore(%arg11 : memref<!tpu.dma_semaphore, #tpu.memory_space<semaphore_mem>>)
    %dma_start3A_261 = arith.constant 38 : i32
    %dma_start3A_262 = arith.constant 0 : i32
    %dma_start3A_263 = tpu.memref_slice %arg5[%dma_start3A_261, %dma_start3A_262] : memref<64x128xi32, #tpu.memory_space<vmem>> -> memref<1x128xi32, #tpu.memory_space<vmem>>
    %dma_start3A_264 = tpu.memref_squeeze %dma_start3A_263 : memref<1x128xi32, #tpu.memory_space<vmem>> -> memref<128xi32, #tpu.memory_space<vmem>>
    %dma_start3A_265 = arith.constant 0 : i32
    %dma_start3A_266 = arith.constant 0 : i32
    %dma_start3A_267 = tpu.memref_slice %arg10[%dma_start3A_265, %dma_start3A_266] : memref<1024x128xf32, #tpu.memory_space<vmem_shared>> -> memref<1024x128xf32, #tpu.memory_space<vmem_shared>>
    tpu.enqueue_indirect_dma source(%dma_start3A_267 : memref<1024x128xf32, #tpu.memory_space<vmem_shared>>) target(%arg7 : memref<128x128xf32, #tpu.memory_space<vmem>>) offsets(%dma_start3A_264 : memref<128xi32, #tpu.memory_space<vmem>>) semaphore(%arg12 : memref<!tpu.dma_semaphore, #tpu.memory_space<semaphore_mem>>)
    %scan3A_268 = arith.constant 0 : i32
    %scan3A_269 = arith.constant 0 : i32
    %scan3A_270 = arith.constant 128 : i32
    %scan3A_271 = arith.addi %scan3A_269, %scan3A_270 : i32
    %scan3A_272 = arith.constant 1 : i32
    scf.for %scan3A_1414 = %scan3A_269 to %scan3A_271 step %scan3A_272  : i32 {
      %get3A = arith.index_cast %scan3A_1414 : i32 to index
      %get3A_1415 = arith.constant 0 : index
      %get3A_1416 = tpu.vector_load %arg8[%get3A, %get3A_1415] {strides = array<i32>} : memref<128x128xf32, #tpu.memory_space<vmem>>, vector<1x16xf32>,
      %get3A_1417 = vector.shape_cast %get3A_1416 : vector<1x16xf32> to vector<16xf32>
      %get3A_1418 = arith.index_cast %scan3A_1414 : i32 to index
      %get3A_1419 = arith.constant 0 : index
      %get3A_1420 = tpu.vector_load %arg9[%get3A_1418, %get3A_1419] {strides = array<i32>} : memref<128x128xf32, #tpu.memory_space<vmem>>, vector<1x16xf32>,
      %get3A_1421 = vector.shape_cast %get3A_1420 : vector<1x16xf32> to vector<16xf32>
      %mul3A_1422 = arith.mulf %get3A_1417, %get3A_1421 : vector<16xf32>
      %swap3A = arith.index_cast %scan3A_1414 : i32 to index
      %swap3A_1423 = arith.constant 0 : index
      %swap3A_1424 = tpu.vector_load %arg8[%swap3A, %swap3A_1423] {strides = array<i32>} : memref<128x128xf32, #tpu.memory_space<vmem>>, vector<1x16xf32>,
      %swap3A_1425 = vector.shape_cast %swap3A_1424 : vector<1x16xf32> to vector<16xf32>
      %swap3A_1426 = vector.shape_cast %mul3A_1422 : vector<16xf32> to vector<1x16xf32>
      tpu.vector_store %arg8[%swap3A, %swap3A_1423], %swap3A_1426 {strides = array<i32>} : memref<128x128xf32, #tpu.memory_space<vmem>>, vector<1x16xf32>,
      %get3A_1427 = arith.index_cast %scan3A_1414 : i32 to index
      %get3A_1428 = arith.constant 16 : index
      %get3A_1429 = tpu.vector_load %arg8[%get3A_1427, %get3A_1428] {strides = array<i32>} : memref<128x128xf32, #tpu.memory_space<vmem>>, vector<1x16xf32>,
      %get3A_1430 = vector.shape_cast %get3A_1429 : vector<1x16xf32> to vector<16xf32>
      %get3A_1431 = arith.index_cast %scan3A_1414 : i32 to index
      %get3A_1432 = arith.constant 16 : index
      %get3A_1433 = tpu.vector_load %arg9[%get3A_1431, %get3A_1432] {strides = array<i32>} : memref<128x128xf32, #tpu.memory_space<vmem>>, vector<1x16xf32>,
      %get3A_1434 = vector.shape_cast %get3A_1433 : vector<1x16xf32> to vector<16xf32>
      %mul3A_1435 = arith.mulf %get3A_1430, %get3A_1434 : vector<16xf32>
      %swap3A_1436 = arith.index_cast %scan3A_1414 : i32 to index
      %swap3A_1437 = arith.constant 16 : index
      %swap3A_1438 = tpu.vector_load %arg8[%swap3A_1436, %swap3A_1437] {strides = array<i32>} : memref<128x128xf32, #tpu.memory_space<vmem>>, vector<1x16xf32>,
      %swap3A_1439 = vector.shape_cast %swap3A_1438 : vector<1x16xf32> to vector<16xf32>
      %swap3A_1440 = vector.shape_cast %mul3A_1435 : vector<16xf32> to vector<1x16xf32>
      tpu.vector_store %arg8[%swap3A_1436, %swap3A_1437], %swap3A_1440 {strides = array<i32>} : memref<128x128xf32, #tpu.memory_space<vmem>>, vector<1x16xf32>,
      %get3A_1441 = arith.index_cast %scan3A_1414 : i32 to index
      %get3A_1442 = arith.constant 32 : index
      %get3A_1443 = tpu.vector_load %arg8[%get3A_1441, %get3A_1442] {strides = array<i32>} : memref<128x128xf32, #tpu.memory_space<vmem>>, vector<1x16xf32>,
      %get3A_1444 = vector.shape_cast %get3A_1443 : vector<1x16xf32> to vector<16xf32>
      %get3A_1445 = arith.index_cast %scan3A_1414 : i32 to index
      %get3A_1446 = arith.constant 32 : index
      %get3A_1447 = tpu.vector_load %arg9[%get3A_1445, %get3A_1446] {strides = array<i32>} : memref<128x128xf32, #tpu.memory_space<vmem>>, vector<1x16xf32>,
      %get3A_1448 = vector.shape_cast %get3A_1447 : vector<1x16xf32> to vector<16xf32>
      %mul3A_1449 = arith.mulf %get3A_1444, %get3A_1448 : vector<16xf32>
      %swap3A_1450 = arith.index_cast %scan3A_1414 : i32 to index
      %swap3A_1451 = arith.constant 32 : index
      %swap3A_1452 = tpu.vector_load %arg8[%swap3A_1450, %swap3A_1451] {strides = array<i32>} : memref<128x128xf32, #tpu.memory_space<vmem>>, vector<1x16xf32>,
      %swap3A_1453 = vector.shape_cast %swap3A_1452 : vector<1x16xf32> to vector<16xf32>
      %swap3A_1454 = vector.shape_cast %mul3A_1449 : vector<16xf32> to vector<1x16xf32>
      tpu.vector_store %arg8[%swap3A_1450, %swap3A_1451], %swap3A_1454 {strides = array<i32>} : memref<128x128xf32, #tpu.memory_space<vmem>>, vector<1x16xf32>,
      %get3A_1455 = arith.index_cast %scan3A_1414 : i32 to index
      %get3A_1456 = arith.constant 48 : index
      %get3A_1457 = tpu.vector_load %arg8[%get3A_1455, %get3A_1456] {strides = array<i32>} : memref<128x128xf32, #tpu.memory_space<vmem>>, vector<1x16xf32>,
      %get3A_1458 = vector.shape_cast %get3A_1457 : vector<1x16xf32> to vector<16xf32>
      %get3A_1459 = arith.index_cast %scan3A_1414 : i32 to index
      %get3A_1460 = arith.constant 48 : index
      %get3A_1461 = tpu.vector_load %arg9[%get3A_1459, %get3A_1460] {strides = array<i32>} : memref<128x128xf32, #tpu.memory_space<vmem>>, vector<1x16xf32>,
      %get3A_1462 = vector.shape_cast %get3A_1461 : vector<1x16xf32> to vector<16xf32>
      %mul3A_1463 = arith.mulf %get3A_1458, %get3A_1462 : vector<16xf32>
      %swap3A_1464 = arith.index_cast %scan3A_1414 : i32 to index
      %swap3A_1465 = arith.constant 48 : index
      %swap3A_1466 = tpu.vector_load %arg8[%swap3A_1464, %swap3A_1465] {strides = array<i32>} : memref<128x128xf32, #tpu.memory_space<vmem>>, vector<1x16xf32>,
      %swap3A_1467 = vector.shape_cast %swap3A_1466 : vector<1x16xf32> to vector<16xf32>
      %swap3A_1468 = vector.shape_cast %mul3A_1463 : vector<16xf32> to vector<1x16xf32>
      tpu.vector_store %arg8[%swap3A_1464, %swap3A_1465], %swap3A_1468 {strides = array<i32>} : memref<128x128xf32, #tpu.memory_space<vmem>>, vector<1x16xf32>,
    }
    %scan3A_273 = arith.constant 128 : i32
    %add3A_274 = arith.constant 640 : i32
    %add3A_275 = arith.addi %mul3A_2, %add3A_274 : i32
    %dma_start3A_276 = arith.constant 0 : i32
    %dma_start3A_277 = tpu.memref_slice %arg4[%add3A_275, %dma_start3A_276] : memref<131072x128xf32, #tpu.memory_space<hbm>> -> memref<128x128xf32, #tpu.memory_space<hbm>>
    %dma_start3A_278 = arith.constant 0 : i32
    %dma_start3A_279 = tpu.memref_slice %arg4[%add3A_275, %dma_start3A_278] : memref<131072x128xf32, #tpu.memory_space<hbm>> -> memref<128x128xf32, #tpu.memory_space<hbm>>
    tpu.enqueue_dma source(%arg8 : memref<128x128xf32, #tpu.memory_space<vmem>>) target(%dma_start3A_279 : memref<128x128xf32, #tpu.memory_space<hbm>>) target_semaphore(%arg16 : memref<!tpu.dma_semaphore, #tpu.memory_space<semaphore_mem>>)
    %dma_wait3A_280 = arith.constant 6 : i32
    %dma_wait3A_281 = arith.constant 0 : i32
    %dma_wait3A_282 = tpu.memref_slice %arg5[%dma_wait3A_280, %dma_wait3A_281] : memref<64x128xi32, #tpu.memory_space<vmem>> -> memref<1x128xi32, #tpu.memory_space<vmem>>
    %dma_wait3A_283 = tpu.memref_squeeze %dma_wait3A_282 : memref<1x128xi32, #tpu.memory_space<vmem>> -> memref<128xi32, #tpu.memory_space<vmem>>
    %dma_wait3A_284 = arith.constant 0 : i32
    %dma_wait3A_285 = arith.constant 0 : i32
    %dma_wait3A_286 = tpu.memref_slice %arg10[%dma_wait3A_284, %dma_wait3A_285] : memref<1024x128xf32, #tpu.memory_space<vmem_shared>> -> memref<1024x128xf32, #tpu.memory_space<vmem_shared>>
    tpu.wait_indirect_dma semaphore(%arg11 : memref<!tpu.dma_semaphore, #tpu.memory_space<semaphore_mem>>) src(%dma_wait3A_286 : memref<1024x128xf32, #tpu.memory_space<vmem_shared>>) dst(%arg6 : memref<128x128xf32, #tpu.memory_space<vmem>>)
    %dma_wait3A_287 = arith.constant 38 : i32
    %dma_wait3A_288 = arith.constant 0 : i32
    %dma_wait3A_289 = tpu.memref_slice %arg5[%dma_wait3A_287, %dma_wait3A_288] : memref<64x128xi32, #tpu.memory_space<vmem>> -> memref<1x128xi32, #tpu.memory_space<vmem>>
    %dma_wait3A_290 = tpu.memref_squeeze %dma_wait3A_289 : memref<1x128xi32, #tpu.memory_space<vmem>> -> memref<128xi32, #tpu.memory_space<vmem>>
    %dma_wait3A_291 = arith.constant 0 : i32
    %dma_wait3A_292 = arith.constant 0 : i32
    %dma_wait3A_293 = tpu.memref_slice %arg10[%dma_wait3A_291, %dma_wait3A_292] : memref<1024x128xf32, #tpu.memory_space<vmem_shared>> -> memref<1024x128xf32, #tpu.memory_space<vmem_shared>>
    tpu.wait_indirect_dma semaphore(%arg12 : memref<!tpu.dma_semaphore, #tpu.memory_space<semaphore_mem>>) src(%dma_wait3A_293 : memref<1024x128xf32, #tpu.memory_space<vmem_shared>>) dst(%arg7 : memref<128x128xf32, #tpu.memory_space<vmem>>)
    %dma_wait3A_294 = arith.constant 0 : i32
    %dma_wait3A_295 = tpu.memref_slice %arg4[%add3A_275, %dma_wait3A_294] : memref<131072x128xf32, #tpu.memory_space<hbm>> -> memref<128x128xf32, #tpu.memory_space<hbm>>
    %dma_wait3A_296 = arith.constant 0 : i32
    %dma_wait3A_297 = tpu.memref_slice %arg4[%add3A_275, %dma_wait3A_296] : memref<131072x128xf32, #tpu.memory_space<hbm>> -> memref<128x128xf32, #tpu.memory_space<hbm>>
    tpu.wait_dma2 semaphore(%arg16 : memref<!tpu.dma_semaphore, #tpu.memory_space<semaphore_mem>>) src(%arg8 : memref<128x128xf32, #tpu.memory_space<vmem>>) dst(%dma_wait3A_297 : memref<128x128xf32, #tpu.memory_space<hbm>>)
    %dma_start3A_298 = arith.constant 7 : i32
    %dma_start3A_299 = arith.constant 0 : i32
    %dma_start3A_300 = tpu.memref_slice %arg5[%dma_start3A_298, %dma_start3A_299] : memref<64x128xi32, #tpu.memory_space<vmem>> -> memref<1x128xi32, #tpu.memory_space<vmem>>
    %dma_start3A_301 = tpu.memref_squeeze %dma_start3A_300 : memref<1x128xi32, #tpu.memory_space<vmem>> -> memref<128xi32, #tpu.memory_space<vmem>>
    %dma_start3A_302 = arith.constant 0 : i32
    %dma_start3A_303 = arith.constant 0 : i32
    %dma_start3A_304 = tpu.memref_slice %arg10[%dma_start3A_302, %dma_start3A_303] : memref<1024x128xf32, #tpu.memory_space<vmem_shared>> -> memref<1024x128xf32, #tpu.memory_space<vmem_shared>>
    tpu.enqueue_indirect_dma source(%dma_start3A_304 : memref<1024x128xf32, #tpu.memory_space<vmem_shared>>) target(%arg8 : memref<128x128xf32, #tpu.memory_space<vmem>>) offsets(%dma_start3A_301 : memref<128xi32, #tpu.memory_space<vmem>>) semaphore(%arg13 : memref<!tpu.dma_semaphore, #tpu.memory_space<semaphore_mem>>)
    %dma_start3A_305 = arith.constant 39 : i32
    %dma_start3A_306 = arith.constant 0 : i32
    %dma_start3A_307 = tpu.memref_slice %arg5[%dma_start3A_305, %dma_start3A_306] : memref<64x128xi32, #tpu.memory_space<vmem>> -> memref<1x128xi32, #tpu.memory_space<vmem>>
    %dma_start3A_308 = tpu.memref_squeeze %dma_start3A_307 : memref<1x128xi32, #tpu.memory_space<vmem>> -> memref<128xi32, #tpu.memory_space<vmem>>
    %dma_start3A_309 = arith.constant 0 : i32
    %dma_start3A_310 = arith.constant 0 : i32
    %dma_start3A_311 = tpu.memref_slice %arg10[%dma_start3A_309, %dma_start3A_310] : memref<1024x128xf32, #tpu.memory_space<vmem_shared>> -> memref<1024x128xf32, #tpu.memory_space<vmem_shared>>
    tpu.enqueue_indirect_dma source(%dma_start3A_311 : memref<1024x128xf32, #tpu.memory_space<vmem_shared>>) target(%arg9 : memref<128x128xf32, #tpu.memory_space<vmem>>) offsets(%dma_start3A_308 : memref<128xi32, #tpu.memory_space<vmem>>) semaphore(%arg14 : memref<!tpu.dma_semaphore, #tpu.memory_space<semaphore_mem>>)
    %scan3A_312 = arith.constant 0 : i32
    %scan3A_313 = arith.constant 0 : i32
    %scan3A_314 = arith.constant 128 : i32
    %scan3A_315 = arith.addi %scan3A_313, %scan3A_314 : i32
    %scan3A_316 = arith.constant 1 : i32
    scf.for %scan3A_1414 = %scan3A_313 to %scan3A_315 step %scan3A_316  : i32 {
      %get3A = arith.index_cast %scan3A_1414 : i32 to index
      %get3A_1415 = arith.constant 0 : index
      %get3A_1416 = tpu.vector_load %arg6[%get3A, %get3A_1415] {strides = array<i32>} : memref<128x128xf32, #tpu.memory_space<vmem>>, vector<1x16xf32>,
      %get3A_1417 = vector.shape_cast %get3A_1416 : vector<1x16xf32> to vector<16xf32>
      %get3A_1418 = arith.index_cast %scan3A_1414 : i32 to index
      %get3A_1419 = arith.constant 0 : index
      %get3A_1420 = tpu.vector_load %arg7[%get3A_1418, %get3A_1419] {strides = array<i32>} : memref<128x128xf32, #tpu.memory_space<vmem>>, vector<1x16xf32>,
      %get3A_1421 = vector.shape_cast %get3A_1420 : vector<1x16xf32> to vector<16xf32>
      %mul3A_1422 = arith.mulf %get3A_1417, %get3A_1421 : vector<16xf32>
      %swap3A = arith.index_cast %scan3A_1414 : i32 to index
      %swap3A_1423 = arith.constant 0 : index
      %swap3A_1424 = tpu.vector_load %arg6[%swap3A, %swap3A_1423] {strides = array<i32>} : memref<128x128xf32, #tpu.memory_space<vmem>>, vector<1x16xf32>,
      %swap3A_1425 = vector.shape_cast %swap3A_1424 : vector<1x16xf32> to vector<16xf32>
      %swap3A_1426 = vector.shape_cast %mul3A_1422 : vector<16xf32> to vector<1x16xf32>
      tpu.vector_store %arg6[%swap3A, %swap3A_1423], %swap3A_1426 {strides = array<i32>} : memref<128x128xf32, #tpu.memory_space<vmem>>, vector<1x16xf32>,
      %get3A_1427 = arith.index_cast %scan3A_1414 : i32 to index
      %get3A_1428 = arith.constant 16 : index
      %get3A_1429 = tpu.vector_load %arg6[%get3A_1427, %get3A_1428] {strides = array<i32>} : memref<128x128xf32, #tpu.memory_space<vmem>>, vector<1x16xf32>,
      %get3A_1430 = vector.shape_cast %get3A_1429 : vector<1x16xf32> to vector<16xf32>
      %get3A_1431 = arith.index_cast %scan3A_1414 : i32 to index
      %get3A_1432 = arith.constant 16 : index
      %get3A_1433 = tpu.vector_load %arg7[%get3A_1431, %get3A_1432] {strides = array<i32>} : memref<128x128xf32, #tpu.memory_space<vmem>>, vector<1x16xf32>,
      %get3A_1434 = vector.shape_cast %get3A_1433 : vector<1x16xf32> to vector<16xf32>
      %mul3A_1435 = arith.mulf %get3A_1430, %get3A_1434 : vector<16xf32>
      %swap3A_1436 = arith.index_cast %scan3A_1414 : i32 to index
      %swap3A_1437 = arith.constant 16 : index
      %swap3A_1438 = tpu.vector_load %arg6[%swap3A_1436, %swap3A_1437] {strides = array<i32>} : memref<128x128xf32, #tpu.memory_space<vmem>>, vector<1x16xf32>,
      %swap3A_1439 = vector.shape_cast %swap3A_1438 : vector<1x16xf32> to vector<16xf32>
      %swap3A_1440 = vector.shape_cast %mul3A_1435 : vector<16xf32> to vector<1x16xf32>
      tpu.vector_store %arg6[%swap3A_1436, %swap3A_1437], %swap3A_1440 {strides = array<i32>} : memref<128x128xf32, #tpu.memory_space<vmem>>, vector<1x16xf32>,
      %get3A_1441 = arith.index_cast %scan3A_1414 : i32 to index
      %get3A_1442 = arith.constant 32 : index
      %get3A_1443 = tpu.vector_load %arg6[%get3A_1441, %get3A_1442] {strides = array<i32>} : memref<128x128xf32, #tpu.memory_space<vmem>>, vector<1x16xf32>,
      %get3A_1444 = vector.shape_cast %get3A_1443 : vector<1x16xf32> to vector<16xf32>
      %get3A_1445 = arith.index_cast %scan3A_1414 : i32 to index
      %get3A_1446 = arith.constant 32 : index
      %get3A_1447 = tpu.vector_load %arg7[%get3A_1445, %get3A_1446] {strides = array<i32>} : memref<128x128xf32, #tpu.memory_space<vmem>>, vector<1x16xf32>,
      %get3A_1448 = vector.shape_cast %get3A_1447 : vector<1x16xf32> to vector<16xf32>
      %mul3A_1449 = arith.mulf %get3A_1444, %get3A_1448 : vector<16xf32>
      %swap3A_1450 = arith.index_cast %scan3A_1414 : i32 to index
      %swap3A_1451 = arith.constant 32 : index
      %swap3A_1452 = tpu.vector_load %arg6[%swap3A_1450, %swap3A_1451] {strides = array<i32>} : memref<128x128xf32, #tpu.memory_space<vmem>>, vector<1x16xf32>,
      %swap3A_1453 = vector.shape_cast %swap3A_1452 : vector<1x16xf32> to vector<16xf32>
      %swap3A_1454 = vector.shape_cast %mul3A_1449 : vector<16xf32> to vector<1x16xf32>
      tpu.vector_store %arg6[%swap3A_1450, %swap3A_1451], %swap3A_1454 {strides = array<i32>} : memref<128x128xf32, #tpu.memory_space<vmem>>, vector<1x16xf32>,
      %get3A_1455 = arith.index_cast %scan3A_1414 : i32 to index
      %get3A_1456 = arith.constant 48 : index
      %get3A_1457 = tpu.vector_load %arg6[%get3A_1455, %get3A_1456] {strides = array<i32>} : memref<128x128xf32, #tpu.memory_space<vmem>>, vector<1x16xf32>,
      %get3A_1458 = vector.shape_cast %get3A_1457 : vector<1x16xf32> to vector<16xf32>
      %get3A_1459 = arith.index_cast %scan3A_1414 : i32 to index
      %get3A_1460 = arith.constant 48 : index
      %get3A_1461 = tpu.vector_load %arg7[%get3A_1459, %get3A_1460] {strides = array<i32>} : memref<128x128xf32, #tpu.memory_space<vmem>>, vector<1x16xf32>,
      %get3A_1462 = vector.shape_cast %get3A_1461 : vector<1x16xf32> to vector<16xf32>
      %mul3A_1463 = arith.mulf %get3A_1458, %get3A_1462 : vector<16xf32>
      %swap3A_1464 = arith.index_cast %scan3A_1414 : i32 to index
      %swap3A_1465 = arith.constant 48 : index
      %swap3A_1466 = tpu.vector_load %arg6[%swap3A_1464, %swap3A_1465] {strides = array<i32>} : memref<128x128xf32, #tpu.memory_space<vmem>>, vector<1x16xf32>,
      %swap3A_1467 = vector.shape_cast %swap3A_1466 : vector<1x16xf32> to vector<16xf32>
      %swap3A_1468 = vector.shape_cast %mul3A_1463 : vector<16xf32> to vector<1x16xf32>
      tpu.vector_store %arg6[%swap3A_1464, %swap3A_1465], %swap3A_1468 {strides = array<i32>} : memref<128x128xf32, #tpu.memory_space<vmem>>, vector<1x16xf32>,
    }
    %scan3A_317 = arith.constant 128 : i32
    %add3A_318 = arith.constant 768 : i32
    %add3A_319 = arith.addi %mul3A_2, %add3A_318 : i32
    %dma_start3A_320 = arith.constant 0 : i32
    %dma_start3A_321 = tpu.memref_slice %arg4[%add3A_319, %dma_start3A_320] : memref<131072x128xf32, #tpu.memory_space<hbm>> -> memref<128x128xf32, #tpu.memory_space<hbm>>
    %dma_start3A_322 = arith.constant 0 : i32
    %dma_start3A_323 = tpu.memref_slice %arg4[%add3A_319, %dma_start3A_322] : memref<131072x128xf32, #tpu.memory_space<hbm>> -> memref<128x128xf32, #tpu.memory_space<hbm>>
    tpu.enqueue_dma source(%arg6 : memref<128x128xf32, #tpu.memory_space<vmem>>) target(%dma_start3A_323 : memref<128x128xf32, #tpu.memory_space<hbm>>) target_semaphore(%arg15 : memref<!tpu.dma_semaphore, #tpu.memory_space<semaphore_mem>>)
    %dma_wait3A_324 = arith.constant 7 : i32
    %dma_wait3A_325 = arith.constant 0 : i32
    %dma_wait3A_326 = tpu.memref_slice %arg5[%dma_wait3A_324, %dma_wait3A_325] : memref<64x128xi32, #tpu.memory_space<vmem>> -> memref<1x128xi32, #tpu.memory_space<vmem>>
    %dma_wait3A_327 = tpu.memref_squeeze %dma_wait3A_326 : memref<1x128xi32, #tpu.memory_space<vmem>> -> memref<128xi32, #tpu.memory_space<vmem>>
    %dma_wait3A_328 = arith.constant 0 : i32
    %dma_wait3A_329 = arith.constant 0 : i32
    %dma_wait3A_330 = tpu.memref_slice %arg10[%dma_wait3A_328, %dma_wait3A_329] : memref<1024x128xf32, #tpu.memory_space<vmem_shared>> -> memref<1024x128xf32, #tpu.memory_space<vmem_shared>>
    tpu.wait_indirect_dma semaphore(%arg13 : memref<!tpu.dma_semaphore, #tpu.memory_space<semaphore_mem>>) src(%dma_wait3A_330 : memref<1024x128xf32, #tpu.memory_space<vmem_shared>>) dst(%arg8 : memref<128x128xf32, #tpu.memory_space<vmem>>)
    %dma_wait3A_331 = arith.constant 39 : i32
    %dma_wait3A_332 = arith.constant 0 : i32
    %dma_wait3A_333 = tpu.memref_slice %arg5[%dma_wait3A_331, %dma_wait3A_332] : memref<64x128xi32, #tpu.memory_space<vmem>> -> memref<1x128xi32, #tpu.memory_space<vmem>>
    %dma_wait3A_334 = tpu.memref_squeeze %dma_wait3A_333 : memref<1x128xi32, #tpu.memory_space<vmem>> -> memref<128xi32, #tpu.memory_space<vmem>>
    %dma_wait3A_335 = arith.constant 0 : i32
    %dma_wait3A_336 = arith.constant 0 : i32
    %dma_wait3A_337 = tpu.memref_slice %arg10[%dma_wait3A_335, %dma_wait3A_336] : memref<1024x128xf32, #tpu.memory_space<vmem_shared>> -> memref<1024x128xf32, #tpu.memory_space<vmem_shared>>
    tpu.wait_indirect_dma semaphore(%arg14 : memref<!tpu.dma_semaphore, #tpu.memory_space<semaphore_mem>>) src(%dma_wait3A_337 : memref<1024x128xf32, #tpu.memory_space<vmem_shared>>) dst(%arg9 : memref<128x128xf32, #tpu.memory_space<vmem>>)
    %dma_wait3A_338 = arith.constant 0 : i32
    %dma_wait3A_339 = tpu.memref_slice %arg4[%add3A_319, %dma_wait3A_338] : memref<131072x128xf32, #tpu.memory_space<hbm>> -> memref<128x128xf32, #tpu.memory_space<hbm>>
    %dma_wait3A_340 = arith.constant 0 : i32
    %dma_wait3A_341 = tpu.memref_slice %arg4[%add3A_319, %dma_wait3A_340] : memref<131072x128xf32, #tpu.memory_space<hbm>> -> memref<128x128xf32, #tpu.memory_space<hbm>>
    tpu.wait_dma2 semaphore(%arg15 : memref<!tpu.dma_semaphore, #tpu.memory_space<semaphore_mem>>) src(%arg6 : memref<128x128xf32, #tpu.memory_space<vmem>>) dst(%dma_wait3A_341 : memref<128x128xf32, #tpu.memory_space<hbm>>)
    %dma_start3A_342 = arith.constant 8 : i32
    %dma_start3A_343 = arith.constant 0 : i32
    %dma_start3A_344 = tpu.memref_slice %arg5[%dma_start3A_342, %dma_start3A_343] : memref<64x128xi32, #tpu.memory_space<vmem>> -> memref<1x128xi32, #tpu.memory_space<vmem>>
    %dma_start3A_345 = tpu.memref_squeeze %dma_start3A_344 : memref<1x128xi32, #tpu.memory_space<vmem>> -> memref<128xi32, #tpu.memory_space<vmem>>
    %dma_start3A_346 = arith.constant 0 : i32
    %dma_start3A_347 = arith.constant 0 : i32
    %dma_start3A_348 = tpu.memref_slice %arg10[%dma_start3A_346, %dma_start3A_347] : memref<1024x128xf32, #tpu.memory_space<vmem_shared>> -> memref<1024x128xf32, #tpu.memory_space<vmem_shared>>
    tpu.enqueue_indirect_dma source(%dma_start3A_348 : memref<1024x128xf32, #tpu.memory_space<vmem_shared>>) target(%arg6 : memref<128x128xf32, #tpu.memory_space<vmem>>) offsets(%dma_start3A_345 : memref<128xi32, #tpu.memory_space<vmem>>) semaphore(%arg11 : memref<!tpu.dma_semaphore, #tpu.memory_space<semaphore_mem>>)
    %dma_start3A_349 = arith.constant 40 : i32
    %dma_start3A_350 = arith.constant 0 : i32
    %dma_start3A_351 = tpu.memref_slice %arg5[%dma_start3A_349, %dma_start3A_350] : memref<64x128xi32, #tpu.memory_space<vmem>> -> memref<1x128xi32, #tpu.memory_space<vmem>>
    %dma_start3A_352 = tpu.memref_squeeze %dma_start3A_351 : memref<1x128xi32, #tpu.memory_space<vmem>> -> memref<128xi32, #tpu.memory_space<vmem>>
    %dma_start3A_353 = arith.constant 0 : i32
    %dma_start3A_354 = arith.constant 0 : i32
    %dma_start3A_355 = tpu.memref_slice %arg10[%dma_start3A_353, %dma_start3A_354] : memref<1024x128xf32, #tpu.memory_space<vmem_shared>> -> memref<1024x128xf32, #tpu.memory_space<vmem_shared>>
    tpu.enqueue_indirect_dma source(%dma_start3A_355 : memref<1024x128xf32, #tpu.memory_space<vmem_shared>>) target(%arg7 : memref<128x128xf32, #tpu.memory_space<vmem>>) offsets(%dma_start3A_352 : memref<128xi32, #tpu.memory_space<vmem>>) semaphore(%arg12 : memref<!tpu.dma_semaphore, #tpu.memory_space<semaphore_mem>>)
    %scan3A_356 = arith.constant 0 : i32
    %scan3A_357 = arith.constant 0 : i32
    %scan3A_358 = arith.constant 128 : i32
    %scan3A_359 = arith.addi %scan3A_357, %scan3A_358 : i32
    %scan3A_360 = arith.constant 1 : i32
    scf.for %scan3A_1414 = %scan3A_357 to %scan3A_359 step %scan3A_360  : i32 {
      %get3A = arith.index_cast %scan3A_1414 : i32 to index
      %get3A_1415 = arith.constant 0 : index
      %get3A_1416 = tpu.vector_load %arg8[%get3A, %get3A_1415] {strides = array<i32>} : memref<128x128xf32, #tpu.memory_space<vmem>>, vector<1x16xf32>,
      %get3A_1417 = vector.shape_cast %get3A_1416 : vector<1x16xf32> to vector<16xf32>
      %get3A_1418 = arith.index_cast %scan3A_1414 : i32 to index
      %get3A_1419 = arith.constant 0 : index
      %get3A_1420 = tpu.vector_load %arg9[%get3A_1418, %get3A_1419] {strides = array<i32>} : memref<128x128xf32, #tpu.memory_space<vmem>>, vector<1x16xf32>,
      %get3A_1421 = vector.shape_cast %get3A_1420 : vector<1x16xf32> to vector<16xf32>
      %mul3A_1422 = arith.mulf %get3A_1417, %get3A_1421 : vector<16xf32>
      %swap3A = arith.index_cast %scan3A_1414 : i32 to index
      %swap3A_1423 = arith.constant 0 : index
      %swap3A_1424 = tpu.vector_load %arg8[%swap3A, %swap3A_1423] {strides = array<i32>} : memref<128x128xf32, #tpu.memory_space<vmem>>, vector<1x16xf32>,
      %swap3A_1425 = vector.shape_cast %swap3A_1424 : vector<1x16xf32> to vector<16xf32>
      %swap3A_1426 = vector.shape_cast %mul3A_1422 : vector<16xf32> to vector<1x16xf32>
      tpu.vector_store %arg8[%swap3A, %swap3A_1423], %swap3A_1426 {strides = array<i32>} : memref<128x128xf32, #tpu.memory_space<vmem>>, vector<1x16xf32>,
      %get3A_1427 = arith.index_cast %scan3A_1414 : i32 to index
      %get3A_1428 = arith.constant 16 : index
      %get3A_1429 = tpu.vector_load %arg8[%get3A_1427, %get3A_1428] {strides = array<i32>} : memref<128x128xf32, #tpu.memory_space<vmem>>, vector<1x16xf32>,
      %get3A_1430 = vector.shape_cast %get3A_1429 : vector<1x16xf32> to vector<16xf32>
      %get3A_1431 = arith.index_cast %scan3A_1414 : i32 to index
      %get3A_1432 = arith.constant 16 : index
      %get3A_1433 = tpu.vector_load %arg9[%get3A_1431, %get3A_1432] {strides = array<i32>} : memref<128x128xf32, #tpu.memory_space<vmem>>, vector<1x16xf32>,
      %get3A_1434 = vector.shape_cast %get3A_1433 : vector<1x16xf32> to vector<16xf32>
      %mul3A_1435 = arith.mulf %get3A_1430, %get3A_1434 : vector<16xf32>
      %swap3A_1436 = arith.index_cast %scan3A_1414 : i32 to index
      %swap3A_1437 = arith.constant 16 : index
      %swap3A_1438 = tpu.vector_load %arg8[%swap3A_1436, %swap3A_1437] {strides = array<i32>} : memref<128x128xf32, #tpu.memory_space<vmem>>, vector<1x16xf32>,
      %swap3A_1439 = vector.shape_cast %swap3A_1438 : vector<1x16xf32> to vector<16xf32>
      %swap3A_1440 = vector.shape_cast %mul3A_1435 : vector<16xf32> to vector<1x16xf32>
      tpu.vector_store %arg8[%swap3A_1436, %swap3A_1437], %swap3A_1440 {strides = array<i32>} : memref<128x128xf32, #tpu.memory_space<vmem>>, vector<1x16xf32>,
      %get3A_1441 = arith.index_cast %scan3A_1414 : i32 to index
      %get3A_1442 = arith.constant 32 : index
      %get3A_1443 = tpu.vector_load %arg8[%get3A_1441, %get3A_1442] {strides = array<i32>} : memref<128x128xf32, #tpu.memory_space<vmem>>, vector<1x16xf32>,
      %get3A_1444 = vector.shape_cast %get3A_1443 : vector<1x16xf32> to vector<16xf32>
      %get3A_1445 = arith.index_cast %scan3A_1414 : i32 to index
      %get3A_1446 = arith.constant 32 : index
      %get3A_1447 = tpu.vector_load %arg9[%get3A_1445, %get3A_1446] {strides = array<i32>} : memref<128x128xf32, #tpu.memory_space<vmem>>, vector<1x16xf32>,
      %get3A_1448 = vector.shape_cast %get3A_1447 : vector<1x16xf32> to vector<16xf32>
      %mul3A_1449 = arith.mulf %get3A_1444, %get3A_1448 : vector<16xf32>
      %swap3A_1450 = arith.index_cast %scan3A_1414 : i32 to index
      %swap3A_1451 = arith.constant 32 : index
      %swap3A_1452 = tpu.vector_load %arg8[%swap3A_1450, %swap3A_1451] {strides = array<i32>} : memref<128x128xf32, #tpu.memory_space<vmem>>, vector<1x16xf32>,
      %swap3A_1453 = vector.shape_cast %swap3A_1452 : vector<1x16xf32> to vector<16xf32>
      %swap3A_1454 = vector.shape_cast %mul3A_1449 : vector<16xf32> to vector<1x16xf32>
      tpu.vector_store %arg8[%swap3A_1450, %swap3A_1451], %swap3A_1454 {strides = array<i32>} : memref<128x128xf32, #tpu.memory_space<vmem>>, vector<1x16xf32>,
      %get3A_1455 = arith.index_cast %scan3A_1414 : i32 to index
      %get3A_1456 = arith.constant 48 : index
      %get3A_1457 = tpu.vector_load %arg8[%get3A_1455, %get3A_1456] {strides = array<i32>} : memref<128x128xf32, #tpu.memory_space<vmem>>, vector<1x16xf32>,
      %get3A_1458 = vector.shape_cast %get3A_1457 : vector<1x16xf32> to vector<16xf32>
      %get3A_1459 = arith.index_cast %scan3A_1414 : i32 to index
      %get3A_1460 = arith.constant 48 : index
      %get3A_1461 = tpu.vector_load %arg9[%get3A_1459, %get3A_1460] {strides = array<i32>} : memref<128x128xf32, #tpu.memory_space<vmem>>, vector<1x16xf32>,
      %get3A_1462 = vector.shape_cast %get3A_1461 : vector<1x16xf32> to vector<16xf32>
      %mul3A_1463 = arith.mulf %get3A_1458, %get3A_1462 : vector<16xf32>
      %swap3A_1464 = arith.index_cast %scan3A_1414 : i32 to index
      %swap3A_1465 = arith.constant 48 : index
      %swap3A_1466 = tpu.vector_load %arg8[%swap3A_1464, %swap3A_1465] {strides = array<i32>} : memref<128x128xf32, #tpu.memory_space<vmem>>, vector<1x16xf32>,
      %swap3A_1467 = vector.shape_cast %swap3A_1466 : vector<1x16xf32> to vector<16xf32>
      %swap3A_1468 = vector.shape_cast %mul3A_1463 : vector<16xf32> to vector<1x16xf32>
      tpu.vector_store %arg8[%swap3A_1464, %swap3A_1465], %swap3A_1468 {strides = array<i32>} : memref<128x128xf32, #tpu.memory_space<vmem>>, vector<1x16xf32>,
    }
    %scan3A_361 = arith.constant 128 : i32
    %add3A_362 = arith.constant 896 : i32
    %add3A_363 = arith.addi %mul3A_2, %add3A_362 : i32
    %dma_start3A_364 = arith.constant 0 : i32
    %dma_start3A_365 = tpu.memref_slice %arg4[%add3A_363, %dma_start3A_364] : memref<131072x128xf32, #tpu.memory_space<hbm>> -> memref<128x128xf32, #tpu.memory_space<hbm>>
    %dma_start3A_366 = arith.constant 0 : i32
    %dma_start3A_367 = tpu.memref_slice %arg4[%add3A_363, %dma_start3A_366] : memref<131072x128xf32, #tpu.memory_space<hbm>> -> memref<128x128xf32, #tpu.memory_space<hbm>>
    tpu.enqueue_dma source(%arg8 : memref<128x128xf32, #tpu.memory_space<vmem>>) target(%dma_start3A_367 : memref<128x128xf32, #tpu.memory_space<hbm>>) target_semaphore(%arg16 : memref<!tpu.dma_semaphore, #tpu.memory_space<semaphore_mem>>)
    %dma_wait3A_368 = arith.constant 8 : i32
    %dma_wait3A_369 = arith.constant 0 : i32
    %dma_wait3A_370 = tpu.memref_slice %arg5[%dma_wait3A_368, %dma_wait3A_369] : memref<64x128xi32, #tpu.memory_space<vmem>> -> memref<1x128xi32, #tpu.memory_space<vmem>>
    %dma_wait3A_371 = tpu.memref_squeeze %dma_wait3A_370 : memref<1x128xi32, #tpu.memory_space<vmem>> -> memref<128xi32, #tpu.memory_space<vmem>>
    %dma_wait3A_372 = arith.constant 0 : i32
    %dma_wait3A_373 = arith.constant 0 : i32
    %dma_wait3A_374 = tpu.memref_slice %arg10[%dma_wait3A_372, %dma_wait3A_373] : memref<1024x128xf32, #tpu.memory_space<vmem_shared>> -> memref<1024x128xf32, #tpu.memory_space<vmem_shared>>
    tpu.wait_indirect_dma semaphore(%arg11 : memref<!tpu.dma_semaphore, #tpu.memory_space<semaphore_mem>>) src(%dma_wait3A_374 : memref<1024x128xf32, #tpu.memory_space<vmem_shared>>) dst(%arg6 : memref<128x128xf32, #tpu.memory_space<vmem>>)
    %dma_wait3A_375 = arith.constant 40 : i32
    %dma_wait3A_376 = arith.constant 0 : i32
    %dma_wait3A_377 = tpu.memref_slice %arg5[%dma_wait3A_375, %dma_wait3A_376] : memref<64x128xi32, #tpu.memory_space<vmem>> -> memref<1x128xi32, #tpu.memory_space<vmem>>
    %dma_wait3A_378 = tpu.memref_squeeze %dma_wait3A_377 : memref<1x128xi32, #tpu.memory_space<vmem>> -> memref<128xi32, #tpu.memory_space<vmem>>
    %dma_wait3A_379 = arith.constant 0 : i32
    %dma_wait3A_380 = arith.constant 0 : i32
    %dma_wait3A_381 = tpu.memref_slice %arg10[%dma_wait3A_379, %dma_wait3A_380] : memref<1024x128xf32, #tpu.memory_space<vmem_shared>> -> memref<1024x128xf32, #tpu.memory_space<vmem_shared>>
    tpu.wait_indirect_dma semaphore(%arg12 : memref<!tpu.dma_semaphore, #tpu.memory_space<semaphore_mem>>) src(%dma_wait3A_381 : memref<1024x128xf32, #tpu.memory_space<vmem_shared>>) dst(%arg7 : memref<128x128xf32, #tpu.memory_space<vmem>>)
    %dma_wait3A_382 = arith.constant 0 : i32
    %dma_wait3A_383 = tpu.memref_slice %arg4[%add3A_363, %dma_wait3A_382] : memref<131072x128xf32, #tpu.memory_space<hbm>> -> memref<128x128xf32, #tpu.memory_space<hbm>>
    %dma_wait3A_384 = arith.constant 0 : i32
    %dma_wait3A_385 = tpu.memref_slice %arg4[%add3A_363, %dma_wait3A_384] : memref<131072x128xf32, #tpu.memory_space<hbm>> -> memref<128x128xf32, #tpu.memory_space<hbm>>
    tpu.wait_dma2 semaphore(%arg16 : memref<!tpu.dma_semaphore, #tpu.memory_space<semaphore_mem>>) src(%arg8 : memref<128x128xf32, #tpu.memory_space<vmem>>) dst(%dma_wait3A_385 : memref<128x128xf32, #tpu.memory_space<hbm>>)
    %dma_start3A_386 = arith.constant 9 : i32
    %dma_start3A_387 = arith.constant 0 : i32
    %dma_start3A_388 = tpu.memref_slice %arg5[%dma_start3A_386, %dma_start3A_387] : memref<64x128xi32, #tpu.memory_space<vmem>> -> memref<1x128xi32, #tpu.memory_space<vmem>>
    %dma_start3A_389 = tpu.memref_squeeze %dma_start3A_388 : memref<1x128xi32, #tpu.memory_space<vmem>> -> memref<128xi32, #tpu.memory_space<vmem>>
    %dma_start3A_390 = arith.constant 0 : i32
    %dma_start3A_391 = arith.constant 0 : i32
    %dma_start3A_392 = tpu.memref_slice %arg10[%dma_start3A_390, %dma_start3A_391] : memref<1024x128xf32, #tpu.memory_space<vmem_shared>> -> memref<1024x128xf32, #tpu.memory_space<vmem_shared>>
    tpu.enqueue_indirect_dma source(%dma_start3A_392 : memref<1024x128xf32, #tpu.memory_space<vmem_shared>>) target(%arg8 : memref<128x128xf32, #tpu.memory_space<vmem>>) offsets(%dma_start3A_389 : memref<128xi32, #tpu.memory_space<vmem>>) semaphore(%arg13 : memref<!tpu.dma_semaphore, #tpu.memory_space<semaphore_mem>>)
    %dma_start3A_393 = arith.constant 41 : i32
    %dma_start3A_394 = arith.constant 0 : i32
    %dma_start3A_395 = tpu.memref_slice %arg5[%dma_start3A_393, %dma_start3A_394] : memref<64x128xi32, #tpu.memory_space<vmem>> -> memref<1x128xi32, #tpu.memory_space<vmem>>
    %dma_start3A_396 = tpu.memref_squeeze %dma_start3A_395 : memref<1x128xi32, #tpu.memory_space<vmem>> -> memref<128xi32, #tpu.memory_space<vmem>>
    %dma_start3A_397 = arith.constant 0 : i32
    %dma_start3A_398 = arith.constant 0 : i32
    %dma_start3A_399 = tpu.memref_slice %arg10[%dma_start3A_397, %dma_start3A_398] : memref<1024x128xf32, #tpu.memory_space<vmem_shared>> -> memref<1024x128xf32, #tpu.memory_space<vmem_shared>>
    tpu.enqueue_indirect_dma source(%dma_start3A_399 : memref<1024x128xf32, #tpu.memory_space<vmem_shared>>) target(%arg9 : memref<128x128xf32, #tpu.memory_space<vmem>>) offsets(%dma_start3A_396 : memref<128xi32, #tpu.memory_space<vmem>>) semaphore(%arg14 : memref<!tpu.dma_semaphore, #tpu.memory_space<semaphore_mem>>)
    %scan3A_400 = arith.constant 0 : i32
    %scan3A_401 = arith.constant 0 : i32
    %scan3A_402 = arith.constant 128 : i32
    %scan3A_403 = arith.addi %scan3A_401, %scan3A_402 : i32
    %scan3A_404 = arith.constant 1 : i32
    scf.for %scan3A_1414 = %scan3A_401 to %scan3A_403 step %scan3A_404  : i32 {
      %get3A = arith.index_cast %scan3A_1414 : i32 to index
      %get3A_1415 = arith.constant 0 : index
      %get3A_1416 = tpu.vector_load %arg6[%get3A, %get3A_1415] {strides = array<i32>} : memref<128x128xf32, #tpu.memory_space<vmem>>, vector<1x16xf32>,
      %get3A_1417 = vector.shape_cast %get3A_1416 : vector<1x16xf32> to vector<16xf32>
      %get3A_1418 = arith.index_cast %scan3A_1414 : i32 to index
      %get3A_1419 = arith.constant 0 : index
      %get3A_1420 = tpu.vector_load %arg7[%get3A_1418, %get3A_1419] {strides = array<i32>} : memref<128x128xf32, #tpu.memory_space<vmem>>, vector<1x16xf32>,
      %get3A_1421 = vector.shape_cast %get3A_1420 : vector<1x16xf32> to vector<16xf32>
      %mul3A_1422 = arith.mulf %get3A_1417, %get3A_1421 : vector<16xf32>
      %swap3A = arith.index_cast %scan3A_1414 : i32 to index
      %swap3A_1423 = arith.constant 0 : index
      %swap3A_1424 = tpu.vector_load %arg6[%swap3A, %swap3A_1423] {strides = array<i32>} : memref<128x128xf32, #tpu.memory_space<vmem>>, vector<1x16xf32>,
      %swap3A_1425 = vector.shape_cast %swap3A_1424 : vector<1x16xf32> to vector<16xf32>
      %swap3A_1426 = vector.shape_cast %mul3A_1422 : vector<16xf32> to vector<1x16xf32>
      tpu.vector_store %arg6[%swap3A, %swap3A_1423], %swap3A_1426 {strides = array<i32>} : memref<128x128xf32, #tpu.memory_space<vmem>>, vector<1x16xf32>,
      %get3A_1427 = arith.index_cast %scan3A_1414 : i32 to index
      %get3A_1428 = arith.constant 16 : index
      %get3A_1429 = tpu.vector_load %arg6[%get3A_1427, %get3A_1428] {strides = array<i32>} : memref<128x128xf32, #tpu.memory_space<vmem>>, vector<1x16xf32>,
      %get3A_1430 = vector.shape_cast %get3A_1429 : vector<1x16xf32> to vector<16xf32>
      %get3A_1431 = arith.index_cast %scan3A_1414 : i32 to index
      %get3A_1432 = arith.constant 16 : index
      %get3A_1433 = tpu.vector_load %arg7[%get3A_1431, %get3A_1432] {strides = array<i32>} : memref<128x128xf32, #tpu.memory_space<vmem>>, vector<1x16xf32>,
      %get3A_1434 = vector.shape_cast %get3A_1433 : vector<1x16xf32> to vector<16xf32>
      %mul3A_1435 = arith.mulf %get3A_1430, %get3A_1434 : vector<16xf32>
      %swap3A_1436 = arith.index_cast %scan3A_1414 : i32 to index
      %swap3A_1437 = arith.constant 16 : index
      %swap3A_1438 = tpu.vector_load %arg6[%swap3A_1436, %swap3A_1437] {strides = array<i32>} : memref<128x128xf32, #tpu.memory_space<vmem>>, vector<1x16xf32>,
      %swap3A_1439 = vector.shape_cast %swap3A_1438 : vector<1x16xf32> to vector<16xf32>
      %swap3A_1440 = vector.shape_cast %mul3A_1435 : vector<16xf32> to vector<1x16xf32>
      tpu.vector_store %arg6[%swap3A_1436, %swap3A_1437], %swap3A_1440 {strides = array<i32>} : memref<128x128xf32, #tpu.memory_space<vmem>>, vector<1x16xf32>,
      %get3A_1441 = arith.index_cast %scan3A_1414 : i32 to index
      %get3A_1442 = arith.constant 32 : index
      %get3A_1443 = tpu.vector_load %arg6[%get3A_1441, %get3A_1442] {strides = array<i32>} : memref<128x128xf32, #tpu.memory_space<vmem>>, vector<1x16xf32>,
      %get3A_1444 = vector.shape_cast %get3A_1443 : vector<1x16xf32> to vector<16xf32>
      %get3A_1445 = arith.index_cast %scan3A_1414 : i32 to index
      %get3A_1446 = arith.constant 32 : index
      %get3A_1447 = tpu.vector_load %arg7[%get3A_1445, %get3A_1446] {strides = array<i32>} : memref<128x128xf32, #tpu.memory_space<vmem>>, vector<1x16xf32>,
      %get3A_1448 = vector.shape_cast %get3A_1447 : vector<1x16xf32> to vector<16xf32>
      %mul3A_1449 = arith.mulf %get3A_1444, %get3A_1448 : vector<16xf32>
      %swap3A_1450 = arith.index_cast %scan3A_1414 : i32 to index
      %swap3A_1451 = arith.constant 32 : index
      %swap3A_1452 = tpu.vector_load %arg6[%swap3A_1450, %swap3A_1451] {strides = array<i32>} : memref<128x128xf32, #tpu.memory_space<vmem>>, vector<1x16xf32>,
      %swap3A_1453 = vector.shape_cast %swap3A_1452 : vector<1x16xf32> to vector<16xf32>
      %swap3A_1454 = vector.shape_cast %mul3A_1449 : vector<16xf32> to vector<1x16xf32>
      tpu.vector_store %arg6[%swap3A_1450, %swap3A_1451], %swap3A_1454 {strides = array<i32>} : memref<128x128xf32, #tpu.memory_space<vmem>>, vector<1x16xf32>,
      %get3A_1455 = arith.index_cast %scan3A_1414 : i32 to index
      %get3A_1456 = arith.constant 48 : index
      %get3A_1457 = tpu.vector_load %arg6[%get3A_1455, %get3A_1456] {strides = array<i32>} : memref<128x128xf32, #tpu.memory_space<vmem>>, vector<1x16xf32>,
      %get3A_1458 = vector.shape_cast %get3A_1457 : vector<1x16xf32> to vector<16xf32>
      %get3A_1459 = arith.index_cast %scan3A_1414 : i32 to index
      %get3A_1460 = arith.constant 48 : index
      %get3A_1461 = tpu.vector_load %arg7[%get3A_1459, %get3A_1460] {strides = array<i32>} : memref<128x128xf32, #tpu.memory_space<vmem>>, vector<1x16xf32>,
      %get3A_1462 = vector.shape_cast %get3A_1461 : vector<1x16xf32> to vector<16xf32>
      %mul3A_1463 = arith.mulf %get3A_1458, %get3A_1462 : vector<16xf32>
      %swap3A_1464 = arith.index_cast %scan3A_1414 : i32 to index
      %swap3A_1465 = arith.constant 48 : index
      %swap3A_1466 = tpu.vector_load %arg6[%swap3A_1464, %swap3A_1465] {strides = array<i32>} : memref<128x128xf32, #tpu.memory_space<vmem>>, vector<1x16xf32>,
      %swap3A_1467 = vector.shape_cast %swap3A_1466 : vector<1x16xf32> to vector<16xf32>
      %swap3A_1468 = vector.shape_cast %mul3A_1463 : vector<16xf32> to vector<1x16xf32>
      tpu.vector_store %arg6[%swap3A_1464, %swap3A_1465], %swap3A_1468 {strides = array<i32>} : memref<128x128xf32, #tpu.memory_space<vmem>>, vector<1x16xf32>,
    }
    %scan3A_405 = arith.constant 128 : i32
    %add3A_406 = arith.constant 1024 : i32
    %add3A_407 = arith.addi %mul3A_2, %add3A_406 : i32
    %dma_start3A_408 = arith.constant 0 : i32
    %dma_start3A_409 = tpu.memref_slice %arg4[%add3A_407, %dma_start3A_408] : memref<131072x128xf32, #tpu.memory_space<hbm>> -> memref<128x128xf32, #tpu.memory_space<hbm>>
    %dma_start3A_410 = arith.constant 0 : i32
    %dma_start3A_411 = tpu.memref_slice %arg4[%add3A_407, %dma_start3A_410] : memref<131072x128xf32, #tpu.memory_space<hbm>> -> memref<128x128xf32, #tpu.memory_space<hbm>>
    tpu.enqueue_dma source(%arg6 : memref<128x128xf32, #tpu.memory_space<vmem>>) target(%dma_start3A_411 : memref<128x128xf32, #tpu.memory_space<hbm>>) target_semaphore(%arg15 : memref<!tpu.dma_semaphore, #tpu.memory_space<semaphore_mem>>)
    %dma_wait3A_412 = arith.constant 9 : i32
    %dma_wait3A_413 = arith.constant 0 : i32
    %dma_wait3A_414 = tpu.memref_slice %arg5[%dma_wait3A_412, %dma_wait3A_413] : memref<64x128xi32, #tpu.memory_space<vmem>> -> memref<1x128xi32, #tpu.memory_space<vmem>>
    %dma_wait3A_415 = tpu.memref_squeeze %dma_wait3A_414 : memref<1x128xi32, #tpu.memory_space<vmem>> -> memref<128xi32, #tpu.memory_space<vmem>>
    %dma_wait3A_416 = arith.constant 0 : i32
    %dma_wait3A_417 = arith.constant 0 : i32
    %dma_wait3A_418 = tpu.memref_slice %arg10[%dma_wait3A_416, %dma_wait3A_417] : memref<1024x128xf32, #tpu.memory_space<vmem_shared>> -> memref<1024x128xf32, #tpu.memory_space<vmem_shared>>
    tpu.wait_indirect_dma semaphore(%arg13 : memref<!tpu.dma_semaphore, #tpu.memory_space<semaphore_mem>>) src(%dma_wait3A_418 : memref<1024x128xf32, #tpu.memory_space<vmem_shared>>) dst(%arg8 : memref<128x128xf32, #tpu.memory_space<vmem>>)
    %dma_wait3A_419 = arith.constant 41 : i32
    %dma_wait3A_420 = arith.constant 0 : i32
    %dma_wait3A_421 = tpu.memref_slice %arg5[%dma_wait3A_419, %dma_wait3A_420] : memref<64x128xi32, #tpu.memory_space<vmem>> -> memref<1x128xi32, #tpu.memory_space<vmem>>
    %dma_wait3A_422 = tpu.memref_squeeze %dma_wait3A_421 : memref<1x128xi32, #tpu.memory_space<vmem>> -> memref<128xi32, #tpu.memory_space<vmem>>
    %dma_wait3A_423 = arith.constant 0 : i32
    %dma_wait3A_424 = arith.constant 0 : i32
    %dma_wait3A_425 = tpu.memref_slice %arg10[%dma_wait3A_423, %dma_wait3A_424] : memref<1024x128xf32, #tpu.memory_space<vmem_shared>> -> memref<1024x128xf32, #tpu.memory_space<vmem_shared>>
    tpu.wait_indirect_dma semaphore(%arg14 : memref<!tpu.dma_semaphore, #tpu.memory_space<semaphore_mem>>) src(%dma_wait3A_425 : memref<1024x128xf32, #tpu.memory_space<vmem_shared>>) dst(%arg9 : memref<128x128xf32, #tpu.memory_space<vmem>>)
    %dma_wait3A_426 = arith.constant 0 : i32
    %dma_wait3A_427 = tpu.memref_slice %arg4[%add3A_407, %dma_wait3A_426] : memref<131072x128xf32, #tpu.memory_space<hbm>> -> memref<128x128xf32, #tpu.memory_space<hbm>>
    %dma_wait3A_428 = arith.constant 0 : i32
    %dma_wait3A_429 = tpu.memref_slice %arg4[%add3A_407, %dma_wait3A_428] : memref<131072x128xf32, #tpu.memory_space<hbm>> -> memref<128x128xf32, #tpu.memory_space<hbm>>
    tpu.wait_dma2 semaphore(%arg15 : memref<!tpu.dma_semaphore, #tpu.memory_space<semaphore_mem>>) src(%arg6 : memref<128x128xf32, #tpu.memory_space<vmem>>) dst(%dma_wait3A_429 : memref<128x128xf32, #tpu.memory_space<hbm>>)
    %dma_start3A_430 = arith.constant 10 : i32
    %dma_start3A_431 = arith.constant 0 : i32
    %dma_start3A_432 = tpu.memref_slice %arg5[%dma_start3A_430, %dma_start3A_431] : memref<64x128xi32, #tpu.memory_space<vmem>> -> memref<1x128xi32, #tpu.memory_space<vmem>>
    %dma_start3A_433 = tpu.memref_squeeze %dma_start3A_432 : memref<1x128xi32, #tpu.memory_space<vmem>> -> memref<128xi32, #tpu.memory_space<vmem>>
    %dma_start3A_434 = arith.constant 0 : i32
    %dma_start3A_435 = arith.constant 0 : i32
    %dma_start3A_436 = tpu.memref_slice %arg10[%dma_start3A_434, %dma_start3A_435] : memref<1024x128xf32, #tpu.memory_space<vmem_shared>> -> memref<1024x128xf32, #tpu.memory_space<vmem_shared>>
    tpu.enqueue_indirect_dma source(%dma_start3A_436 : memref<1024x128xf32, #tpu.memory_space<vmem_shared>>) target(%arg6 : memref<128x128xf32, #tpu.memory_space<vmem>>) offsets(%dma_start3A_433 : memref<128xi32, #tpu.memory_space<vmem>>) semaphore(%arg11 : memref<!tpu.dma_semaphore, #tpu.memory_space<semaphore_mem>>)
    %dma_start3A_437 = arith.constant 42 : i32
    %dma_start3A_438 = arith.constant 0 : i32
    %dma_start3A_439 = tpu.memref_slice %arg5[%dma_start3A_437, %dma_start3A_438] : memref<64x128xi32, #tpu.memory_space<vmem>> -> memref<1x128xi32, #tpu.memory_space<vmem>>
    %dma_start3A_440 = tpu.memref_squeeze %dma_start3A_439 : memref<1x128xi32, #tpu.memory_space<vmem>> -> memref<128xi32, #tpu.memory_space<vmem>>
    %dma_start3A_441 = arith.constant 0 : i32
    %dma_start3A_442 = arith.constant 0 : i32
    %dma_start3A_443 = tpu.memref_slice %arg10[%dma_start3A_441, %dma_start3A_442] : memref<1024x128xf32, #tpu.memory_space<vmem_shared>> -> memref<1024x128xf32, #tpu.memory_space<vmem_shared>>
    tpu.enqueue_indirect_dma source(%dma_start3A_443 : memref<1024x128xf32, #tpu.memory_space<vmem_shared>>) target(%arg7 : memref<128x128xf32, #tpu.memory_space<vmem>>) offsets(%dma_start3A_440 : memref<128xi32, #tpu.memory_space<vmem>>) semaphore(%arg12 : memref<!tpu.dma_semaphore, #tpu.memory_space<semaphore_mem>>)
    %scan3A_444 = arith.constant 0 : i32
    %scan3A_445 = arith.constant 0 : i32
    %scan3A_446 = arith.constant 128 : i32
    %scan3A_447 = arith.addi %scan3A_445, %scan3A_446 : i32
    %scan3A_448 = arith.constant 1 : i32
    scf.for %scan3A_1414 = %scan3A_445 to %scan3A_447 step %scan3A_448  : i32 {
      %get3A = arith.index_cast %scan3A_1414 : i32 to index
      %get3A_1415 = arith.constant 0 : index
      %get3A_1416 = tpu.vector_load %arg8[%get3A, %get3A_1415] {strides = array<i32>} : memref<128x128xf32, #tpu.memory_space<vmem>>, vector<1x16xf32>,
      %get3A_1417 = vector.shape_cast %get3A_1416 : vector<1x16xf32> to vector<16xf32>
      %get3A_1418 = arith.index_cast %scan3A_1414 : i32 to index
      %get3A_1419 = arith.constant 0 : index
      %get3A_1420 = tpu.vector_load %arg9[%get3A_1418, %get3A_1419] {strides = array<i32>} : memref<128x128xf32, #tpu.memory_space<vmem>>, vector<1x16xf32>,
      %get3A_1421 = vector.shape_cast %get3A_1420 : vector<1x16xf32> to vector<16xf32>
      %mul3A_1422 = arith.mulf %get3A_1417, %get3A_1421 : vector<16xf32>
      %swap3A = arith.index_cast %scan3A_1414 : i32 to index
      %swap3A_1423 = arith.constant 0 : index
      %swap3A_1424 = tpu.vector_load %arg8[%swap3A, %swap3A_1423] {strides = array<i32>} : memref<128x128xf32, #tpu.memory_space<vmem>>, vector<1x16xf32>,
      %swap3A_1425 = vector.shape_cast %swap3A_1424 : vector<1x16xf32> to vector<16xf32>
      %swap3A_1426 = vector.shape_cast %mul3A_1422 : vector<16xf32> to vector<1x16xf32>
      tpu.vector_store %arg8[%swap3A, %swap3A_1423], %swap3A_1426 {strides = array<i32>} : memref<128x128xf32, #tpu.memory_space<vmem>>, vector<1x16xf32>,
      %get3A_1427 = arith.index_cast %scan3A_1414 : i32 to index
      %get3A_1428 = arith.constant 16 : index
      %get3A_1429 = tpu.vector_load %arg8[%get3A_1427, %get3A_1428] {strides = array<i32>} : memref<128x128xf32, #tpu.memory_space<vmem>>, vector<1x16xf32>,
      %get3A_1430 = vector.shape_cast %get3A_1429 : vector<1x16xf32> to vector<16xf32>
      %get3A_1431 = arith.index_cast %scan3A_1414 : i32 to index
      %get3A_1432 = arith.constant 16 : index
      %get3A_1433 = tpu.vector_load %arg9[%get3A_1431, %get3A_1432] {strides = array<i32>} : memref<128x128xf32, #tpu.memory_space<vmem>>, vector<1x16xf32>,
      %get3A_1434 = vector.shape_cast %get3A_1433 : vector<1x16xf32> to vector<16xf32>
      %mul3A_1435 = arith.mulf %get3A_1430, %get3A_1434 : vector<16xf32>
      %swap3A_1436 = arith.index_cast %scan3A_1414 : i32 to index
      %swap3A_1437 = arith.constant 16 : index
      %swap3A_1438 = tpu.vector_load %arg8[%swap3A_1436, %swap3A_1437] {strides = array<i32>} : memref<128x128xf32, #tpu.memory_space<vmem>>, vector<1x16xf32>,
      %swap3A_1439 = vector.shape_cast %swap3A_1438 : vector<1x16xf32> to vector<16xf32>
      %swap3A_1440 = vector.shape_cast %mul3A_1435 : vector<16xf32> to vector<1x16xf32>
      tpu.vector_store %arg8[%swap3A_1436, %swap3A_1437], %swap3A_1440 {strides = array<i32>} : memref<128x128xf32, #tpu.memory_space<vmem>>, vector<1x16xf32>,
      %get3A_1441 = arith.index_cast %scan3A_1414 : i32 to index
      %get3A_1442 = arith.constant 32 : index
      %get3A_1443 = tpu.vector_load %arg8[%get3A_1441, %get3A_1442] {strides = array<i32>} : memref<128x128xf32, #tpu.memory_space<vmem>>, vector<1x16xf32>,
      %get3A_1444 = vector.shape_cast %get3A_1443 : vector<1x16xf32> to vector<16xf32>
      %get3A_1445 = arith.index_cast %scan3A_1414 : i32 to index
      %get3A_1446 = arith.constant 32 : index
      %get3A_1447 = tpu.vector_load %arg9[%get3A_1445, %get3A_1446] {strides = array<i32>} : memref<128x128xf32, #tpu.memory_space<vmem>>, vector<1x16xf32>,
      %get3A_1448 = vector.shape_cast %get3A_1447 : vector<1x16xf32> to vector<16xf32>
      %mul3A_1449 = arith.mulf %get3A_1444, %get3A_1448 : vector<16xf32>
      %swap3A_1450 = arith.index_cast %scan3A_1414 : i32 to index
      %swap3A_1451 = arith.constant 32 : index
      %swap3A_1452 = tpu.vector_load %arg8[%swap3A_1450, %swap3A_1451] {strides = array<i32>} : memref<128x128xf32, #tpu.memory_space<vmem>>, vector<1x16xf32>,
      %swap3A_1453 = vector.shape_cast %swap3A_1452 : vector<1x16xf32> to vector<16xf32>
      %swap3A_1454 = vector.shape_cast %mul3A_1449 : vector<16xf32> to vector<1x16xf32>
      tpu.vector_store %arg8[%swap3A_1450, %swap3A_1451], %swap3A_1454 {strides = array<i32>} : memref<128x128xf32, #tpu.memory_space<vmem>>, vector<1x16xf32>,
      %get3A_1455 = arith.index_cast %scan3A_1414 : i32 to index
      %get3A_1456 = arith.constant 48 : index
      %get3A_1457 = tpu.vector_load %arg8[%get3A_1455, %get3A_1456] {strides = array<i32>} : memref<128x128xf32, #tpu.memory_space<vmem>>, vector<1x16xf32>,
      %get3A_1458 = vector.shape_cast %get3A_1457 : vector<1x16xf32> to vector<16xf32>
      %get3A_1459 = arith.index_cast %scan3A_1414 : i32 to index
      %get3A_1460 = arith.constant 48 : index
      %get3A_1461 = tpu.vector_load %arg9[%get3A_1459, %get3A_1460] {strides = array<i32>} : memref<128x128xf32, #tpu.memory_space<vmem>>, vector<1x16xf32>,
      %get3A_1462 = vector.shape_cast %get3A_1461 : vector<1x16xf32> to vector<16xf32>
      %mul3A_1463 = arith.mulf %get3A_1458, %get3A_1462 : vector<16xf32>
      %swap3A_1464 = arith.index_cast %scan3A_1414 : i32 to index
      %swap3A_1465 = arith.constant 48 : index
      %swap3A_1466 = tpu.vector_load %arg8[%swap3A_1464, %swap3A_1465] {strides = array<i32>} : memref<128x128xf32, #tpu.memory_space<vmem>>, vector<1x16xf32>,
      %swap3A_1467 = vector.shape_cast %swap3A_1466 : vector<1x16xf32> to vector<16xf32>
      %swap3A_1468 = vector.shape_cast %mul3A_1463 : vector<16xf32> to vector<1x16xf32>
      tpu.vector_store %arg8[%swap3A_1464, %swap3A_1465], %swap3A_1468 {strides = array<i32>} : memref<128x128xf32, #tpu.memory_space<vmem>>, vector<1x16xf32>,
    }
    %scan3A_449 = arith.constant 128 : i32
    %add3A_450 = arith.constant 1152 : i32
    %add3A_451 = arith.addi %mul3A_2, %add3A_450 : i32
    %dma_start3A_452 = arith.constant 0 : i32
    %dma_start3A_453 = tpu.memref_slice %arg4[%add3A_451, %dma_start3A_452] : memref<131072x128xf32, #tpu.memory_space<hbm>> -> memref<128x128xf32, #tpu.memory_space<hbm>>
    %dma_start3A_454 = arith.constant 0 : i32
    %dma_start3A_455 = tpu.memref_slice %arg4[%add3A_451, %dma_start3A_454] : memref<131072x128xf32, #tpu.memory_space<hbm>> -> memref<128x128xf32, #tpu.memory_space<hbm>>
    tpu.enqueue_dma source(%arg8 : memref<128x128xf32, #tpu.memory_space<vmem>>) target(%dma_start3A_455 : memref<128x128xf32, #tpu.memory_space<hbm>>) target_semaphore(%arg16 : memref<!tpu.dma_semaphore, #tpu.memory_space<semaphore_mem>>)
    %dma_wait3A_456 = arith.constant 10 : i32
    %dma_wait3A_457 = arith.constant 0 : i32
    %dma_wait3A_458 = tpu.memref_slice %arg5[%dma_wait3A_456, %dma_wait3A_457] : memref<64x128xi32, #tpu.memory_space<vmem>> -> memref<1x128xi32, #tpu.memory_space<vmem>>
    %dma_wait3A_459 = tpu.memref_squeeze %dma_wait3A_458 : memref<1x128xi32, #tpu.memory_space<vmem>> -> memref<128xi32, #tpu.memory_space<vmem>>
    %dma_wait3A_460 = arith.constant 0 : i32
    %dma_wait3A_461 = arith.constant 0 : i32
    %dma_wait3A_462 = tpu.memref_slice %arg10[%dma_wait3A_460, %dma_wait3A_461] : memref<1024x128xf32, #tpu.memory_space<vmem_shared>> -> memref<1024x128xf32, #tpu.memory_space<vmem_shared>>
    tpu.wait_indirect_dma semaphore(%arg11 : memref<!tpu.dma_semaphore, #tpu.memory_space<semaphore_mem>>) src(%dma_wait3A_462 : memref<1024x128xf32, #tpu.memory_space<vmem_shared>>) dst(%arg6 : memref<128x128xf32, #tpu.memory_space<vmem>>)
    %dma_wait3A_463 = arith.constant 42 : i32
    %dma_wait3A_464 = arith.constant 0 : i32
    %dma_wait3A_465 = tpu.memref_slice %arg5[%dma_wait3A_463, %dma_wait3A_464] : memref<64x128xi32, #tpu.memory_space<vmem>> -> memref<1x128xi32, #tpu.memory_space<vmem>>
    %dma_wait3A_466 = tpu.memref_squeeze %dma_wait3A_465 : memref<1x128xi32, #tpu.memory_space<vmem>> -> memref<128xi32, #tpu.memory_space<vmem>>
    %dma_wait3A_467 = arith.constant 0 : i32
    %dma_wait3A_468 = arith.constant 0 : i32
    %dma_wait3A_469 = tpu.memref_slice %arg10[%dma_wait3A_467, %dma_wait3A_468] : memref<1024x128xf32, #tpu.memory_space<vmem_shared>> -> memref<1024x128xf32, #tpu.memory_space<vmem_shared>>
    tpu.wait_indirect_dma semaphore(%arg12 : memref<!tpu.dma_semaphore, #tpu.memory_space<semaphore_mem>>) src(%dma_wait3A_469 : memref<1024x128xf32, #tpu.memory_space<vmem_shared>>) dst(%arg7 : memref<128x128xf32, #tpu.memory_space<vmem>>)
    %dma_wait3A_470 = arith.constant 0 : i32
    %dma_wait3A_471 = tpu.memref_slice %arg4[%add3A_451, %dma_wait3A_470] : memref<131072x128xf32, #tpu.memory_space<hbm>> -> memref<128x128xf32, #tpu.memory_space<hbm>>
    %dma_wait3A_472 = arith.constant 0 : i32
    %dma_wait3A_473 = tpu.memref_slice %arg4[%add3A_451, %dma_wait3A_472] : memref<131072x128xf32, #tpu.memory_space<hbm>> -> memref<128x128xf32, #tpu.memory_space<hbm>>
    tpu.wait_dma2 semaphore(%arg16 : memref<!tpu.dma_semaphore, #tpu.memory_space<semaphore_mem>>) src(%arg8 : memref<128x128xf32, #tpu.memory_space<vmem>>) dst(%dma_wait3A_473 : memref<128x128xf32, #tpu.memory_space<hbm>>)
    %dma_start3A_474 = arith.constant 11 : i32
    %dma_start3A_475 = arith.constant 0 : i32
    %dma_start3A_476 = tpu.memref_slice %arg5[%dma_start3A_474, %dma_start3A_475] : memref<64x128xi32, #tpu.memory_space<vmem>> -> memref<1x128xi32, #tpu.memory_space<vmem>>
    %dma_start3A_477 = tpu.memref_squeeze %dma_start3A_476 : memref<1x128xi32, #tpu.memory_space<vmem>> -> memref<128xi32, #tpu.memory_space<vmem>>
    %dma_start3A_478 = arith.constant 0 : i32
    %dma_start3A_479 = arith.constant 0 : i32
    %dma_start3A_480 = tpu.memref_slice %arg10[%dma_start3A_478, %dma_start3A_479] : memref<1024x128xf32, #tpu.memory_space<vmem_shared>> -> memref<1024x128xf32, #tpu.memory_space<vmem_shared>>
    tpu.enqueue_indirect_dma source(%dma_start3A_480 : memref<1024x128xf32, #tpu.memory_space<vmem_shared>>) target(%arg8 : memref<128x128xf32, #tpu.memory_space<vmem>>) offsets(%dma_start3A_477 : memref<128xi32, #tpu.memory_space<vmem>>) semaphore(%arg13 : memref<!tpu.dma_semaphore, #tpu.memory_space<semaphore_mem>>)
    %dma_start3A_481 = arith.constant 43 : i32
    %dma_start3A_482 = arith.constant 0 : i32
    %dma_start3A_483 = tpu.memref_slice %arg5[%dma_start3A_481, %dma_start3A_482] : memref<64x128xi32, #tpu.memory_space<vmem>> -> memref<1x128xi32, #tpu.memory_space<vmem>>
    %dma_start3A_484 = tpu.memref_squeeze %dma_start3A_483 : memref<1x128xi32, #tpu.memory_space<vmem>> -> memref<128xi32, #tpu.memory_space<vmem>>
    %dma_start3A_485 = arith.constant 0 : i32
    %dma_start3A_486 = arith.constant 0 : i32
    %dma_start3A_487 = tpu.memref_slice %arg10[%dma_start3A_485, %dma_start3A_486] : memref<1024x128xf32, #tpu.memory_space<vmem_shared>> -> memref<1024x128xf32, #tpu.memory_space<vmem_shared>>
    tpu.enqueue_indirect_dma source(%dma_start3A_487 : memref<1024x128xf32, #tpu.memory_space<vmem_shared>>) target(%arg9 : memref<128x128xf32, #tpu.memory_space<vmem>>) offsets(%dma_start3A_484 : memref<128xi32, #tpu.memory_space<vmem>>) semaphore(%arg14 : memref<!tpu.dma_semaphore, #tpu.memory_space<semaphore_mem>>)
    %scan3A_488 = arith.constant 0 : i32
    %scan3A_489 = arith.constant 0 : i32
    %scan3A_490 = arith.constant 128 : i32
    %scan3A_491 = arith.addi %scan3A_489, %scan3A_490 : i32
    %scan3A_492 = arith.constant 1 : i32
    scf.for %scan3A_1414 = %scan3A_489 to %scan3A_491 step %scan3A_492  : i32 {
      %get3A = arith.index_cast %scan3A_1414 : i32 to index
      %get3A_1415 = arith.constant 0 : index
      %get3A_1416 = tpu.vector_load %arg6[%get3A, %get3A_1415] {strides = array<i32>} : memref<128x128xf32, #tpu.memory_space<vmem>>, vector<1x16xf32>,
      %get3A_1417 = vector.shape_cast %get3A_1416 : vector<1x16xf32> to vector<16xf32>
      %get3A_1418 = arith.index_cast %scan3A_1414 : i32 to index
      %get3A_1419 = arith.constant 0 : index
      %get3A_1420 = tpu.vector_load %arg7[%get3A_1418, %get3A_1419] {strides = array<i32>} : memref<128x128xf32, #tpu.memory_space<vmem>>, vector<1x16xf32>,
      %get3A_1421 = vector.shape_cast %get3A_1420 : vector<1x16xf32> to vector<16xf32>
      %mul3A_1422 = arith.mulf %get3A_1417, %get3A_1421 : vector<16xf32>
      %swap3A = arith.index_cast %scan3A_1414 : i32 to index
      %swap3A_1423 = arith.constant 0 : index
      %swap3A_1424 = tpu.vector_load %arg6[%swap3A, %swap3A_1423] {strides = array<i32>} : memref<128x128xf32, #tpu.memory_space<vmem>>, vector<1x16xf32>,
      %swap3A_1425 = vector.shape_cast %swap3A_1424 : vector<1x16xf32> to vector<16xf32>
      %swap3A_1426 = vector.shape_cast %mul3A_1422 : vector<16xf32> to vector<1x16xf32>
      tpu.vector_store %arg6[%swap3A, %swap3A_1423], %swap3A_1426 {strides = array<i32>} : memref<128x128xf32, #tpu.memory_space<vmem>>, vector<1x16xf32>,
      %get3A_1427 = arith.index_cast %scan3A_1414 : i32 to index
      %get3A_1428 = arith.constant 16 : index
      %get3A_1429 = tpu.vector_load %arg6[%get3A_1427, %get3A_1428] {strides = array<i32>} : memref<128x128xf32, #tpu.memory_space<vmem>>, vector<1x16xf32>,
      %get3A_1430 = vector.shape_cast %get3A_1429 : vector<1x16xf32> to vector<16xf32>
      %get3A_1431 = arith.index_cast %scan3A_1414 : i32 to index
      %get3A_1432 = arith.constant 16 : index
      %get3A_1433 = tpu.vector_load %arg7[%get3A_1431, %get3A_1432] {strides = array<i32>} : memref<128x128xf32, #tpu.memory_space<vmem>>, vector<1x16xf32>,
      %get3A_1434 = vector.shape_cast %get3A_1433 : vector<1x16xf32> to vector<16xf32>
      %mul3A_1435 = arith.mulf %get3A_1430, %get3A_1434 : vector<16xf32>
      %swap3A_1436 = arith.index_cast %scan3A_1414 : i32 to index
      %swap3A_1437 = arith.constant 16 : index
      %swap3A_1438 = tpu.vector_load %arg6[%swap3A_1436, %swap3A_1437] {strides = array<i32>} : memref<128x128xf32, #tpu.memory_space<vmem>>, vector<1x16xf32>,
      %swap3A_1439 = vector.shape_cast %swap3A_1438 : vector<1x16xf32> to vector<16xf32>
      %swap3A_1440 = vector.shape_cast %mul3A_1435 : vector<16xf32> to vector<1x16xf32>
      tpu.vector_store %arg6[%swap3A_1436, %swap3A_1437], %swap3A_1440 {strides = array<i32>} : memref<128x128xf32, #tpu.memory_space<vmem>>, vector<1x16xf32>,
      %get3A_1441 = arith.index_cast %scan3A_1414 : i32 to index
      %get3A_1442 = arith.constant 32 : index
      %get3A_1443 = tpu.vector_load %arg6[%get3A_1441, %get3A_1442] {strides = array<i32>} : memref<128x128xf32, #tpu.memory_space<vmem>>, vector<1x16xf32>,
      %get3A_1444 = vector.shape_cast %get3A_1443 : vector<1x16xf32> to vector<16xf32>
      %get3A_1445 = arith.index_cast %scan3A_1414 : i32 to index
      %get3A_1446 = arith.constant 32 : index
      %get3A_1447 = tpu.vector_load %arg7[%get3A_1445, %get3A_1446] {strides = array<i32>} : memref<128x128xf32, #tpu.memory_space<vmem>>, vector<1x16xf32>,
      %get3A_1448 = vector.shape_cast %get3A_1447 : vector<1x16xf32> to vector<16xf32>
      %mul3A_1449 = arith.mulf %get3A_1444, %get3A_1448 : vector<16xf32>
      %swap3A_1450 = arith.index_cast %scan3A_1414 : i32 to index
      %swap3A_1451 = arith.constant 32 : index
      %swap3A_1452 = tpu.vector_load %arg6[%swap3A_1450, %swap3A_1451] {strides = array<i32>} : memref<128x128xf32, #tpu.memory_space<vmem>>, vector<1x16xf32>,
      %swap3A_1453 = vector.shape_cast %swap3A_1452 : vector<1x16xf32> to vector<16xf32>
      %swap3A_1454 = vector.shape_cast %mul3A_1449 : vector<16xf32> to vector<1x16xf32>
      tpu.vector_store %arg6[%swap3A_1450, %swap3A_1451], %swap3A_1454 {strides = array<i32>} : memref<128x128xf32, #tpu.memory_space<vmem>>, vector<1x16xf32>,
      %get3A_1455 = arith.index_cast %scan3A_1414 : i32 to index
      %get3A_1456 = arith.constant 48 : index
      %get3A_1457 = tpu.vector_load %arg6[%get3A_1455, %get3A_1456] {strides = array<i32>} : memref<128x128xf32, #tpu.memory_space<vmem>>, vector<1x16xf32>,
      %get3A_1458 = vector.shape_cast %get3A_1457 : vector<1x16xf32> to vector<16xf32>
      %get3A_1459 = arith.index_cast %scan3A_1414 : i32 to index
      %get3A_1460 = arith.constant 48 : index
      %get3A_1461 = tpu.vector_load %arg7[%get3A_1459, %get3A_1460] {strides = array<i32>} : memref<128x128xf32, #tpu.memory_space<vmem>>, vector<1x16xf32>,
      %get3A_1462 = vector.shape_cast %get3A_1461 : vector<1x16xf32> to vector<16xf32>
      %mul3A_1463 = arith.mulf %get3A_1458, %get3A_1462 : vector<16xf32>
      %swap3A_1464 = arith.index_cast %scan3A_1414 : i32 to index
      %swap3A_1465 = arith.constant 48 : index
      %swap3A_1466 = tpu.vector_load %arg6[%swap3A_1464, %swap3A_1465] {strides = array<i32>} : memref<128x128xf32, #tpu.memory_space<vmem>>, vector<1x16xf32>,
      %swap3A_1467 = vector.shape_cast %swap3A_1466 : vector<1x16xf32> to vector<16xf32>
      %swap3A_1468 = vector.shape_cast %mul3A_1463 : vector<16xf32> to vector<1x16xf32>
      tpu.vector_store %arg6[%swap3A_1464, %swap3A_1465], %swap3A_1468 {strides = array<i32>} : memref<128x128xf32, #tpu.memory_space<vmem>>, vector<1x16xf32>,
    }
    %scan3A_493 = arith.constant 128 : i32
    %add3A_494 = arith.constant 1280 : i32
    %add3A_495 = arith.addi %mul3A_2, %add3A_494 : i32
    %dma_start3A_496 = arith.constant 0 : i32
    %dma_start3A_497 = tpu.memref_slice %arg4[%add3A_495, %dma_start3A_496] : memref<131072x128xf32, #tpu.memory_space<hbm>> -> memref<128x128xf32, #tpu.memory_space<hbm>>
    %dma_start3A_498 = arith.constant 0 : i32
    %dma_start3A_499 = tpu.memref_slice %arg4[%add3A_495, %dma_start3A_498] : memref<131072x128xf32, #tpu.memory_space<hbm>> -> memref<128x128xf32, #tpu.memory_space<hbm>>
    tpu.enqueue_dma source(%arg6 : memref<128x128xf32, #tpu.memory_space<vmem>>) target(%dma_start3A_499 : memref<128x128xf32, #tpu.memory_space<hbm>>) target_semaphore(%arg15 : memref<!tpu.dma_semaphore, #tpu.memory_space<semaphore_mem>>)
    %dma_wait3A_500 = arith.constant 11 : i32
    %dma_wait3A_501 = arith.constant 0 : i32
    %dma_wait3A_502 = tpu.memref_slice %arg5[%dma_wait3A_500, %dma_wait3A_501] : memref<64x128xi32, #tpu.memory_space<vmem>> -> memref<1x128xi32, #tpu.memory_space<vmem>>
    %dma_wait3A_503 = tpu.memref_squeeze %dma_wait3A_502 : memref<1x128xi32, #tpu.memory_space<vmem>> -> memref<128xi32, #tpu.memory_space<vmem>>
    %dma_wait3A_504 = arith.constant 0 : i32
    %dma_wait3A_505 = arith.constant 0 : i32
    %dma_wait3A_506 = tpu.memref_slice %arg10[%dma_wait3A_504, %dma_wait3A_505] : memref<1024x128xf32, #tpu.memory_space<vmem_shared>> -> memref<1024x128xf32, #tpu.memory_space<vmem_shared>>
    tpu.wait_indirect_dma semaphore(%arg13 : memref<!tpu.dma_semaphore, #tpu.memory_space<semaphore_mem>>) src(%dma_wait3A_506 : memref<1024x128xf32, #tpu.memory_space<vmem_shared>>) dst(%arg8 : memref<128x128xf32, #tpu.memory_space<vmem>>)
    %dma_wait3A_507 = arith.constant 43 : i32
    %dma_wait3A_508 = arith.constant 0 : i32
    %dma_wait3A_509 = tpu.memref_slice %arg5[%dma_wait3A_507, %dma_wait3A_508] : memref<64x128xi32, #tpu.memory_space<vmem>> -> memref<1x128xi32, #tpu.memory_space<vmem>>
    %dma_wait3A_510 = tpu.memref_squeeze %dma_wait3A_509 : memref<1x128xi32, #tpu.memory_space<vmem>> -> memref<128xi32, #tpu.memory_space<vmem>>
    %dma_wait3A_511 = arith.constant 0 : i32
    %dma_wait3A_512 = arith.constant 0 : i32
    %dma_wait3A_513 = tpu.memref_slice %arg10[%dma_wait3A_511, %dma_wait3A_512] : memref<1024x128xf32, #tpu.memory_space<vmem_shared>> -> memref<1024x128xf32, #tpu.memory_space<vmem_shared>>
    tpu.wait_indirect_dma semaphore(%arg14 : memref<!tpu.dma_semaphore, #tpu.memory_space<semaphore_mem>>) src(%dma_wait3A_513 : memref<1024x128xf32, #tpu.memory_space<vmem_shared>>) dst(%arg9 : memref<128x128xf32, #tpu.memory_space<vmem>>)
    %dma_wait3A_514 = arith.constant 0 : i32
    %dma_wait3A_515 = tpu.memref_slice %arg4[%add3A_495, %dma_wait3A_514] : memref<131072x128xf32, #tpu.memory_space<hbm>> -> memref<128x128xf32, #tpu.memory_space<hbm>>
    %dma_wait3A_516 = arith.constant 0 : i32
    %dma_wait3A_517 = tpu.memref_slice %arg4[%add3A_495, %dma_wait3A_516] : memref<131072x128xf32, #tpu.memory_space<hbm>> -> memref<128x128xf32, #tpu.memory_space<hbm>>
    tpu.wait_dma2 semaphore(%arg15 : memref<!tpu.dma_semaphore, #tpu.memory_space<semaphore_mem>>) src(%arg6 : memref<128x128xf32, #tpu.memory_space<vmem>>) dst(%dma_wait3A_517 : memref<128x128xf32, #tpu.memory_space<hbm>>)
    %dma_start3A_518 = arith.constant 12 : i32
    %dma_start3A_519 = arith.constant 0 : i32
    %dma_start3A_520 = tpu.memref_slice %arg5[%dma_start3A_518, %dma_start3A_519] : memref<64x128xi32, #tpu.memory_space<vmem>> -> memref<1x128xi32, #tpu.memory_space<vmem>>
    %dma_start3A_521 = tpu.memref_squeeze %dma_start3A_520 : memref<1x128xi32, #tpu.memory_space<vmem>> -> memref<128xi32, #tpu.memory_space<vmem>>
    %dma_start3A_522 = arith.constant 0 : i32
    %dma_start3A_523 = arith.constant 0 : i32
    %dma_start3A_524 = tpu.memref_slice %arg10[%dma_start3A_522, %dma_start3A_523] : memref<1024x128xf32, #tpu.memory_space<vmem_shared>> -> memref<1024x128xf32, #tpu.memory_space<vmem_shared>>
    tpu.enqueue_indirect_dma source(%dma_start3A_524 : memref<1024x128xf32, #tpu.memory_space<vmem_shared>>) target(%arg6 : memref<128x128xf32, #tpu.memory_space<vmem>>) offsets(%dma_start3A_521 : memref<128xi32, #tpu.memory_space<vmem>>) semaphore(%arg11 : memref<!tpu.dma_semaphore, #tpu.memory_space<semaphore_mem>>)
    %dma_start3A_525 = arith.constant 44 : i32
    %dma_start3A_526 = arith.constant 0 : i32
    %dma_start3A_527 = tpu.memref_slice %arg5[%dma_start3A_525, %dma_start3A_526] : memref<64x128xi32, #tpu.memory_space<vmem>> -> memref<1x128xi32, #tpu.memory_space<vmem>>
    %dma_start3A_528 = tpu.memref_squeeze %dma_start3A_527 : memref<1x128xi32, #tpu.memory_space<vmem>> -> memref<128xi32, #tpu.memory_space<vmem>>
    %dma_start3A_529 = arith.constant 0 : i32
    %dma_start3A_530 = arith.constant 0 : i32
    %dma_start3A_531 = tpu.memref_slice %arg10[%dma_start3A_529, %dma_start3A_530] : memref<1024x128xf32, #tpu.memory_space<vmem_shared>> -> memref<1024x128xf32, #tpu.memory_space<vmem_shared>>
    tpu.enqueue_indirect_dma source(%dma_start3A_531 : memref<1024x128xf32, #tpu.memory_space<vmem_shared>>) target(%arg7 : memref<128x128xf32, #tpu.memory_space<vmem>>) offsets(%dma_start3A_528 : memref<128xi32, #tpu.memory_space<vmem>>) semaphore(%arg12 : memref<!tpu.dma_semaphore, #tpu.memory_space<semaphore_mem>>)
    %scan3A_532 = arith.constant 0 : i32
    %scan3A_533 = arith.constant 0 : i32
    %scan3A_534 = arith.constant 128 : i32
    %scan3A_535 = arith.addi %scan3A_533, %scan3A_534 : i32
    %scan3A_536 = arith.constant 1 : i32
    scf.for %scan3A_1414 = %scan3A_533 to %scan3A_535 step %scan3A_536  : i32 {
      %get3A = arith.index_cast %scan3A_1414 : i32 to index
      %get3A_1415 = arith.constant 0 : index
      %get3A_1416 = tpu.vector_load %arg8[%get3A, %get3A_1415] {strides = array<i32>} : memref<128x128xf32, #tpu.memory_space<vmem>>, vector<1x16xf32>,
      %get3A_1417 = vector.shape_cast %get3A_1416 : vector<1x16xf32> to vector<16xf32>
      %get3A_1418 = arith.index_cast %scan3A_1414 : i32 to index
      %get3A_1419 = arith.constant 0 : index
      %get3A_1420 = tpu.vector_load %arg9[%get3A_1418, %get3A_1419] {strides = array<i32>} : memref<128x128xf32, #tpu.memory_space<vmem>>, vector<1x16xf32>,
      %get3A_1421 = vector.shape_cast %get3A_1420 : vector<1x16xf32> to vector<16xf32>
      %mul3A_1422 = arith.mulf %get3A_1417, %get3A_1421 : vector<16xf32>
      %swap3A = arith.index_cast %scan3A_1414 : i32 to index
      %swap3A_1423 = arith.constant 0 : index
      %swap3A_1424 = tpu.vector_load %arg8[%swap3A, %swap3A_1423] {strides = array<i32>} : memref<128x128xf32, #tpu.memory_space<vmem>>, vector<1x16xf32>,
      %swap3A_1425 = vector.shape_cast %swap3A_1424 : vector<1x16xf32> to vector<16xf32>
      %swap3A_1426 = vector.shape_cast %mul3A_1422 : vector<16xf32> to vector<1x16xf32>
      tpu.vector_store %arg8[%swap3A, %swap3A_1423], %swap3A_1426 {strides = array<i32>} : memref<128x128xf32, #tpu.memory_space<vmem>>, vector<1x16xf32>,
      %get3A_1427 = arith.index_cast %scan3A_1414 : i32 to index
      %get3A_1428 = arith.constant 16 : index
      %get3A_1429 = tpu.vector_load %arg8[%get3A_1427, %get3A_1428] {strides = array<i32>} : memref<128x128xf32, #tpu.memory_space<vmem>>, vector<1x16xf32>,
      %get3A_1430 = vector.shape_cast %get3A_1429 : vector<1x16xf32> to vector<16xf32>
      %get3A_1431 = arith.index_cast %scan3A_1414 : i32 to index
      %get3A_1432 = arith.constant 16 : index
      %get3A_1433 = tpu.vector_load %arg9[%get3A_1431, %get3A_1432] {strides = array<i32>} : memref<128x128xf32, #tpu.memory_space<vmem>>, vector<1x16xf32>,
      %get3A_1434 = vector.shape_cast %get3A_1433 : vector<1x16xf32> to vector<16xf32>
      %mul3A_1435 = arith.mulf %get3A_1430, %get3A_1434 : vector<16xf32>
      %swap3A_1436 = arith.index_cast %scan3A_1414 : i32 to index
      %swap3A_1437 = arith.constant 16 : index
      %swap3A_1438 = tpu.vector_load %arg8[%swap3A_1436, %swap3A_1437] {strides = array<i32>} : memref<128x128xf32, #tpu.memory_space<vmem>>, vector<1x16xf32>,
      %swap3A_1439 = vector.shape_cast %swap3A_1438 : vector<1x16xf32> to vector<16xf32>
      %swap3A_1440 = vector.shape_cast %mul3A_1435 : vector<16xf32> to vector<1x16xf32>
      tpu.vector_store %arg8[%swap3A_1436, %swap3A_1437], %swap3A_1440 {strides = array<i32>} : memref<128x128xf32, #tpu.memory_space<vmem>>, vector<1x16xf32>,
      %get3A_1441 = arith.index_cast %scan3A_1414 : i32 to index
      %get3A_1442 = arith.constant 32 : index
      %get3A_1443 = tpu.vector_load %arg8[%get3A_1441, %get3A_1442] {strides = array<i32>} : memref<128x128xf32, #tpu.memory_space<vmem>>, vector<1x16xf32>,
      %get3A_1444 = vector.shape_cast %get3A_1443 : vector<1x16xf32> to vector<16xf32>
      %get3A_1445 = arith.index_cast %scan3A_1414 : i32 to index
      %get3A_1446 = arith.constant 32 : index
      %get3A_1447 = tpu.vector_load %arg9[%get3A_1445, %get3A_1446] {strides = array<i32>} : memref<128x128xf32, #tpu.memory_space<vmem>>, vector<1x16xf32>,
      %get3A_1448 = vector.shape_cast %get3A_1447 : vector<1x16xf32> to vector<16xf32>
      %mul3A_1449 = arith.mulf %get3A_1444, %get3A_1448 : vector<16xf32>
      %swap3A_1450 = arith.index_cast %scan3A_1414 : i32 to index
      %swap3A_1451 = arith.constant 32 : index
      %swap3A_1452 = tpu.vector_load %arg8[%swap3A_1450, %swap3A_1451] {strides = array<i32>} : memref<128x128xf32, #tpu.memory_space<vmem>>, vector<1x16xf32>,
      %swap3A_1453 = vector.shape_cast %swap3A_1452 : vector<1x16xf32> to vector<16xf32>
      %swap3A_1454 = vector.shape_cast %mul3A_1449 : vector<16xf32> to vector<1x16xf32>
      tpu.vector_store %arg8[%swap3A_1450, %swap3A_1451], %swap3A_1454 {strides = array<i32>} : memref<128x128xf32, #tpu.memory_space<vmem>>, vector<1x16xf32>,
      %get3A_1455 = arith.index_cast %scan3A_1414 : i32 to index
      %get3A_1456 = arith.constant 48 : index
      %get3A_1457 = tpu.vector_load %arg8[%get3A_1455, %get3A_1456] {strides = array<i32>} : memref<128x128xf32, #tpu.memory_space<vmem>>, vector<1x16xf32>,
      %get3A_1458 = vector.shape_cast %get3A_1457 : vector<1x16xf32> to vector<16xf32>
      %get3A_1459 = arith.index_cast %scan3A_1414 : i32 to index
      %get3A_1460 = arith.constant 48 : index
      %get3A_1461 = tpu.vector_load %arg9[%get3A_1459, %get3A_1460] {strides = array<i32>} : memref<128x128xf32, #tpu.memory_space<vmem>>, vector<1x16xf32>,
      %get3A_1462 = vector.shape_cast %get3A_1461 : vector<1x16xf32> to vector<16xf32>
      %mul3A_1463 = arith.mulf %get3A_1458, %get3A_1462 : vector<16xf32>
      %swap3A_1464 = arith.index_cast %scan3A_1414 : i32 to index
      %swap3A_1465 = arith.constant 48 : index
      %swap3A_1466 = tpu.vector_load %arg8[%swap3A_1464, %swap3A_1465] {strides = array<i32>} : memref<128x128xf32, #tpu.memory_space<vmem>>, vector<1x16xf32>,
      %swap3A_1467 = vector.shape_cast %swap3A_1466 : vector<1x16xf32> to vector<16xf32>
      %swap3A_1468 = vector.shape_cast %mul3A_1463 : vector<16xf32> to vector<1x16xf32>
      tpu.vector_store %arg8[%swap3A_1464, %swap3A_1465], %swap3A_1468 {strides = array<i32>} : memref<128x128xf32, #tpu.memory_space<vmem>>, vector<1x16xf32>,
    }
    %scan3A_537 = arith.constant 128 : i32
    %add3A_538 = arith.constant 1408 : i32
    %add3A_539 = arith.addi %mul3A_2, %add3A_538 : i32
    %dma_start3A_540 = arith.constant 0 : i32
    %dma_start3A_541 = tpu.memref_slice %arg4[%add3A_539, %dma_start3A_540] : memref<131072x128xf32, #tpu.memory_space<hbm>> -> memref<128x128xf32, #tpu.memory_space<hbm>>
    %dma_start3A_542 = arith.constant 0 : i32
    %dma_start3A_543 = tpu.memref_slice %arg4[%add3A_539, %dma_start3A_542] : memref<131072x128xf32, #tpu.memory_space<hbm>> -> memref<128x128xf32, #tpu.memory_space<hbm>>
    tpu.enqueue_dma source(%arg8 : memref<128x128xf32, #tpu.memory_space<vmem>>) target(%dma_start3A_543 : memref<128x128xf32, #tpu.memory_space<hbm>>) target_semaphore(%arg16 : memref<!tpu.dma_semaphore, #tpu.memory_space<semaphore_mem>>)
    %dma_wait3A_544 = arith.constant 12 : i32
    %dma_wait3A_545 = arith.constant 0 : i32
    %dma_wait3A_546 = tpu.memref_slice %arg5[%dma_wait3A_544, %dma_wait3A_545] : memref<64x128xi32, #tpu.memory_space<vmem>> -> memref<1x128xi32, #tpu.memory_space<vmem>>
    %dma_wait3A_547 = tpu.memref_squeeze %dma_wait3A_546 : memref<1x128xi32, #tpu.memory_space<vmem>> -> memref<128xi32, #tpu.memory_space<vmem>>
    %dma_wait3A_548 = arith.constant 0 : i32
    %dma_wait3A_549 = arith.constant 0 : i32
    %dma_wait3A_550 = tpu.memref_slice %arg10[%dma_wait3A_548, %dma_wait3A_549] : memref<1024x128xf32, #tpu.memory_space<vmem_shared>> -> memref<1024x128xf32, #tpu.memory_space<vmem_shared>>
    tpu.wait_indirect_dma semaphore(%arg11 : memref<!tpu.dma_semaphore, #tpu.memory_space<semaphore_mem>>) src(%dma_wait3A_550 : memref<1024x128xf32, #tpu.memory_space<vmem_shared>>) dst(%arg6 : memref<128x128xf32, #tpu.memory_space<vmem>>)
    %dma_wait3A_551 = arith.constant 44 : i32
    %dma_wait3A_552 = arith.constant 0 : i32
    %dma_wait3A_553 = tpu.memref_slice %arg5[%dma_wait3A_551, %dma_wait3A_552] : memref<64x128xi32, #tpu.memory_space<vmem>> -> memref<1x128xi32, #tpu.memory_space<vmem>>
    %dma_wait3A_554 = tpu.memref_squeeze %dma_wait3A_553 : memref<1x128xi32, #tpu.memory_space<vmem>> -> memref<128xi32, #tpu.memory_space<vmem>>
    %dma_wait3A_555 = arith.constant 0 : i32
    %dma_wait3A_556 = arith.constant 0 : i32
    %dma_wait3A_557 = tpu.memref_slice %arg10[%dma_wait3A_555, %dma_wait3A_556] : memref<1024x128xf32, #tpu.memory_space<vmem_shared>> -> memref<1024x128xf32, #tpu.memory_space<vmem_shared>>
    tpu.wait_indirect_dma semaphore(%arg12 : memref<!tpu.dma_semaphore, #tpu.memory_space<semaphore_mem>>) src(%dma_wait3A_557 : memref<1024x128xf32, #tpu.memory_space<vmem_shared>>) dst(%arg7 : memref<128x128xf32, #tpu.memory_space<vmem>>)
    %dma_wait3A_558 = arith.constant 0 : i32
    %dma_wait3A_559 = tpu.memref_slice %arg4[%add3A_539, %dma_wait3A_558] : memref<131072x128xf32, #tpu.memory_space<hbm>> -> memref<128x128xf32, #tpu.memory_space<hbm>>
    %dma_wait3A_560 = arith.constant 0 : i32
    %dma_wait3A_561 = tpu.memref_slice %arg4[%add3A_539, %dma_wait3A_560] : memref<131072x128xf32, #tpu.memory_space<hbm>> -> memref<128x128xf32, #tpu.memory_space<hbm>>
    tpu.wait_dma2 semaphore(%arg16 : memref<!tpu.dma_semaphore, #tpu.memory_space<semaphore_mem>>) src(%arg8 : memref<128x128xf32, #tpu.memory_space<vmem>>) dst(%dma_wait3A_561 : memref<128x128xf32, #tpu.memory_space<hbm>>)
    %dma_start3A_562 = arith.constant 13 : i32
    %dma_start3A_563 = arith.constant 0 : i32
    %dma_start3A_564 = tpu.memref_slice %arg5[%dma_start3A_562, %dma_start3A_563] : memref<64x128xi32, #tpu.memory_space<vmem>> -> memref<1x128xi32, #tpu.memory_space<vmem>>
    %dma_start3A_565 = tpu.memref_squeeze %dma_start3A_564 : memref<1x128xi32, #tpu.memory_space<vmem>> -> memref<128xi32, #tpu.memory_space<vmem>>
    %dma_start3A_566 = arith.constant 0 : i32
    %dma_start3A_567 = arith.constant 0 : i32
    %dma_start3A_568 = tpu.memref_slice %arg10[%dma_start3A_566, %dma_start3A_567] : memref<1024x128xf32, #tpu.memory_space<vmem_shared>> -> memref<1024x128xf32, #tpu.memory_space<vmem_shared>>
    tpu.enqueue_indirect_dma source(%dma_start3A_568 : memref<1024x128xf32, #tpu.memory_space<vmem_shared>>) target(%arg8 : memref<128x128xf32, #tpu.memory_space<vmem>>) offsets(%dma_start3A_565 : memref<128xi32, #tpu.memory_space<vmem>>) semaphore(%arg13 : memref<!tpu.dma_semaphore, #tpu.memory_space<semaphore_mem>>)
    %dma_start3A_569 = arith.constant 45 : i32
    %dma_start3A_570 = arith.constant 0 : i32
    %dma_start3A_571 = tpu.memref_slice %arg5[%dma_start3A_569, %dma_start3A_570] : memref<64x128xi32, #tpu.memory_space<vmem>> -> memref<1x128xi32, #tpu.memory_space<vmem>>
    %dma_start3A_572 = tpu.memref_squeeze %dma_start3A_571 : memref<1x128xi32, #tpu.memory_space<vmem>> -> memref<128xi32, #tpu.memory_space<vmem>>
    %dma_start3A_573 = arith.constant 0 : i32
    %dma_start3A_574 = arith.constant 0 : i32
    %dma_start3A_575 = tpu.memref_slice %arg10[%dma_start3A_573, %dma_start3A_574] : memref<1024x128xf32, #tpu.memory_space<vmem_shared>> -> memref<1024x128xf32, #tpu.memory_space<vmem_shared>>
    tpu.enqueue_indirect_dma source(%dma_start3A_575 : memref<1024x128xf32, #tpu.memory_space<vmem_shared>>) target(%arg9 : memref<128x128xf32, #tpu.memory_space<vmem>>) offsets(%dma_start3A_572 : memref<128xi32, #tpu.memory_space<vmem>>) semaphore(%arg14 : memref<!tpu.dma_semaphore, #tpu.memory_space<semaphore_mem>>)
    %scan3A_576 = arith.constant 0 : i32
    %scan3A_577 = arith.constant 0 : i32
    %scan3A_578 = arith.constant 128 : i32
    %scan3A_579 = arith.addi %scan3A_577, %scan3A_578 : i32
    %scan3A_580 = arith.constant 1 : i32
    scf.for %scan3A_1414 = %scan3A_577 to %scan3A_579 step %scan3A_580  : i32 {
      %get3A = arith.index_cast %scan3A_1414 : i32 to index
      %get3A_1415 = arith.constant 0 : index
      %get3A_1416 = tpu.vector_load %arg6[%get3A, %get3A_1415] {strides = array<i32>} : memref<128x128xf32, #tpu.memory_space<vmem>>, vector<1x16xf32>,
      %get3A_1417 = vector.shape_cast %get3A_1416 : vector<1x16xf32> to vector<16xf32>
      %get3A_1418 = arith.index_cast %scan3A_1414 : i32 to index
      %get3A_1419 = arith.constant 0 : index
      %get3A_1420 = tpu.vector_load %arg7[%get3A_1418, %get3A_1419] {strides = array<i32>} : memref<128x128xf32, #tpu.memory_space<vmem>>, vector<1x16xf32>,
      %get3A_1421 = vector.shape_cast %get3A_1420 : vector<1x16xf32> to vector<16xf32>
      %mul3A_1422 = arith.mulf %get3A_1417, %get3A_1421 : vector<16xf32>
      %swap3A = arith.index_cast %scan3A_1414 : i32 to index
      %swap3A_1423 = arith.constant 0 : index
      %swap3A_1424 = tpu.vector_load %arg6[%swap3A, %swap3A_1423] {strides = array<i32>} : memref<128x128xf32, #tpu.memory_space<vmem>>, vector<1x16xf32>,
      %swap3A_1425 = vector.shape_cast %swap3A_1424 : vector<1x16xf32> to vector<16xf32>
      %swap3A_1426 = vector.shape_cast %mul3A_1422 : vector<16xf32> to vector<1x16xf32>
      tpu.vector_store %arg6[%swap3A, %swap3A_1423], %swap3A_1426 {strides = array<i32>} : memref<128x128xf32, #tpu.memory_space<vmem>>, vector<1x16xf32>,
      %get3A_1427 = arith.index_cast %scan3A_1414 : i32 to index
      %get3A_1428 = arith.constant 16 : index
      %get3A_1429 = tpu.vector_load %arg6[%get3A_1427, %get3A_1428] {strides = array<i32>} : memref<128x128xf32, #tpu.memory_space<vmem>>, vector<1x16xf32>,
      %get3A_1430 = vector.shape_cast %get3A_1429 : vector<1x16xf32> to vector<16xf32>
      %get3A_1431 = arith.index_cast %scan3A_1414 : i32 to index
      %get3A_1432 = arith.constant 16 : index
      %get3A_1433 = tpu.vector_load %arg7[%get3A_1431, %get3A_1432] {strides = array<i32>} : memref<128x128xf32, #tpu.memory_space<vmem>>, vector<1x16xf32>,
      %get3A_1434 = vector.shape_cast %get3A_1433 : vector<1x16xf32> to vector<16xf32>
      %mul3A_1435 = arith.mulf %get3A_1430, %get3A_1434 : vector<16xf32>
      %swap3A_1436 = arith.index_cast %scan3A_1414 : i32 to index
      %swap3A_1437 = arith.constant 16 : index
      %swap3A_1438 = tpu.vector_load %arg6[%swap3A_1436, %swap3A_1437] {strides = array<i32>} : memref<128x128xf32, #tpu.memory_space<vmem>>, vector<1x16xf32>,
      %swap3A_1439 = vector.shape_cast %swap3A_1438 : vector<1x16xf32> to vector<16xf32>
      %swap3A_1440 = vector.shape_cast %mul3A_1435 : vector<16xf32> to vector<1x16xf32>
      tpu.vector_store %arg6[%swap3A_1436, %swap3A_1437], %swap3A_1440 {strides = array<i32>} : memref<128x128xf32, #tpu.memory_space<vmem>>, vector<1x16xf32>,
      %get3A_1441 = arith.index_cast %scan3A_1414 : i32 to index
      %get3A_1442 = arith.constant 32 : index
      %get3A_1443 = tpu.vector_load %arg6[%get3A_1441, %get3A_1442] {strides = array<i32>} : memref<128x128xf32, #tpu.memory_space<vmem>>, vector<1x16xf32>,
      %get3A_1444 = vector.shape_cast %get3A_1443 : vector<1x16xf32> to vector<16xf32>
      %get3A_1445 = arith.index_cast %scan3A_1414 : i32 to index
      %get3A_1446 = arith.constant 32 : index
      %get3A_1447 = tpu.vector_load %arg7[%get3A_1445, %get3A_1446] {strides = array<i32>} : memref<128x128xf32, #tpu.memory_space<vmem>>, vector<1x16xf32>,
      %get3A_1448 = vector.shape_cast %get3A_1447 : vector<1x16xf32> to vector<16xf32>
      %mul3A_1449 = arith.mulf %get3A_1444, %get3A_1448 : vector<16xf32>
      %swap3A_1450 = arith.index_cast %scan3A_1414 : i32 to index
      %swap3A_1451 = arith.constant 32 : index
      %swap3A_1452 = tpu.vector_load %arg6[%swap3A_1450, %swap3A_1451] {strides = array<i32>} : memref<128x128xf32, #tpu.memory_space<vmem>>, vector<1x16xf32>,
      %swap3A_1453 = vector.shape_cast %swap3A_1452 : vector<1x16xf32> to vector<16xf32>
      %swap3A_1454 = vector.shape_cast %mul3A_1449 : vector<16xf32> to vector<1x16xf32>
      tpu.vector_store %arg6[%swap3A_1450, %swap3A_1451], %swap3A_1454 {strides = array<i32>} : memref<128x128xf32, #tpu.memory_space<vmem>>, vector<1x16xf32>,
      %get3A_1455 = arith.index_cast %scan3A_1414 : i32 to index
      %get3A_1456 = arith.constant 48 : index
      %get3A_1457 = tpu.vector_load %arg6[%get3A_1455, %get3A_1456] {strides = array<i32>} : memref<128x128xf32, #tpu.memory_space<vmem>>, vector<1x16xf32>,
      %get3A_1458 = vector.shape_cast %get3A_1457 : vector<1x16xf32> to vector<16xf32>
      %get3A_1459 = arith.index_cast %scan3A_1414 : i32 to index
      %get3A_1460 = arith.constant 48 : index
      %get3A_1461 = tpu.vector_load %arg7[%get3A_1459, %get3A_1460] {strides = array<i32>} : memref<128x128xf32, #tpu.memory_space<vmem>>, vector<1x16xf32>,
      %get3A_1462 = vector.shape_cast %get3A_1461 : vector<1x16xf32> to vector<16xf32>
      %mul3A_1463 = arith.mulf %get3A_1458, %get3A_1462 : vector<16xf32>
      %swap3A_1464 = arith.index_cast %scan3A_1414 : i32 to index
      %swap3A_1465 = arith.constant 48 : index
      %swap3A_1466 = tpu.vector_load %arg6[%swap3A_1464, %swap3A_1465] {strides = array<i32>} : memref<128x128xf32, #tpu.memory_space<vmem>>, vector<1x16xf32>,
      %swap3A_1467 = vector.shape_cast %swap3A_1466 : vector<1x16xf32> to vector<16xf32>
      %swap3A_1468 = vector.shape_cast %mul3A_1463 : vector<16xf32> to vector<1x16xf32>
      tpu.vector_store %arg6[%swap3A_1464, %swap3A_1465], %swap3A_1468 {strides = array<i32>} : memref<128x128xf32, #tpu.memory_space<vmem>>, vector<1x16xf32>,
    }
    %scan3A_581 = arith.constant 128 : i32
    %add3A_582 = arith.constant 1536 : i32
    %add3A_583 = arith.addi %mul3A_2, %add3A_582 : i32
    %dma_start3A_584 = arith.constant 0 : i32
    %dma_start3A_585 = tpu.memref_slice %arg4[%add3A_583, %dma_start3A_584] : memref<131072x128xf32, #tpu.memory_space<hbm>> -> memref<128x128xf32, #tpu.memory_space<hbm>>
    %dma_start3A_586 = arith.constant 0 : i32
    %dma_start3A_587 = tpu.memref_slice %arg4[%add3A_583, %dma_start3A_586] : memref<131072x128xf32, #tpu.memory_space<hbm>> -> memref<128x128xf32, #tpu.memory_space<hbm>>
    tpu.enqueue_dma source(%arg6 : memref<128x128xf32, #tpu.memory_space<vmem>>) target(%dma_start3A_587 : memref<128x128xf32, #tpu.memory_space<hbm>>) target_semaphore(%arg15 : memref<!tpu.dma_semaphore, #tpu.memory_space<semaphore_mem>>)
    %dma_wait3A_588 = arith.constant 13 : i32
    %dma_wait3A_589 = arith.constant 0 : i32
    %dma_wait3A_590 = tpu.memref_slice %arg5[%dma_wait3A_588, %dma_wait3A_589] : memref<64x128xi32, #tpu.memory_space<vmem>> -> memref<1x128xi32, #tpu.memory_space<vmem>>
    %dma_wait3A_591 = tpu.memref_squeeze %dma_wait3A_590 : memref<1x128xi32, #tpu.memory_space<vmem>> -> memref<128xi32, #tpu.memory_space<vmem>>
    %dma_wait3A_592 = arith.constant 0 : i32
    %dma_wait3A_593 = arith.constant 0 : i32
    %dma_wait3A_594 = tpu.memref_slice %arg10[%dma_wait3A_592, %dma_wait3A_593] : memref<1024x128xf32, #tpu.memory_space<vmem_shared>> -> memref<1024x128xf32, #tpu.memory_space<vmem_shared>>
    tpu.wait_indirect_dma semaphore(%arg13 : memref<!tpu.dma_semaphore, #tpu.memory_space<semaphore_mem>>) src(%dma_wait3A_594 : memref<1024x128xf32, #tpu.memory_space<vmem_shared>>) dst(%arg8 : memref<128x128xf32, #tpu.memory_space<vmem>>)
    %dma_wait3A_595 = arith.constant 45 : i32
    %dma_wait3A_596 = arith.constant 0 : i32
    %dma_wait3A_597 = tpu.memref_slice %arg5[%dma_wait3A_595, %dma_wait3A_596] : memref<64x128xi32, #tpu.memory_space<vmem>> -> memref<1x128xi32, #tpu.memory_space<vmem>>
    %dma_wait3A_598 = tpu.memref_squeeze %dma_wait3A_597 : memref<1x128xi32, #tpu.memory_space<vmem>> -> memref<128xi32, #tpu.memory_space<vmem>>
    %dma_wait3A_599 = arith.constant 0 : i32
    %dma_wait3A_600 = arith.constant 0 : i32
    %dma_wait3A_601 = tpu.memref_slice %arg10[%dma_wait3A_599, %dma_wait3A_600] : memref<1024x128xf32, #tpu.memory_space<vmem_shared>> -> memref<1024x128xf32, #tpu.memory_space<vmem_shared>>
    tpu.wait_indirect_dma semaphore(%arg14 : memref<!tpu.dma_semaphore, #tpu.memory_space<semaphore_mem>>) src(%dma_wait3A_601 : memref<1024x128xf32, #tpu.memory_space<vmem_shared>>) dst(%arg9 : memref<128x128xf32, #tpu.memory_space<vmem>>)
    %dma_wait3A_602 = arith.constant 0 : i32
    %dma_wait3A_603 = tpu.memref_slice %arg4[%add3A_583, %dma_wait3A_602] : memref<131072x128xf32, #tpu.memory_space<hbm>> -> memref<128x128xf32, #tpu.memory_space<hbm>>
    %dma_wait3A_604 = arith.constant 0 : i32
    %dma_wait3A_605 = tpu.memref_slice %arg4[%add3A_583, %dma_wait3A_604] : memref<131072x128xf32, #tpu.memory_space<hbm>> -> memref<128x128xf32, #tpu.memory_space<hbm>>
    tpu.wait_dma2 semaphore(%arg15 : memref<!tpu.dma_semaphore, #tpu.memory_space<semaphore_mem>>) src(%arg6 : memref<128x128xf32, #tpu.memory_space<vmem>>) dst(%dma_wait3A_605 : memref<128x128xf32, #tpu.memory_space<hbm>>)
    %dma_start3A_606 = arith.constant 14 : i32
    %dma_start3A_607 = arith.constant 0 : i32
    %dma_start3A_608 = tpu.memref_slice %arg5[%dma_start3A_606, %dma_start3A_607] : memref<64x128xi32, #tpu.memory_space<vmem>> -> memref<1x128xi32, #tpu.memory_space<vmem>>
    %dma_start3A_609 = tpu.memref_squeeze %dma_start3A_608 : memref<1x128xi32, #tpu.memory_space<vmem>> -> memref<128xi32, #tpu.memory_space<vmem>>
    %dma_start3A_610 = arith.constant 0 : i32
    %dma_start3A_611 = arith.constant 0 : i32
    %dma_start3A_612 = tpu.memref_slice %arg10[%dma_start3A_610, %dma_start3A_611] : memref<1024x128xf32, #tpu.memory_space<vmem_shared>> -> memref<1024x128xf32, #tpu.memory_space<vmem_shared>>
    tpu.enqueue_indirect_dma source(%dma_start3A_612 : memref<1024x128xf32, #tpu.memory_space<vmem_shared>>) target(%arg6 : memref<128x128xf32, #tpu.memory_space<vmem>>) offsets(%dma_start3A_609 : memref<128xi32, #tpu.memory_space<vmem>>) semaphore(%arg11 : memref<!tpu.dma_semaphore, #tpu.memory_space<semaphore_mem>>)
    %dma_start3A_613 = arith.constant 46 : i32
    %dma_start3A_614 = arith.constant 0 : i32
    %dma_start3A_615 = tpu.memref_slice %arg5[%dma_start3A_613, %dma_start3A_614] : memref<64x128xi32, #tpu.memory_space<vmem>> -> memref<1x128xi32, #tpu.memory_space<vmem>>
    %dma_start3A_616 = tpu.memref_squeeze %dma_start3A_615 : memref<1x128xi32, #tpu.memory_space<vmem>> -> memref<128xi32, #tpu.memory_space<vmem>>
    %dma_start3A_617 = arith.constant 0 : i32
    %dma_start3A_618 = arith.constant 0 : i32
    %dma_start3A_619 = tpu.memref_slice %arg10[%dma_start3A_617, %dma_start3A_618] : memref<1024x128xf32, #tpu.memory_space<vmem_shared>> -> memref<1024x128xf32, #tpu.memory_space<vmem_shared>>
    tpu.enqueue_indirect_dma source(%dma_start3A_619 : memref<1024x128xf32, #tpu.memory_space<vmem_shared>>) target(%arg7 : memref<128x128xf32, #tpu.memory_space<vmem>>) offsets(%dma_start3A_616 : memref<128xi32, #tpu.memory_space<vmem>>) semaphore(%arg12 : memref<!tpu.dma_semaphore, #tpu.memory_space<semaphore_mem>>)
    %scan3A_620 = arith.constant 0 : i32
    %scan3A_621 = arith.constant 0 : i32
    %scan3A_622 = arith.constant 128 : i32
    %scan3A_623 = arith.addi %scan3A_621, %scan3A_622 : i32
    %scan3A_624 = arith.constant 1 : i32
    scf.for %scan3A_1414 = %scan3A_621 to %scan3A_623 step %scan3A_624  : i32 {
      %get3A = arith.index_cast %scan3A_1414 : i32 to index
      %get3A_1415 = arith.constant 0 : index
      %get3A_1416 = tpu.vector_load %arg8[%get3A, %get3A_1415] {strides = array<i32>} : memref<128x128xf32, #tpu.memory_space<vmem>>, vector<1x16xf32>,
      %get3A_1417 = vector.shape_cast %get3A_1416 : vector<1x16xf32> to vector<16xf32>
      %get3A_1418 = arith.index_cast %scan3A_1414 : i32 to index
      %get3A_1419 = arith.constant 0 : index
      %get3A_1420 = tpu.vector_load %arg9[%get3A_1418, %get3A_1419] {strides = array<i32>} : memref<128x128xf32, #tpu.memory_space<vmem>>, vector<1x16xf32>,
      %get3A_1421 = vector.shape_cast %get3A_1420 : vector<1x16xf32> to vector<16xf32>
      %mul3A_1422 = arith.mulf %get3A_1417, %get3A_1421 : vector<16xf32>
      %swap3A = arith.index_cast %scan3A_1414 : i32 to index
      %swap3A_1423 = arith.constant 0 : index
      %swap3A_1424 = tpu.vector_load %arg8[%swap3A, %swap3A_1423] {strides = array<i32>} : memref<128x128xf32, #tpu.memory_space<vmem>>, vector<1x16xf32>,
      %swap3A_1425 = vector.shape_cast %swap3A_1424 : vector<1x16xf32> to vector<16xf32>
      %swap3A_1426 = vector.shape_cast %mul3A_1422 : vector<16xf32> to vector<1x16xf32>
      tpu.vector_store %arg8[%swap3A, %swap3A_1423], %swap3A_1426 {strides = array<i32>} : memref<128x128xf32, #tpu.memory_space<vmem>>, vector<1x16xf32>,
      %get3A_1427 = arith.index_cast %scan3A_1414 : i32 to index
      %get3A_1428 = arith.constant 16 : index
      %get3A_1429 = tpu.vector_load %arg8[%get3A_1427, %get3A_1428] {strides = array<i32>} : memref<128x128xf32, #tpu.memory_space<vmem>>, vector<1x16xf32>,
      %get3A_1430 = vector.shape_cast %get3A_1429 : vector<1x16xf32> to vector<16xf32>
      %get3A_1431 = arith.index_cast %scan3A_1414 : i32 to index
      %get3A_1432 = arith.constant 16 : index
      %get3A_1433 = tpu.vector_load %arg9[%get3A_1431, %get3A_1432] {strides = array<i32>} : memref<128x128xf32, #tpu.memory_space<vmem>>, vector<1x16xf32>,
      %get3A_1434 = vector.shape_cast %get3A_1433 : vector<1x16xf32> to vector<16xf32>
      %mul3A_1435 = arith.mulf %get3A_1430, %get3A_1434 : vector<16xf32>
      %swap3A_1436 = arith.index_cast %scan3A_1414 : i32 to index
      %swap3A_1437 = arith.constant 16 : index
      %swap3A_1438 = tpu.vector_load %arg8[%swap3A_1436, %swap3A_1437] {strides = array<i32>} : memref<128x128xf32, #tpu.memory_space<vmem>>, vector<1x16xf32>,
      %swap3A_1439 = vector.shape_cast %swap3A_1438 : vector<1x16xf32> to vector<16xf32>
      %swap3A_1440 = vector.shape_cast %mul3A_1435 : vector<16xf32> to vector<1x16xf32>
      tpu.vector_store %arg8[%swap3A_1436, %swap3A_1437], %swap3A_1440 {strides = array<i32>} : memref<128x128xf32, #tpu.memory_space<vmem>>, vector<1x16xf32>,
      %get3A_1441 = arith.index_cast %scan3A_1414 : i32 to index
      %get3A_1442 = arith.constant 32 : index
      %get3A_1443 = tpu.vector_load %arg8[%get3A_1441, %get3A_1442] {strides = array<i32>} : memref<128x128xf32, #tpu.memory_space<vmem>>, vector<1x16xf32>,
      %get3A_1444 = vector.shape_cast %get3A_1443 : vector<1x16xf32> to vector<16xf32>
      %get3A_1445 = arith.index_cast %scan3A_1414 : i32 to index
      %get3A_1446 = arith.constant 32 : index
      %get3A_1447 = tpu.vector_load %arg9[%get3A_1445, %get3A_1446] {strides = array<i32>} : memref<128x128xf32, #tpu.memory_space<vmem>>, vector<1x16xf32>,
      %get3A_1448 = vector.shape_cast %get3A_1447 : vector<1x16xf32> to vector<16xf32>
      %mul3A_1449 = arith.mulf %get3A_1444, %get3A_1448 : vector<16xf32>
      %swap3A_1450 = arith.index_cast %scan3A_1414 : i32 to index
      %swap3A_1451 = arith.constant 32 : index
      %swap3A_1452 = tpu.vector_load %arg8[%swap3A_1450, %swap3A_1451] {strides = array<i32>} : memref<128x128xf32, #tpu.memory_space<vmem>>, vector<1x16xf32>,
      %swap3A_1453 = vector.shape_cast %swap3A_1452 : vector<1x16xf32> to vector<16xf32>
      %swap3A_1454 = vector.shape_cast %mul3A_1449 : vector<16xf32> to vector<1x16xf32>
      tpu.vector_store %arg8[%swap3A_1450, %swap3A_1451], %swap3A_1454 {strides = array<i32>} : memref<128x128xf32, #tpu.memory_space<vmem>>, vector<1x16xf32>,
      %get3A_1455 = arith.index_cast %scan3A_1414 : i32 to index
      %get3A_1456 = arith.constant 48 : index
      %get3A_1457 = tpu.vector_load %arg8[%get3A_1455, %get3A_1456] {strides = array<i32>} : memref<128x128xf32, #tpu.memory_space<vmem>>, vector<1x16xf32>,
      %get3A_1458 = vector.shape_cast %get3A_1457 : vector<1x16xf32> to vector<16xf32>
      %get3A_1459 = arith.index_cast %scan3A_1414 : i32 to index
      %get3A_1460 = arith.constant 48 : index
      %get3A_1461 = tpu.vector_load %arg9[%get3A_1459, %get3A_1460] {strides = array<i32>} : memref<128x128xf32, #tpu.memory_space<vmem>>, vector<1x16xf32>,
      %get3A_1462 = vector.shape_cast %get3A_1461 : vector<1x16xf32> to vector<16xf32>
      %mul3A_1463 = arith.mulf %get3A_1458, %get3A_1462 : vector<16xf32>
      %swap3A_1464 = arith.index_cast %scan3A_1414 : i32 to index
      %swap3A_1465 = arith.constant 48 : index
      %swap3A_1466 = tpu.vector_load %arg8[%swap3A_1464, %swap3A_1465] {strides = array<i32>} : memref<128x128xf32, #tpu.memory_space<vmem>>, vector<1x16xf32>,
      %swap3A_1467 = vector.shape_cast %swap3A_1466 : vector<1x16xf32> to vector<16xf32>
      %swap3A_1468 = vector.shape_cast %mul3A_1463 : vector<16xf32> to vector<1x16xf32>
      tpu.vector_store %arg8[%swap3A_1464, %swap3A_1465], %swap3A_1468 {strides = array<i32>} : memref<128x128xf32, #tpu.memory_space<vmem>>, vector<1x16xf32>,
    }
    %scan3A_625 = arith.constant 128 : i32
    %add3A_626 = arith.constant 1664 : i32
    %add3A_627 = arith.addi %mul3A_2, %add3A_626 : i32
    %dma_start3A_628 = arith.constant 0 : i32
    %dma_start3A_629 = tpu.memref_slice %arg4[%add3A_627, %dma_start3A_628] : memref<131072x128xf32, #tpu.memory_space<hbm>> -> memref<128x128xf32, #tpu.memory_space<hbm>>
    %dma_start3A_630 = arith.constant 0 : i32
    %dma_start3A_631 = tpu.memref_slice %arg4[%add3A_627, %dma_start3A_630] : memref<131072x128xf32, #tpu.memory_space<hbm>> -> memref<128x128xf32, #tpu.memory_space<hbm>>
    tpu.enqueue_dma source(%arg8 : memref<128x128xf32, #tpu.memory_space<vmem>>) target(%dma_start3A_631 : memref<128x128xf32, #tpu.memory_space<hbm>>) target_semaphore(%arg16 : memref<!tpu.dma_semaphore, #tpu.memory_space<semaphore_mem>>)
    %dma_wait3A_632 = arith.constant 14 : i32
    %dma_wait3A_633 = arith.constant 0 : i32
    %dma_wait3A_634 = tpu.memref_slice %arg5[%dma_wait3A_632, %dma_wait3A_633] : memref<64x128xi32, #tpu.memory_space<vmem>> -> memref<1x128xi32, #tpu.memory_space<vmem>>
    %dma_wait3A_635 = tpu.memref_squeeze %dma_wait3A_634 : memref<1x128xi32, #tpu.memory_space<vmem>> -> memref<128xi32, #tpu.memory_space<vmem>>
    %dma_wait3A_636 = arith.constant 0 : i32
    %dma_wait3A_637 = arith.constant 0 : i32
    %dma_wait3A_638 = tpu.memref_slice %arg10[%dma_wait3A_636, %dma_wait3A_637] : memref<1024x128xf32, #tpu.memory_space<vmem_shared>> -> memref<1024x128xf32, #tpu.memory_space<vmem_shared>>
    tpu.wait_indirect_dma semaphore(%arg11 : memref<!tpu.dma_semaphore, #tpu.memory_space<semaphore_mem>>) src(%dma_wait3A_638 : memref<1024x128xf32, #tpu.memory_space<vmem_shared>>) dst(%arg6 : memref<128x128xf32, #tpu.memory_space<vmem>>)
    %dma_wait3A_639 = arith.constant 46 : i32
    %dma_wait3A_640 = arith.constant 0 : i32
    %dma_wait3A_641 = tpu.memref_slice %arg5[%dma_wait3A_639, %dma_wait3A_640] : memref<64x128xi32, #tpu.memory_space<vmem>> -> memref<1x128xi32, #tpu.memory_space<vmem>>
    %dma_wait3A_642 = tpu.memref_squeeze %dma_wait3A_641 : memref<1x128xi32, #tpu.memory_space<vmem>> -> memref<128xi32, #tpu.memory_space<vmem>>
    %dma_wait3A_643 = arith.constant 0 : i32
    %dma_wait3A_644 = arith.constant 0 : i32
    %dma_wait3A_645 = tpu.memref_slice %arg10[%dma_wait3A_643, %dma_wait3A_644] : memref<1024x128xf32, #tpu.memory_space<vmem_shared>> -> memref<1024x128xf32, #tpu.memory_space<vmem_shared>>
    tpu.wait_indirect_dma semaphore(%arg12 : memref<!tpu.dma_semaphore, #tpu.memory_space<semaphore_mem>>) src(%dma_wait3A_645 : memref<1024x128xf32, #tpu.memory_space<vmem_shared>>) dst(%arg7 : memref<128x128xf32, #tpu.memory_space<vmem>>)
    %dma_wait3A_646 = arith.constant 0 : i32
    %dma_wait3A_647 = tpu.memref_slice %arg4[%add3A_627, %dma_wait3A_646] : memref<131072x128xf32, #tpu.memory_space<hbm>> -> memref<128x128xf32, #tpu.memory_space<hbm>>
    %dma_wait3A_648 = arith.constant 0 : i32
    %dma_wait3A_649 = tpu.memref_slice %arg4[%add3A_627, %dma_wait3A_648] : memref<131072x128xf32, #tpu.memory_space<hbm>> -> memref<128x128xf32, #tpu.memory_space<hbm>>
    tpu.wait_dma2 semaphore(%arg16 : memref<!tpu.dma_semaphore, #tpu.memory_space<semaphore_mem>>) src(%arg8 : memref<128x128xf32, #tpu.memory_space<vmem>>) dst(%dma_wait3A_649 : memref<128x128xf32, #tpu.memory_space<hbm>>)
    %dma_start3A_650 = arith.constant 15 : i32
    %dma_start3A_651 = arith.constant 0 : i32
    %dma_start3A_652 = tpu.memref_slice %arg5[%dma_start3A_650, %dma_start3A_651] : memref<64x128xi32, #tpu.memory_space<vmem>> -> memref<1x128xi32, #tpu.memory_space<vmem>>
    %dma_start3A_653 = tpu.memref_squeeze %dma_start3A_652 : memref<1x128xi32, #tpu.memory_space<vmem>> -> memref<128xi32, #tpu.memory_space<vmem>>
    %dma_start3A_654 = arith.constant 0 : i32
    %dma_start3A_655 = arith.constant 0 : i32
    %dma_start3A_656 = tpu.memref_slice %arg10[%dma_start3A_654, %dma_start3A_655] : memref<1024x128xf32, #tpu.memory_space<vmem_shared>> -> memref<1024x128xf32, #tpu.memory_space<vmem_shared>>
    tpu.enqueue_indirect_dma source(%dma_start3A_656 : memref<1024x128xf32, #tpu.memory_space<vmem_shared>>) target(%arg8 : memref<128x128xf32, #tpu.memory_space<vmem>>) offsets(%dma_start3A_653 : memref<128xi32, #tpu.memory_space<vmem>>) semaphore(%arg13 : memref<!tpu.dma_semaphore, #tpu.memory_space<semaphore_mem>>)
    %dma_start3A_657 = arith.constant 47 : i32
    %dma_start3A_658 = arith.constant 0 : i32
    %dma_start3A_659 = tpu.memref_slice %arg5[%dma_start3A_657, %dma_start3A_658] : memref<64x128xi32, #tpu.memory_space<vmem>> -> memref<1x128xi32, #tpu.memory_space<vmem>>
    %dma_start3A_660 = tpu.memref_squeeze %dma_start3A_659 : memref<1x128xi32, #tpu.memory_space<vmem>> -> memref<128xi32, #tpu.memory_space<vmem>>
    %dma_start3A_661 = arith.constant 0 : i32
    %dma_start3A_662 = arith.constant 0 : i32
    %dma_start3A_663 = tpu.memref_slice %arg10[%dma_start3A_661, %dma_start3A_662] : memref<1024x128xf32, #tpu.memory_space<vmem_shared>> -> memref<1024x128xf32, #tpu.memory_space<vmem_shared>>
    tpu.enqueue_indirect_dma source(%dma_start3A_663 : memref<1024x128xf32, #tpu.memory_space<vmem_shared>>) target(%arg9 : memref<128x128xf32, #tpu.memory_space<vmem>>) offsets(%dma_start3A_660 : memref<128xi32, #tpu.memory_space<vmem>>) semaphore(%arg14 : memref<!tpu.dma_semaphore, #tpu.memory_space<semaphore_mem>>)
    %scan3A_664 = arith.constant 0 : i32
    %scan3A_665 = arith.constant 0 : i32
    %scan3A_666 = arith.constant 128 : i32
    %scan3A_667 = arith.addi %scan3A_665, %scan3A_666 : i32
    %scan3A_668 = arith.constant 1 : i32
    scf.for %scan3A_1414 = %scan3A_665 to %scan3A_667 step %scan3A_668  : i32 {
      %get3A = arith.index_cast %scan3A_1414 : i32 to index
      %get3A_1415 = arith.constant 0 : index
      %get3A_1416 = tpu.vector_load %arg6[%get3A, %get3A_1415] {strides = array<i32>} : memref<128x128xf32, #tpu.memory_space<vmem>>, vector<1x16xf32>,
      %get3A_1417 = vector.shape_cast %get3A_1416 : vector<1x16xf32> to vector<16xf32>
      %get3A_1418 = arith.index_cast %scan3A_1414 : i32 to index
      %get3A_1419 = arith.constant 0 : index
      %get3A_1420 = tpu.vector_load %arg7[%get3A_1418, %get3A_1419] {strides = array<i32>} : memref<128x128xf32, #tpu.memory_space<vmem>>, vector<1x16xf32>,
      %get3A_1421 = vector.shape_cast %get3A_1420 : vector<1x16xf32> to vector<16xf32>
      %mul3A_1422 = arith.mulf %get3A_1417, %get3A_1421 : vector<16xf32>
      %swap3A = arith.index_cast %scan3A_1414 : i32 to index
      %swap3A_1423 = arith.constant 0 : index
      %swap3A_1424 = tpu.vector_load %arg6[%swap3A, %swap3A_1423] {strides = array<i32>} : memref<128x128xf32, #tpu.memory_space<vmem>>, vector<1x16xf32>,
      %swap3A_1425 = vector.shape_cast %swap3A_1424 : vector<1x16xf32> to vector<16xf32>
      %swap3A_1426 = vector.shape_cast %mul3A_1422 : vector<16xf32> to vector<1x16xf32>
      tpu.vector_store %arg6[%swap3A, %swap3A_1423], %swap3A_1426 {strides = array<i32>} : memref<128x128xf32, #tpu.memory_space<vmem>>, vector<1x16xf32>,
      %get3A_1427 = arith.index_cast %scan3A_1414 : i32 to index
      %get3A_1428 = arith.constant 16 : index
      %get3A_1429 = tpu.vector_load %arg6[%get3A_1427, %get3A_1428] {strides = array<i32>} : memref<128x128xf32, #tpu.memory_space<vmem>>, vector<1x16xf32>,
      %get3A_1430 = vector.shape_cast %get3A_1429 : vector<1x16xf32> to vector<16xf32>
      %get3A_1431 = arith.index_cast %scan3A_1414 : i32 to index
      %get3A_1432 = arith.constant 16 : index
      %get3A_1433 = tpu.vector_load %arg7[%get3A_1431, %get3A_1432] {strides = array<i32>} : memref<128x128xf32, #tpu.memory_space<vmem>>, vector<1x16xf32>,
      %get3A_1434 = vector.shape_cast %get3A_1433 : vector<1x16xf32> to vector<16xf32>
      %mul3A_1435 = arith.mulf %get3A_1430, %get3A_1434 : vector<16xf32>
      %swap3A_1436 = arith.index_cast %scan3A_1414 : i32 to index
      %swap3A_1437 = arith.constant 16 : index
      %swap3A_1438 = tpu.vector_load %arg6[%swap3A_1436, %swap3A_1437] {strides = array<i32>} : memref<128x128xf32, #tpu.memory_space<vmem>>, vector<1x16xf32>,
      %swap3A_1439 = vector.shape_cast %swap3A_1438 : vector<1x16xf32> to vector<16xf32>
      %swap3A_1440 = vector.shape_cast %mul3A_1435 : vector<16xf32> to vector<1x16xf32>
      tpu.vector_store %arg6[%swap3A_1436, %swap3A_1437], %swap3A_1440 {strides = array<i32>} : memref<128x128xf32, #tpu.memory_space<vmem>>, vector<1x16xf32>,
      %get3A_1441 = arith.index_cast %scan3A_1414 : i32 to index
      %get3A_1442 = arith.constant 32 : index
      %get3A_1443 = tpu.vector_load %arg6[%get3A_1441, %get3A_1442] {strides = array<i32>} : memref<128x128xf32, #tpu.memory_space<vmem>>, vector<1x16xf32>,
      %get3A_1444 = vector.shape_cast %get3A_1443 : vector<1x16xf32> to vector<16xf32>
      %get3A_1445 = arith.index_cast %scan3A_1414 : i32 to index
      %get3A_1446 = arith.constant 32 : index
      %get3A_1447 = tpu.vector_load %arg7[%get3A_1445, %get3A_1446] {strides = array<i32>} : memref<128x128xf32, #tpu.memory_space<vmem>>, vector<1x16xf32>,
      %get3A_1448 = vector.shape_cast %get3A_1447 : vector<1x16xf32> to vector<16xf32>
      %mul3A_1449 = arith.mulf %get3A_1444, %get3A_1448 : vector<16xf32>
      %swap3A_1450 = arith.index_cast %scan3A_1414 : i32 to index
      %swap3A_1451 = arith.constant 32 : index
      %swap3A_1452 = tpu.vector_load %arg6[%swap3A_1450, %swap3A_1451] {strides = array<i32>} : memref<128x128xf32, #tpu.memory_space<vmem>>, vector<1x16xf32>,
      %swap3A_1453 = vector.shape_cast %swap3A_1452 : vector<1x16xf32> to vector<16xf32>
      %swap3A_1454 = vector.shape_cast %mul3A_1449 : vector<16xf32> to vector<1x16xf32>
      tpu.vector_store %arg6[%swap3A_1450, %swap3A_1451], %swap3A_1454 {strides = array<i32>} : memref<128x128xf32, #tpu.memory_space<vmem>>, vector<1x16xf32>,
      %get3A_1455 = arith.index_cast %scan3A_1414 : i32 to index
      %get3A_1456 = arith.constant 48 : index
      %get3A_1457 = tpu.vector_load %arg6[%get3A_1455, %get3A_1456] {strides = array<i32>} : memref<128x128xf32, #tpu.memory_space<vmem>>, vector<1x16xf32>,
      %get3A_1458 = vector.shape_cast %get3A_1457 : vector<1x16xf32> to vector<16xf32>
      %get3A_1459 = arith.index_cast %scan3A_1414 : i32 to index
      %get3A_1460 = arith.constant 48 : index
      %get3A_1461 = tpu.vector_load %arg7[%get3A_1459, %get3A_1460] {strides = array<i32>} : memref<128x128xf32, #tpu.memory_space<vmem>>, vector<1x16xf32>,
      %get3A_1462 = vector.shape_cast %get3A_1461 : vector<1x16xf32> to vector<16xf32>
      %mul3A_1463 = arith.mulf %get3A_1458, %get3A_1462 : vector<16xf32>
      %swap3A_1464 = arith.index_cast %scan3A_1414 : i32 to index
      %swap3A_1465 = arith.constant 48 : index
      %swap3A_1466 = tpu.vector_load %arg6[%swap3A_1464, %swap3A_1465] {strides = array<i32>} : memref<128x128xf32, #tpu.memory_space<vmem>>, vector<1x16xf32>,
      %swap3A_1467 = vector.shape_cast %swap3A_1466 : vector<1x16xf32> to vector<16xf32>
      %swap3A_1468 = vector.shape_cast %mul3A_1463 : vector<16xf32> to vector<1x16xf32>
      tpu.vector_store %arg6[%swap3A_1464, %swap3A_1465], %swap3A_1468 {strides = array<i32>} : memref<128x128xf32, #tpu.memory_space<vmem>>, vector<1x16xf32>,
    }
    %scan3A_669 = arith.constant 128 : i32
    %add3A_670 = arith.constant 1792 : i32
    %add3A_671 = arith.addi %mul3A_2, %add3A_670 : i32
    %dma_start3A_672 = arith.constant 0 : i32
    %dma_start3A_673 = tpu.memref_slice %arg4[%add3A_671, %dma_start3A_672] : memref<131072x128xf32, #tpu.memory_space<hbm>> -> memref<128x128xf32, #tpu.memory_space<hbm>>
    %dma_start3A_674 = arith.constant 0 : i32
    %dma_start3A_675 = tpu.memref_slice %arg4[%add3A_671, %dma_start3A_674] : memref<131072x128xf32, #tpu.memory_space<hbm>> -> memref<128x128xf32, #tpu.memory_space<hbm>>
    tpu.enqueue_dma source(%arg6 : memref<128x128xf32, #tpu.memory_space<vmem>>) target(%dma_start3A_675 : memref<128x128xf32, #tpu.memory_space<hbm>>) target_semaphore(%arg15 : memref<!tpu.dma_semaphore, #tpu.memory_space<semaphore_mem>>)
    %dma_wait3A_676 = arith.constant 15 : i32
    %dma_wait3A_677 = arith.constant 0 : i32
    %dma_wait3A_678 = tpu.memref_slice %arg5[%dma_wait3A_676, %dma_wait3A_677] : memref<64x128xi32, #tpu.memory_space<vmem>> -> memref<1x128xi32, #tpu.memory_space<vmem>>
    %dma_wait3A_679 = tpu.memref_squeeze %dma_wait3A_678 : memref<1x128xi32, #tpu.memory_space<vmem>> -> memref<128xi32, #tpu.memory_space<vmem>>
    %dma_wait3A_680 = arith.constant 0 : i32
    %dma_wait3A_681 = arith.constant 0 : i32
    %dma_wait3A_682 = tpu.memref_slice %arg10[%dma_wait3A_680, %dma_wait3A_681] : memref<1024x128xf32, #tpu.memory_space<vmem_shared>> -> memref<1024x128xf32, #tpu.memory_space<vmem_shared>>
    tpu.wait_indirect_dma semaphore(%arg13 : memref<!tpu.dma_semaphore, #tpu.memory_space<semaphore_mem>>) src(%dma_wait3A_682 : memref<1024x128xf32, #tpu.memory_space<vmem_shared>>) dst(%arg8 : memref<128x128xf32, #tpu.memory_space<vmem>>)
    %dma_wait3A_683 = arith.constant 47 : i32
    %dma_wait3A_684 = arith.constant 0 : i32
    %dma_wait3A_685 = tpu.memref_slice %arg5[%dma_wait3A_683, %dma_wait3A_684] : memref<64x128xi32, #tpu.memory_space<vmem>> -> memref<1x128xi32, #tpu.memory_space<vmem>>
    %dma_wait3A_686 = tpu.memref_squeeze %dma_wait3A_685 : memref<1x128xi32, #tpu.memory_space<vmem>> -> memref<128xi32, #tpu.memory_space<vmem>>
    %dma_wait3A_687 = arith.constant 0 : i32
    %dma_wait3A_688 = arith.constant 0 : i32
    %dma_wait3A_689 = tpu.memref_slice %arg10[%dma_wait3A_687, %dma_wait3A_688] : memref<1024x128xf32, #tpu.memory_space<vmem_shared>> -> memref<1024x128xf32, #tpu.memory_space<vmem_shared>>
    tpu.wait_indirect_dma semaphore(%arg14 : memref<!tpu.dma_semaphore, #tpu.memory_space<semaphore_mem>>) src(%dma_wait3A_689 : memref<1024x128xf32, #tpu.memory_space<vmem_shared>>) dst(%arg9 : memref<128x128xf32, #tpu.memory_space<vmem>>)
    %dma_wait3A_690 = arith.constant 0 : i32
    %dma_wait3A_691 = tpu.memref_slice %arg4[%add3A_671, %dma_wait3A_690] : memref<131072x128xf32, #tpu.memory_space<hbm>> -> memref<128x128xf32, #tpu.memory_space<hbm>>
    %dma_wait3A_692 = arith.constant 0 : i32
    %dma_wait3A_693 = tpu.memref_slice %arg4[%add3A_671, %dma_wait3A_692] : memref<131072x128xf32, #tpu.memory_space<hbm>> -> memref<128x128xf32, #tpu.memory_space<hbm>>
    tpu.wait_dma2 semaphore(%arg15 : memref<!tpu.dma_semaphore, #tpu.memory_space<semaphore_mem>>) src(%arg6 : memref<128x128xf32, #tpu.memory_space<vmem>>) dst(%dma_wait3A_693 : memref<128x128xf32, #tpu.memory_space<hbm>>)
    %dma_start3A_694 = arith.constant 16 : i32
    %dma_start3A_695 = arith.constant 0 : i32
    %dma_start3A_696 = tpu.memref_slice %arg5[%dma_start3A_694, %dma_start3A_695] : memref<64x128xi32, #tpu.memory_space<vmem>> -> memref<1x128xi32, #tpu.memory_space<vmem>>
    %dma_start3A_697 = tpu.memref_squeeze %dma_start3A_696 : memref<1x128xi32, #tpu.memory_space<vmem>> -> memref<128xi32, #tpu.memory_space<vmem>>
    %dma_start3A_698 = arith.constant 0 : i32
    %dma_start3A_699 = arith.constant 0 : i32
    %dma_start3A_700 = tpu.memref_slice %arg10[%dma_start3A_698, %dma_start3A_699] : memref<1024x128xf32, #tpu.memory_space<vmem_shared>> -> memref<1024x128xf32, #tpu.memory_space<vmem_shared>>
    tpu.enqueue_indirect_dma source(%dma_start3A_700 : memref<1024x128xf32, #tpu.memory_space<vmem_shared>>) target(%arg6 : memref<128x128xf32, #tpu.memory_space<vmem>>) offsets(%dma_start3A_697 : memref<128xi32, #tpu.memory_space<vmem>>) semaphore(%arg11 : memref<!tpu.dma_semaphore, #tpu.memory_space<semaphore_mem>>)
    %dma_start3A_701 = arith.constant 48 : i32
    %dma_start3A_702 = arith.constant 0 : i32
    %dma_start3A_703 = tpu.memref_slice %arg5[%dma_start3A_701, %dma_start3A_702] : memref<64x128xi32, #tpu.memory_space<vmem>> -> memref<1x128xi32, #tpu.memory_space<vmem>>
    %dma_start3A_704 = tpu.memref_squeeze %dma_start3A_703 : memref<1x128xi32, #tpu.memory_space<vmem>> -> memref<128xi32, #tpu.memory_space<vmem>>
    %dma_start3A_705 = arith.constant 0 : i32
    %dma_start3A_706 = arith.constant 0 : i32
    %dma_start3A_707 = tpu.memref_slice %arg10[%dma_start3A_705, %dma_start3A_706] : memref<1024x128xf32, #tpu.memory_space<vmem_shared>> -> memref<1024x128xf32, #tpu.memory_space<vmem_shared>>
    tpu.enqueue_indirect_dma source(%dma_start3A_707 : memref<1024x128xf32, #tpu.memory_space<vmem_shared>>) target(%arg7 : memref<128x128xf32, #tpu.memory_space<vmem>>) offsets(%dma_start3A_704 : memref<128xi32, #tpu.memory_space<vmem>>) semaphore(%arg12 : memref<!tpu.dma_semaphore, #tpu.memory_space<semaphore_mem>>)
    %scan3A_708 = arith.constant 0 : i32
    %scan3A_709 = arith.constant 0 : i32
    %scan3A_710 = arith.constant 128 : i32
    %scan3A_711 = arith.addi %scan3A_709, %scan3A_710 : i32
    %scan3A_712 = arith.constant 1 : i32
    scf.for %scan3A_1414 = %scan3A_709 to %scan3A_711 step %scan3A_712  : i32 {
      %get3A = arith.index_cast %scan3A_1414 : i32 to index
      %get3A_1415 = arith.constant 0 : index
      %get3A_1416 = tpu.vector_load %arg8[%get3A, %get3A_1415] {strides = array<i32>} : memref<128x128xf32, #tpu.memory_space<vmem>>, vector<1x16xf32>,
      %get3A_1417 = vector.shape_cast %get3A_1416 : vector<1x16xf32> to vector<16xf32>
      %get3A_1418 = arith.index_cast %scan3A_1414 : i32 to index
      %get3A_1419 = arith.constant 0 : index
      %get3A_1420 = tpu.vector_load %arg9[%get3A_1418, %get3A_1419] {strides = array<i32>} : memref<128x128xf32, #tpu.memory_space<vmem>>, vector<1x16xf32>,
      %get3A_1421 = vector.shape_cast %get3A_1420 : vector<1x16xf32> to vector<16xf32>
      %mul3A_1422 = arith.mulf %get3A_1417, %get3A_1421 : vector<16xf32>
      %swap3A = arith.index_cast %scan3A_1414 : i32 to index
      %swap3A_1423 = arith.constant 0 : index
      %swap3A_1424 = tpu.vector_load %arg8[%swap3A, %swap3A_1423] {strides = array<i32>} : memref<128x128xf32, #tpu.memory_space<vmem>>, vector<1x16xf32>,
      %swap3A_1425 = vector.shape_cast %swap3A_1424 : vector<1x16xf32> to vector<16xf32>
      %swap3A_1426 = vector.shape_cast %mul3A_1422 : vector<16xf32> to vector<1x16xf32>
      tpu.vector_store %arg8[%swap3A, %swap3A_1423], %swap3A_1426 {strides = array<i32>} : memref<128x128xf32, #tpu.memory_space<vmem>>, vector<1x16xf32>,
      %get3A_1427 = arith.index_cast %scan3A_1414 : i32 to index
      %get3A_1428 = arith.constant 16 : index
      %get3A_1429 = tpu.vector_load %arg8[%get3A_1427, %get3A_1428] {strides = array<i32>} : memref<128x128xf32, #tpu.memory_space<vmem>>, vector<1x16xf32>,
      %get3A_1430 = vector.shape_cast %get3A_1429 : vector<1x16xf32> to vector<16xf32>
      %get3A_1431 = arith.index_cast %scan3A_1414 : i32 to index
      %get3A_1432 = arith.constant 16 : index
      %get3A_1433 = tpu.vector_load %arg9[%get3A_1431, %get3A_1432] {strides = array<i32>} : memref<128x128xf32, #tpu.memory_space<vmem>>, vector<1x16xf32>,
      %get3A_1434 = vector.shape_cast %get3A_1433 : vector<1x16xf32> to vector<16xf32>
      %mul3A_1435 = arith.mulf %get3A_1430, %get3A_1434 : vector<16xf32>
      %swap3A_1436 = arith.index_cast %scan3A_1414 : i32 to index
      %swap3A_1437 = arith.constant 16 : index
      %swap3A_1438 = tpu.vector_load %arg8[%swap3A_1436, %swap3A_1437] {strides = array<i32>} : memref<128x128xf32, #tpu.memory_space<vmem>>, vector<1x16xf32>,
      %swap3A_1439 = vector.shape_cast %swap3A_1438 : vector<1x16xf32> to vector<16xf32>
      %swap3A_1440 = vector.shape_cast %mul3A_1435 : vector<16xf32> to vector<1x16xf32>
      tpu.vector_store %arg8[%swap3A_1436, %swap3A_1437], %swap3A_1440 {strides = array<i32>} : memref<128x128xf32, #tpu.memory_space<vmem>>, vector<1x16xf32>,
      %get3A_1441 = arith.index_cast %scan3A_1414 : i32 to index
      %get3A_1442 = arith.constant 32 : index
      %get3A_1443 = tpu.vector_load %arg8[%get3A_1441, %get3A_1442] {strides = array<i32>} : memref<128x128xf32, #tpu.memory_space<vmem>>, vector<1x16xf32>,
      %get3A_1444 = vector.shape_cast %get3A_1443 : vector<1x16xf32> to vector<16xf32>
      %get3A_1445 = arith.index_cast %scan3A_1414 : i32 to index
      %get3A_1446 = arith.constant 32 : index
      %get3A_1447 = tpu.vector_load %arg9[%get3A_1445, %get3A_1446] {strides = array<i32>} : memref<128x128xf32, #tpu.memory_space<vmem>>, vector<1x16xf32>,
      %get3A_1448 = vector.shape_cast %get3A_1447 : vector<1x16xf32> to vector<16xf32>
      %mul3A_1449 = arith.mulf %get3A_1444, %get3A_1448 : vector<16xf32>
      %swap3A_1450 = arith.index_cast %scan3A_1414 : i32 to index
      %swap3A_1451 = arith.constant 32 : index
      %swap3A_1452 = tpu.vector_load %arg8[%swap3A_1450, %swap3A_1451] {strides = array<i32>} : memref<128x128xf32, #tpu.memory_space<vmem>>, vector<1x16xf32>,
      %swap3A_1453 = vector.shape_cast %swap3A_1452 : vector<1x16xf32> to vector<16xf32>
      %swap3A_1454 = vector.shape_cast %mul3A_1449 : vector<16xf32> to vector<1x16xf32>
      tpu.vector_store %arg8[%swap3A_1450, %swap3A_1451], %swap3A_1454 {strides = array<i32>} : memref<128x128xf32, #tpu.memory_space<vmem>>, vector<1x16xf32>,
      %get3A_1455 = arith.index_cast %scan3A_1414 : i32 to index
      %get3A_1456 = arith.constant 48 : index
      %get3A_1457 = tpu.vector_load %arg8[%get3A_1455, %get3A_1456] {strides = array<i32>} : memref<128x128xf32, #tpu.memory_space<vmem>>, vector<1x16xf32>,
      %get3A_1458 = vector.shape_cast %get3A_1457 : vector<1x16xf32> to vector<16xf32>
      %get3A_1459 = arith.index_cast %scan3A_1414 : i32 to index
      %get3A_1460 = arith.constant 48 : index
      %get3A_1461 = tpu.vector_load %arg9[%get3A_1459, %get3A_1460] {strides = array<i32>} : memref<128x128xf32, #tpu.memory_space<vmem>>, vector<1x16xf32>,
      %get3A_1462 = vector.shape_cast %get3A_1461 : vector<1x16xf32> to vector<16xf32>
      %mul3A_1463 = arith.mulf %get3A_1458, %get3A_1462 : vector<16xf32>
      %swap3A_1464 = arith.index_cast %scan3A_1414 : i32 to index
      %swap3A_1465 = arith.constant 48 : index
      %swap3A_1466 = tpu.vector_load %arg8[%swap3A_1464, %swap3A_1465] {strides = array<i32>} : memref<128x128xf32, #tpu.memory_space<vmem>>, vector<1x16xf32>,
      %swap3A_1467 = vector.shape_cast %swap3A_1466 : vector<1x16xf32> to vector<16xf32>
      %swap3A_1468 = vector.shape_cast %mul3A_1463 : vector<16xf32> to vector<1x16xf32>
      tpu.vector_store %arg8[%swap3A_1464, %swap3A_1465], %swap3A_1468 {strides = array<i32>} : memref<128x128xf32, #tpu.memory_space<vmem>>, vector<1x16xf32>,
    }
    %scan3A_713 = arith.constant 128 : i32
    %add3A_714 = arith.constant 1920 : i32
    %add3A_715 = arith.addi %mul3A_2, %add3A_714 : i32
    %dma_start3A_716 = arith.constant 0 : i32
    %dma_start3A_717 = tpu.memref_slice %arg4[%add3A_715, %dma_start3A_716] : memref<131072x128xf32, #tpu.memory_space<hbm>> -> memref<128x128xf32, #tpu.memory_space<hbm>>
    %dma_start3A_718 = arith.constant 0 : i32
    %dma_start3A_719 = tpu.memref_slice %arg4[%add3A_715, %dma_start3A_718] : memref<131072x128xf32, #tpu.memory_space<hbm>> -> memref<128x128xf32, #tpu.memory_space<hbm>>
    tpu.enqueue_dma source(%arg8 : memref<128x128xf32, #tpu.memory_space<vmem>>) target(%dma_start3A_719 : memref<128x128xf32, #tpu.memory_space<hbm>>) target_semaphore(%arg16 : memref<!tpu.dma_semaphore, #tpu.memory_space<semaphore_mem>>)
    %dma_wait3A_720 = arith.constant 16 : i32
    %dma_wait3A_721 = arith.constant 0 : i32
    %dma_wait3A_722 = tpu.memref_slice %arg5[%dma_wait3A_720, %dma_wait3A_721] : memref<64x128xi32, #tpu.memory_space<vmem>> -> memref<1x128xi32, #tpu.memory_space<vmem>>
    %dma_wait3A_723 = tpu.memref_squeeze %dma_wait3A_722 : memref<1x128xi32, #tpu.memory_space<vmem>> -> memref<128xi32, #tpu.memory_space<vmem>>
    %dma_wait3A_724 = arith.constant 0 : i32
    %dma_wait3A_725 = arith.constant 0 : i32
    %dma_wait3A_726 = tpu.memref_slice %arg10[%dma_wait3A_724, %dma_wait3A_725] : memref<1024x128xf32, #tpu.memory_space<vmem_shared>> -> memref<1024x128xf32, #tpu.memory_space<vmem_shared>>
    tpu.wait_indirect_dma semaphore(%arg11 : memref<!tpu.dma_semaphore, #tpu.memory_space<semaphore_mem>>) src(%dma_wait3A_726 : memref<1024x128xf32, #tpu.memory_space<vmem_shared>>) dst(%arg6 : memref<128x128xf32, #tpu.memory_space<vmem>>)
    %dma_wait3A_727 = arith.constant 48 : i32
    %dma_wait3A_728 = arith.constant 0 : i32
    %dma_wait3A_729 = tpu.memref_slice %arg5[%dma_wait3A_727, %dma_wait3A_728] : memref<64x128xi32, #tpu.memory_space<vmem>> -> memref<1x128xi32, #tpu.memory_space<vmem>>
    %dma_wait3A_730 = tpu.memref_squeeze %dma_wait3A_729 : memref<1x128xi32, #tpu.memory_space<vmem>> -> memref<128xi32, #tpu.memory_space<vmem>>
    %dma_wait3A_731 = arith.constant 0 : i32
    %dma_wait3A_732 = arith.constant 0 : i32
    %dma_wait3A_733 = tpu.memref_slice %arg10[%dma_wait3A_731, %dma_wait3A_732] : memref<1024x128xf32, #tpu.memory_space<vmem_shared>> -> memref<1024x128xf32, #tpu.memory_space<vmem_shared>>
    tpu.wait_indirect_dma semaphore(%arg12 : memref<!tpu.dma_semaphore, #tpu.memory_space<semaphore_mem>>) src(%dma_wait3A_733 : memref<1024x128xf32, #tpu.memory_space<vmem_shared>>) dst(%arg7 : memref<128x128xf32, #tpu.memory_space<vmem>>)
    %dma_wait3A_734 = arith.constant 0 : i32
    %dma_wait3A_735 = tpu.memref_slice %arg4[%add3A_715, %dma_wait3A_734] : memref<131072x128xf32, #tpu.memory_space<hbm>> -> memref<128x128xf32, #tpu.memory_space<hbm>>
    %dma_wait3A_736 = arith.constant 0 : i32
    %dma_wait3A_737 = tpu.memref_slice %arg4[%add3A_715, %dma_wait3A_736] : memref<131072x128xf32, #tpu.memory_space<hbm>> -> memref<128x128xf32, #tpu.memory_space<hbm>>
    tpu.wait_dma2 semaphore(%arg16 : memref<!tpu.dma_semaphore, #tpu.memory_space<semaphore_mem>>) src(%arg8 : memref<128x128xf32, #tpu.memory_space<vmem>>) dst(%dma_wait3A_737 : memref<128x128xf32, #tpu.memory_space<hbm>>)
    %dma_start3A_738 = arith.constant 17 : i32
    %dma_start3A_739 = arith.constant 0 : i32
    %dma_start3A_740 = tpu.memref_slice %arg5[%dma_start3A_738, %dma_start3A_739] : memref<64x128xi32, #tpu.memory_space<vmem>> -> memref<1x128xi32, #tpu.memory_space<vmem>>
    %dma_start3A_741 = tpu.memref_squeeze %dma_start3A_740 : memref<1x128xi32, #tpu.memory_space<vmem>> -> memref<128xi32, #tpu.memory_space<vmem>>
    %dma_start3A_742 = arith.constant 0 : i32
    %dma_start3A_743 = arith.constant 0 : i32
    %dma_start3A_744 = tpu.memref_slice %arg10[%dma_start3A_742, %dma_start3A_743] : memref<1024x128xf32, #tpu.memory_space<vmem_shared>> -> memref<1024x128xf32, #tpu.memory_space<vmem_shared>>
    tpu.enqueue_indirect_dma source(%dma_start3A_744 : memref<1024x128xf32, #tpu.memory_space<vmem_shared>>) target(%arg8 : memref<128x128xf32, #tpu.memory_space<vmem>>) offsets(%dma_start3A_741 : memref<128xi32, #tpu.memory_space<vmem>>) semaphore(%arg13 : memref<!tpu.dma_semaphore, #tpu.memory_space<semaphore_mem>>)
    %dma_start3A_745 = arith.constant 49 : i32
    %dma_start3A_746 = arith.constant 0 : i32
    %dma_start3A_747 = tpu.memref_slice %arg5[%dma_start3A_745, %dma_start3A_746] : memref<64x128xi32, #tpu.memory_space<vmem>> -> memref<1x128xi32, #tpu.memory_space<vmem>>
    %dma_start3A_748 = tpu.memref_squeeze %dma_start3A_747 : memref<1x128xi32, #tpu.memory_space<vmem>> -> memref<128xi32, #tpu.memory_space<vmem>>
    %dma_start3A_749 = arith.constant 0 : i32
    %dma_start3A_750 = arith.constant 0 : i32
    %dma_start3A_751 = tpu.memref_slice %arg10[%dma_start3A_749, %dma_start3A_750] : memref<1024x128xf32, #tpu.memory_space<vmem_shared>> -> memref<1024x128xf32, #tpu.memory_space<vmem_shared>>
    tpu.enqueue_indirect_dma source(%dma_start3A_751 : memref<1024x128xf32, #tpu.memory_space<vmem_shared>>) target(%arg9 : memref<128x128xf32, #tpu.memory_space<vmem>>) offsets(%dma_start3A_748 : memref<128xi32, #tpu.memory_space<vmem>>) semaphore(%arg14 : memref<!tpu.dma_semaphore, #tpu.memory_space<semaphore_mem>>)
    %scan3A_752 = arith.constant 0 : i32
    %scan3A_753 = arith.constant 0 : i32
    %scan3A_754 = arith.constant 128 : i32
    %scan3A_755 = arith.addi %scan3A_753, %scan3A_754 : i32
    %scan3A_756 = arith.constant 1 : i32
    scf.for %scan3A_1414 = %scan3A_753 to %scan3A_755 step %scan3A_756  : i32 {
      %get3A = arith.index_cast %scan3A_1414 : i32 to index
      %get3A_1415 = arith.constant 0 : index
      %get3A_1416 = tpu.vector_load %arg6[%get3A, %get3A_1415] {strides = array<i32>} : memref<128x128xf32, #tpu.memory_space<vmem>>, vector<1x16xf32>,
      %get3A_1417 = vector.shape_cast %get3A_1416 : vector<1x16xf32> to vector<16xf32>
      %get3A_1418 = arith.index_cast %scan3A_1414 : i32 to index
      %get3A_1419 = arith.constant 0 : index
      %get3A_1420 = tpu.vector_load %arg7[%get3A_1418, %get3A_1419] {strides = array<i32>} : memref<128x128xf32, #tpu.memory_space<vmem>>, vector<1x16xf32>,
      %get3A_1421 = vector.shape_cast %get3A_1420 : vector<1x16xf32> to vector<16xf32>
      %mul3A_1422 = arith.mulf %get3A_1417, %get3A_1421 : vector<16xf32>
      %swap3A = arith.index_cast %scan3A_1414 : i32 to index
      %swap3A_1423 = arith.constant 0 : index
      %swap3A_1424 = tpu.vector_load %arg6[%swap3A, %swap3A_1423] {strides = array<i32>} : memref<128x128xf32, #tpu.memory_space<vmem>>, vector<1x16xf32>,
      %swap3A_1425 = vector.shape_cast %swap3A_1424 : vector<1x16xf32> to vector<16xf32>
      %swap3A_1426 = vector.shape_cast %mul3A_1422 : vector<16xf32> to vector<1x16xf32>
      tpu.vector_store %arg6[%swap3A, %swap3A_1423], %swap3A_1426 {strides = array<i32>} : memref<128x128xf32, #tpu.memory_space<vmem>>, vector<1x16xf32>,
      %get3A_1427 = arith.index_cast %scan3A_1414 : i32 to index
      %get3A_1428 = arith.constant 16 : index
      %get3A_1429 = tpu.vector_load %arg6[%get3A_1427, %get3A_1428] {strides = array<i32>} : memref<128x128xf32, #tpu.memory_space<vmem>>, vector<1x16xf32>,
      %get3A_1430 = vector.shape_cast %get3A_1429 : vector<1x16xf32> to vector<16xf32>
      %get3A_1431 = arith.index_cast %scan3A_1414 : i32 to index
      %get3A_1432 = arith.constant 16 : index
      %get3A_1433 = tpu.vector_load %arg7[%get3A_1431, %get3A_1432] {strides = array<i32>} : memref<128x128xf32, #tpu.memory_space<vmem>>, vector<1x16xf32>,
      %get3A_1434 = vector.shape_cast %get3A_1433 : vector<1x16xf32> to vector<16xf32>
      %mul3A_1435 = arith.mulf %get3A_1430, %get3A_1434 : vector<16xf32>
      %swap3A_1436 = arith.index_cast %scan3A_1414 : i32 to index
      %swap3A_1437 = arith.constant 16 : index
      %swap3A_1438 = tpu.vector_load %arg6[%swap3A_1436, %swap3A_1437] {strides = array<i32>} : memref<128x128xf32, #tpu.memory_space<vmem>>, vector<1x16xf32>,
      %swap3A_1439 = vector.shape_cast %swap3A_1438 : vector<1x16xf32> to vector<16xf32>
      %swap3A_1440 = vector.shape_cast %mul3A_1435 : vector<16xf32> to vector<1x16xf32>
      tpu.vector_store %arg6[%swap3A_1436, %swap3A_1437], %swap3A_1440 {strides = array<i32>} : memref<128x128xf32, #tpu.memory_space<vmem>>, vector<1x16xf32>,
      %get3A_1441 = arith.index_cast %scan3A_1414 : i32 to index
      %get3A_1442 = arith.constant 32 : index
      %get3A_1443 = tpu.vector_load %arg6[%get3A_1441, %get3A_1442] {strides = array<i32>} : memref<128x128xf32, #tpu.memory_space<vmem>>, vector<1x16xf32>,
      %get3A_1444 = vector.shape_cast %get3A_1443 : vector<1x16xf32> to vector<16xf32>
      %get3A_1445 = arith.index_cast %scan3A_1414 : i32 to index
      %get3A_1446 = arith.constant 32 : index
      %get3A_1447 = tpu.vector_load %arg7[%get3A_1445, %get3A_1446] {strides = array<i32>} : memref<128x128xf32, #tpu.memory_space<vmem>>, vector<1x16xf32>,
      %get3A_1448 = vector.shape_cast %get3A_1447 : vector<1x16xf32> to vector<16xf32>
      %mul3A_1449 = arith.mulf %get3A_1444, %get3A_1448 : vector<16xf32>
      %swap3A_1450 = arith.index_cast %scan3A_1414 : i32 to index
      %swap3A_1451 = arith.constant 32 : index
      %swap3A_1452 = tpu.vector_load %arg6[%swap3A_1450, %swap3A_1451] {strides = array<i32>} : memref<128x128xf32, #tpu.memory_space<vmem>>, vector<1x16xf32>,
      %swap3A_1453 = vector.shape_cast %swap3A_1452 : vector<1x16xf32> to vector<16xf32>
      %swap3A_1454 = vector.shape_cast %mul3A_1449 : vector<16xf32> to vector<1x16xf32>
      tpu.vector_store %arg6[%swap3A_1450, %swap3A_1451], %swap3A_1454 {strides = array<i32>} : memref<128x128xf32, #tpu.memory_space<vmem>>, vector<1x16xf32>,
      %get3A_1455 = arith.index_cast %scan3A_1414 : i32 to index
      %get3A_1456 = arith.constant 48 : index
      %get3A_1457 = tpu.vector_load %arg6[%get3A_1455, %get3A_1456] {strides = array<i32>} : memref<128x128xf32, #tpu.memory_space<vmem>>, vector<1x16xf32>,
      %get3A_1458 = vector.shape_cast %get3A_1457 : vector<1x16xf32> to vector<16xf32>
      %get3A_1459 = arith.index_cast %scan3A_1414 : i32 to index
      %get3A_1460 = arith.constant 48 : index
      %get3A_1461 = tpu.vector_load %arg7[%get3A_1459, %get3A_1460] {strides = array<i32>} : memref<128x128xf32, #tpu.memory_space<vmem>>, vector<1x16xf32>,
      %get3A_1462 = vector.shape_cast %get3A_1461 : vector<1x16xf32> to vector<16xf32>
      %mul3A_1463 = arith.mulf %get3A_1458, %get3A_1462 : vector<16xf32>
      %swap3A_1464 = arith.index_cast %scan3A_1414 : i32 to index
      %swap3A_1465 = arith.constant 48 : index
      %swap3A_1466 = tpu.vector_load %arg6[%swap3A_1464, %swap3A_1465] {strides = array<i32>} : memref<128x128xf32, #tpu.memory_space<vmem>>, vector<1x16xf32>,
      %swap3A_1467 = vector.shape_cast %swap3A_1466 : vector<1x16xf32> to vector<16xf32>
      %swap3A_1468 = vector.shape_cast %mul3A_1463 : vector<16xf32> to vector<1x16xf32>
      tpu.vector_store %arg6[%swap3A_1464, %swap3A_1465], %swap3A_1468 {strides = array<i32>} : memref<128x128xf32, #tpu.memory_space<vmem>>, vector<1x16xf32>,
    }
    %scan3A_757 = arith.constant 128 : i32
    %add3A_758 = arith.constant 2048 : i32
    %add3A_759 = arith.addi %mul3A_2, %add3A_758 : i32
    %dma_start3A_760 = arith.constant 0 : i32
    %dma_start3A_761 = tpu.memref_slice %arg4[%add3A_759, %dma_start3A_760] : memref<131072x128xf32, #tpu.memory_space<hbm>> -> memref<128x128xf32, #tpu.memory_space<hbm>>
    %dma_start3A_762 = arith.constant 0 : i32
    %dma_start3A_763 = tpu.memref_slice %arg4[%add3A_759, %dma_start3A_762] : memref<131072x128xf32, #tpu.memory_space<hbm>> -> memref<128x128xf32, #tpu.memory_space<hbm>>
    tpu.enqueue_dma source(%arg6 : memref<128x128xf32, #tpu.memory_space<vmem>>) target(%dma_start3A_763 : memref<128x128xf32, #tpu.memory_space<hbm>>) target_semaphore(%arg15 : memref<!tpu.dma_semaphore, #tpu.memory_space<semaphore_mem>>)
    %dma_wait3A_764 = arith.constant 17 : i32
    %dma_wait3A_765 = arith.constant 0 : i32
    %dma_wait3A_766 = tpu.memref_slice %arg5[%dma_wait3A_764, %dma_wait3A_765] : memref<64x128xi32, #tpu.memory_space<vmem>> -> memref<1x128xi32, #tpu.memory_space<vmem>>
    %dma_wait3A_767 = tpu.memref_squeeze %dma_wait3A_766 : memref<1x128xi32, #tpu.memory_space<vmem>> -> memref<128xi32, #tpu.memory_space<vmem>>
    %dma_wait3A_768 = arith.constant 0 : i32
    %dma_wait3A_769 = arith.constant 0 : i32
    %dma_wait3A_770 = tpu.memref_slice %arg10[%dma_wait3A_768, %dma_wait3A_769] : memref<1024x128xf32, #tpu.memory_space<vmem_shared>> -> memref<1024x128xf32, #tpu.memory_space<vmem_shared>>
    tpu.wait_indirect_dma semaphore(%arg13 : memref<!tpu.dma_semaphore, #tpu.memory_space<semaphore_mem>>) src(%dma_wait3A_770 : memref<1024x128xf32, #tpu.memory_space<vmem_shared>>) dst(%arg8 : memref<128x128xf32, #tpu.memory_space<vmem>>)
    %dma_wait3A_771 = arith.constant 49 : i32
    %dma_wait3A_772 = arith.constant 0 : i32
    %dma_wait3A_773 = tpu.memref_slice %arg5[%dma_wait3A_771, %dma_wait3A_772] : memref<64x128xi32, #tpu.memory_space<vmem>> -> memref<1x128xi32, #tpu.memory_space<vmem>>
    %dma_wait3A_774 = tpu.memref_squeeze %dma_wait3A_773 : memref<1x128xi32, #tpu.memory_space<vmem>> -> memref<128xi32, #tpu.memory_space<vmem>>
    %dma_wait3A_775 = arith.constant 0 : i32
    %dma_wait3A_776 = arith.constant 0 : i32
    %dma_wait3A_777 = tpu.memref_slice %arg10[%dma_wait3A_775, %dma_wait3A_776] : memref<1024x128xf32, #tpu.memory_space<vmem_shared>> -> memref<1024x128xf32, #tpu.memory_space<vmem_shared>>
    tpu.wait_indirect_dma semaphore(%arg14 : memref<!tpu.dma_semaphore, #tpu.memory_space<semaphore_mem>>) src(%dma_wait3A_777 : memref<1024x128xf32, #tpu.memory_space<vmem_shared>>) dst(%arg9 : memref<128x128xf32, #tpu.memory_space<vmem>>)
    %dma_wait3A_778 = arith.constant 0 : i32
    %dma_wait3A_779 = tpu.memref_slice %arg4[%add3A_759, %dma_wait3A_778] : memref<131072x128xf32, #tpu.memory_space<hbm>> -> memref<128x128xf32, #tpu.memory_space<hbm>>
    %dma_wait3A_780 = arith.constant 0 : i32
    %dma_wait3A_781 = tpu.memref_slice %arg4[%add3A_759, %dma_wait3A_780] : memref<131072x128xf32, #tpu.memory_space<hbm>> -> memref<128x128xf32, #tpu.memory_space<hbm>>
    tpu.wait_dma2 semaphore(%arg15 : memref<!tpu.dma_semaphore, #tpu.memory_space<semaphore_mem>>) src(%arg6 : memref<128x128xf32, #tpu.memory_space<vmem>>) dst(%dma_wait3A_781 : memref<128x128xf32, #tpu.memory_space<hbm>>)
    %dma_start3A_782 = arith.constant 18 : i32
    %dma_start3A_783 = arith.constant 0 : i32
    %dma_start3A_784 = tpu.memref_slice %arg5[%dma_start3A_782, %dma_start3A_783] : memref<64x128xi32, #tpu.memory_space<vmem>> -> memref<1x128xi32, #tpu.memory_space<vmem>>
    %dma_start3A_785 = tpu.memref_squeeze %dma_start3A_784 : memref<1x128xi32, #tpu.memory_space<vmem>> -> memref<128xi32, #tpu.memory_space<vmem>>
    %dma_start3A_786 = arith.constant 0 : i32
    %dma_start3A_787 = arith.constant 0 : i32
    %dma_start3A_788 = tpu.memref_slice %arg10[%dma_start3A_786, %dma_start3A_787] : memref<1024x128xf32, #tpu.memory_space<vmem_shared>> -> memref<1024x128xf32, #tpu.memory_space<vmem_shared>>
    tpu.enqueue_indirect_dma source(%dma_start3A_788 : memref<1024x128xf32, #tpu.memory_space<vmem_shared>>) target(%arg6 : memref<128x128xf32, #tpu.memory_space<vmem>>) offsets(%dma_start3A_785 : memref<128xi32, #tpu.memory_space<vmem>>) semaphore(%arg11 : memref<!tpu.dma_semaphore, #tpu.memory_space<semaphore_mem>>)
    %dma_start3A_789 = arith.constant 50 : i32
    %dma_start3A_790 = arith.constant 0 : i32
    %dma_start3A_791 = tpu.memref_slice %arg5[%dma_start3A_789, %dma_start3A_790] : memref<64x128xi32, #tpu.memory_space<vmem>> -> memref<1x128xi32, #tpu.memory_space<vmem>>
    %dma_start3A_792 = tpu.memref_squeeze %dma_start3A_791 : memref<1x128xi32, #tpu.memory_space<vmem>> -> memref<128xi32, #tpu.memory_space<vmem>>
    %dma_start3A_793 = arith.constant 0 : i32
    %dma_start3A_794 = arith.constant 0 : i32
    %dma_start3A_795 = tpu.memref_slice %arg10[%dma_start3A_793, %dma_start3A_794] : memref<1024x128xf32, #tpu.memory_space<vmem_shared>> -> memref<1024x128xf32, #tpu.memory_space<vmem_shared>>
    tpu.enqueue_indirect_dma source(%dma_start3A_795 : memref<1024x128xf32, #tpu.memory_space<vmem_shared>>) target(%arg7 : memref<128x128xf32, #tpu.memory_space<vmem>>) offsets(%dma_start3A_792 : memref<128xi32, #tpu.memory_space<vmem>>) semaphore(%arg12 : memref<!tpu.dma_semaphore, #tpu.memory_space<semaphore_mem>>)
    %scan3A_796 = arith.constant 0 : i32
    %scan3A_797 = arith.constant 0 : i32
    %scan3A_798 = arith.constant 128 : i32
    %scan3A_799 = arith.addi %scan3A_797, %scan3A_798 : i32
    %scan3A_800 = arith.constant 1 : i32
    scf.for %scan3A_1414 = %scan3A_797 to %scan3A_799 step %scan3A_800  : i32 {
      %get3A = arith.index_cast %scan3A_1414 : i32 to index
      %get3A_1415 = arith.constant 0 : index
      %get3A_1416 = tpu.vector_load %arg8[%get3A, %get3A_1415] {strides = array<i32>} : memref<128x128xf32, #tpu.memory_space<vmem>>, vector<1x16xf32>,
      %get3A_1417 = vector.shape_cast %get3A_1416 : vector<1x16xf32> to vector<16xf32>
      %get3A_1418 = arith.index_cast %scan3A_1414 : i32 to index
      %get3A_1419 = arith.constant 0 : index
      %get3A_1420 = tpu.vector_load %arg9[%get3A_1418, %get3A_1419] {strides = array<i32>} : memref<128x128xf32, #tpu.memory_space<vmem>>, vector<1x16xf32>,
      %get3A_1421 = vector.shape_cast %get3A_1420 : vector<1x16xf32> to vector<16xf32>
      %mul3A_1422 = arith.mulf %get3A_1417, %get3A_1421 : vector<16xf32>
      %swap3A = arith.index_cast %scan3A_1414 : i32 to index
      %swap3A_1423 = arith.constant 0 : index
      %swap3A_1424 = tpu.vector_load %arg8[%swap3A, %swap3A_1423] {strides = array<i32>} : memref<128x128xf32, #tpu.memory_space<vmem>>, vector<1x16xf32>,
      %swap3A_1425 = vector.shape_cast %swap3A_1424 : vector<1x16xf32> to vector<16xf32>
      %swap3A_1426 = vector.shape_cast %mul3A_1422 : vector<16xf32> to vector<1x16xf32>
      tpu.vector_store %arg8[%swap3A, %swap3A_1423], %swap3A_1426 {strides = array<i32>} : memref<128x128xf32, #tpu.memory_space<vmem>>, vector<1x16xf32>,
      %get3A_1427 = arith.index_cast %scan3A_1414 : i32 to index
      %get3A_1428 = arith.constant 16 : index
      %get3A_1429 = tpu.vector_load %arg8[%get3A_1427, %get3A_1428] {strides = array<i32>} : memref<128x128xf32, #tpu.memory_space<vmem>>, vector<1x16xf32>,
      %get3A_1430 = vector.shape_cast %get3A_1429 : vector<1x16xf32> to vector<16xf32>
      %get3A_1431 = arith.index_cast %scan3A_1414 : i32 to index
      %get3A_1432 = arith.constant 16 : index
      %get3A_1433 = tpu.vector_load %arg9[%get3A_1431, %get3A_1432] {strides = array<i32>} : memref<128x128xf32, #tpu.memory_space<vmem>>, vector<1x16xf32>,
      %get3A_1434 = vector.shape_cast %get3A_1433 : vector<1x16xf32> to vector<16xf32>
      %mul3A_1435 = arith.mulf %get3A_1430, %get3A_1434 : vector<16xf32>
      %swap3A_1436 = arith.index_cast %scan3A_1414 : i32 to index
      %swap3A_1437 = arith.constant 16 : index
      %swap3A_1438 = tpu.vector_load %arg8[%swap3A_1436, %swap3A_1437] {strides = array<i32>} : memref<128x128xf32, #tpu.memory_space<vmem>>, vector<1x16xf32>,
      %swap3A_1439 = vector.shape_cast %swap3A_1438 : vector<1x16xf32> to vector<16xf32>
      %swap3A_1440 = vector.shape_cast %mul3A_1435 : vector<16xf32> to vector<1x16xf32>
      tpu.vector_store %arg8[%swap3A_1436, %swap3A_1437], %swap3A_1440 {strides = array<i32>} : memref<128x128xf32, #tpu.memory_space<vmem>>, vector<1x16xf32>,
      %get3A_1441 = arith.index_cast %scan3A_1414 : i32 to index
      %get3A_1442 = arith.constant 32 : index
      %get3A_1443 = tpu.vector_load %arg8[%get3A_1441, %get3A_1442] {strides = array<i32>} : memref<128x128xf32, #tpu.memory_space<vmem>>, vector<1x16xf32>,
      %get3A_1444 = vector.shape_cast %get3A_1443 : vector<1x16xf32> to vector<16xf32>
      %get3A_1445 = arith.index_cast %scan3A_1414 : i32 to index
      %get3A_1446 = arith.constant 32 : index
      %get3A_1447 = tpu.vector_load %arg9[%get3A_1445, %get3A_1446] {strides = array<i32>} : memref<128x128xf32, #tpu.memory_space<vmem>>, vector<1x16xf32>,
      %get3A_1448 = vector.shape_cast %get3A_1447 : vector<1x16xf32> to vector<16xf32>
      %mul3A_1449 = arith.mulf %get3A_1444, %get3A_1448 : vector<16xf32>
      %swap3A_1450 = arith.index_cast %scan3A_1414 : i32 to index
      %swap3A_1451 = arith.constant 32 : index
      %swap3A_1452 = tpu.vector_load %arg8[%swap3A_1450, %swap3A_1451] {strides = array<i32>} : memref<128x128xf32, #tpu.memory_space<vmem>>, vector<1x16xf32>,
      %swap3A_1453 = vector.shape_cast %swap3A_1452 : vector<1x16xf32> to vector<16xf32>
      %swap3A_1454 = vector.shape_cast %mul3A_1449 : vector<16xf32> to vector<1x16xf32>
      tpu.vector_store %arg8[%swap3A_1450, %swap3A_1451], %swap3A_1454 {strides = array<i32>} : memref<128x128xf32, #tpu.memory_space<vmem>>, vector<1x16xf32>,
      %get3A_1455 = arith.index_cast %scan3A_1414 : i32 to index
      %get3A_1456 = arith.constant 48 : index
      %get3A_1457 = tpu.vector_load %arg8[%get3A_1455, %get3A_1456] {strides = array<i32>} : memref<128x128xf32, #tpu.memory_space<vmem>>, vector<1x16xf32>,
      %get3A_1458 = vector.shape_cast %get3A_1457 : vector<1x16xf32> to vector<16xf32>
      %get3A_1459 = arith.index_cast %scan3A_1414 : i32 to index
      %get3A_1460 = arith.constant 48 : index
      %get3A_1461 = tpu.vector_load %arg9[%get3A_1459, %get3A_1460] {strides = array<i32>} : memref<128x128xf32, #tpu.memory_space<vmem>>, vector<1x16xf32>,
      %get3A_1462 = vector.shape_cast %get3A_1461 : vector<1x16xf32> to vector<16xf32>
      %mul3A_1463 = arith.mulf %get3A_1458, %get3A_1462 : vector<16xf32>
      %swap3A_1464 = arith.index_cast %scan3A_1414 : i32 to index
      %swap3A_1465 = arith.constant 48 : index
      %swap3A_1466 = tpu.vector_load %arg8[%swap3A_1464, %swap3A_1465] {strides = array<i32>} : memref<128x128xf32, #tpu.memory_space<vmem>>, vector<1x16xf32>,
      %swap3A_1467 = vector.shape_cast %swap3A_1466 : vector<1x16xf32> to vector<16xf32>
      %swap3A_1468 = vector.shape_cast %mul3A_1463 : vector<16xf32> to vector<1x16xf32>
      tpu.vector_store %arg8[%swap3A_1464, %swap3A_1465], %swap3A_1468 {strides = array<i32>} : memref<128x128xf32, #tpu.memory_space<vmem>>, vector<1x16xf32>,
    }
    %scan3A_801 = arith.constant 128 : i32
    %add3A_802 = arith.constant 2176 : i32
    %add3A_803 = arith.addi %mul3A_2, %add3A_802 : i32
    %dma_start3A_804 = arith.constant 0 : i32
    %dma_start3A_805 = tpu.memref_slice %arg4[%add3A_803, %dma_start3A_804] : memref<131072x128xf32, #tpu.memory_space<hbm>> -> memref<128x128xf32, #tpu.memory_space<hbm>>
    %dma_start3A_806 = arith.constant 0 : i32
    %dma_start3A_807 = tpu.memref_slice %arg4[%add3A_803, %dma_start3A_806] : memref<131072x128xf32, #tpu.memory_space<hbm>> -> memref<128x128xf32, #tpu.memory_space<hbm>>
    tpu.enqueue_dma source(%arg8 : memref<128x128xf32, #tpu.memory_space<vmem>>) target(%dma_start3A_807 : memref<128x128xf32, #tpu.memory_space<hbm>>) target_semaphore(%arg16 : memref<!tpu.dma_semaphore, #tpu.memory_space<semaphore_mem>>)
    %dma_wait3A_808 = arith.constant 18 : i32
    %dma_wait3A_809 = arith.constant 0 : i32
    %dma_wait3A_810 = tpu.memref_slice %arg5[%dma_wait3A_808, %dma_wait3A_809] : memref<64x128xi32, #tpu.memory_space<vmem>> -> memref<1x128xi32, #tpu.memory_space<vmem>>
    %dma_wait3A_811 = tpu.memref_squeeze %dma_wait3A_810 : memref<1x128xi32, #tpu.memory_space<vmem>> -> memref<128xi32, #tpu.memory_space<vmem>>
    %dma_wait3A_812 = arith.constant 0 : i32
    %dma_wait3A_813 = arith.constant 0 : i32
    %dma_wait3A_814 = tpu.memref_slice %arg10[%dma_wait3A_812, %dma_wait3A_813] : memref<1024x128xf32, #tpu.memory_space<vmem_shared>> -> memref<1024x128xf32, #tpu.memory_space<vmem_shared>>
    tpu.wait_indirect_dma semaphore(%arg11 : memref<!tpu.dma_semaphore, #tpu.memory_space<semaphore_mem>>) src(%dma_wait3A_814 : memref<1024x128xf32, #tpu.memory_space<vmem_shared>>) dst(%arg6 : memref<128x128xf32, #tpu.memory_space<vmem>>)
    %dma_wait3A_815 = arith.constant 50 : i32
    %dma_wait3A_816 = arith.constant 0 : i32
    %dma_wait3A_817 = tpu.memref_slice %arg5[%dma_wait3A_815, %dma_wait3A_816] : memref<64x128xi32, #tpu.memory_space<vmem>> -> memref<1x128xi32, #tpu.memory_space<vmem>>
    %dma_wait3A_818 = tpu.memref_squeeze %dma_wait3A_817 : memref<1x128xi32, #tpu.memory_space<vmem>> -> memref<128xi32, #tpu.memory_space<vmem>>
    %dma_wait3A_819 = arith.constant 0 : i32
    %dma_wait3A_820 = arith.constant 0 : i32
    %dma_wait3A_821 = tpu.memref_slice %arg10[%dma_wait3A_819, %dma_wait3A_820] : memref<1024x128xf32, #tpu.memory_space<vmem_shared>> -> memref<1024x128xf32, #tpu.memory_space<vmem_shared>>
    tpu.wait_indirect_dma semaphore(%arg12 : memref<!tpu.dma_semaphore, #tpu.memory_space<semaphore_mem>>) src(%dma_wait3A_821 : memref<1024x128xf32, #tpu.memory_space<vmem_shared>>) dst(%arg7 : memref<128x128xf32, #tpu.memory_space<vmem>>)
    %dma_wait3A_822 = arith.constant 0 : i32
    %dma_wait3A_823 = tpu.memref_slice %arg4[%add3A_803, %dma_wait3A_822] : memref<131072x128xf32, #tpu.memory_space<hbm>> -> memref<128x128xf32, #tpu.memory_space<hbm>>
    %dma_wait3A_824 = arith.constant 0 : i32
    %dma_wait3A_825 = tpu.memref_slice %arg4[%add3A_803, %dma_wait3A_824] : memref<131072x128xf32, #tpu.memory_space<hbm>> -> memref<128x128xf32, #tpu.memory_space<hbm>>
    tpu.wait_dma2 semaphore(%arg16 : memref<!tpu.dma_semaphore, #tpu.memory_space<semaphore_mem>>) src(%arg8 : memref<128x128xf32, #tpu.memory_space<vmem>>) dst(%dma_wait3A_825 : memref<128x128xf32, #tpu.memory_space<hbm>>)
    %dma_start3A_826 = arith.constant 19 : i32
    %dma_start3A_827 = arith.constant 0 : i32
    %dma_start3A_828 = tpu.memref_slice %arg5[%dma_start3A_826, %dma_start3A_827] : memref<64x128xi32, #tpu.memory_space<vmem>> -> memref<1x128xi32, #tpu.memory_space<vmem>>
    %dma_start3A_829 = tpu.memref_squeeze %dma_start3A_828 : memref<1x128xi32, #tpu.memory_space<vmem>> -> memref<128xi32, #tpu.memory_space<vmem>>
    %dma_start3A_830 = arith.constant 0 : i32
    %dma_start3A_831 = arith.constant 0 : i32
    %dma_start3A_832 = tpu.memref_slice %arg10[%dma_start3A_830, %dma_start3A_831] : memref<1024x128xf32, #tpu.memory_space<vmem_shared>> -> memref<1024x128xf32, #tpu.memory_space<vmem_shared>>
    tpu.enqueue_indirect_dma source(%dma_start3A_832 : memref<1024x128xf32, #tpu.memory_space<vmem_shared>>) target(%arg8 : memref<128x128xf32, #tpu.memory_space<vmem>>) offsets(%dma_start3A_829 : memref<128xi32, #tpu.memory_space<vmem>>) semaphore(%arg13 : memref<!tpu.dma_semaphore, #tpu.memory_space<semaphore_mem>>)
    %dma_start3A_833 = arith.constant 51 : i32
    %dma_start3A_834 = arith.constant 0 : i32
    %dma_start3A_835 = tpu.memref_slice %arg5[%dma_start3A_833, %dma_start3A_834] : memref<64x128xi32, #tpu.memory_space<vmem>> -> memref<1x128xi32, #tpu.memory_space<vmem>>
    %dma_start3A_836 = tpu.memref_squeeze %dma_start3A_835 : memref<1x128xi32, #tpu.memory_space<vmem>> -> memref<128xi32, #tpu.memory_space<vmem>>
    %dma_start3A_837 = arith.constant 0 : i32
    %dma_start3A_838 = arith.constant 0 : i32
    %dma_start3A_839 = tpu.memref_slice %arg10[%dma_start3A_837, %dma_start3A_838] : memref<1024x128xf32, #tpu.memory_space<vmem_shared>> -> memref<1024x128xf32, #tpu.memory_space<vmem_shared>>
    tpu.enqueue_indirect_dma source(%dma_start3A_839 : memref<1024x128xf32, #tpu.memory_space<vmem_shared>>) target(%arg9 : memref<128x128xf32, #tpu.memory_space<vmem>>) offsets(%dma_start3A_836 : memref<128xi32, #tpu.memory_space<vmem>>) semaphore(%arg14 : memref<!tpu.dma_semaphore, #tpu.memory_space<semaphore_mem>>)
    %scan3A_840 = arith.constant 0 : i32
    %scan3A_841 = arith.constant 0 : i32
    %scan3A_842 = arith.constant 128 : i32
    %scan3A_843 = arith.addi %scan3A_841, %scan3A_842 : i32
    %scan3A_844 = arith.constant 1 : i32
    scf.for %scan3A_1414 = %scan3A_841 to %scan3A_843 step %scan3A_844  : i32 {
      %get3A = arith.index_cast %scan3A_1414 : i32 to index
      %get3A_1415 = arith.constant 0 : index
      %get3A_1416 = tpu.vector_load %arg6[%get3A, %get3A_1415] {strides = array<i32>} : memref<128x128xf32, #tpu.memory_space<vmem>>, vector<1x16xf32>,
      %get3A_1417 = vector.shape_cast %get3A_1416 : vector<1x16xf32> to vector<16xf32>
      %get3A_1418 = arith.index_cast %scan3A_1414 : i32 to index
      %get3A_1419 = arith.constant 0 : index
      %get3A_1420 = tpu.vector_load %arg7[%get3A_1418, %get3A_1419] {strides = array<i32>} : memref<128x128xf32, #tpu.memory_space<vmem>>, vector<1x16xf32>,
      %get3A_1421 = vector.shape_cast %get3A_1420 : vector<1x16xf32> to vector<16xf32>
      %mul3A_1422 = arith.mulf %get3A_1417, %get3A_1421 : vector<16xf32>
      %swap3A = arith.index_cast %scan3A_1414 : i32 to index
      %swap3A_1423 = arith.constant 0 : index
      %swap3A_1424 = tpu.vector_load %arg6[%swap3A, %swap3A_1423] {strides = array<i32>} : memref<128x128xf32, #tpu.memory_space<vmem>>, vector<1x16xf32>,
      %swap3A_1425 = vector.shape_cast %swap3A_1424 : vector<1x16xf32> to vector<16xf32>
      %swap3A_1426 = vector.shape_cast %mul3A_1422 : vector<16xf32> to vector<1x16xf32>
      tpu.vector_store %arg6[%swap3A, %swap3A_1423], %swap3A_1426 {strides = array<i32>} : memref<128x128xf32, #tpu.memory_space<vmem>>, vector<1x16xf32>,
      %get3A_1427 = arith.index_cast %scan3A_1414 : i32 to index
      %get3A_1428 = arith.constant 16 : index
      %get3A_1429 = tpu.vector_load %arg6[%get3A_1427, %get3A_1428] {strides = array<i32>} : memref<128x128xf32, #tpu.memory_space<vmem>>, vector<1x16xf32>,
      %get3A_1430 = vector.shape_cast %get3A_1429 : vector<1x16xf32> to vector<16xf32>
      %get3A_1431 = arith.index_cast %scan3A_1414 : i32 to index
      %get3A_1432 = arith.constant 16 : index
      %get3A_1433 = tpu.vector_load %arg7[%get3A_1431, %get3A_1432] {strides = array<i32>} : memref<128x128xf32, #tpu.memory_space<vmem>>, vector<1x16xf32>,
      %get3A_1434 = vector.shape_cast %get3A_1433 : vector<1x16xf32> to vector<16xf32>
      %mul3A_1435 = arith.mulf %get3A_1430, %get3A_1434 : vector<16xf32>
      %swap3A_1436 = arith.index_cast %scan3A_1414 : i32 to index
      %swap3A_1437 = arith.constant 16 : index
      %swap3A_1438 = tpu.vector_load %arg6[%swap3A_1436, %swap3A_1437] {strides = array<i32>} : memref<128x128xf32, #tpu.memory_space<vmem>>, vector<1x16xf32>,
      %swap3A_1439 = vector.shape_cast %swap3A_1438 : vector<1x16xf32> to vector<16xf32>
      %swap3A_1440 = vector.shape_cast %mul3A_1435 : vector<16xf32> to vector<1x16xf32>
      tpu.vector_store %arg6[%swap3A_1436, %swap3A_1437], %swap3A_1440 {strides = array<i32>} : memref<128x128xf32, #tpu.memory_space<vmem>>, vector<1x16xf32>,
      %get3A_1441 = arith.index_cast %scan3A_1414 : i32 to index
      %get3A_1442 = arith.constant 32 : index
      %get3A_1443 = tpu.vector_load %arg6[%get3A_1441, %get3A_1442] {strides = array<i32>} : memref<128x128xf32, #tpu.memory_space<vmem>>, vector<1x16xf32>,
      %get3A_1444 = vector.shape_cast %get3A_1443 : vector<1x16xf32> to vector<16xf32>
      %get3A_1445 = arith.index_cast %scan3A_1414 : i32 to index
      %get3A_1446 = arith.constant 32 : index
      %get3A_1447 = tpu.vector_load %arg7[%get3A_1445, %get3A_1446] {strides = array<i32>} : memref<128x128xf32, #tpu.memory_space<vmem>>, vector<1x16xf32>,
      %get3A_1448 = vector.shape_cast %get3A_1447 : vector<1x16xf32> to vector<16xf32>
      %mul3A_1449 = arith.mulf %get3A_1444, %get3A_1448 : vector<16xf32>
      %swap3A_1450 = arith.index_cast %scan3A_1414 : i32 to index
      %swap3A_1451 = arith.constant 32 : index
      %swap3A_1452 = tpu.vector_load %arg6[%swap3A_1450, %swap3A_1451] {strides = array<i32>} : memref<128x128xf32, #tpu.memory_space<vmem>>, vector<1x16xf32>,
      %swap3A_1453 = vector.shape_cast %swap3A_1452 : vector<1x16xf32> to vector<16xf32>
      %swap3A_1454 = vector.shape_cast %mul3A_1449 : vector<16xf32> to vector<1x16xf32>
      tpu.vector_store %arg6[%swap3A_1450, %swap3A_1451], %swap3A_1454 {strides = array<i32>} : memref<128x128xf32, #tpu.memory_space<vmem>>, vector<1x16xf32>,
      %get3A_1455 = arith.index_cast %scan3A_1414 : i32 to index
      %get3A_1456 = arith.constant 48 : index
      %get3A_1457 = tpu.vector_load %arg6[%get3A_1455, %get3A_1456] {strides = array<i32>} : memref<128x128xf32, #tpu.memory_space<vmem>>, vector<1x16xf32>,
      %get3A_1458 = vector.shape_cast %get3A_1457 : vector<1x16xf32> to vector<16xf32>
      %get3A_1459 = arith.index_cast %scan3A_1414 : i32 to index
      %get3A_1460 = arith.constant 48 : index
      %get3A_1461 = tpu.vector_load %arg7[%get3A_1459, %get3A_1460] {strides = array<i32>} : memref<128x128xf32, #tpu.memory_space<vmem>>, vector<1x16xf32>,
      %get3A_1462 = vector.shape_cast %get3A_1461 : vector<1x16xf32> to vector<16xf32>
      %mul3A_1463 = arith.mulf %get3A_1458, %get3A_1462 : vector<16xf32>
      %swap3A_1464 = arith.index_cast %scan3A_1414 : i32 to index
      %swap3A_1465 = arith.constant 48 : index
      %swap3A_1466 = tpu.vector_load %arg6[%swap3A_1464, %swap3A_1465] {strides = array<i32>} : memref<128x128xf32, #tpu.memory_space<vmem>>, vector<1x16xf32>,
      %swap3A_1467 = vector.shape_cast %swap3A_1466 : vector<1x16xf32> to vector<16xf32>
      %swap3A_1468 = vector.shape_cast %mul3A_1463 : vector<16xf32> to vector<1x16xf32>
      tpu.vector_store %arg6[%swap3A_1464, %swap3A_1465], %swap3A_1468 {strides = array<i32>} : memref<128x128xf32, #tpu.memory_space<vmem>>, vector<1x16xf32>,
    }
    %scan3A_845 = arith.constant 128 : i32
    %add3A_846 = arith.constant 2304 : i32
    %add3A_847 = arith.addi %mul3A_2, %add3A_846 : i32
    %dma_start3A_848 = arith.constant 0 : i32
    %dma_start3A_849 = tpu.memref_slice %arg4[%add3A_847, %dma_start3A_848] : memref<131072x128xf32, #tpu.memory_space<hbm>> -> memref<128x128xf32, #tpu.memory_space<hbm>>
    %dma_start3A_850 = arith.constant 0 : i32
    %dma_start3A_851 = tpu.memref_slice %arg4[%add3A_847, %dma_start3A_850] : memref<131072x128xf32, #tpu.memory_space<hbm>> -> memref<128x128xf32, #tpu.memory_space<hbm>>
    tpu.enqueue_dma source(%arg6 : memref<128x128xf32, #tpu.memory_space<vmem>>) target(%dma_start3A_851 : memref<128x128xf32, #tpu.memory_space<hbm>>) target_semaphore(%arg15 : memref<!tpu.dma_semaphore, #tpu.memory_space<semaphore_mem>>)
    %dma_wait3A_852 = arith.constant 19 : i32
    %dma_wait3A_853 = arith.constant 0 : i32
    %dma_wait3A_854 = tpu.memref_slice %arg5[%dma_wait3A_852, %dma_wait3A_853] : memref<64x128xi32, #tpu.memory_space<vmem>> -> memref<1x128xi32, #tpu.memory_space<vmem>>
    %dma_wait3A_855 = tpu.memref_squeeze %dma_wait3A_854 : memref<1x128xi32, #tpu.memory_space<vmem>> -> memref<128xi32, #tpu.memory_space<vmem>>
    %dma_wait3A_856 = arith.constant 0 : i32
    %dma_wait3A_857 = arith.constant 0 : i32
    %dma_wait3A_858 = tpu.memref_slice %arg10[%dma_wait3A_856, %dma_wait3A_857] : memref<1024x128xf32, #tpu.memory_space<vmem_shared>> -> memref<1024x128xf32, #tpu.memory_space<vmem_shared>>
    tpu.wait_indirect_dma semaphore(%arg13 : memref<!tpu.dma_semaphore, #tpu.memory_space<semaphore_mem>>) src(%dma_wait3A_858 : memref<1024x128xf32, #tpu.memory_space<vmem_shared>>) dst(%arg8 : memref<128x128xf32, #tpu.memory_space<vmem>>)
    %dma_wait3A_859 = arith.constant 51 : i32
    %dma_wait3A_860 = arith.constant 0 : i32
    %dma_wait3A_861 = tpu.memref_slice %arg5[%dma_wait3A_859, %dma_wait3A_860] : memref<64x128xi32, #tpu.memory_space<vmem>> -> memref<1x128xi32, #tpu.memory_space<vmem>>
    %dma_wait3A_862 = tpu.memref_squeeze %dma_wait3A_861 : memref<1x128xi32, #tpu.memory_space<vmem>> -> memref<128xi32, #tpu.memory_space<vmem>>
    %dma_wait3A_863 = arith.constant 0 : i32
    %dma_wait3A_864 = arith.constant 0 : i32
    %dma_wait3A_865 = tpu.memref_slice %arg10[%dma_wait3A_863, %dma_wait3A_864] : memref<1024x128xf32, #tpu.memory_space<vmem_shared>> -> memref<1024x128xf32, #tpu.memory_space<vmem_shared>>
    tpu.wait_indirect_dma semaphore(%arg14 : memref<!tpu.dma_semaphore, #tpu.memory_space<semaphore_mem>>) src(%dma_wait3A_865 : memref<1024x128xf32, #tpu.memory_space<vmem_shared>>) dst(%arg9 : memref<128x128xf32, #tpu.memory_space<vmem>>)
    %dma_wait3A_866 = arith.constant 0 : i32
    %dma_wait3A_867 = tpu.memref_slice %arg4[%add3A_847, %dma_wait3A_866] : memref<131072x128xf32, #tpu.memory_space<hbm>> -> memref<128x128xf32, #tpu.memory_space<hbm>>
    %dma_wait3A_868 = arith.constant 0 : i32
    %dma_wait3A_869 = tpu.memref_slice %arg4[%add3A_847, %dma_wait3A_868] : memref<131072x128xf32, #tpu.memory_space<hbm>> -> memref<128x128xf32, #tpu.memory_space<hbm>>
    tpu.wait_dma2 semaphore(%arg15 : memref<!tpu.dma_semaphore, #tpu.memory_space<semaphore_mem>>) src(%arg6 : memref<128x128xf32, #tpu.memory_space<vmem>>) dst(%dma_wait3A_869 : memref<128x128xf32, #tpu.memory_space<hbm>>)
    %dma_start3A_870 = arith.constant 20 : i32
    %dma_start3A_871 = arith.constant 0 : i32
    %dma_start3A_872 = tpu.memref_slice %arg5[%dma_start3A_870, %dma_start3A_871] : memref<64x128xi32, #tpu.memory_space<vmem>> -> memref<1x128xi32, #tpu.memory_space<vmem>>
    %dma_start3A_873 = tpu.memref_squeeze %dma_start3A_872 : memref<1x128xi32, #tpu.memory_space<vmem>> -> memref<128xi32, #tpu.memory_space<vmem>>
    %dma_start3A_874 = arith.constant 0 : i32
    %dma_start3A_875 = arith.constant 0 : i32
    %dma_start3A_876 = tpu.memref_slice %arg10[%dma_start3A_874, %dma_start3A_875] : memref<1024x128xf32, #tpu.memory_space<vmem_shared>> -> memref<1024x128xf32, #tpu.memory_space<vmem_shared>>
    tpu.enqueue_indirect_dma source(%dma_start3A_876 : memref<1024x128xf32, #tpu.memory_space<vmem_shared>>) target(%arg6 : memref<128x128xf32, #tpu.memory_space<vmem>>) offsets(%dma_start3A_873 : memref<128xi32, #tpu.memory_space<vmem>>) semaphore(%arg11 : memref<!tpu.dma_semaphore, #tpu.memory_space<semaphore_mem>>)
    %dma_start3A_877 = arith.constant 52 : i32
    %dma_start3A_878 = arith.constant 0 : i32
    %dma_start3A_879 = tpu.memref_slice %arg5[%dma_start3A_877, %dma_start3A_878] : memref<64x128xi32, #tpu.memory_space<vmem>> -> memref<1x128xi32, #tpu.memory_space<vmem>>
    %dma_start3A_880 = tpu.memref_squeeze %dma_start3A_879 : memref<1x128xi32, #tpu.memory_space<vmem>> -> memref<128xi32, #tpu.memory_space<vmem>>
    %dma_start3A_881 = arith.constant 0 : i32
    %dma_start3A_882 = arith.constant 0 : i32
    %dma_start3A_883 = tpu.memref_slice %arg10[%dma_start3A_881, %dma_start3A_882] : memref<1024x128xf32, #tpu.memory_space<vmem_shared>> -> memref<1024x128xf32, #tpu.memory_space<vmem_shared>>
    tpu.enqueue_indirect_dma source(%dma_start3A_883 : memref<1024x128xf32, #tpu.memory_space<vmem_shared>>) target(%arg7 : memref<128x128xf32, #tpu.memory_space<vmem>>) offsets(%dma_start3A_880 : memref<128xi32, #tpu.memory_space<vmem>>) semaphore(%arg12 : memref<!tpu.dma_semaphore, #tpu.memory_space<semaphore_mem>>)
    %scan3A_884 = arith.constant 0 : i32
    %scan3A_885 = arith.constant 0 : i32
    %scan3A_886 = arith.constant 128 : i32
    %scan3A_887 = arith.addi %scan3A_885, %scan3A_886 : i32
    %scan3A_888 = arith.constant 1 : i32
    scf.for %scan3A_1414 = %scan3A_885 to %scan3A_887 step %scan3A_888  : i32 {
      %get3A = arith.index_cast %scan3A_1414 : i32 to index
      %get3A_1415 = arith.constant 0 : index
      %get3A_1416 = tpu.vector_load %arg8[%get3A, %get3A_1415] {strides = array<i32>} : memref<128x128xf32, #tpu.memory_space<vmem>>, vector<1x16xf32>,
      %get3A_1417 = vector.shape_cast %get3A_1416 : vector<1x16xf32> to vector<16xf32>
      %get3A_1418 = arith.index_cast %scan3A_1414 : i32 to index
      %get3A_1419 = arith.constant 0 : index
      %get3A_1420 = tpu.vector_load %arg9[%get3A_1418, %get3A_1419] {strides = array<i32>} : memref<128x128xf32, #tpu.memory_space<vmem>>, vector<1x16xf32>,
      %get3A_1421 = vector.shape_cast %get3A_1420 : vector<1x16xf32> to vector<16xf32>
      %mul3A_1422 = arith.mulf %get3A_1417, %get3A_1421 : vector<16xf32>
      %swap3A = arith.index_cast %scan3A_1414 : i32 to index
      %swap3A_1423 = arith.constant 0 : index
      %swap3A_1424 = tpu.vector_load %arg8[%swap3A, %swap3A_1423] {strides = array<i32>} : memref<128x128xf32, #tpu.memory_space<vmem>>, vector<1x16xf32>,
      %swap3A_1425 = vector.shape_cast %swap3A_1424 : vector<1x16xf32> to vector<16xf32>
      %swap3A_1426 = vector.shape_cast %mul3A_1422 : vector<16xf32> to vector<1x16xf32>
      tpu.vector_store %arg8[%swap3A, %swap3A_1423], %swap3A_1426 {strides = array<i32>} : memref<128x128xf32, #tpu.memory_space<vmem>>, vector<1x16xf32>,
      %get3A_1427 = arith.index_cast %scan3A_1414 : i32 to index
      %get3A_1428 = arith.constant 16 : index
      %get3A_1429 = tpu.vector_load %arg8[%get3A_1427, %get3A_1428] {strides = array<i32>} : memref<128x128xf32, #tpu.memory_space<vmem>>, vector<1x16xf32>,
      %get3A_1430 = vector.shape_cast %get3A_1429 : vector<1x16xf32> to vector<16xf32>
      %get3A_1431 = arith.index_cast %scan3A_1414 : i32 to index
      %get3A_1432 = arith.constant 16 : index
      %get3A_1433 = tpu.vector_load %arg9[%get3A_1431, %get3A_1432] {strides = array<i32>} : memref<128x128xf32, #tpu.memory_space<vmem>>, vector<1x16xf32>,
      %get3A_1434 = vector.shape_cast %get3A_1433 : vector<1x16xf32> to vector<16xf32>
      %mul3A_1435 = arith.mulf %get3A_1430, %get3A_1434 : vector<16xf32>
      %swap3A_1436 = arith.index_cast %scan3A_1414 : i32 to index
      %swap3A_1437 = arith.constant 16 : index
      %swap3A_1438 = tpu.vector_load %arg8[%swap3A_1436, %swap3A_1437] {strides = array<i32>} : memref<128x128xf32, #tpu.memory_space<vmem>>, vector<1x16xf32>,
      %swap3A_1439 = vector.shape_cast %swap3A_1438 : vector<1x16xf32> to vector<16xf32>
      %swap3A_1440 = vector.shape_cast %mul3A_1435 : vector<16xf32> to vector<1x16xf32>
      tpu.vector_store %arg8[%swap3A_1436, %swap3A_1437], %swap3A_1440 {strides = array<i32>} : memref<128x128xf32, #tpu.memory_space<vmem>>, vector<1x16xf32>,
      %get3A_1441 = arith.index_cast %scan3A_1414 : i32 to index
      %get3A_1442 = arith.constant 32 : index
      %get3A_1443 = tpu.vector_load %arg8[%get3A_1441, %get3A_1442] {strides = array<i32>} : memref<128x128xf32, #tpu.memory_space<vmem>>, vector<1x16xf32>,
      %get3A_1444 = vector.shape_cast %get3A_1443 : vector<1x16xf32> to vector<16xf32>
      %get3A_1445 = arith.index_cast %scan3A_1414 : i32 to index
      %get3A_1446 = arith.constant 32 : index
      %get3A_1447 = tpu.vector_load %arg9[%get3A_1445, %get3A_1446] {strides = array<i32>} : memref<128x128xf32, #tpu.memory_space<vmem>>, vector<1x16xf32>,
      %get3A_1448 = vector.shape_cast %get3A_1447 : vector<1x16xf32> to vector<16xf32>
      %mul3A_1449 = arith.mulf %get3A_1444, %get3A_1448 : vector<16xf32>
      %swap3A_1450 = arith.index_cast %scan3A_1414 : i32 to index
      %swap3A_1451 = arith.constant 32 : index
      %swap3A_1452 = tpu.vector_load %arg8[%swap3A_1450, %swap3A_1451] {strides = array<i32>} : memref<128x128xf32, #tpu.memory_space<vmem>>, vector<1x16xf32>,
      %swap3A_1453 = vector.shape_cast %swap3A_1452 : vector<1x16xf32> to vector<16xf32>
      %swap3A_1454 = vector.shape_cast %mul3A_1449 : vector<16xf32> to vector<1x16xf32>
      tpu.vector_store %arg8[%swap3A_1450, %swap3A_1451], %swap3A_1454 {strides = array<i32>} : memref<128x128xf32, #tpu.memory_space<vmem>>, vector<1x16xf32>,
      %get3A_1455 = arith.index_cast %scan3A_1414 : i32 to index
      %get3A_1456 = arith.constant 48 : index
      %get3A_1457 = tpu.vector_load %arg8[%get3A_1455, %get3A_1456] {strides = array<i32>} : memref<128x128xf32, #tpu.memory_space<vmem>>, vector<1x16xf32>,
      %get3A_1458 = vector.shape_cast %get3A_1457 : vector<1x16xf32> to vector<16xf32>
      %get3A_1459 = arith.index_cast %scan3A_1414 : i32 to index
      %get3A_1460 = arith.constant 48 : index
      %get3A_1461 = tpu.vector_load %arg9[%get3A_1459, %get3A_1460] {strides = array<i32>} : memref<128x128xf32, #tpu.memory_space<vmem>>, vector<1x16xf32>,
      %get3A_1462 = vector.shape_cast %get3A_1461 : vector<1x16xf32> to vector<16xf32>
      %mul3A_1463 = arith.mulf %get3A_1458, %get3A_1462 : vector<16xf32>
      %swap3A_1464 = arith.index_cast %scan3A_1414 : i32 to index
      %swap3A_1465 = arith.constant 48 : index
      %swap3A_1466 = tpu.vector_load %arg8[%swap3A_1464, %swap3A_1465] {strides = array<i32>} : memref<128x128xf32, #tpu.memory_space<vmem>>, vector<1x16xf32>,
      %swap3A_1467 = vector.shape_cast %swap3A_1466 : vector<1x16xf32> to vector<16xf32>
      %swap3A_1468 = vector.shape_cast %mul3A_1463 : vector<16xf32> to vector<1x16xf32>
      tpu.vector_store %arg8[%swap3A_1464, %swap3A_1465], %swap3A_1468 {strides = array<i32>} : memref<128x128xf32, #tpu.memory_space<vmem>>, vector<1x16xf32>,
    }
    %scan3A_889 = arith.constant 128 : i32
    %add3A_890 = arith.constant 2432 : i32
    %add3A_891 = arith.addi %mul3A_2, %add3A_890 : i32
    %dma_start3A_892 = arith.constant 0 : i32
    %dma_start3A_893 = tpu.memref_slice %arg4[%add3A_891, %dma_start3A_892] : memref<131072x128xf32, #tpu.memory_space<hbm>> -> memref<128x128xf32, #tpu.memory_space<hbm>>
    %dma_start3A_894 = arith.constant 0 : i32
    %dma_start3A_895 = tpu.memref_slice %arg4[%add3A_891, %dma_start3A_894] : memref<131072x128xf32, #tpu.memory_space<hbm>> -> memref<128x128xf32, #tpu.memory_space<hbm>>
    tpu.enqueue_dma source(%arg8 : memref<128x128xf32, #tpu.memory_space<vmem>>) target(%dma_start3A_895 : memref<128x128xf32, #tpu.memory_space<hbm>>) target_semaphore(%arg16 : memref<!tpu.dma_semaphore, #tpu.memory_space<semaphore_mem>>)
    %dma_wait3A_896 = arith.constant 20 : i32
    %dma_wait3A_897 = arith.constant 0 : i32
    %dma_wait3A_898 = tpu.memref_slice %arg5[%dma_wait3A_896, %dma_wait3A_897] : memref<64x128xi32, #tpu.memory_space<vmem>> -> memref<1x128xi32, #tpu.memory_space<vmem>>
    %dma_wait3A_899 = tpu.memref_squeeze %dma_wait3A_898 : memref<1x128xi32, #tpu.memory_space<vmem>> -> memref<128xi32, #tpu.memory_space<vmem>>
    %dma_wait3A_900 = arith.constant 0 : i32
    %dma_wait3A_901 = arith.constant 0 : i32
    %dma_wait3A_902 = tpu.memref_slice %arg10[%dma_wait3A_900, %dma_wait3A_901] : memref<1024x128xf32, #tpu.memory_space<vmem_shared>> -> memref<1024x128xf32, #tpu.memory_space<vmem_shared>>
    tpu.wait_indirect_dma semaphore(%arg11 : memref<!tpu.dma_semaphore, #tpu.memory_space<semaphore_mem>>) src(%dma_wait3A_902 : memref<1024x128xf32, #tpu.memory_space<vmem_shared>>) dst(%arg6 : memref<128x128xf32, #tpu.memory_space<vmem>>)
    %dma_wait3A_903 = arith.constant 52 : i32
    %dma_wait3A_904 = arith.constant 0 : i32
    %dma_wait3A_905 = tpu.memref_slice %arg5[%dma_wait3A_903, %dma_wait3A_904] : memref<64x128xi32, #tpu.memory_space<vmem>> -> memref<1x128xi32, #tpu.memory_space<vmem>>
    %dma_wait3A_906 = tpu.memref_squeeze %dma_wait3A_905 : memref<1x128xi32, #tpu.memory_space<vmem>> -> memref<128xi32, #tpu.memory_space<vmem>>
    %dma_wait3A_907 = arith.constant 0 : i32
    %dma_wait3A_908 = arith.constant 0 : i32
    %dma_wait3A_909 = tpu.memref_slice %arg10[%dma_wait3A_907, %dma_wait3A_908] : memref<1024x128xf32, #tpu.memory_space<vmem_shared>> -> memref<1024x128xf32, #tpu.memory_space<vmem_shared>>
    tpu.wait_indirect_dma semaphore(%arg12 : memref<!tpu.dma_semaphore, #tpu.memory_space<semaphore_mem>>) src(%dma_wait3A_909 : memref<1024x128xf32, #tpu.memory_space<vmem_shared>>) dst(%arg7 : memref<128x128xf32, #tpu.memory_space<vmem>>)
    %dma_wait3A_910 = arith.constant 0 : i32
    %dma_wait3A_911 = tpu.memref_slice %arg4[%add3A_891, %dma_wait3A_910] : memref<131072x128xf32, #tpu.memory_space<hbm>> -> memref<128x128xf32, #tpu.memory_space<hbm>>
    %dma_wait3A_912 = arith.constant 0 : i32
    %dma_wait3A_913 = tpu.memref_slice %arg4[%add3A_891, %dma_wait3A_912] : memref<131072x128xf32, #tpu.memory_space<hbm>> -> memref<128x128xf32, #tpu.memory_space<hbm>>
    tpu.wait_dma2 semaphore(%arg16 : memref<!tpu.dma_semaphore, #tpu.memory_space<semaphore_mem>>) src(%arg8 : memref<128x128xf32, #tpu.memory_space<vmem>>) dst(%dma_wait3A_913 : memref<128x128xf32, #tpu.memory_space<hbm>>)
    %dma_start3A_914 = arith.constant 21 : i32
    %dma_start3A_915 = arith.constant 0 : i32
    %dma_start3A_916 = tpu.memref_slice %arg5[%dma_start3A_914, %dma_start3A_915] : memref<64x128xi32, #tpu.memory_space<vmem>> -> memref<1x128xi32, #tpu.memory_space<vmem>>
    %dma_start3A_917 = tpu.memref_squeeze %dma_start3A_916 : memref<1x128xi32, #tpu.memory_space<vmem>> -> memref<128xi32, #tpu.memory_space<vmem>>
    %dma_start3A_918 = arith.constant 0 : i32
    %dma_start3A_919 = arith.constant 0 : i32
    %dma_start3A_920 = tpu.memref_slice %arg10[%dma_start3A_918, %dma_start3A_919] : memref<1024x128xf32, #tpu.memory_space<vmem_shared>> -> memref<1024x128xf32, #tpu.memory_space<vmem_shared>>
    tpu.enqueue_indirect_dma source(%dma_start3A_920 : memref<1024x128xf32, #tpu.memory_space<vmem_shared>>) target(%arg8 : memref<128x128xf32, #tpu.memory_space<vmem>>) offsets(%dma_start3A_917 : memref<128xi32, #tpu.memory_space<vmem>>) semaphore(%arg13 : memref<!tpu.dma_semaphore, #tpu.memory_space<semaphore_mem>>)
    %dma_start3A_921 = arith.constant 53 : i32
    %dma_start3A_922 = arith.constant 0 : i32
    %dma_start3A_923 = tpu.memref_slice %arg5[%dma_start3A_921, %dma_start3A_922] : memref<64x128xi32, #tpu.memory_space<vmem>> -> memref<1x128xi32, #tpu.memory_space<vmem>>
    %dma_start3A_924 = tpu.memref_squeeze %dma_start3A_923 : memref<1x128xi32, #tpu.memory_space<vmem>> -> memref<128xi32, #tpu.memory_space<vmem>>
    %dma_start3A_925 = arith.constant 0 : i32
    %dma_start3A_926 = arith.constant 0 : i32
    %dma_start3A_927 = tpu.memref_slice %arg10[%dma_start3A_925, %dma_start3A_926] : memref<1024x128xf32, #tpu.memory_space<vmem_shared>> -> memref<1024x128xf32, #tpu.memory_space<vmem_shared>>
    tpu.enqueue_indirect_dma source(%dma_start3A_927 : memref<1024x128xf32, #tpu.memory_space<vmem_shared>>) target(%arg9 : memref<128x128xf32, #tpu.memory_space<vmem>>) offsets(%dma_start3A_924 : memref<128xi32, #tpu.memory_space<vmem>>) semaphore(%arg14 : memref<!tpu.dma_semaphore, #tpu.memory_space<semaphore_mem>>)
    %scan3A_928 = arith.constant 0 : i32
    %scan3A_929 = arith.constant 0 : i32
    %scan3A_930 = arith.constant 128 : i32
    %scan3A_931 = arith.addi %scan3A_929, %scan3A_930 : i32
    %scan3A_932 = arith.constant 1 : i32
    scf.for %scan3A_1414 = %scan3A_929 to %scan3A_931 step %scan3A_932  : i32 {
      %get3A = arith.index_cast %scan3A_1414 : i32 to index
      %get3A_1415 = arith.constant 0 : index
      %get3A_1416 = tpu.vector_load %arg6[%get3A, %get3A_1415] {strides = array<i32>} : memref<128x128xf32, #tpu.memory_space<vmem>>, vector<1x16xf32>,
      %get3A_1417 = vector.shape_cast %get3A_1416 : vector<1x16xf32> to vector<16xf32>
      %get3A_1418 = arith.index_cast %scan3A_1414 : i32 to index
      %get3A_1419 = arith.constant 0 : index
      %get3A_1420 = tpu.vector_load %arg7[%get3A_1418, %get3A_1419] {strides = array<i32>} : memref<128x128xf32, #tpu.memory_space<vmem>>, vector<1x16xf32>,
      %get3A_1421 = vector.shape_cast %get3A_1420 : vector<1x16xf32> to vector<16xf32>
      %mul3A_1422 = arith.mulf %get3A_1417, %get3A_1421 : vector<16xf32>
      %swap3A = arith.index_cast %scan3A_1414 : i32 to index
      %swap3A_1423 = arith.constant 0 : index
      %swap3A_1424 = tpu.vector_load %arg6[%swap3A, %swap3A_1423] {strides = array<i32>} : memref<128x128xf32, #tpu.memory_space<vmem>>, vector<1x16xf32>,
      %swap3A_1425 = vector.shape_cast %swap3A_1424 : vector<1x16xf32> to vector<16xf32>
      %swap3A_1426 = vector.shape_cast %mul3A_1422 : vector<16xf32> to vector<1x16xf32>
      tpu.vector_store %arg6[%swap3A, %swap3A_1423], %swap3A_1426 {strides = array<i32>} : memref<128x128xf32, #tpu.memory_space<vmem>>, vector<1x16xf32>,
      %get3A_1427 = arith.index_cast %scan3A_1414 : i32 to index
      %get3A_1428 = arith.constant 16 : index
      %get3A_1429 = tpu.vector_load %arg6[%get3A_1427, %get3A_1428] {strides = array<i32>} : memref<128x128xf32, #tpu.memory_space<vmem>>, vector<1x16xf32>,
      %get3A_1430 = vector.shape_cast %get3A_1429 : vector<1x16xf32> to vector<16xf32>
      %get3A_1431 = arith.index_cast %scan3A_1414 : i32 to index
      %get3A_1432 = arith.constant 16 : index
      %get3A_1433 = tpu.vector_load %arg7[%get3A_1431, %get3A_1432] {strides = array<i32>} : memref<128x128xf32, #tpu.memory_space<vmem>>, vector<1x16xf32>,
      %get3A_1434 = vector.shape_cast %get3A_1433 : vector<1x16xf32> to vector<16xf32>
      %mul3A_1435 = arith.mulf %get3A_1430, %get3A_1434 : vector<16xf32>
      %swap3A_1436 = arith.index_cast %scan3A_1414 : i32 to index
      %swap3A_1437 = arith.constant 16 : index
      %swap3A_1438 = tpu.vector_load %arg6[%swap3A_1436, %swap3A_1437] {strides = array<i32>} : memref<128x128xf32, #tpu.memory_space<vmem>>, vector<1x16xf32>,
      %swap3A_1439 = vector.shape_cast %swap3A_1438 : vector<1x16xf32> to vector<16xf32>
      %swap3A_1440 = vector.shape_cast %mul3A_1435 : vector<16xf32> to vector<1x16xf32>
      tpu.vector_store %arg6[%swap3A_1436, %swap3A_1437], %swap3A_1440 {strides = array<i32>} : memref<128x128xf32, #tpu.memory_space<vmem>>, vector<1x16xf32>,
      %get3A_1441 = arith.index_cast %scan3A_1414 : i32 to index
      %get3A_1442 = arith.constant 32 : index
      %get3A_1443 = tpu.vector_load %arg6[%get3A_1441, %get3A_1442] {strides = array<i32>} : memref<128x128xf32, #tpu.memory_space<vmem>>, vector<1x16xf32>,
      %get3A_1444 = vector.shape_cast %get3A_1443 : vector<1x16xf32> to vector<16xf32>
      %get3A_1445 = arith.index_cast %scan3A_1414 : i32 to index
      %get3A_1446 = arith.constant 32 : index
      %get3A_1447 = tpu.vector_load %arg7[%get3A_1445, %get3A_1446] {strides = array<i32>} : memref<128x128xf32, #tpu.memory_space<vmem>>, vector<1x16xf32>,
      %get3A_1448 = vector.shape_cast %get3A_1447 : vector<1x16xf32> to vector<16xf32>
      %mul3A_1449 = arith.mulf %get3A_1444, %get3A_1448 : vector<16xf32>
      %swap3A_1450 = arith.index_cast %scan3A_1414 : i32 to index
      %swap3A_1451 = arith.constant 32 : index
      %swap3A_1452 = tpu.vector_load %arg6[%swap3A_1450, %swap3A_1451] {strides = array<i32>} : memref<128x128xf32, #tpu.memory_space<vmem>>, vector<1x16xf32>,
      %swap3A_1453 = vector.shape_cast %swap3A_1452 : vector<1x16xf32> to vector<16xf32>
      %swap3A_1454 = vector.shape_cast %mul3A_1449 : vector<16xf32> to vector<1x16xf32>
      tpu.vector_store %arg6[%swap3A_1450, %swap3A_1451], %swap3A_1454 {strides = array<i32>} : memref<128x128xf32, #tpu.memory_space<vmem>>, vector<1x16xf32>,
      %get3A_1455 = arith.index_cast %scan3A_1414 : i32 to index
      %get3A_1456 = arith.constant 48 : index
      %get3A_1457 = tpu.vector_load %arg6[%get3A_1455, %get3A_1456] {strides = array<i32>} : memref<128x128xf32, #tpu.memory_space<vmem>>, vector<1x16xf32>,
      %get3A_1458 = vector.shape_cast %get3A_1457 : vector<1x16xf32> to vector<16xf32>
      %get3A_1459 = arith.index_cast %scan3A_1414 : i32 to index
      %get3A_1460 = arith.constant 48 : index
      %get3A_1461 = tpu.vector_load %arg7[%get3A_1459, %get3A_1460] {strides = array<i32>} : memref<128x128xf32, #tpu.memory_space<vmem>>, vector<1x16xf32>,
      %get3A_1462 = vector.shape_cast %get3A_1461 : vector<1x16xf32> to vector<16xf32>
      %mul3A_1463 = arith.mulf %get3A_1458, %get3A_1462 : vector<16xf32>
      %swap3A_1464 = arith.index_cast %scan3A_1414 : i32 to index
      %swap3A_1465 = arith.constant 48 : index
      %swap3A_1466 = tpu.vector_load %arg6[%swap3A_1464, %swap3A_1465] {strides = array<i32>} : memref<128x128xf32, #tpu.memory_space<vmem>>, vector<1x16xf32>,
      %swap3A_1467 = vector.shape_cast %swap3A_1466 : vector<1x16xf32> to vector<16xf32>
      %swap3A_1468 = vector.shape_cast %mul3A_1463 : vector<16xf32> to vector<1x16xf32>
      tpu.vector_store %arg6[%swap3A_1464, %swap3A_1465], %swap3A_1468 {strides = array<i32>} : memref<128x128xf32, #tpu.memory_space<vmem>>, vector<1x16xf32>,
    }
    %scan3A_933 = arith.constant 128 : i32
    %add3A_934 = arith.constant 2560 : i32
    %add3A_935 = arith.addi %mul3A_2, %add3A_934 : i32
    %dma_start3A_936 = arith.constant 0 : i32
    %dma_start3A_937 = tpu.memref_slice %arg4[%add3A_935, %dma_start3A_936] : memref<131072x128xf32, #tpu.memory_space<hbm>> -> memref<128x128xf32, #tpu.memory_space<hbm>>
    %dma_start3A_938 = arith.constant 0 : i32
    %dma_start3A_939 = tpu.memref_slice %arg4[%add3A_935, %dma_start3A_938] : memref<131072x128xf32, #tpu.memory_space<hbm>> -> memref<128x128xf32, #tpu.memory_space<hbm>>
    tpu.enqueue_dma source(%arg6 : memref<128x128xf32, #tpu.memory_space<vmem>>) target(%dma_start3A_939 : memref<128x128xf32, #tpu.memory_space<hbm>>) target_semaphore(%arg15 : memref<!tpu.dma_semaphore, #tpu.memory_space<semaphore_mem>>)
    %dma_wait3A_940 = arith.constant 21 : i32
    %dma_wait3A_941 = arith.constant 0 : i32
    %dma_wait3A_942 = tpu.memref_slice %arg5[%dma_wait3A_940, %dma_wait3A_941] : memref<64x128xi32, #tpu.memory_space<vmem>> -> memref<1x128xi32, #tpu.memory_space<vmem>>
    %dma_wait3A_943 = tpu.memref_squeeze %dma_wait3A_942 : memref<1x128xi32, #tpu.memory_space<vmem>> -> memref<128xi32, #tpu.memory_space<vmem>>
    %dma_wait3A_944 = arith.constant 0 : i32
    %dma_wait3A_945 = arith.constant 0 : i32
    %dma_wait3A_946 = tpu.memref_slice %arg10[%dma_wait3A_944, %dma_wait3A_945] : memref<1024x128xf32, #tpu.memory_space<vmem_shared>> -> memref<1024x128xf32, #tpu.memory_space<vmem_shared>>
    tpu.wait_indirect_dma semaphore(%arg13 : memref<!tpu.dma_semaphore, #tpu.memory_space<semaphore_mem>>) src(%dma_wait3A_946 : memref<1024x128xf32, #tpu.memory_space<vmem_shared>>) dst(%arg8 : memref<128x128xf32, #tpu.memory_space<vmem>>)
    %dma_wait3A_947 = arith.constant 53 : i32
    %dma_wait3A_948 = arith.constant 0 : i32
    %dma_wait3A_949 = tpu.memref_slice %arg5[%dma_wait3A_947, %dma_wait3A_948] : memref<64x128xi32, #tpu.memory_space<vmem>> -> memref<1x128xi32, #tpu.memory_space<vmem>>
    %dma_wait3A_950 = tpu.memref_squeeze %dma_wait3A_949 : memref<1x128xi32, #tpu.memory_space<vmem>> -> memref<128xi32, #tpu.memory_space<vmem>>
    %dma_wait3A_951 = arith.constant 0 : i32
    %dma_wait3A_952 = arith.constant 0 : i32
    %dma_wait3A_953 = tpu.memref_slice %arg10[%dma_wait3A_951, %dma_wait3A_952] : memref<1024x128xf32, #tpu.memory_space<vmem_shared>> -> memref<1024x128xf32, #tpu.memory_space<vmem_shared>>
    tpu.wait_indirect_dma semaphore(%arg14 : memref<!tpu.dma_semaphore, #tpu.memory_space<semaphore_mem>>) src(%dma_wait3A_953 : memref<1024x128xf32, #tpu.memory_space<vmem_shared>>) dst(%arg9 : memref<128x128xf32, #tpu.memory_space<vmem>>)
    %dma_wait3A_954 = arith.constant 0 : i32
    %dma_wait3A_955 = tpu.memref_slice %arg4[%add3A_935, %dma_wait3A_954] : memref<131072x128xf32, #tpu.memory_space<hbm>> -> memref<128x128xf32, #tpu.memory_space<hbm>>
    %dma_wait3A_956 = arith.constant 0 : i32
    %dma_wait3A_957 = tpu.memref_slice %arg4[%add3A_935, %dma_wait3A_956] : memref<131072x128xf32, #tpu.memory_space<hbm>> -> memref<128x128xf32, #tpu.memory_space<hbm>>
    tpu.wait_dma2 semaphore(%arg15 : memref<!tpu.dma_semaphore, #tpu.memory_space<semaphore_mem>>) src(%arg6 : memref<128x128xf32, #tpu.memory_space<vmem>>) dst(%dma_wait3A_957 : memref<128x128xf32, #tpu.memory_space<hbm>>)
    %dma_start3A_958 = arith.constant 22 : i32
    %dma_start3A_959 = arith.constant 0 : i32
    %dma_start3A_960 = tpu.memref_slice %arg5[%dma_start3A_958, %dma_start3A_959] : memref<64x128xi32, #tpu.memory_space<vmem>> -> memref<1x128xi32, #tpu.memory_space<vmem>>
    %dma_start3A_961 = tpu.memref_squeeze %dma_start3A_960 : memref<1x128xi32, #tpu.memory_space<vmem>> -> memref<128xi32, #tpu.memory_space<vmem>>
    %dma_start3A_962 = arith.constant 0 : i32
    %dma_start3A_963 = arith.constant 0 : i32
    %dma_start3A_964 = tpu.memref_slice %arg10[%dma_start3A_962, %dma_start3A_963] : memref<1024x128xf32, #tpu.memory_space<vmem_shared>> -> memref<1024x128xf32, #tpu.memory_space<vmem_shared>>
    tpu.enqueue_indirect_dma source(%dma_start3A_964 : memref<1024x128xf32, #tpu.memory_space<vmem_shared>>) target(%arg6 : memref<128x128xf32, #tpu.memory_space<vmem>>) offsets(%dma_start3A_961 : memref<128xi32, #tpu.memory_space<vmem>>) semaphore(%arg11 : memref<!tpu.dma_semaphore, #tpu.memory_space<semaphore_mem>>)
    %dma_start3A_965 = arith.constant 54 : i32
    %dma_start3A_966 = arith.constant 0 : i32
    %dma_start3A_967 = tpu.memref_slice %arg5[%dma_start3A_965, %dma_start3A_966] : memref<64x128xi32, #tpu.memory_space<vmem>> -> memref<1x128xi32, #tpu.memory_space<vmem>>
    %dma_start3A_968 = tpu.memref_squeeze %dma_start3A_967 : memref<1x128xi32, #tpu.memory_space<vmem>> -> memref<128xi32, #tpu.memory_space<vmem>>
    %dma_start3A_969 = arith.constant 0 : i32
    %dma_start3A_970 = arith.constant 0 : i32
    %dma_start3A_971 = tpu.memref_slice %arg10[%dma_start3A_969, %dma_start3A_970] : memref<1024x128xf32, #tpu.memory_space<vmem_shared>> -> memref<1024x128xf32, #tpu.memory_space<vmem_shared>>
    tpu.enqueue_indirect_dma source(%dma_start3A_971 : memref<1024x128xf32, #tpu.memory_space<vmem_shared>>) target(%arg7 : memref<128x128xf32, #tpu.memory_space<vmem>>) offsets(%dma_start3A_968 : memref<128xi32, #tpu.memory_space<vmem>>) semaphore(%arg12 : memref<!tpu.dma_semaphore, #tpu.memory_space<semaphore_mem>>)
    %scan3A_972 = arith.constant 0 : i32
    %scan3A_973 = arith.constant 0 : i32
    %scan3A_974 = arith.constant 128 : i32
    %scan3A_975 = arith.addi %scan3A_973, %scan3A_974 : i32
    %scan3A_976 = arith.constant 1 : i32
    scf.for %scan3A_1414 = %scan3A_973 to %scan3A_975 step %scan3A_976  : i32 {
      %get3A = arith.index_cast %scan3A_1414 : i32 to index
      %get3A_1415 = arith.constant 0 : index
      %get3A_1416 = tpu.vector_load %arg8[%get3A, %get3A_1415] {strides = array<i32>} : memref<128x128xf32, #tpu.memory_space<vmem>>, vector<1x16xf32>,
      %get3A_1417 = vector.shape_cast %get3A_1416 : vector<1x16xf32> to vector<16xf32>
      %get3A_1418 = arith.index_cast %scan3A_1414 : i32 to index
      %get3A_1419 = arith.constant 0 : index
      %get3A_1420 = tpu.vector_load %arg9[%get3A_1418, %get3A_1419] {strides = array<i32>} : memref<128x128xf32, #tpu.memory_space<vmem>>, vector<1x16xf32>,
      %get3A_1421 = vector.shape_cast %get3A_1420 : vector<1x16xf32> to vector<16xf32>
      %mul3A_1422 = arith.mulf %get3A_1417, %get3A_1421 : vector<16xf32>
      %swap3A = arith.index_cast %scan3A_1414 : i32 to index
      %swap3A_1423 = arith.constant 0 : index
      %swap3A_1424 = tpu.vector_load %arg8[%swap3A, %swap3A_1423] {strides = array<i32>} : memref<128x128xf32, #tpu.memory_space<vmem>>, vector<1x16xf32>,
      %swap3A_1425 = vector.shape_cast %swap3A_1424 : vector<1x16xf32> to vector<16xf32>
      %swap3A_1426 = vector.shape_cast %mul3A_1422 : vector<16xf32> to vector<1x16xf32>
      tpu.vector_store %arg8[%swap3A, %swap3A_1423], %swap3A_1426 {strides = array<i32>} : memref<128x128xf32, #tpu.memory_space<vmem>>, vector<1x16xf32>,
      %get3A_1427 = arith.index_cast %scan3A_1414 : i32 to index
      %get3A_1428 = arith.constant 16 : index
      %get3A_1429 = tpu.vector_load %arg8[%get3A_1427, %get3A_1428] {strides = array<i32>} : memref<128x128xf32, #tpu.memory_space<vmem>>, vector<1x16xf32>,
      %get3A_1430 = vector.shape_cast %get3A_1429 : vector<1x16xf32> to vector<16xf32>
      %get3A_1431 = arith.index_cast %scan3A_1414 : i32 to index
      %get3A_1432 = arith.constant 16 : index
      %get3A_1433 = tpu.vector_load %arg9[%get3A_1431, %get3A_1432] {strides = array<i32>} : memref<128x128xf32, #tpu.memory_space<vmem>>, vector<1x16xf32>,
      %get3A_1434 = vector.shape_cast %get3A_1433 : vector<1x16xf32> to vector<16xf32>
      %mul3A_1435 = arith.mulf %get3A_1430, %get3A_1434 : vector<16xf32>
      %swap3A_1436 = arith.index_cast %scan3A_1414 : i32 to index
      %swap3A_1437 = arith.constant 16 : index
      %swap3A_1438 = tpu.vector_load %arg8[%swap3A_1436, %swap3A_1437] {strides = array<i32>} : memref<128x128xf32, #tpu.memory_space<vmem>>, vector<1x16xf32>,
      %swap3A_1439 = vector.shape_cast %swap3A_1438 : vector<1x16xf32> to vector<16xf32>
      %swap3A_1440 = vector.shape_cast %mul3A_1435 : vector<16xf32> to vector<1x16xf32>
      tpu.vector_store %arg8[%swap3A_1436, %swap3A_1437], %swap3A_1440 {strides = array<i32>} : memref<128x128xf32, #tpu.memory_space<vmem>>, vector<1x16xf32>,
      %get3A_1441 = arith.index_cast %scan3A_1414 : i32 to index
      %get3A_1442 = arith.constant 32 : index
      %get3A_1443 = tpu.vector_load %arg8[%get3A_1441, %get3A_1442] {strides = array<i32>} : memref<128x128xf32, #tpu.memory_space<vmem>>, vector<1x16xf32>,
      %get3A_1444 = vector.shape_cast %get3A_1443 : vector<1x16xf32> to vector<16xf32>
      %get3A_1445 = arith.index_cast %scan3A_1414 : i32 to index
      %get3A_1446 = arith.constant 32 : index
      %get3A_1447 = tpu.vector_load %arg9[%get3A_1445, %get3A_1446] {strides = array<i32>} : memref<128x128xf32, #tpu.memory_space<vmem>>, vector<1x16xf32>,
      %get3A_1448 = vector.shape_cast %get3A_1447 : vector<1x16xf32> to vector<16xf32>
      %mul3A_1449 = arith.mulf %get3A_1444, %get3A_1448 : vector<16xf32>
      %swap3A_1450 = arith.index_cast %scan3A_1414 : i32 to index
      %swap3A_1451 = arith.constant 32 : index
      %swap3A_1452 = tpu.vector_load %arg8[%swap3A_1450, %swap3A_1451] {strides = array<i32>} : memref<128x128xf32, #tpu.memory_space<vmem>>, vector<1x16xf32>,
      %swap3A_1453 = vector.shape_cast %swap3A_1452 : vector<1x16xf32> to vector<16xf32>
      %swap3A_1454 = vector.shape_cast %mul3A_1449 : vector<16xf32> to vector<1x16xf32>
      tpu.vector_store %arg8[%swap3A_1450, %swap3A_1451], %swap3A_1454 {strides = array<i32>} : memref<128x128xf32, #tpu.memory_space<vmem>>, vector<1x16xf32>,
      %get3A_1455 = arith.index_cast %scan3A_1414 : i32 to index
      %get3A_1456 = arith.constant 48 : index
      %get3A_1457 = tpu.vector_load %arg8[%get3A_1455, %get3A_1456] {strides = array<i32>} : memref<128x128xf32, #tpu.memory_space<vmem>>, vector<1x16xf32>,
      %get3A_1458 = vector.shape_cast %get3A_1457 : vector<1x16xf32> to vector<16xf32>
      %get3A_1459 = arith.index_cast %scan3A_1414 : i32 to index
      %get3A_1460 = arith.constant 48 : index
      %get3A_1461 = tpu.vector_load %arg9[%get3A_1459, %get3A_1460] {strides = array<i32>} : memref<128x128xf32, #tpu.memory_space<vmem>>, vector<1x16xf32>,
      %get3A_1462 = vector.shape_cast %get3A_1461 : vector<1x16xf32> to vector<16xf32>
      %mul3A_1463 = arith.mulf %get3A_1458, %get3A_1462 : vector<16xf32>
      %swap3A_1464 = arith.index_cast %scan3A_1414 : i32 to index
      %swap3A_1465 = arith.constant 48 : index
      %swap3A_1466 = tpu.vector_load %arg8[%swap3A_1464, %swap3A_1465] {strides = array<i32>} : memref<128x128xf32, #tpu.memory_space<vmem>>, vector<1x16xf32>,
      %swap3A_1467 = vector.shape_cast %swap3A_1466 : vector<1x16xf32> to vector<16xf32>
      %swap3A_1468 = vector.shape_cast %mul3A_1463 : vector<16xf32> to vector<1x16xf32>
      tpu.vector_store %arg8[%swap3A_1464, %swap3A_1465], %swap3A_1468 {strides = array<i32>} : memref<128x128xf32, #tpu.memory_space<vmem>>, vector<1x16xf32>,
    }
    %scan3A_977 = arith.constant 128 : i32
    %add3A_978 = arith.constant 2688 : i32
    %add3A_979 = arith.addi %mul3A_2, %add3A_978 : i32
    %dma_start3A_980 = arith.constant 0 : i32
    %dma_start3A_981 = tpu.memref_slice %arg4[%add3A_979, %dma_start3A_980] : memref<131072x128xf32, #tpu.memory_space<hbm>> -> memref<128x128xf32, #tpu.memory_space<hbm>>
    %dma_start3A_982 = arith.constant 0 : i32
    %dma_start3A_983 = tpu.memref_slice %arg4[%add3A_979, %dma_start3A_982] : memref<131072x128xf32, #tpu.memory_space<hbm>> -> memref<128x128xf32, #tpu.memory_space<hbm>>
    tpu.enqueue_dma source(%arg8 : memref<128x128xf32, #tpu.memory_space<vmem>>) target(%dma_start3A_983 : memref<128x128xf32, #tpu.memory_space<hbm>>) target_semaphore(%arg16 : memref<!tpu.dma_semaphore, #tpu.memory_space<semaphore_mem>>)
    %dma_wait3A_984 = arith.constant 22 : i32
    %dma_wait3A_985 = arith.constant 0 : i32
    %dma_wait3A_986 = tpu.memref_slice %arg5[%dma_wait3A_984, %dma_wait3A_985] : memref<64x128xi32, #tpu.memory_space<vmem>> -> memref<1x128xi32, #tpu.memory_space<vmem>>
    %dma_wait3A_987 = tpu.memref_squeeze %dma_wait3A_986 : memref<1x128xi32, #tpu.memory_space<vmem>> -> memref<128xi32, #tpu.memory_space<vmem>>
    %dma_wait3A_988 = arith.constant 0 : i32
    %dma_wait3A_989 = arith.constant 0 : i32
    %dma_wait3A_990 = tpu.memref_slice %arg10[%dma_wait3A_988, %dma_wait3A_989] : memref<1024x128xf32, #tpu.memory_space<vmem_shared>> -> memref<1024x128xf32, #tpu.memory_space<vmem_shared>>
    tpu.wait_indirect_dma semaphore(%arg11 : memref<!tpu.dma_semaphore, #tpu.memory_space<semaphore_mem>>) src(%dma_wait3A_990 : memref<1024x128xf32, #tpu.memory_space<vmem_shared>>) dst(%arg6 : memref<128x128xf32, #tpu.memory_space<vmem>>)
    %dma_wait3A_991 = arith.constant 54 : i32
    %dma_wait3A_992 = arith.constant 0 : i32
    %dma_wait3A_993 = tpu.memref_slice %arg5[%dma_wait3A_991, %dma_wait3A_992] : memref<64x128xi32, #tpu.memory_space<vmem>> -> memref<1x128xi32, #tpu.memory_space<vmem>>
    %dma_wait3A_994 = tpu.memref_squeeze %dma_wait3A_993 : memref<1x128xi32, #tpu.memory_space<vmem>> -> memref<128xi32, #tpu.memory_space<vmem>>
    %dma_wait3A_995 = arith.constant 0 : i32
    %dma_wait3A_996 = arith.constant 0 : i32
    %dma_wait3A_997 = tpu.memref_slice %arg10[%dma_wait3A_995, %dma_wait3A_996] : memref<1024x128xf32, #tpu.memory_space<vmem_shared>> -> memref<1024x128xf32, #tpu.memory_space<vmem_shared>>
    tpu.wait_indirect_dma semaphore(%arg12 : memref<!tpu.dma_semaphore, #tpu.memory_space<semaphore_mem>>) src(%dma_wait3A_997 : memref<1024x128xf32, #tpu.memory_space<vmem_shared>>) dst(%arg7 : memref<128x128xf32, #tpu.memory_space<vmem>>)
    %dma_wait3A_998 = arith.constant 0 : i32
    %dma_wait3A_999 = tpu.memref_slice %arg4[%add3A_979, %dma_wait3A_998] : memref<131072x128xf32, #tpu.memory_space<hbm>> -> memref<128x128xf32, #tpu.memory_space<hbm>>
    %dma_wait3A_1000 = arith.constant 0 : i32
    %dma_wait3A_1001 = tpu.memref_slice %arg4[%add3A_979, %dma_wait3A_1000] : memref<131072x128xf32, #tpu.memory_space<hbm>> -> memref<128x128xf32, #tpu.memory_space<hbm>>
    tpu.wait_dma2 semaphore(%arg16 : memref<!tpu.dma_semaphore, #tpu.memory_space<semaphore_mem>>) src(%arg8 : memref<128x128xf32, #tpu.memory_space<vmem>>) dst(%dma_wait3A_1001 : memref<128x128xf32, #tpu.memory_space<hbm>>)
    %dma_start3A_1002 = arith.constant 23 : i32
    %dma_start3A_1003 = arith.constant 0 : i32
    %dma_start3A_1004 = tpu.memref_slice %arg5[%dma_start3A_1002, %dma_start3A_1003] : memref<64x128xi32, #tpu.memory_space<vmem>> -> memref<1x128xi32, #tpu.memory_space<vmem>>
    %dma_start3A_1005 = tpu.memref_squeeze %dma_start3A_1004 : memref<1x128xi32, #tpu.memory_space<vmem>> -> memref<128xi32, #tpu.memory_space<vmem>>
    %dma_start3A_1006 = arith.constant 0 : i32
    %dma_start3A_1007 = arith.constant 0 : i32
    %dma_start3A_1008 = tpu.memref_slice %arg10[%dma_start3A_1006, %dma_start3A_1007] : memref<1024x128xf32, #tpu.memory_space<vmem_shared>> -> memref<1024x128xf32, #tpu.memory_space<vmem_shared>>
    tpu.enqueue_indirect_dma source(%dma_start3A_1008 : memref<1024x128xf32, #tpu.memory_space<vmem_shared>>) target(%arg8 : memref<128x128xf32, #tpu.memory_space<vmem>>) offsets(%dma_start3A_1005 : memref<128xi32, #tpu.memory_space<vmem>>) semaphore(%arg13 : memref<!tpu.dma_semaphore, #tpu.memory_space<semaphore_mem>>)
    %dma_start3A_1009 = arith.constant 55 : i32
    %dma_start3A_1010 = arith.constant 0 : i32
    %dma_start3A_1011 = tpu.memref_slice %arg5[%dma_start3A_1009, %dma_start3A_1010] : memref<64x128xi32, #tpu.memory_space<vmem>> -> memref<1x128xi32, #tpu.memory_space<vmem>>
    %dma_start3A_1012 = tpu.memref_squeeze %dma_start3A_1011 : memref<1x128xi32, #tpu.memory_space<vmem>> -> memref<128xi32, #tpu.memory_space<vmem>>
    %dma_start3A_1013 = arith.constant 0 : i32
    %dma_start3A_1014 = arith.constant 0 : i32
    %dma_start3A_1015 = tpu.memref_slice %arg10[%dma_start3A_1013, %dma_start3A_1014] : memref<1024x128xf32, #tpu.memory_space<vmem_shared>> -> memref<1024x128xf32, #tpu.memory_space<vmem_shared>>
    tpu.enqueue_indirect_dma source(%dma_start3A_1015 : memref<1024x128xf32, #tpu.memory_space<vmem_shared>>) target(%arg9 : memref<128x128xf32, #tpu.memory_space<vmem>>) offsets(%dma_start3A_1012 : memref<128xi32, #tpu.memory_space<vmem>>) semaphore(%arg14 : memref<!tpu.dma_semaphore, #tpu.memory_space<semaphore_mem>>)
    %scan3A_1016 = arith.constant 0 : i32
    %scan3A_1017 = arith.constant 0 : i32
    %scan3A_1018 = arith.constant 128 : i32
    %scan3A_1019 = arith.addi %scan3A_1017, %scan3A_1018 : i32
    %scan3A_1020 = arith.constant 1 : i32
    scf.for %scan3A_1414 = %scan3A_1017 to %scan3A_1019 step %scan3A_1020  : i32 {
      %get3A = arith.index_cast %scan3A_1414 : i32 to index
      %get3A_1415 = arith.constant 0 : index
      %get3A_1416 = tpu.vector_load %arg6[%get3A, %get3A_1415] {strides = array<i32>} : memref<128x128xf32, #tpu.memory_space<vmem>>, vector<1x16xf32>,
      %get3A_1417 = vector.shape_cast %get3A_1416 : vector<1x16xf32> to vector<16xf32>
      %get3A_1418 = arith.index_cast %scan3A_1414 : i32 to index
      %get3A_1419 = arith.constant 0 : index
      %get3A_1420 = tpu.vector_load %arg7[%get3A_1418, %get3A_1419] {strides = array<i32>} : memref<128x128xf32, #tpu.memory_space<vmem>>, vector<1x16xf32>,
      %get3A_1421 = vector.shape_cast %get3A_1420 : vector<1x16xf32> to vector<16xf32>
      %mul3A_1422 = arith.mulf %get3A_1417, %get3A_1421 : vector<16xf32>
      %swap3A = arith.index_cast %scan3A_1414 : i32 to index
      %swap3A_1423 = arith.constant 0 : index
      %swap3A_1424 = tpu.vector_load %arg6[%swap3A, %swap3A_1423] {strides = array<i32>} : memref<128x128xf32, #tpu.memory_space<vmem>>, vector<1x16xf32>,
      %swap3A_1425 = vector.shape_cast %swap3A_1424 : vector<1x16xf32> to vector<16xf32>
      %swap3A_1426 = vector.shape_cast %mul3A_1422 : vector<16xf32> to vector<1x16xf32>
      tpu.vector_store %arg6[%swap3A, %swap3A_1423], %swap3A_1426 {strides = array<i32>} : memref<128x128xf32, #tpu.memory_space<vmem>>, vector<1x16xf32>,
      %get3A_1427 = arith.index_cast %scan3A_1414 : i32 to index
      %get3A_1428 = arith.constant 16 : index
      %get3A_1429 = tpu.vector_load %arg6[%get3A_1427, %get3A_1428] {strides = array<i32>} : memref<128x128xf32, #tpu.memory_space<vmem>>, vector<1x16xf32>,
      %get3A_1430 = vector.shape_cast %get3A_1429 : vector<1x16xf32> to vector<16xf32>
      %get3A_1431 = arith.index_cast %scan3A_1414 : i32 to index
      %get3A_1432 = arith.constant 16 : index
      %get3A_1433 = tpu.vector_load %arg7[%get3A_1431, %get3A_1432] {strides = array<i32>} : memref<128x128xf32, #tpu.memory_space<vmem>>, vector<1x16xf32>,
      %get3A_1434 = vector.shape_cast %get3A_1433 : vector<1x16xf32> to vector<16xf32>
      %mul3A_1435 = arith.mulf %get3A_1430, %get3A_1434 : vector<16xf32>
      %swap3A_1436 = arith.index_cast %scan3A_1414 : i32 to index
      %swap3A_1437 = arith.constant 16 : index
      %swap3A_1438 = tpu.vector_load %arg6[%swap3A_1436, %swap3A_1437] {strides = array<i32>} : memref<128x128xf32, #tpu.memory_space<vmem>>, vector<1x16xf32>,
      %swap3A_1439 = vector.shape_cast %swap3A_1438 : vector<1x16xf32> to vector<16xf32>
      %swap3A_1440 = vector.shape_cast %mul3A_1435 : vector<16xf32> to vector<1x16xf32>
      tpu.vector_store %arg6[%swap3A_1436, %swap3A_1437], %swap3A_1440 {strides = array<i32>} : memref<128x128xf32, #tpu.memory_space<vmem>>, vector<1x16xf32>,
      %get3A_1441 = arith.index_cast %scan3A_1414 : i32 to index
      %get3A_1442 = arith.constant 32 : index
      %get3A_1443 = tpu.vector_load %arg6[%get3A_1441, %get3A_1442] {strides = array<i32>} : memref<128x128xf32, #tpu.memory_space<vmem>>, vector<1x16xf32>,
      %get3A_1444 = vector.shape_cast %get3A_1443 : vector<1x16xf32> to vector<16xf32>
      %get3A_1445 = arith.index_cast %scan3A_1414 : i32 to index
      %get3A_1446 = arith.constant 32 : index
      %get3A_1447 = tpu.vector_load %arg7[%get3A_1445, %get3A_1446] {strides = array<i32>} : memref<128x128xf32, #tpu.memory_space<vmem>>, vector<1x16xf32>,
      %get3A_1448 = vector.shape_cast %get3A_1447 : vector<1x16xf32> to vector<16xf32>
      %mul3A_1449 = arith.mulf %get3A_1444, %get3A_1448 : vector<16xf32>
      %swap3A_1450 = arith.index_cast %scan3A_1414 : i32 to index
      %swap3A_1451 = arith.constant 32 : index
      %swap3A_1452 = tpu.vector_load %arg6[%swap3A_1450, %swap3A_1451] {strides = array<i32>} : memref<128x128xf32, #tpu.memory_space<vmem>>, vector<1x16xf32>,
      %swap3A_1453 = vector.shape_cast %swap3A_1452 : vector<1x16xf32> to vector<16xf32>
      %swap3A_1454 = vector.shape_cast %mul3A_1449 : vector<16xf32> to vector<1x16xf32>
      tpu.vector_store %arg6[%swap3A_1450, %swap3A_1451], %swap3A_1454 {strides = array<i32>} : memref<128x128xf32, #tpu.memory_space<vmem>>, vector<1x16xf32>,
      %get3A_1455 = arith.index_cast %scan3A_1414 : i32 to index
      %get3A_1456 = arith.constant 48 : index
      %get3A_1457 = tpu.vector_load %arg6[%get3A_1455, %get3A_1456] {strides = array<i32>} : memref<128x128xf32, #tpu.memory_space<vmem>>, vector<1x16xf32>,
      %get3A_1458 = vector.shape_cast %get3A_1457 : vector<1x16xf32> to vector<16xf32>
      %get3A_1459 = arith.index_cast %scan3A_1414 : i32 to index
      %get3A_1460 = arith.constant 48 : index
      %get3A_1461 = tpu.vector_load %arg7[%get3A_1459, %get3A_1460] {strides = array<i32>} : memref<128x128xf32, #tpu.memory_space<vmem>>, vector<1x16xf32>,
      %get3A_1462 = vector.shape_cast %get3A_1461 : vector<1x16xf32> to vector<16xf32>
      %mul3A_1463 = arith.mulf %get3A_1458, %get3A_1462 : vector<16xf32>
      %swap3A_1464 = arith.index_cast %scan3A_1414 : i32 to index
      %swap3A_1465 = arith.constant 48 : index
      %swap3A_1466 = tpu.vector_load %arg6[%swap3A_1464, %swap3A_1465] {strides = array<i32>} : memref<128x128xf32, #tpu.memory_space<vmem>>, vector<1x16xf32>,
      %swap3A_1467 = vector.shape_cast %swap3A_1466 : vector<1x16xf32> to vector<16xf32>
      %swap3A_1468 = vector.shape_cast %mul3A_1463 : vector<16xf32> to vector<1x16xf32>
      tpu.vector_store %arg6[%swap3A_1464, %swap3A_1465], %swap3A_1468 {strides = array<i32>} : memref<128x128xf32, #tpu.memory_space<vmem>>, vector<1x16xf32>,
    }
    %scan3A_1021 = arith.constant 128 : i32
    %add3A_1022 = arith.constant 2816 : i32
    %add3A_1023 = arith.addi %mul3A_2, %add3A_1022 : i32
    %dma_start3A_1024 = arith.constant 0 : i32
    %dma_start3A_1025 = tpu.memref_slice %arg4[%add3A_1023, %dma_start3A_1024] : memref<131072x128xf32, #tpu.memory_space<hbm>> -> memref<128x128xf32, #tpu.memory_space<hbm>>
    %dma_start3A_1026 = arith.constant 0 : i32
    %dma_start3A_1027 = tpu.memref_slice %arg4[%add3A_1023, %dma_start3A_1026] : memref<131072x128xf32, #tpu.memory_space<hbm>> -> memref<128x128xf32, #tpu.memory_space<hbm>>
    tpu.enqueue_dma source(%arg6 : memref<128x128xf32, #tpu.memory_space<vmem>>) target(%dma_start3A_1027 : memref<128x128xf32, #tpu.memory_space<hbm>>) target_semaphore(%arg15 : memref<!tpu.dma_semaphore, #tpu.memory_space<semaphore_mem>>)
    %dma_wait3A_1028 = arith.constant 23 : i32
    %dma_wait3A_1029 = arith.constant 0 : i32
    %dma_wait3A_1030 = tpu.memref_slice %arg5[%dma_wait3A_1028, %dma_wait3A_1029] : memref<64x128xi32, #tpu.memory_space<vmem>> -> memref<1x128xi32, #tpu.memory_space<vmem>>
    %dma_wait3A_1031 = tpu.memref_squeeze %dma_wait3A_1030 : memref<1x128xi32, #tpu.memory_space<vmem>> -> memref<128xi32, #tpu.memory_space<vmem>>
    %dma_wait3A_1032 = arith.constant 0 : i32
    %dma_wait3A_1033 = arith.constant 0 : i32
    %dma_wait3A_1034 = tpu.memref_slice %arg10[%dma_wait3A_1032, %dma_wait3A_1033] : memref<1024x128xf32, #tpu.memory_space<vmem_shared>> -> memref<1024x128xf32, #tpu.memory_space<vmem_shared>>
    tpu.wait_indirect_dma semaphore(%arg13 : memref<!tpu.dma_semaphore, #tpu.memory_space<semaphore_mem>>) src(%dma_wait3A_1034 : memref<1024x128xf32, #tpu.memory_space<vmem_shared>>) dst(%arg8 : memref<128x128xf32, #tpu.memory_space<vmem>>)
    %dma_wait3A_1035 = arith.constant 55 : i32
    %dma_wait3A_1036 = arith.constant 0 : i32
    %dma_wait3A_1037 = tpu.memref_slice %arg5[%dma_wait3A_1035, %dma_wait3A_1036] : memref<64x128xi32, #tpu.memory_space<vmem>> -> memref<1x128xi32, #tpu.memory_space<vmem>>
    %dma_wait3A_1038 = tpu.memref_squeeze %dma_wait3A_1037 : memref<1x128xi32, #tpu.memory_space<vmem>> -> memref<128xi32, #tpu.memory_space<vmem>>
    %dma_wait3A_1039 = arith.constant 0 : i32
    %dma_wait3A_1040 = arith.constant 0 : i32
    %dma_wait3A_1041 = tpu.memref_slice %arg10[%dma_wait3A_1039, %dma_wait3A_1040] : memref<1024x128xf32, #tpu.memory_space<vmem_shared>> -> memref<1024x128xf32, #tpu.memory_space<vmem_shared>>
    tpu.wait_indirect_dma semaphore(%arg14 : memref<!tpu.dma_semaphore, #tpu.memory_space<semaphore_mem>>) src(%dma_wait3A_1041 : memref<1024x128xf32, #tpu.memory_space<vmem_shared>>) dst(%arg9 : memref<128x128xf32, #tpu.memory_space<vmem>>)
    %dma_wait3A_1042 = arith.constant 0 : i32
    %dma_wait3A_1043 = tpu.memref_slice %arg4[%add3A_1023, %dma_wait3A_1042] : memref<131072x128xf32, #tpu.memory_space<hbm>> -> memref<128x128xf32, #tpu.memory_space<hbm>>
    %dma_wait3A_1044 = arith.constant 0 : i32
    %dma_wait3A_1045 = tpu.memref_slice %arg4[%add3A_1023, %dma_wait3A_1044] : memref<131072x128xf32, #tpu.memory_space<hbm>> -> memref<128x128xf32, #tpu.memory_space<hbm>>
    tpu.wait_dma2 semaphore(%arg15 : memref<!tpu.dma_semaphore, #tpu.memory_space<semaphore_mem>>) src(%arg6 : memref<128x128xf32, #tpu.memory_space<vmem>>) dst(%dma_wait3A_1045 : memref<128x128xf32, #tpu.memory_space<hbm>>)
    %dma_start3A_1046 = arith.constant 24 : i32
    %dma_start3A_1047 = arith.constant 0 : i32
    %dma_start3A_1048 = tpu.memref_slice %arg5[%dma_start3A_1046, %dma_start3A_1047] : memref<64x128xi32, #tpu.memory_space<vmem>> -> memref<1x128xi32, #tpu.memory_space<vmem>>
    %dma_start3A_1049 = tpu.memref_squeeze %dma_start3A_1048 : memref<1x128xi32, #tpu.memory_space<vmem>> -> memref<128xi32, #tpu.memory_space<vmem>>
    %dma_start3A_1050 = arith.constant 0 : i32
    %dma_start3A_1051 = arith.constant 0 : i32
    %dma_start3A_1052 = tpu.memref_slice %arg10[%dma_start3A_1050, %dma_start3A_1051] : memref<1024x128xf32, #tpu.memory_space<vmem_shared>> -> memref<1024x128xf32, #tpu.memory_space<vmem_shared>>
    tpu.enqueue_indirect_dma source(%dma_start3A_1052 : memref<1024x128xf32, #tpu.memory_space<vmem_shared>>) target(%arg6 : memref<128x128xf32, #tpu.memory_space<vmem>>) offsets(%dma_start3A_1049 : memref<128xi32, #tpu.memory_space<vmem>>) semaphore(%arg11 : memref<!tpu.dma_semaphore, #tpu.memory_space<semaphore_mem>>)
    %dma_start3A_1053 = arith.constant 56 : i32
    %dma_start3A_1054 = arith.constant 0 : i32
    %dma_start3A_1055 = tpu.memref_slice %arg5[%dma_start3A_1053, %dma_start3A_1054] : memref<64x128xi32, #tpu.memory_space<vmem>> -> memref<1x128xi32, #tpu.memory_space<vmem>>
    %dma_start3A_1056 = tpu.memref_squeeze %dma_start3A_1055 : memref<1x128xi32, #tpu.memory_space<vmem>> -> memref<128xi32, #tpu.memory_space<vmem>>
    %dma_start3A_1057 = arith.constant 0 : i32
    %dma_start3A_1058 = arith.constant 0 : i32
    %dma_start3A_1059 = tpu.memref_slice %arg10[%dma_start3A_1057, %dma_start3A_1058] : memref<1024x128xf32, #tpu.memory_space<vmem_shared>> -> memref<1024x128xf32, #tpu.memory_space<vmem_shared>>
    tpu.enqueue_indirect_dma source(%dma_start3A_1059 : memref<1024x128xf32, #tpu.memory_space<vmem_shared>>) target(%arg7 : memref<128x128xf32, #tpu.memory_space<vmem>>) offsets(%dma_start3A_1056 : memref<128xi32, #tpu.memory_space<vmem>>) semaphore(%arg12 : memref<!tpu.dma_semaphore, #tpu.memory_space<semaphore_mem>>)
    %scan3A_1060 = arith.constant 0 : i32
    %scan3A_1061 = arith.constant 0 : i32
    %scan3A_1062 = arith.constant 128 : i32
    %scan3A_1063 = arith.addi %scan3A_1061, %scan3A_1062 : i32
    %scan3A_1064 = arith.constant 1 : i32
    scf.for %scan3A_1414 = %scan3A_1061 to %scan3A_1063 step %scan3A_1064  : i32 {
      %get3A = arith.index_cast %scan3A_1414 : i32 to index
      %get3A_1415 = arith.constant 0 : index
      %get3A_1416 = tpu.vector_load %arg8[%get3A, %get3A_1415] {strides = array<i32>} : memref<128x128xf32, #tpu.memory_space<vmem>>, vector<1x16xf32>,
      %get3A_1417 = vector.shape_cast %get3A_1416 : vector<1x16xf32> to vector<16xf32>
      %get3A_1418 = arith.index_cast %scan3A_1414 : i32 to index
      %get3A_1419 = arith.constant 0 : index
      %get3A_1420 = tpu.vector_load %arg9[%get3A_1418, %get3A_1419] {strides = array<i32>} : memref<128x128xf32, #tpu.memory_space<vmem>>, vector<1x16xf32>,
      %get3A_1421 = vector.shape_cast %get3A_1420 : vector<1x16xf32> to vector<16xf32>
      %mul3A_1422 = arith.mulf %get3A_1417, %get3A_1421 : vector<16xf32>
      %swap3A = arith.index_cast %scan3A_1414 : i32 to index
      %swap3A_1423 = arith.constant 0 : index
      %swap3A_1424 = tpu.vector_load %arg8[%swap3A, %swap3A_1423] {strides = array<i32>} : memref<128x128xf32, #tpu.memory_space<vmem>>, vector<1x16xf32>,
      %swap3A_1425 = vector.shape_cast %swap3A_1424 : vector<1x16xf32> to vector<16xf32>
      %swap3A_1426 = vector.shape_cast %mul3A_1422 : vector<16xf32> to vector<1x16xf32>
      tpu.vector_store %arg8[%swap3A, %swap3A_1423], %swap3A_1426 {strides = array<i32>} : memref<128x128xf32, #tpu.memory_space<vmem>>, vector<1x16xf32>,
      %get3A_1427 = arith.index_cast %scan3A_1414 : i32 to index
      %get3A_1428 = arith.constant 16 : index
      %get3A_1429 = tpu.vector_load %arg8[%get3A_1427, %get3A_1428] {strides = array<i32>} : memref<128x128xf32, #tpu.memory_space<vmem>>, vector<1x16xf32>,
      %get3A_1430 = vector.shape_cast %get3A_1429 : vector<1x16xf32> to vector<16xf32>
      %get3A_1431 = arith.index_cast %scan3A_1414 : i32 to index
      %get3A_1432 = arith.constant 16 : index
      %get3A_1433 = tpu.vector_load %arg9[%get3A_1431, %get3A_1432] {strides = array<i32>} : memref<128x128xf32, #tpu.memory_space<vmem>>, vector<1x16xf32>,
      %get3A_1434 = vector.shape_cast %get3A_1433 : vector<1x16xf32> to vector<16xf32>
      %mul3A_1435 = arith.mulf %get3A_1430, %get3A_1434 : vector<16xf32>
      %swap3A_1436 = arith.index_cast %scan3A_1414 : i32 to index
      %swap3A_1437 = arith.constant 16 : index
      %swap3A_1438 = tpu.vector_load %arg8[%swap3A_1436, %swap3A_1437] {strides = array<i32>} : memref<128x128xf32, #tpu.memory_space<vmem>>, vector<1x16xf32>,
      %swap3A_1439 = vector.shape_cast %swap3A_1438 : vector<1x16xf32> to vector<16xf32>
      %swap3A_1440 = vector.shape_cast %mul3A_1435 : vector<16xf32> to vector<1x16xf32>
      tpu.vector_store %arg8[%swap3A_1436, %swap3A_1437], %swap3A_1440 {strides = array<i32>} : memref<128x128xf32, #tpu.memory_space<vmem>>, vector<1x16xf32>,
      %get3A_1441 = arith.index_cast %scan3A_1414 : i32 to index
      %get3A_1442 = arith.constant 32 : index
      %get3A_1443 = tpu.vector_load %arg8[%get3A_1441, %get3A_1442] {strides = array<i32>} : memref<128x128xf32, #tpu.memory_space<vmem>>, vector<1x16xf32>,
      %get3A_1444 = vector.shape_cast %get3A_1443 : vector<1x16xf32> to vector<16xf32>
      %get3A_1445 = arith.index_cast %scan3A_1414 : i32 to index
      %get3A_1446 = arith.constant 32 : index
      %get3A_1447 = tpu.vector_load %arg9[%get3A_1445, %get3A_1446] {strides = array<i32>} : memref<128x128xf32, #tpu.memory_space<vmem>>, vector<1x16xf32>,
      %get3A_1448 = vector.shape_cast %get3A_1447 : vector<1x16xf32> to vector<16xf32>
      %mul3A_1449 = arith.mulf %get3A_1444, %get3A_1448 : vector<16xf32>
      %swap3A_1450 = arith.index_cast %scan3A_1414 : i32 to index
      %swap3A_1451 = arith.constant 32 : index
      %swap3A_1452 = tpu.vector_load %arg8[%swap3A_1450, %swap3A_1451] {strides = array<i32>} : memref<128x128xf32, #tpu.memory_space<vmem>>, vector<1x16xf32>,
      %swap3A_1453 = vector.shape_cast %swap3A_1452 : vector<1x16xf32> to vector<16xf32>
      %swap3A_1454 = vector.shape_cast %mul3A_1449 : vector<16xf32> to vector<1x16xf32>
      tpu.vector_store %arg8[%swap3A_1450, %swap3A_1451], %swap3A_1454 {strides = array<i32>} : memref<128x128xf32, #tpu.memory_space<vmem>>, vector<1x16xf32>,
      %get3A_1455 = arith.index_cast %scan3A_1414 : i32 to index
      %get3A_1456 = arith.constant 48 : index
      %get3A_1457 = tpu.vector_load %arg8[%get3A_1455, %get3A_1456] {strides = array<i32>} : memref<128x128xf32, #tpu.memory_space<vmem>>, vector<1x16xf32>,
      %get3A_1458 = vector.shape_cast %get3A_1457 : vector<1x16xf32> to vector<16xf32>
      %get3A_1459 = arith.index_cast %scan3A_1414 : i32 to index
      %get3A_1460 = arith.constant 48 : index
      %get3A_1461 = tpu.vector_load %arg9[%get3A_1459, %get3A_1460] {strides = array<i32>} : memref<128x128xf32, #tpu.memory_space<vmem>>, vector<1x16xf32>,
      %get3A_1462 = vector.shape_cast %get3A_1461 : vector<1x16xf32> to vector<16xf32>
      %mul3A_1463 = arith.mulf %get3A_1458, %get3A_1462 : vector<16xf32>
      %swap3A_1464 = arith.index_cast %scan3A_1414 : i32 to index
      %swap3A_1465 = arith.constant 48 : index
      %swap3A_1466 = tpu.vector_load %arg8[%swap3A_1464, %swap3A_1465] {strides = array<i32>} : memref<128x128xf32, #tpu.memory_space<vmem>>, vector<1x16xf32>,
      %swap3A_1467 = vector.shape_cast %swap3A_1466 : vector<1x16xf32> to vector<16xf32>
      %swap3A_1468 = vector.shape_cast %mul3A_1463 : vector<16xf32> to vector<1x16xf32>
      tpu.vector_store %arg8[%swap3A_1464, %swap3A_1465], %swap3A_1468 {strides = array<i32>} : memref<128x128xf32, #tpu.memory_space<vmem>>, vector<1x16xf32>,
    }
    %scan3A_1065 = arith.constant 128 : i32
    %add3A_1066 = arith.constant 2944 : i32
    %add3A_1067 = arith.addi %mul3A_2, %add3A_1066 : i32
    %dma_start3A_1068 = arith.constant 0 : i32
    %dma_start3A_1069 = tpu.memref_slice %arg4[%add3A_1067, %dma_start3A_1068] : memref<131072x128xf32, #tpu.memory_space<hbm>> -> memref<128x128xf32, #tpu.memory_space<hbm>>
    %dma_start3A_1070 = arith.constant 0 : i32
    %dma_start3A_1071 = tpu.memref_slice %arg4[%add3A_1067, %dma_start3A_1070] : memref<131072x128xf32, #tpu.memory_space<hbm>> -> memref<128x128xf32, #tpu.memory_space<hbm>>
    tpu.enqueue_dma source(%arg8 : memref<128x128xf32, #tpu.memory_space<vmem>>) target(%dma_start3A_1071 : memref<128x128xf32, #tpu.memory_space<hbm>>) target_semaphore(%arg16 : memref<!tpu.dma_semaphore, #tpu.memory_space<semaphore_mem>>)
    %dma_wait3A_1072 = arith.constant 24 : i32
    %dma_wait3A_1073 = arith.constant 0 : i32
    %dma_wait3A_1074 = tpu.memref_slice %arg5[%dma_wait3A_1072, %dma_wait3A_1073] : memref<64x128xi32, #tpu.memory_space<vmem>> -> memref<1x128xi32, #tpu.memory_space<vmem>>
    %dma_wait3A_1075 = tpu.memref_squeeze %dma_wait3A_1074 : memref<1x128xi32, #tpu.memory_space<vmem>> -> memref<128xi32, #tpu.memory_space<vmem>>
    %dma_wait3A_1076 = arith.constant 0 : i32
    %dma_wait3A_1077 = arith.constant 0 : i32
    %dma_wait3A_1078 = tpu.memref_slice %arg10[%dma_wait3A_1076, %dma_wait3A_1077] : memref<1024x128xf32, #tpu.memory_space<vmem_shared>> -> memref<1024x128xf32, #tpu.memory_space<vmem_shared>>
    tpu.wait_indirect_dma semaphore(%arg11 : memref<!tpu.dma_semaphore, #tpu.memory_space<semaphore_mem>>) src(%dma_wait3A_1078 : memref<1024x128xf32, #tpu.memory_space<vmem_shared>>) dst(%arg6 : memref<128x128xf32, #tpu.memory_space<vmem>>)
    %dma_wait3A_1079 = arith.constant 56 : i32
    %dma_wait3A_1080 = arith.constant 0 : i32
    %dma_wait3A_1081 = tpu.memref_slice %arg5[%dma_wait3A_1079, %dma_wait3A_1080] : memref<64x128xi32, #tpu.memory_space<vmem>> -> memref<1x128xi32, #tpu.memory_space<vmem>>
    %dma_wait3A_1082 = tpu.memref_squeeze %dma_wait3A_1081 : memref<1x128xi32, #tpu.memory_space<vmem>> -> memref<128xi32, #tpu.memory_space<vmem>>
    %dma_wait3A_1083 = arith.constant 0 : i32
    %dma_wait3A_1084 = arith.constant 0 : i32
    %dma_wait3A_1085 = tpu.memref_slice %arg10[%dma_wait3A_1083, %dma_wait3A_1084] : memref<1024x128xf32, #tpu.memory_space<vmem_shared>> -> memref<1024x128xf32, #tpu.memory_space<vmem_shared>>
    tpu.wait_indirect_dma semaphore(%arg12 : memref<!tpu.dma_semaphore, #tpu.memory_space<semaphore_mem>>) src(%dma_wait3A_1085 : memref<1024x128xf32, #tpu.memory_space<vmem_shared>>) dst(%arg7 : memref<128x128xf32, #tpu.memory_space<vmem>>)
    %dma_wait3A_1086 = arith.constant 0 : i32
    %dma_wait3A_1087 = tpu.memref_slice %arg4[%add3A_1067, %dma_wait3A_1086] : memref<131072x128xf32, #tpu.memory_space<hbm>> -> memref<128x128xf32, #tpu.memory_space<hbm>>
    %dma_wait3A_1088 = arith.constant 0 : i32
    %dma_wait3A_1089 = tpu.memref_slice %arg4[%add3A_1067, %dma_wait3A_1088] : memref<131072x128xf32, #tpu.memory_space<hbm>> -> memref<128x128xf32, #tpu.memory_space<hbm>>
    tpu.wait_dma2 semaphore(%arg16 : memref<!tpu.dma_semaphore, #tpu.memory_space<semaphore_mem>>) src(%arg8 : memref<128x128xf32, #tpu.memory_space<vmem>>) dst(%dma_wait3A_1089 : memref<128x128xf32, #tpu.memory_space<hbm>>)
    %dma_start3A_1090 = arith.constant 25 : i32
    %dma_start3A_1091 = arith.constant 0 : i32
    %dma_start3A_1092 = tpu.memref_slice %arg5[%dma_start3A_1090, %dma_start3A_1091] : memref<64x128xi32, #tpu.memory_space<vmem>> -> memref<1x128xi32, #tpu.memory_space<vmem>>
    %dma_start3A_1093 = tpu.memref_squeeze %dma_start3A_1092 : memref<1x128xi32, #tpu.memory_space<vmem>> -> memref<128xi32, #tpu.memory_space<vmem>>
    %dma_start3A_1094 = arith.constant 0 : i32
    %dma_start3A_1095 = arith.constant 0 : i32
    %dma_start3A_1096 = tpu.memref_slice %arg10[%dma_start3A_1094, %dma_start3A_1095] : memref<1024x128xf32, #tpu.memory_space<vmem_shared>> -> memref<1024x128xf32, #tpu.memory_space<vmem_shared>>
    tpu.enqueue_indirect_dma source(%dma_start3A_1096 : memref<1024x128xf32, #tpu.memory_space<vmem_shared>>) target(%arg8 : memref<128x128xf32, #tpu.memory_space<vmem>>) offsets(%dma_start3A_1093 : memref<128xi32, #tpu.memory_space<vmem>>) semaphore(%arg13 : memref<!tpu.dma_semaphore, #tpu.memory_space<semaphore_mem>>)
    %dma_start3A_1097 = arith.constant 57 : i32
    %dma_start3A_1098 = arith.constant 0 : i32
    %dma_start3A_1099 = tpu.memref_slice %arg5[%dma_start3A_1097, %dma_start3A_1098] : memref<64x128xi32, #tpu.memory_space<vmem>> -> memref<1x128xi32, #tpu.memory_space<vmem>>
    %dma_start3A_1100 = tpu.memref_squeeze %dma_start3A_1099 : memref<1x128xi32, #tpu.memory_space<vmem>> -> memref<128xi32, #tpu.memory_space<vmem>>
    %dma_start3A_1101 = arith.constant 0 : i32
    %dma_start3A_1102 = arith.constant 0 : i32
    %dma_start3A_1103 = tpu.memref_slice %arg10[%dma_start3A_1101, %dma_start3A_1102] : memref<1024x128xf32, #tpu.memory_space<vmem_shared>> -> memref<1024x128xf32, #tpu.memory_space<vmem_shared>>
    tpu.enqueue_indirect_dma source(%dma_start3A_1103 : memref<1024x128xf32, #tpu.memory_space<vmem_shared>>) target(%arg9 : memref<128x128xf32, #tpu.memory_space<vmem>>) offsets(%dma_start3A_1100 : memref<128xi32, #tpu.memory_space<vmem>>) semaphore(%arg14 : memref<!tpu.dma_semaphore, #tpu.memory_space<semaphore_mem>>)
    %scan3A_1104 = arith.constant 0 : i32
    %scan3A_1105 = arith.constant 0 : i32
    %scan3A_1106 = arith.constant 128 : i32
    %scan3A_1107 = arith.addi %scan3A_1105, %scan3A_1106 : i32
    %scan3A_1108 = arith.constant 1 : i32
    scf.for %scan3A_1414 = %scan3A_1105 to %scan3A_1107 step %scan3A_1108  : i32 {
      %get3A = arith.index_cast %scan3A_1414 : i32 to index
      %get3A_1415 = arith.constant 0 : index
      %get3A_1416 = tpu.vector_load %arg6[%get3A, %get3A_1415] {strides = array<i32>} : memref<128x128xf32, #tpu.memory_space<vmem>>, vector<1x16xf32>,
      %get3A_1417 = vector.shape_cast %get3A_1416 : vector<1x16xf32> to vector<16xf32>
      %get3A_1418 = arith.index_cast %scan3A_1414 : i32 to index
      %get3A_1419 = arith.constant 0 : index
      %get3A_1420 = tpu.vector_load %arg7[%get3A_1418, %get3A_1419] {strides = array<i32>} : memref<128x128xf32, #tpu.memory_space<vmem>>, vector<1x16xf32>,
      %get3A_1421 = vector.shape_cast %get3A_1420 : vector<1x16xf32> to vector<16xf32>
      %mul3A_1422 = arith.mulf %get3A_1417, %get3A_1421 : vector<16xf32>
      %swap3A = arith.index_cast %scan3A_1414 : i32 to index
      %swap3A_1423 = arith.constant 0 : index
      %swap3A_1424 = tpu.vector_load %arg6[%swap3A, %swap3A_1423] {strides = array<i32>} : memref<128x128xf32, #tpu.memory_space<vmem>>, vector<1x16xf32>,
      %swap3A_1425 = vector.shape_cast %swap3A_1424 : vector<1x16xf32> to vector<16xf32>
      %swap3A_1426 = vector.shape_cast %mul3A_1422 : vector<16xf32> to vector<1x16xf32>
      tpu.vector_store %arg6[%swap3A, %swap3A_1423], %swap3A_1426 {strides = array<i32>} : memref<128x128xf32, #tpu.memory_space<vmem>>, vector<1x16xf32>,
      %get3A_1427 = arith.index_cast %scan3A_1414 : i32 to index
      %get3A_1428 = arith.constant 16 : index
      %get3A_1429 = tpu.vector_load %arg6[%get3A_1427, %get3A_1428] {strides = array<i32>} : memref<128x128xf32, #tpu.memory_space<vmem>>, vector<1x16xf32>,
      %get3A_1430 = vector.shape_cast %get3A_1429 : vector<1x16xf32> to vector<16xf32>
      %get3A_1431 = arith.index_cast %scan3A_1414 : i32 to index
      %get3A_1432 = arith.constant 16 : index
      %get3A_1433 = tpu.vector_load %arg7[%get3A_1431, %get3A_1432] {strides = array<i32>} : memref<128x128xf32, #tpu.memory_space<vmem>>, vector<1x16xf32>,
      %get3A_1434 = vector.shape_cast %get3A_1433 : vector<1x16xf32> to vector<16xf32>
      %mul3A_1435 = arith.mulf %get3A_1430, %get3A_1434 : vector<16xf32>
      %swap3A_1436 = arith.index_cast %scan3A_1414 : i32 to index
      %swap3A_1437 = arith.constant 16 : index
      %swap3A_1438 = tpu.vector_load %arg6[%swap3A_1436, %swap3A_1437] {strides = array<i32>} : memref<128x128xf32, #tpu.memory_space<vmem>>, vector<1x16xf32>,
      %swap3A_1439 = vector.shape_cast %swap3A_1438 : vector<1x16xf32> to vector<16xf32>
      %swap3A_1440 = vector.shape_cast %mul3A_1435 : vector<16xf32> to vector<1x16xf32>
      tpu.vector_store %arg6[%swap3A_1436, %swap3A_1437], %swap3A_1440 {strides = array<i32>} : memref<128x128xf32, #tpu.memory_space<vmem>>, vector<1x16xf32>,
      %get3A_1441 = arith.index_cast %scan3A_1414 : i32 to index
      %get3A_1442 = arith.constant 32 : index
      %get3A_1443 = tpu.vector_load %arg6[%get3A_1441, %get3A_1442] {strides = array<i32>} : memref<128x128xf32, #tpu.memory_space<vmem>>, vector<1x16xf32>,
      %get3A_1444 = vector.shape_cast %get3A_1443 : vector<1x16xf32> to vector<16xf32>
      %get3A_1445 = arith.index_cast %scan3A_1414 : i32 to index
      %get3A_1446 = arith.constant 32 : index
      %get3A_1447 = tpu.vector_load %arg7[%get3A_1445, %get3A_1446] {strides = array<i32>} : memref<128x128xf32, #tpu.memory_space<vmem>>, vector<1x16xf32>,
      %get3A_1448 = vector.shape_cast %get3A_1447 : vector<1x16xf32> to vector<16xf32>
      %mul3A_1449 = arith.mulf %get3A_1444, %get3A_1448 : vector<16xf32>
      %swap3A_1450 = arith.index_cast %scan3A_1414 : i32 to index
      %swap3A_1451 = arith.constant 32 : index
      %swap3A_1452 = tpu.vector_load %arg6[%swap3A_1450, %swap3A_1451] {strides = array<i32>} : memref<128x128xf32, #tpu.memory_space<vmem>>, vector<1x16xf32>,
      %swap3A_1453 = vector.shape_cast %swap3A_1452 : vector<1x16xf32> to vector<16xf32>
      %swap3A_1454 = vector.shape_cast %mul3A_1449 : vector<16xf32> to vector<1x16xf32>
      tpu.vector_store %arg6[%swap3A_1450, %swap3A_1451], %swap3A_1454 {strides = array<i32>} : memref<128x128xf32, #tpu.memory_space<vmem>>, vector<1x16xf32>,
      %get3A_1455 = arith.index_cast %scan3A_1414 : i32 to index
      %get3A_1456 = arith.constant 48 : index
      %get3A_1457 = tpu.vector_load %arg6[%get3A_1455, %get3A_1456] {strides = array<i32>} : memref<128x128xf32, #tpu.memory_space<vmem>>, vector<1x16xf32>,
      %get3A_1458 = vector.shape_cast %get3A_1457 : vector<1x16xf32> to vector<16xf32>
      %get3A_1459 = arith.index_cast %scan3A_1414 : i32 to index
      %get3A_1460 = arith.constant 48 : index
      %get3A_1461 = tpu.vector_load %arg7[%get3A_1459, %get3A_1460] {strides = array<i32>} : memref<128x128xf32, #tpu.memory_space<vmem>>, vector<1x16xf32>,
      %get3A_1462 = vector.shape_cast %get3A_1461 : vector<1x16xf32> to vector<16xf32>
      %mul3A_1463 = arith.mulf %get3A_1458, %get3A_1462 : vector<16xf32>
      %swap3A_1464 = arith.index_cast %scan3A_1414 : i32 to index
      %swap3A_1465 = arith.constant 48 : index
      %swap3A_1466 = tpu.vector_load %arg6[%swap3A_1464, %swap3A_1465] {strides = array<i32>} : memref<128x128xf32, #tpu.memory_space<vmem>>, vector<1x16xf32>,
      %swap3A_1467 = vector.shape_cast %swap3A_1466 : vector<1x16xf32> to vector<16xf32>
      %swap3A_1468 = vector.shape_cast %mul3A_1463 : vector<16xf32> to vector<1x16xf32>
      tpu.vector_store %arg6[%swap3A_1464, %swap3A_1465], %swap3A_1468 {strides = array<i32>} : memref<128x128xf32, #tpu.memory_space<vmem>>, vector<1x16xf32>,
    }
    %scan3A_1109 = arith.constant 128 : i32
    %add3A_1110 = arith.constant 3072 : i32
    %add3A_1111 = arith.addi %mul3A_2, %add3A_1110 : i32
    %dma_start3A_1112 = arith.constant 0 : i32
    %dma_start3A_1113 = tpu.memref_slice %arg4[%add3A_1111, %dma_start3A_1112] : memref<131072x128xf32, #tpu.memory_space<hbm>> -> memref<128x128xf32, #tpu.memory_space<hbm>>
    %dma_start3A_1114 = arith.constant 0 : i32
    %dma_start3A_1115 = tpu.memref_slice %arg4[%add3A_1111, %dma_start3A_1114] : memref<131072x128xf32, #tpu.memory_space<hbm>> -> memref<128x128xf32, #tpu.memory_space<hbm>>
    tpu.enqueue_dma source(%arg6 : memref<128x128xf32, #tpu.memory_space<vmem>>) target(%dma_start3A_1115 : memref<128x128xf32, #tpu.memory_space<hbm>>) target_semaphore(%arg15 : memref<!tpu.dma_semaphore, #tpu.memory_space<semaphore_mem>>)
    %dma_wait3A_1116 = arith.constant 25 : i32
    %dma_wait3A_1117 = arith.constant 0 : i32
    %dma_wait3A_1118 = tpu.memref_slice %arg5[%dma_wait3A_1116, %dma_wait3A_1117] : memref<64x128xi32, #tpu.memory_space<vmem>> -> memref<1x128xi32, #tpu.memory_space<vmem>>
    %dma_wait3A_1119 = tpu.memref_squeeze %dma_wait3A_1118 : memref<1x128xi32, #tpu.memory_space<vmem>> -> memref<128xi32, #tpu.memory_space<vmem>>
    %dma_wait3A_1120 = arith.constant 0 : i32
    %dma_wait3A_1121 = arith.constant 0 : i32
    %dma_wait3A_1122 = tpu.memref_slice %arg10[%dma_wait3A_1120, %dma_wait3A_1121] : memref<1024x128xf32, #tpu.memory_space<vmem_shared>> -> memref<1024x128xf32, #tpu.memory_space<vmem_shared>>
    tpu.wait_indirect_dma semaphore(%arg13 : memref<!tpu.dma_semaphore, #tpu.memory_space<semaphore_mem>>) src(%dma_wait3A_1122 : memref<1024x128xf32, #tpu.memory_space<vmem_shared>>) dst(%arg8 : memref<128x128xf32, #tpu.memory_space<vmem>>)
    %dma_wait3A_1123 = arith.constant 57 : i32
    %dma_wait3A_1124 = arith.constant 0 : i32
    %dma_wait3A_1125 = tpu.memref_slice %arg5[%dma_wait3A_1123, %dma_wait3A_1124] : memref<64x128xi32, #tpu.memory_space<vmem>> -> memref<1x128xi32, #tpu.memory_space<vmem>>
    %dma_wait3A_1126 = tpu.memref_squeeze %dma_wait3A_1125 : memref<1x128xi32, #tpu.memory_space<vmem>> -> memref<128xi32, #tpu.memory_space<vmem>>
    %dma_wait3A_1127 = arith.constant 0 : i32
    %dma_wait3A_1128 = arith.constant 0 : i32
    %dma_wait3A_1129 = tpu.memref_slice %arg10[%dma_wait3A_1127, %dma_wait3A_1128] : memref<1024x128xf32, #tpu.memory_space<vmem_shared>> -> memref<1024x128xf32, #tpu.memory_space<vmem_shared>>
    tpu.wait_indirect_dma semaphore(%arg14 : memref<!tpu.dma_semaphore, #tpu.memory_space<semaphore_mem>>) src(%dma_wait3A_1129 : memref<1024x128xf32, #tpu.memory_space<vmem_shared>>) dst(%arg9 : memref<128x128xf32, #tpu.memory_space<vmem>>)
    %dma_wait3A_1130 = arith.constant 0 : i32
    %dma_wait3A_1131 = tpu.memref_slice %arg4[%add3A_1111, %dma_wait3A_1130] : memref<131072x128xf32, #tpu.memory_space<hbm>> -> memref<128x128xf32, #tpu.memory_space<hbm>>
    %dma_wait3A_1132 = arith.constant 0 : i32
    %dma_wait3A_1133 = tpu.memref_slice %arg4[%add3A_1111, %dma_wait3A_1132] : memref<131072x128xf32, #tpu.memory_space<hbm>> -> memref<128x128xf32, #tpu.memory_space<hbm>>
    tpu.wait_dma2 semaphore(%arg15 : memref<!tpu.dma_semaphore, #tpu.memory_space<semaphore_mem>>) src(%arg6 : memref<128x128xf32, #tpu.memory_space<vmem>>) dst(%dma_wait3A_1133 : memref<128x128xf32, #tpu.memory_space<hbm>>)
    %dma_start3A_1134 = arith.constant 26 : i32
    %dma_start3A_1135 = arith.constant 0 : i32
    %dma_start3A_1136 = tpu.memref_slice %arg5[%dma_start3A_1134, %dma_start3A_1135] : memref<64x128xi32, #tpu.memory_space<vmem>> -> memref<1x128xi32, #tpu.memory_space<vmem>>
    %dma_start3A_1137 = tpu.memref_squeeze %dma_start3A_1136 : memref<1x128xi32, #tpu.memory_space<vmem>> -> memref<128xi32, #tpu.memory_space<vmem>>
    %dma_start3A_1138 = arith.constant 0 : i32
    %dma_start3A_1139 = arith.constant 0 : i32
    %dma_start3A_1140 = tpu.memref_slice %arg10[%dma_start3A_1138, %dma_start3A_1139] : memref<1024x128xf32, #tpu.memory_space<vmem_shared>> -> memref<1024x128xf32, #tpu.memory_space<vmem_shared>>
    tpu.enqueue_indirect_dma source(%dma_start3A_1140 : memref<1024x128xf32, #tpu.memory_space<vmem_shared>>) target(%arg6 : memref<128x128xf32, #tpu.memory_space<vmem>>) offsets(%dma_start3A_1137 : memref<128xi32, #tpu.memory_space<vmem>>) semaphore(%arg11 : memref<!tpu.dma_semaphore, #tpu.memory_space<semaphore_mem>>)
    %dma_start3A_1141 = arith.constant 58 : i32
    %dma_start3A_1142 = arith.constant 0 : i32
    %dma_start3A_1143 = tpu.memref_slice %arg5[%dma_start3A_1141, %dma_start3A_1142] : memref<64x128xi32, #tpu.memory_space<vmem>> -> memref<1x128xi32, #tpu.memory_space<vmem>>
    %dma_start3A_1144 = tpu.memref_squeeze %dma_start3A_1143 : memref<1x128xi32, #tpu.memory_space<vmem>> -> memref<128xi32, #tpu.memory_space<vmem>>
    %dma_start3A_1145 = arith.constant 0 : i32
    %dma_start3A_1146 = arith.constant 0 : i32
    %dma_start3A_1147 = tpu.memref_slice %arg10[%dma_start3A_1145, %dma_start3A_1146] : memref<1024x128xf32, #tpu.memory_space<vmem_shared>> -> memref<1024x128xf32, #tpu.memory_space<vmem_shared>>
    tpu.enqueue_indirect_dma source(%dma_start3A_1147 : memref<1024x128xf32, #tpu.memory_space<vmem_shared>>) target(%arg7 : memref<128x128xf32, #tpu.memory_space<vmem>>) offsets(%dma_start3A_1144 : memref<128xi32, #tpu.memory_space<vmem>>) semaphore(%arg12 : memref<!tpu.dma_semaphore, #tpu.memory_space<semaphore_mem>>)
    %scan3A_1148 = arith.constant 0 : i32
    %scan3A_1149 = arith.constant 0 : i32
    %scan3A_1150 = arith.constant 128 : i32
    %scan3A_1151 = arith.addi %scan3A_1149, %scan3A_1150 : i32
    %scan3A_1152 = arith.constant 1 : i32
    scf.for %scan3A_1414 = %scan3A_1149 to %scan3A_1151 step %scan3A_1152  : i32 {
      %get3A = arith.index_cast %scan3A_1414 : i32 to index
      %get3A_1415 = arith.constant 0 : index
      %get3A_1416 = tpu.vector_load %arg8[%get3A, %get3A_1415] {strides = array<i32>} : memref<128x128xf32, #tpu.memory_space<vmem>>, vector<1x16xf32>,
      %get3A_1417 = vector.shape_cast %get3A_1416 : vector<1x16xf32> to vector<16xf32>
      %get3A_1418 = arith.index_cast %scan3A_1414 : i32 to index
      %get3A_1419 = arith.constant 0 : index
      %get3A_1420 = tpu.vector_load %arg9[%get3A_1418, %get3A_1419] {strides = array<i32>} : memref<128x128xf32, #tpu.memory_space<vmem>>, vector<1x16xf32>,
      %get3A_1421 = vector.shape_cast %get3A_1420 : vector<1x16xf32> to vector<16xf32>
      %mul3A_1422 = arith.mulf %get3A_1417, %get3A_1421 : vector<16xf32>
      %swap3A = arith.index_cast %scan3A_1414 : i32 to index
      %swap3A_1423 = arith.constant 0 : index
      %swap3A_1424 = tpu.vector_load %arg8[%swap3A, %swap3A_1423] {strides = array<i32>} : memref<128x128xf32, #tpu.memory_space<vmem>>, vector<1x16xf32>,
      %swap3A_1425 = vector.shape_cast %swap3A_1424 : vector<1x16xf32> to vector<16xf32>
      %swap3A_1426 = vector.shape_cast %mul3A_1422 : vector<16xf32> to vector<1x16xf32>
      tpu.vector_store %arg8[%swap3A, %swap3A_1423], %swap3A_1426 {strides = array<i32>} : memref<128x128xf32, #tpu.memory_space<vmem>>, vector<1x16xf32>,
      %get3A_1427 = arith.index_cast %scan3A_1414 : i32 to index
      %get3A_1428 = arith.constant 16 : index
      %get3A_1429 = tpu.vector_load %arg8[%get3A_1427, %get3A_1428] {strides = array<i32>} : memref<128x128xf32, #tpu.memory_space<vmem>>, vector<1x16xf32>,
      %get3A_1430 = vector.shape_cast %get3A_1429 : vector<1x16xf32> to vector<16xf32>
      %get3A_1431 = arith.index_cast %scan3A_1414 : i32 to index
      %get3A_1432 = arith.constant 16 : index
      %get3A_1433 = tpu.vector_load %arg9[%get3A_1431, %get3A_1432] {strides = array<i32>} : memref<128x128xf32, #tpu.memory_space<vmem>>, vector<1x16xf32>,
      %get3A_1434 = vector.shape_cast %get3A_1433 : vector<1x16xf32> to vector<16xf32>
      %mul3A_1435 = arith.mulf %get3A_1430, %get3A_1434 : vector<16xf32>
      %swap3A_1436 = arith.index_cast %scan3A_1414 : i32 to index
      %swap3A_1437 = arith.constant 16 : index
      %swap3A_1438 = tpu.vector_load %arg8[%swap3A_1436, %swap3A_1437] {strides = array<i32>} : memref<128x128xf32, #tpu.memory_space<vmem>>, vector<1x16xf32>,
      %swap3A_1439 = vector.shape_cast %swap3A_1438 : vector<1x16xf32> to vector<16xf32>
      %swap3A_1440 = vector.shape_cast %mul3A_1435 : vector<16xf32> to vector<1x16xf32>
      tpu.vector_store %arg8[%swap3A_1436, %swap3A_1437], %swap3A_1440 {strides = array<i32>} : memref<128x128xf32, #tpu.memory_space<vmem>>, vector<1x16xf32>,
      %get3A_1441 = arith.index_cast %scan3A_1414 : i32 to index
      %get3A_1442 = arith.constant 32 : index
      %get3A_1443 = tpu.vector_load %arg8[%get3A_1441, %get3A_1442] {strides = array<i32>} : memref<128x128xf32, #tpu.memory_space<vmem>>, vector<1x16xf32>,
      %get3A_1444 = vector.shape_cast %get3A_1443 : vector<1x16xf32> to vector<16xf32>
      %get3A_1445 = arith.index_cast %scan3A_1414 : i32 to index
      %get3A_1446 = arith.constant 32 : index
      %get3A_1447 = tpu.vector_load %arg9[%get3A_1445, %get3A_1446] {strides = array<i32>} : memref<128x128xf32, #tpu.memory_space<vmem>>, vector<1x16xf32>,
      %get3A_1448 = vector.shape_cast %get3A_1447 : vector<1x16xf32> to vector<16xf32>
      %mul3A_1449 = arith.mulf %get3A_1444, %get3A_1448 : vector<16xf32>
      %swap3A_1450 = arith.index_cast %scan3A_1414 : i32 to index
      %swap3A_1451 = arith.constant 32 : index
      %swap3A_1452 = tpu.vector_load %arg8[%swap3A_1450, %swap3A_1451] {strides = array<i32>} : memref<128x128xf32, #tpu.memory_space<vmem>>, vector<1x16xf32>,
      %swap3A_1453 = vector.shape_cast %swap3A_1452 : vector<1x16xf32> to vector<16xf32>
      %swap3A_1454 = vector.shape_cast %mul3A_1449 : vector<16xf32> to vector<1x16xf32>
      tpu.vector_store %arg8[%swap3A_1450, %swap3A_1451], %swap3A_1454 {strides = array<i32>} : memref<128x128xf32, #tpu.memory_space<vmem>>, vector<1x16xf32>,
      %get3A_1455 = arith.index_cast %scan3A_1414 : i32 to index
      %get3A_1456 = arith.constant 48 : index
      %get3A_1457 = tpu.vector_load %arg8[%get3A_1455, %get3A_1456] {strides = array<i32>} : memref<128x128xf32, #tpu.memory_space<vmem>>, vector<1x16xf32>,
      %get3A_1458 = vector.shape_cast %get3A_1457 : vector<1x16xf32> to vector<16xf32>
      %get3A_1459 = arith.index_cast %scan3A_1414 : i32 to index
      %get3A_1460 = arith.constant 48 : index
      %get3A_1461 = tpu.vector_load %arg9[%get3A_1459, %get3A_1460] {strides = array<i32>} : memref<128x128xf32, #tpu.memory_space<vmem>>, vector<1x16xf32>,
      %get3A_1462 = vector.shape_cast %get3A_1461 : vector<1x16xf32> to vector<16xf32>
      %mul3A_1463 = arith.mulf %get3A_1458, %get3A_1462 : vector<16xf32>
      %swap3A_1464 = arith.index_cast %scan3A_1414 : i32 to index
      %swap3A_1465 = arith.constant 48 : index
      %swap3A_1466 = tpu.vector_load %arg8[%swap3A_1464, %swap3A_1465] {strides = array<i32>} : memref<128x128xf32, #tpu.memory_space<vmem>>, vector<1x16xf32>,
      %swap3A_1467 = vector.shape_cast %swap3A_1466 : vector<1x16xf32> to vector<16xf32>
      %swap3A_1468 = vector.shape_cast %mul3A_1463 : vector<16xf32> to vector<1x16xf32>
      tpu.vector_store %arg8[%swap3A_1464, %swap3A_1465], %swap3A_1468 {strides = array<i32>} : memref<128x128xf32, #tpu.memory_space<vmem>>, vector<1x16xf32>,
    }
    %scan3A_1153 = arith.constant 128 : i32
    %add3A_1154 = arith.constant 3200 : i32
    %add3A_1155 = arith.addi %mul3A_2, %add3A_1154 : i32
    %dma_start3A_1156 = arith.constant 0 : i32
    %dma_start3A_1157 = tpu.memref_slice %arg4[%add3A_1155, %dma_start3A_1156] : memref<131072x128xf32, #tpu.memory_space<hbm>> -> memref<128x128xf32, #tpu.memory_space<hbm>>
    %dma_start3A_1158 = arith.constant 0 : i32
    %dma_start3A_1159 = tpu.memref_slice %arg4[%add3A_1155, %dma_start3A_1158] : memref<131072x128xf32, #tpu.memory_space<hbm>> -> memref<128x128xf32, #tpu.memory_space<hbm>>
    tpu.enqueue_dma source(%arg8 : memref<128x128xf32, #tpu.memory_space<vmem>>) target(%dma_start3A_1159 : memref<128x128xf32, #tpu.memory_space<hbm>>) target_semaphore(%arg16 : memref<!tpu.dma_semaphore, #tpu.memory_space<semaphore_mem>>)
    %dma_wait3A_1160 = arith.constant 26 : i32
    %dma_wait3A_1161 = arith.constant 0 : i32
    %dma_wait3A_1162 = tpu.memref_slice %arg5[%dma_wait3A_1160, %dma_wait3A_1161] : memref<64x128xi32, #tpu.memory_space<vmem>> -> memref<1x128xi32, #tpu.memory_space<vmem>>
    %dma_wait3A_1163 = tpu.memref_squeeze %dma_wait3A_1162 : memref<1x128xi32, #tpu.memory_space<vmem>> -> memref<128xi32, #tpu.memory_space<vmem>>
    %dma_wait3A_1164 = arith.constant 0 : i32
    %dma_wait3A_1165 = arith.constant 0 : i32
    %dma_wait3A_1166 = tpu.memref_slice %arg10[%dma_wait3A_1164, %dma_wait3A_1165] : memref<1024x128xf32, #tpu.memory_space<vmem_shared>> -> memref<1024x128xf32, #tpu.memory_space<vmem_shared>>
    tpu.wait_indirect_dma semaphore(%arg11 : memref<!tpu.dma_semaphore, #tpu.memory_space<semaphore_mem>>) src(%dma_wait3A_1166 : memref<1024x128xf32, #tpu.memory_space<vmem_shared>>) dst(%arg6 : memref<128x128xf32, #tpu.memory_space<vmem>>)
    %dma_wait3A_1167 = arith.constant 58 : i32
    %dma_wait3A_1168 = arith.constant 0 : i32
    %dma_wait3A_1169 = tpu.memref_slice %arg5[%dma_wait3A_1167, %dma_wait3A_1168] : memref<64x128xi32, #tpu.memory_space<vmem>> -> memref<1x128xi32, #tpu.memory_space<vmem>>
    %dma_wait3A_1170 = tpu.memref_squeeze %dma_wait3A_1169 : memref<1x128xi32, #tpu.memory_space<vmem>> -> memref<128xi32, #tpu.memory_space<vmem>>
    %dma_wait3A_1171 = arith.constant 0 : i32
    %dma_wait3A_1172 = arith.constant 0 : i32
    %dma_wait3A_1173 = tpu.memref_slice %arg10[%dma_wait3A_1171, %dma_wait3A_1172] : memref<1024x128xf32, #tpu.memory_space<vmem_shared>> -> memref<1024x128xf32, #tpu.memory_space<vmem_shared>>
    tpu.wait_indirect_dma semaphore(%arg12 : memref<!tpu.dma_semaphore, #tpu.memory_space<semaphore_mem>>) src(%dma_wait3A_1173 : memref<1024x128xf32, #tpu.memory_space<vmem_shared>>) dst(%arg7 : memref<128x128xf32, #tpu.memory_space<vmem>>)
    %dma_wait3A_1174 = arith.constant 0 : i32
    %dma_wait3A_1175 = tpu.memref_slice %arg4[%add3A_1155, %dma_wait3A_1174] : memref<131072x128xf32, #tpu.memory_space<hbm>> -> memref<128x128xf32, #tpu.memory_space<hbm>>
    %dma_wait3A_1176 = arith.constant 0 : i32
    %dma_wait3A_1177 = tpu.memref_slice %arg4[%add3A_1155, %dma_wait3A_1176] : memref<131072x128xf32, #tpu.memory_space<hbm>> -> memref<128x128xf32, #tpu.memory_space<hbm>>
    tpu.wait_dma2 semaphore(%arg16 : memref<!tpu.dma_semaphore, #tpu.memory_space<semaphore_mem>>) src(%arg8 : memref<128x128xf32, #tpu.memory_space<vmem>>) dst(%dma_wait3A_1177 : memref<128x128xf32, #tpu.memory_space<hbm>>)
    %dma_start3A_1178 = arith.constant 27 : i32
    %dma_start3A_1179 = arith.constant 0 : i32
    %dma_start3A_1180 = tpu.memref_slice %arg5[%dma_start3A_1178, %dma_start3A_1179] : memref<64x128xi32, #tpu.memory_space<vmem>> -> memref<1x128xi32, #tpu.memory_space<vmem>>
    %dma_start3A_1181 = tpu.memref_squeeze %dma_start3A_1180 : memref<1x128xi32, #tpu.memory_space<vmem>> -> memref<128xi32, #tpu.memory_space<vmem>>
    %dma_start3A_1182 = arith.constant 0 : i32
    %dma_start3A_1183 = arith.constant 0 : i32
    %dma_start3A_1184 = tpu.memref_slice %arg10[%dma_start3A_1182, %dma_start3A_1183] : memref<1024x128xf32, #tpu.memory_space<vmem_shared>> -> memref<1024x128xf32, #tpu.memory_space<vmem_shared>>
    tpu.enqueue_indirect_dma source(%dma_start3A_1184 : memref<1024x128xf32, #tpu.memory_space<vmem_shared>>) target(%arg8 : memref<128x128xf32, #tpu.memory_space<vmem>>) offsets(%dma_start3A_1181 : memref<128xi32, #tpu.memory_space<vmem>>) semaphore(%arg13 : memref<!tpu.dma_semaphore, #tpu.memory_space<semaphore_mem>>)
    %dma_start3A_1185 = arith.constant 59 : i32
    %dma_start3A_1186 = arith.constant 0 : i32
    %dma_start3A_1187 = tpu.memref_slice %arg5[%dma_start3A_1185, %dma_start3A_1186] : memref<64x128xi32, #tpu.memory_space<vmem>> -> memref<1x128xi32, #tpu.memory_space<vmem>>
    %dma_start3A_1188 = tpu.memref_squeeze %dma_start3A_1187 : memref<1x128xi32, #tpu.memory_space<vmem>> -> memref<128xi32, #tpu.memory_space<vmem>>
    %dma_start3A_1189 = arith.constant 0 : i32
    %dma_start3A_1190 = arith.constant 0 : i32
    %dma_start3A_1191 = tpu.memref_slice %arg10[%dma_start3A_1189, %dma_start3A_1190] : memref<1024x128xf32, #tpu.memory_space<vmem_shared>> -> memref<1024x128xf32, #tpu.memory_space<vmem_shared>>
    tpu.enqueue_indirect_dma source(%dma_start3A_1191 : memref<1024x128xf32, #tpu.memory_space<vmem_shared>>) target(%arg9 : memref<128x128xf32, #tpu.memory_space<vmem>>) offsets(%dma_start3A_1188 : memref<128xi32, #tpu.memory_space<vmem>>) semaphore(%arg14 : memref<!tpu.dma_semaphore, #tpu.memory_space<semaphore_mem>>)
    %scan3A_1192 = arith.constant 0 : i32
    %scan3A_1193 = arith.constant 0 : i32
    %scan3A_1194 = arith.constant 128 : i32
    %scan3A_1195 = arith.addi %scan3A_1193, %scan3A_1194 : i32
    %scan3A_1196 = arith.constant 1 : i32
    scf.for %scan3A_1414 = %scan3A_1193 to %scan3A_1195 step %scan3A_1196  : i32 {
      %get3A = arith.index_cast %scan3A_1414 : i32 to index
      %get3A_1415 = arith.constant 0 : index
      %get3A_1416 = tpu.vector_load %arg6[%get3A, %get3A_1415] {strides = array<i32>} : memref<128x128xf32, #tpu.memory_space<vmem>>, vector<1x16xf32>,
      %get3A_1417 = vector.shape_cast %get3A_1416 : vector<1x16xf32> to vector<16xf32>
      %get3A_1418 = arith.index_cast %scan3A_1414 : i32 to index
      %get3A_1419 = arith.constant 0 : index
      %get3A_1420 = tpu.vector_load %arg7[%get3A_1418, %get3A_1419] {strides = array<i32>} : memref<128x128xf32, #tpu.memory_space<vmem>>, vector<1x16xf32>,
      %get3A_1421 = vector.shape_cast %get3A_1420 : vector<1x16xf32> to vector<16xf32>
      %mul3A_1422 = arith.mulf %get3A_1417, %get3A_1421 : vector<16xf32>
      %swap3A = arith.index_cast %scan3A_1414 : i32 to index
      %swap3A_1423 = arith.constant 0 : index
      %swap3A_1424 = tpu.vector_load %arg6[%swap3A, %swap3A_1423] {strides = array<i32>} : memref<128x128xf32, #tpu.memory_space<vmem>>, vector<1x16xf32>,
      %swap3A_1425 = vector.shape_cast %swap3A_1424 : vector<1x16xf32> to vector<16xf32>
      %swap3A_1426 = vector.shape_cast %mul3A_1422 : vector<16xf32> to vector<1x16xf32>
      tpu.vector_store %arg6[%swap3A, %swap3A_1423], %swap3A_1426 {strides = array<i32>} : memref<128x128xf32, #tpu.memory_space<vmem>>, vector<1x16xf32>,
      %get3A_1427 = arith.index_cast %scan3A_1414 : i32 to index
      %get3A_1428 = arith.constant 16 : index
      %get3A_1429 = tpu.vector_load %arg6[%get3A_1427, %get3A_1428] {strides = array<i32>} : memref<128x128xf32, #tpu.memory_space<vmem>>, vector<1x16xf32>,
      %get3A_1430 = vector.shape_cast %get3A_1429 : vector<1x16xf32> to vector<16xf32>
      %get3A_1431 = arith.index_cast %scan3A_1414 : i32 to index
      %get3A_1432 = arith.constant 16 : index
      %get3A_1433 = tpu.vector_load %arg7[%get3A_1431, %get3A_1432] {strides = array<i32>} : memref<128x128xf32, #tpu.memory_space<vmem>>, vector<1x16xf32>,
      %get3A_1434 = vector.shape_cast %get3A_1433 : vector<1x16xf32> to vector<16xf32>
      %mul3A_1435 = arith.mulf %get3A_1430, %get3A_1434 : vector<16xf32>
      %swap3A_1436 = arith.index_cast %scan3A_1414 : i32 to index
      %swap3A_1437 = arith.constant 16 : index
      %swap3A_1438 = tpu.vector_load %arg6[%swap3A_1436, %swap3A_1437] {strides = array<i32>} : memref<128x128xf32, #tpu.memory_space<vmem>>, vector<1x16xf32>,
      %swap3A_1439 = vector.shape_cast %swap3A_1438 : vector<1x16xf32> to vector<16xf32>
      %swap3A_1440 = vector.shape_cast %mul3A_1435 : vector<16xf32> to vector<1x16xf32>
      tpu.vector_store %arg6[%swap3A_1436, %swap3A_1437], %swap3A_1440 {strides = array<i32>} : memref<128x128xf32, #tpu.memory_space<vmem>>, vector<1x16xf32>,
      %get3A_1441 = arith.index_cast %scan3A_1414 : i32 to index
      %get3A_1442 = arith.constant 32 : index
      %get3A_1443 = tpu.vector_load %arg6[%get3A_1441, %get3A_1442] {strides = array<i32>} : memref<128x128xf32, #tpu.memory_space<vmem>>, vector<1x16xf32>,
      %get3A_1444 = vector.shape_cast %get3A_1443 : vector<1x16xf32> to vector<16xf32>
      %get3A_1445 = arith.index_cast %scan3A_1414 : i32 to index
      %get3A_1446 = arith.constant 32 : index
      %get3A_1447 = tpu.vector_load %arg7[%get3A_1445, %get3A_1446] {strides = array<i32>} : memref<128x128xf32, #tpu.memory_space<vmem>>, vector<1x16xf32>,
      %get3A_1448 = vector.shape_cast %get3A_1447 : vector<1x16xf32> to vector<16xf32>
      %mul3A_1449 = arith.mulf %get3A_1444, %get3A_1448 : vector<16xf32>
      %swap3A_1450 = arith.index_cast %scan3A_1414 : i32 to index
      %swap3A_1451 = arith.constant 32 : index
      %swap3A_1452 = tpu.vector_load %arg6[%swap3A_1450, %swap3A_1451] {strides = array<i32>} : memref<128x128xf32, #tpu.memory_space<vmem>>, vector<1x16xf32>,
      %swap3A_1453 = vector.shape_cast %swap3A_1452 : vector<1x16xf32> to vector<16xf32>
      %swap3A_1454 = vector.shape_cast %mul3A_1449 : vector<16xf32> to vector<1x16xf32>
      tpu.vector_store %arg6[%swap3A_1450, %swap3A_1451], %swap3A_1454 {strides = array<i32>} : memref<128x128xf32, #tpu.memory_space<vmem>>, vector<1x16xf32>,
      %get3A_1455 = arith.index_cast %scan3A_1414 : i32 to index
      %get3A_1456 = arith.constant 48 : index
      %get3A_1457 = tpu.vector_load %arg6[%get3A_1455, %get3A_1456] {strides = array<i32>} : memref<128x128xf32, #tpu.memory_space<vmem>>, vector<1x16xf32>,
      %get3A_1458 = vector.shape_cast %get3A_1457 : vector<1x16xf32> to vector<16xf32>
      %get3A_1459 = arith.index_cast %scan3A_1414 : i32 to index
      %get3A_1460 = arith.constant 48 : index
      %get3A_1461 = tpu.vector_load %arg7[%get3A_1459, %get3A_1460] {strides = array<i32>} : memref<128x128xf32, #tpu.memory_space<vmem>>, vector<1x16xf32>,
      %get3A_1462 = vector.shape_cast %get3A_1461 : vector<1x16xf32> to vector<16xf32>
      %mul3A_1463 = arith.mulf %get3A_1458, %get3A_1462 : vector<16xf32>
      %swap3A_1464 = arith.index_cast %scan3A_1414 : i32 to index
      %swap3A_1465 = arith.constant 48 : index
      %swap3A_1466 = tpu.vector_load %arg6[%swap3A_1464, %swap3A_1465] {strides = array<i32>} : memref<128x128xf32, #tpu.memory_space<vmem>>, vector<1x16xf32>,
      %swap3A_1467 = vector.shape_cast %swap3A_1466 : vector<1x16xf32> to vector<16xf32>
      %swap3A_1468 = vector.shape_cast %mul3A_1463 : vector<16xf32> to vector<1x16xf32>
      tpu.vector_store %arg6[%swap3A_1464, %swap3A_1465], %swap3A_1468 {strides = array<i32>} : memref<128x128xf32, #tpu.memory_space<vmem>>, vector<1x16xf32>,
    }
    %scan3A_1197 = arith.constant 128 : i32
    %add3A_1198 = arith.constant 3328 : i32
    %add3A_1199 = arith.addi %mul3A_2, %add3A_1198 : i32
    %dma_start3A_1200 = arith.constant 0 : i32
    %dma_start3A_1201 = tpu.memref_slice %arg4[%add3A_1199, %dma_start3A_1200] : memref<131072x128xf32, #tpu.memory_space<hbm>> -> memref<128x128xf32, #tpu.memory_space<hbm>>
    %dma_start3A_1202 = arith.constant 0 : i32
    %dma_start3A_1203 = tpu.memref_slice %arg4[%add3A_1199, %dma_start3A_1202] : memref<131072x128xf32, #tpu.memory_space<hbm>> -> memref<128x128xf32, #tpu.memory_space<hbm>>
    tpu.enqueue_dma source(%arg6 : memref<128x128xf32, #tpu.memory_space<vmem>>) target(%dma_start3A_1203 : memref<128x128xf32, #tpu.memory_space<hbm>>) target_semaphore(%arg15 : memref<!tpu.dma_semaphore, #tpu.memory_space<semaphore_mem>>)
    %dma_wait3A_1204 = arith.constant 27 : i32
    %dma_wait3A_1205 = arith.constant 0 : i32
    %dma_wait3A_1206 = tpu.memref_slice %arg5[%dma_wait3A_1204, %dma_wait3A_1205] : memref<64x128xi32, #tpu.memory_space<vmem>> -> memref<1x128xi32, #tpu.memory_space<vmem>>
    %dma_wait3A_1207 = tpu.memref_squeeze %dma_wait3A_1206 : memref<1x128xi32, #tpu.memory_space<vmem>> -> memref<128xi32, #tpu.memory_space<vmem>>
    %dma_wait3A_1208 = arith.constant 0 : i32
    %dma_wait3A_1209 = arith.constant 0 : i32
    %dma_wait3A_1210 = tpu.memref_slice %arg10[%dma_wait3A_1208, %dma_wait3A_1209] : memref<1024x128xf32, #tpu.memory_space<vmem_shared>> -> memref<1024x128xf32, #tpu.memory_space<vmem_shared>>
    tpu.wait_indirect_dma semaphore(%arg13 : memref<!tpu.dma_semaphore, #tpu.memory_space<semaphore_mem>>) src(%dma_wait3A_1210 : memref<1024x128xf32, #tpu.memory_space<vmem_shared>>) dst(%arg8 : memref<128x128xf32, #tpu.memory_space<vmem>>)
    %dma_wait3A_1211 = arith.constant 59 : i32
    %dma_wait3A_1212 = arith.constant 0 : i32
    %dma_wait3A_1213 = tpu.memref_slice %arg5[%dma_wait3A_1211, %dma_wait3A_1212] : memref<64x128xi32, #tpu.memory_space<vmem>> -> memref<1x128xi32, #tpu.memory_space<vmem>>
    %dma_wait3A_1214 = tpu.memref_squeeze %dma_wait3A_1213 : memref<1x128xi32, #tpu.memory_space<vmem>> -> memref<128xi32, #tpu.memory_space<vmem>>
    %dma_wait3A_1215 = arith.constant 0 : i32
    %dma_wait3A_1216 = arith.constant 0 : i32
    %dma_wait3A_1217 = tpu.memref_slice %arg10[%dma_wait3A_1215, %dma_wait3A_1216] : memref<1024x128xf32, #tpu.memory_space<vmem_shared>> -> memref<1024x128xf32, #tpu.memory_space<vmem_shared>>
    tpu.wait_indirect_dma semaphore(%arg14 : memref<!tpu.dma_semaphore, #tpu.memory_space<semaphore_mem>>) src(%dma_wait3A_1217 : memref<1024x128xf32, #tpu.memory_space<vmem_shared>>) dst(%arg9 : memref<128x128xf32, #tpu.memory_space<vmem>>)
    %dma_wait3A_1218 = arith.constant 0 : i32
    %dma_wait3A_1219 = tpu.memref_slice %arg4[%add3A_1199, %dma_wait3A_1218] : memref<131072x128xf32, #tpu.memory_space<hbm>> -> memref<128x128xf32, #tpu.memory_space<hbm>>
    %dma_wait3A_1220 = arith.constant 0 : i32
    %dma_wait3A_1221 = tpu.memref_slice %arg4[%add3A_1199, %dma_wait3A_1220] : memref<131072x128xf32, #tpu.memory_space<hbm>> -> memref<128x128xf32, #tpu.memory_space<hbm>>
    tpu.wait_dma2 semaphore(%arg15 : memref<!tpu.dma_semaphore, #tpu.memory_space<semaphore_mem>>) src(%arg6 : memref<128x128xf32, #tpu.memory_space<vmem>>) dst(%dma_wait3A_1221 : memref<128x128xf32, #tpu.memory_space<hbm>>)
    %dma_start3A_1222 = arith.constant 28 : i32
    %dma_start3A_1223 = arith.constant 0 : i32
    %dma_start3A_1224 = tpu.memref_slice %arg5[%dma_start3A_1222, %dma_start3A_1223] : memref<64x128xi32, #tpu.memory_space<vmem>> -> memref<1x128xi32, #tpu.memory_space<vmem>>
    %dma_start3A_1225 = tpu.memref_squeeze %dma_start3A_1224 : memref<1x128xi32, #tpu.memory_space<vmem>> -> memref<128xi32, #tpu.memory_space<vmem>>
    %dma_start3A_1226 = arith.constant 0 : i32
    %dma_start3A_1227 = arith.constant 0 : i32
    %dma_start3A_1228 = tpu.memref_slice %arg10[%dma_start3A_1226, %dma_start3A_1227] : memref<1024x128xf32, #tpu.memory_space<vmem_shared>> -> memref<1024x128xf32, #tpu.memory_space<vmem_shared>>
    tpu.enqueue_indirect_dma source(%dma_start3A_1228 : memref<1024x128xf32, #tpu.memory_space<vmem_shared>>) target(%arg6 : memref<128x128xf32, #tpu.memory_space<vmem>>) offsets(%dma_start3A_1225 : memref<128xi32, #tpu.memory_space<vmem>>) semaphore(%arg11 : memref<!tpu.dma_semaphore, #tpu.memory_space<semaphore_mem>>)
    %dma_start3A_1229 = arith.constant 60 : i32
    %dma_start3A_1230 = arith.constant 0 : i32
    %dma_start3A_1231 = tpu.memref_slice %arg5[%dma_start3A_1229, %dma_start3A_1230] : memref<64x128xi32, #tpu.memory_space<vmem>> -> memref<1x128xi32, #tpu.memory_space<vmem>>
    %dma_start3A_1232 = tpu.memref_squeeze %dma_start3A_1231 : memref<1x128xi32, #tpu.memory_space<vmem>> -> memref<128xi32, #tpu.memory_space<vmem>>
    %dma_start3A_1233 = arith.constant 0 : i32
    %dma_start3A_1234 = arith.constant 0 : i32
    %dma_start3A_1235 = tpu.memref_slice %arg10[%dma_start3A_1233, %dma_start3A_1234] : memref<1024x128xf32, #tpu.memory_space<vmem_shared>> -> memref<1024x128xf32, #tpu.memory_space<vmem_shared>>
    tpu.enqueue_indirect_dma source(%dma_start3A_1235 : memref<1024x128xf32, #tpu.memory_space<vmem_shared>>) target(%arg7 : memref<128x128xf32, #tpu.memory_space<vmem>>) offsets(%dma_start3A_1232 : memref<128xi32, #tpu.memory_space<vmem>>) semaphore(%arg12 : memref<!tpu.dma_semaphore, #tpu.memory_space<semaphore_mem>>)
    %scan3A_1236 = arith.constant 0 : i32
    %scan3A_1237 = arith.constant 0 : i32
    %scan3A_1238 = arith.constant 128 : i32
    %scan3A_1239 = arith.addi %scan3A_1237, %scan3A_1238 : i32
    %scan3A_1240 = arith.constant 1 : i32
    scf.for %scan3A_1414 = %scan3A_1237 to %scan3A_1239 step %scan3A_1240  : i32 {
      %get3A = arith.index_cast %scan3A_1414 : i32 to index
      %get3A_1415 = arith.constant 0 : index
      %get3A_1416 = tpu.vector_load %arg8[%get3A, %get3A_1415] {strides = array<i32>} : memref<128x128xf32, #tpu.memory_space<vmem>>, vector<1x16xf32>,
      %get3A_1417 = vector.shape_cast %get3A_1416 : vector<1x16xf32> to vector<16xf32>
      %get3A_1418 = arith.index_cast %scan3A_1414 : i32 to index
      %get3A_1419 = arith.constant 0 : index
      %get3A_1420 = tpu.vector_load %arg9[%get3A_1418, %get3A_1419] {strides = array<i32>} : memref<128x128xf32, #tpu.memory_space<vmem>>, vector<1x16xf32>,
      %get3A_1421 = vector.shape_cast %get3A_1420 : vector<1x16xf32> to vector<16xf32>
      %mul3A_1422 = arith.mulf %get3A_1417, %get3A_1421 : vector<16xf32>
      %swap3A = arith.index_cast %scan3A_1414 : i32 to index
      %swap3A_1423 = arith.constant 0 : index
      %swap3A_1424 = tpu.vector_load %arg8[%swap3A, %swap3A_1423] {strides = array<i32>} : memref<128x128xf32, #tpu.memory_space<vmem>>, vector<1x16xf32>,
      %swap3A_1425 = vector.shape_cast %swap3A_1424 : vector<1x16xf32> to vector<16xf32>
      %swap3A_1426 = vector.shape_cast %mul3A_1422 : vector<16xf32> to vector<1x16xf32>
      tpu.vector_store %arg8[%swap3A, %swap3A_1423], %swap3A_1426 {strides = array<i32>} : memref<128x128xf32, #tpu.memory_space<vmem>>, vector<1x16xf32>,
      %get3A_1427 = arith.index_cast %scan3A_1414 : i32 to index
      %get3A_1428 = arith.constant 16 : index
      %get3A_1429 = tpu.vector_load %arg8[%get3A_1427, %get3A_1428] {strides = array<i32>} : memref<128x128xf32, #tpu.memory_space<vmem>>, vector<1x16xf32>,
      %get3A_1430 = vector.shape_cast %get3A_1429 : vector<1x16xf32> to vector<16xf32>
      %get3A_1431 = arith.index_cast %scan3A_1414 : i32 to index
      %get3A_1432 = arith.constant 16 : index
      %get3A_1433 = tpu.vector_load %arg9[%get3A_1431, %get3A_1432] {strides = array<i32>} : memref<128x128xf32, #tpu.memory_space<vmem>>, vector<1x16xf32>,
      %get3A_1434 = vector.shape_cast %get3A_1433 : vector<1x16xf32> to vector<16xf32>
      %mul3A_1435 = arith.mulf %get3A_1430, %get3A_1434 : vector<16xf32>
      %swap3A_1436 = arith.index_cast %scan3A_1414 : i32 to index
      %swap3A_1437 = arith.constant 16 : index
      %swap3A_1438 = tpu.vector_load %arg8[%swap3A_1436, %swap3A_1437] {strides = array<i32>} : memref<128x128xf32, #tpu.memory_space<vmem>>, vector<1x16xf32>,
      %swap3A_1439 = vector.shape_cast %swap3A_1438 : vector<1x16xf32> to vector<16xf32>
      %swap3A_1440 = vector.shape_cast %mul3A_1435 : vector<16xf32> to vector<1x16xf32>
      tpu.vector_store %arg8[%swap3A_1436, %swap3A_1437], %swap3A_1440 {strides = array<i32>} : memref<128x128xf32, #tpu.memory_space<vmem>>, vector<1x16xf32>,
      %get3A_1441 = arith.index_cast %scan3A_1414 : i32 to index
      %get3A_1442 = arith.constant 32 : index
      %get3A_1443 = tpu.vector_load %arg8[%get3A_1441, %get3A_1442] {strides = array<i32>} : memref<128x128xf32, #tpu.memory_space<vmem>>, vector<1x16xf32>,
      %get3A_1444 = vector.shape_cast %get3A_1443 : vector<1x16xf32> to vector<16xf32>
      %get3A_1445 = arith.index_cast %scan3A_1414 : i32 to index
      %get3A_1446 = arith.constant 32 : index
      %get3A_1447 = tpu.vector_load %arg9[%get3A_1445, %get3A_1446] {strides = array<i32>} : memref<128x128xf32, #tpu.memory_space<vmem>>, vector<1x16xf32>,
      %get3A_1448 = vector.shape_cast %get3A_1447 : vector<1x16xf32> to vector<16xf32>
      %mul3A_1449 = arith.mulf %get3A_1444, %get3A_1448 : vector<16xf32>
      %swap3A_1450 = arith.index_cast %scan3A_1414 : i32 to index
      %swap3A_1451 = arith.constant 32 : index
      %swap3A_1452 = tpu.vector_load %arg8[%swap3A_1450, %swap3A_1451] {strides = array<i32>} : memref<128x128xf32, #tpu.memory_space<vmem>>, vector<1x16xf32>,
      %swap3A_1453 = vector.shape_cast %swap3A_1452 : vector<1x16xf32> to vector<16xf32>
      %swap3A_1454 = vector.shape_cast %mul3A_1449 : vector<16xf32> to vector<1x16xf32>
      tpu.vector_store %arg8[%swap3A_1450, %swap3A_1451], %swap3A_1454 {strides = array<i32>} : memref<128x128xf32, #tpu.memory_space<vmem>>, vector<1x16xf32>,
      %get3A_1455 = arith.index_cast %scan3A_1414 : i32 to index
      %get3A_1456 = arith.constant 48 : index
      %get3A_1457 = tpu.vector_load %arg8[%get3A_1455, %get3A_1456] {strides = array<i32>} : memref<128x128xf32, #tpu.memory_space<vmem>>, vector<1x16xf32>,
      %get3A_1458 = vector.shape_cast %get3A_1457 : vector<1x16xf32> to vector<16xf32>
      %get3A_1459 = arith.index_cast %scan3A_1414 : i32 to index
      %get3A_1460 = arith.constant 48 : index
      %get3A_1461 = tpu.vector_load %arg9[%get3A_1459, %get3A_1460] {strides = array<i32>} : memref<128x128xf32, #tpu.memory_space<vmem>>, vector<1x16xf32>,
      %get3A_1462 = vector.shape_cast %get3A_1461 : vector<1x16xf32> to vector<16xf32>
      %mul3A_1463 = arith.mulf %get3A_1458, %get3A_1462 : vector<16xf32>
      %swap3A_1464 = arith.index_cast %scan3A_1414 : i32 to index
      %swap3A_1465 = arith.constant 48 : index
      %swap3A_1466 = tpu.vector_load %arg8[%swap3A_1464, %swap3A_1465] {strides = array<i32>} : memref<128x128xf32, #tpu.memory_space<vmem>>, vector<1x16xf32>,
      %swap3A_1467 = vector.shape_cast %swap3A_1466 : vector<1x16xf32> to vector<16xf32>
      %swap3A_1468 = vector.shape_cast %mul3A_1463 : vector<16xf32> to vector<1x16xf32>
      tpu.vector_store %arg8[%swap3A_1464, %swap3A_1465], %swap3A_1468 {strides = array<i32>} : memref<128x128xf32, #tpu.memory_space<vmem>>, vector<1x16xf32>,
    }
    %scan3A_1241 = arith.constant 128 : i32
    %add3A_1242 = arith.constant 3456 : i32
    %add3A_1243 = arith.addi %mul3A_2, %add3A_1242 : i32
    %dma_start3A_1244 = arith.constant 0 : i32
    %dma_start3A_1245 = tpu.memref_slice %arg4[%add3A_1243, %dma_start3A_1244] : memref<131072x128xf32, #tpu.memory_space<hbm>> -> memref<128x128xf32, #tpu.memory_space<hbm>>
    %dma_start3A_1246 = arith.constant 0 : i32
    %dma_start3A_1247 = tpu.memref_slice %arg4[%add3A_1243, %dma_start3A_1246] : memref<131072x128xf32, #tpu.memory_space<hbm>> -> memref<128x128xf32, #tpu.memory_space<hbm>>
    tpu.enqueue_dma source(%arg8 : memref<128x128xf32, #tpu.memory_space<vmem>>) target(%dma_start3A_1247 : memref<128x128xf32, #tpu.memory_space<hbm>>) target_semaphore(%arg16 : memref<!tpu.dma_semaphore, #tpu.memory_space<semaphore_mem>>)
    %dma_wait3A_1248 = arith.constant 28 : i32
    %dma_wait3A_1249 = arith.constant 0 : i32
    %dma_wait3A_1250 = tpu.memref_slice %arg5[%dma_wait3A_1248, %dma_wait3A_1249] : memref<64x128xi32, #tpu.memory_space<vmem>> -> memref<1x128xi32, #tpu.memory_space<vmem>>
    %dma_wait3A_1251 = tpu.memref_squeeze %dma_wait3A_1250 : memref<1x128xi32, #tpu.memory_space<vmem>> -> memref<128xi32, #tpu.memory_space<vmem>>
    %dma_wait3A_1252 = arith.constant 0 : i32
    %dma_wait3A_1253 = arith.constant 0 : i32
    %dma_wait3A_1254 = tpu.memref_slice %arg10[%dma_wait3A_1252, %dma_wait3A_1253] : memref<1024x128xf32, #tpu.memory_space<vmem_shared>> -> memref<1024x128xf32, #tpu.memory_space<vmem_shared>>
    tpu.wait_indirect_dma semaphore(%arg11 : memref<!tpu.dma_semaphore, #tpu.memory_space<semaphore_mem>>) src(%dma_wait3A_1254 : memref<1024x128xf32, #tpu.memory_space<vmem_shared>>) dst(%arg6 : memref<128x128xf32, #tpu.memory_space<vmem>>)
    %dma_wait3A_1255 = arith.constant 60 : i32
    %dma_wait3A_1256 = arith.constant 0 : i32
    %dma_wait3A_1257 = tpu.memref_slice %arg5[%dma_wait3A_1255, %dma_wait3A_1256] : memref<64x128xi32, #tpu.memory_space<vmem>> -> memref<1x128xi32, #tpu.memory_space<vmem>>
    %dma_wait3A_1258 = tpu.memref_squeeze %dma_wait3A_1257 : memref<1x128xi32, #tpu.memory_space<vmem>> -> memref<128xi32, #tpu.memory_space<vmem>>
    %dma_wait3A_1259 = arith.constant 0 : i32
    %dma_wait3A_1260 = arith.constant 0 : i32
    %dma_wait3A_1261 = tpu.memref_slice %arg10[%dma_wait3A_1259, %dma_wait3A_1260] : memref<1024x128xf32, #tpu.memory_space<vmem_shared>> -> memref<1024x128xf32, #tpu.memory_space<vmem_shared>>
    tpu.wait_indirect_dma semaphore(%arg12 : memref<!tpu.dma_semaphore, #tpu.memory_space<semaphore_mem>>) src(%dma_wait3A_1261 : memref<1024x128xf32, #tpu.memory_space<vmem_shared>>) dst(%arg7 : memref<128x128xf32, #tpu.memory_space<vmem>>)
    %dma_wait3A_1262 = arith.constant 0 : i32
    %dma_wait3A_1263 = tpu.memref_slice %arg4[%add3A_1243, %dma_wait3A_1262] : memref<131072x128xf32, #tpu.memory_space<hbm>> -> memref<128x128xf32, #tpu.memory_space<hbm>>
    %dma_wait3A_1264 = arith.constant 0 : i32
    %dma_wait3A_1265 = tpu.memref_slice %arg4[%add3A_1243, %dma_wait3A_1264] : memref<131072x128xf32, #tpu.memory_space<hbm>> -> memref<128x128xf32, #tpu.memory_space<hbm>>
    tpu.wait_dma2 semaphore(%arg16 : memref<!tpu.dma_semaphore, #tpu.memory_space<semaphore_mem>>) src(%arg8 : memref<128x128xf32, #tpu.memory_space<vmem>>) dst(%dma_wait3A_1265 : memref<128x128xf32, #tpu.memory_space<hbm>>)
    %dma_start3A_1266 = arith.constant 29 : i32
    %dma_start3A_1267 = arith.constant 0 : i32
    %dma_start3A_1268 = tpu.memref_slice %arg5[%dma_start3A_1266, %dma_start3A_1267] : memref<64x128xi32, #tpu.memory_space<vmem>> -> memref<1x128xi32, #tpu.memory_space<vmem>>
    %dma_start3A_1269 = tpu.memref_squeeze %dma_start3A_1268 : memref<1x128xi32, #tpu.memory_space<vmem>> -> memref<128xi32, #tpu.memory_space<vmem>>
    %dma_start3A_1270 = arith.constant 0 : i32
    %dma_start3A_1271 = arith.constant 0 : i32
    %dma_start3A_1272 = tpu.memref_slice %arg10[%dma_start3A_1270, %dma_start3A_1271] : memref<1024x128xf32, #tpu.memory_space<vmem_shared>> -> memref<1024x128xf32, #tpu.memory_space<vmem_shared>>
    tpu.enqueue_indirect_dma source(%dma_start3A_1272 : memref<1024x128xf32, #tpu.memory_space<vmem_shared>>) target(%arg8 : memref<128x128xf32, #tpu.memory_space<vmem>>) offsets(%dma_start3A_1269 : memref<128xi32, #tpu.memory_space<vmem>>) semaphore(%arg13 : memref<!tpu.dma_semaphore, #tpu.memory_space<semaphore_mem>>)
    %dma_start3A_1273 = arith.constant 61 : i32
    %dma_start3A_1274 = arith.constant 0 : i32
    %dma_start3A_1275 = tpu.memref_slice %arg5[%dma_start3A_1273, %dma_start3A_1274] : memref<64x128xi32, #tpu.memory_space<vmem>> -> memref<1x128xi32, #tpu.memory_space<vmem>>
    %dma_start3A_1276 = tpu.memref_squeeze %dma_start3A_1275 : memref<1x128xi32, #tpu.memory_space<vmem>> -> memref<128xi32, #tpu.memory_space<vmem>>
    %dma_start3A_1277 = arith.constant 0 : i32
    %dma_start3A_1278 = arith.constant 0 : i32
    %dma_start3A_1279 = tpu.memref_slice %arg10[%dma_start3A_1277, %dma_start3A_1278] : memref<1024x128xf32, #tpu.memory_space<vmem_shared>> -> memref<1024x128xf32, #tpu.memory_space<vmem_shared>>
    tpu.enqueue_indirect_dma source(%dma_start3A_1279 : memref<1024x128xf32, #tpu.memory_space<vmem_shared>>) target(%arg9 : memref<128x128xf32, #tpu.memory_space<vmem>>) offsets(%dma_start3A_1276 : memref<128xi32, #tpu.memory_space<vmem>>) semaphore(%arg14 : memref<!tpu.dma_semaphore, #tpu.memory_space<semaphore_mem>>)
    %scan3A_1280 = arith.constant 0 : i32
    %scan3A_1281 = arith.constant 0 : i32
    %scan3A_1282 = arith.constant 128 : i32
    %scan3A_1283 = arith.addi %scan3A_1281, %scan3A_1282 : i32
    %scan3A_1284 = arith.constant 1 : i32
    scf.for %scan3A_1414 = %scan3A_1281 to %scan3A_1283 step %scan3A_1284  : i32 {
      %get3A = arith.index_cast %scan3A_1414 : i32 to index
      %get3A_1415 = arith.constant 0 : index
      %get3A_1416 = tpu.vector_load %arg6[%get3A, %get3A_1415] {strides = array<i32>} : memref<128x128xf32, #tpu.memory_space<vmem>>, vector<1x16xf32>,
      %get3A_1417 = vector.shape_cast %get3A_1416 : vector<1x16xf32> to vector<16xf32>
      %get3A_1418 = arith.index_cast %scan3A_1414 : i32 to index
      %get3A_1419 = arith.constant 0 : index
      %get3A_1420 = tpu.vector_load %arg7[%get3A_1418, %get3A_1419] {strides = array<i32>} : memref<128x128xf32, #tpu.memory_space<vmem>>, vector<1x16xf32>,
      %get3A_1421 = vector.shape_cast %get3A_1420 : vector<1x16xf32> to vector<16xf32>
      %mul3A_1422 = arith.mulf %get3A_1417, %get3A_1421 : vector<16xf32>
      %swap3A = arith.index_cast %scan3A_1414 : i32 to index
      %swap3A_1423 = arith.constant 0 : index
      %swap3A_1424 = tpu.vector_load %arg6[%swap3A, %swap3A_1423] {strides = array<i32>} : memref<128x128xf32, #tpu.memory_space<vmem>>, vector<1x16xf32>,
      %swap3A_1425 = vector.shape_cast %swap3A_1424 : vector<1x16xf32> to vector<16xf32>
      %swap3A_1426 = vector.shape_cast %mul3A_1422 : vector<16xf32> to vector<1x16xf32>
      tpu.vector_store %arg6[%swap3A, %swap3A_1423], %swap3A_1426 {strides = array<i32>} : memref<128x128xf32, #tpu.memory_space<vmem>>, vector<1x16xf32>,
      %get3A_1427 = arith.index_cast %scan3A_1414 : i32 to index
      %get3A_1428 = arith.constant 16 : index
      %get3A_1429 = tpu.vector_load %arg6[%get3A_1427, %get3A_1428] {strides = array<i32>} : memref<128x128xf32, #tpu.memory_space<vmem>>, vector<1x16xf32>,
      %get3A_1430 = vector.shape_cast %get3A_1429 : vector<1x16xf32> to vector<16xf32>
      %get3A_1431 = arith.index_cast %scan3A_1414 : i32 to index
      %get3A_1432 = arith.constant 16 : index
      %get3A_1433 = tpu.vector_load %arg7[%get3A_1431, %get3A_1432] {strides = array<i32>} : memref<128x128xf32, #tpu.memory_space<vmem>>, vector<1x16xf32>,
      %get3A_1434 = vector.shape_cast %get3A_1433 : vector<1x16xf32> to vector<16xf32>
      %mul3A_1435 = arith.mulf %get3A_1430, %get3A_1434 : vector<16xf32>
      %swap3A_1436 = arith.index_cast %scan3A_1414 : i32 to index
      %swap3A_1437 = arith.constant 16 : index
      %swap3A_1438 = tpu.vector_load %arg6[%swap3A_1436, %swap3A_1437] {strides = array<i32>} : memref<128x128xf32, #tpu.memory_space<vmem>>, vector<1x16xf32>,
      %swap3A_1439 = vector.shape_cast %swap3A_1438 : vector<1x16xf32> to vector<16xf32>
      %swap3A_1440 = vector.shape_cast %mul3A_1435 : vector<16xf32> to vector<1x16xf32>
      tpu.vector_store %arg6[%swap3A_1436, %swap3A_1437], %swap3A_1440 {strides = array<i32>} : memref<128x128xf32, #tpu.memory_space<vmem>>, vector<1x16xf32>,
      %get3A_1441 = arith.index_cast %scan3A_1414 : i32 to index
      %get3A_1442 = arith.constant 32 : index
      %get3A_1443 = tpu.vector_load %arg6[%get3A_1441, %get3A_1442] {strides = array<i32>} : memref<128x128xf32, #tpu.memory_space<vmem>>, vector<1x16xf32>,
      %get3A_1444 = vector.shape_cast %get3A_1443 : vector<1x16xf32> to vector<16xf32>
      %get3A_1445 = arith.index_cast %scan3A_1414 : i32 to index
      %get3A_1446 = arith.constant 32 : index
      %get3A_1447 = tpu.vector_load %arg7[%get3A_1445, %get3A_1446] {strides = array<i32>} : memref<128x128xf32, #tpu.memory_space<vmem>>, vector<1x16xf32>,
      %get3A_1448 = vector.shape_cast %get3A_1447 : vector<1x16xf32> to vector<16xf32>
      %mul3A_1449 = arith.mulf %get3A_1444, %get3A_1448 : vector<16xf32>
      %swap3A_1450 = arith.index_cast %scan3A_1414 : i32 to index
      %swap3A_1451 = arith.constant 32 : index
      %swap3A_1452 = tpu.vector_load %arg6[%swap3A_1450, %swap3A_1451] {strides = array<i32>} : memref<128x128xf32, #tpu.memory_space<vmem>>, vector<1x16xf32>,
      %swap3A_1453 = vector.shape_cast %swap3A_1452 : vector<1x16xf32> to vector<16xf32>
      %swap3A_1454 = vector.shape_cast %mul3A_1449 : vector<16xf32> to vector<1x16xf32>
      tpu.vector_store %arg6[%swap3A_1450, %swap3A_1451], %swap3A_1454 {strides = array<i32>} : memref<128x128xf32, #tpu.memory_space<vmem>>, vector<1x16xf32>,
      %get3A_1455 = arith.index_cast %scan3A_1414 : i32 to index
      %get3A_1456 = arith.constant 48 : index
      %get3A_1457 = tpu.vector_load %arg6[%get3A_1455, %get3A_1456] {strides = array<i32>} : memref<128x128xf32, #tpu.memory_space<vmem>>, vector<1x16xf32>,
      %get3A_1458 = vector.shape_cast %get3A_1457 : vector<1x16xf32> to vector<16xf32>
      %get3A_1459 = arith.index_cast %scan3A_1414 : i32 to index
      %get3A_1460 = arith.constant 48 : index
      %get3A_1461 = tpu.vector_load %arg7[%get3A_1459, %get3A_1460] {strides = array<i32>} : memref<128x128xf32, #tpu.memory_space<vmem>>, vector<1x16xf32>,
      %get3A_1462 = vector.shape_cast %get3A_1461 : vector<1x16xf32> to vector<16xf32>
      %mul3A_1463 = arith.mulf %get3A_1458, %get3A_1462 : vector<16xf32>
      %swap3A_1464 = arith.index_cast %scan3A_1414 : i32 to index
      %swap3A_1465 = arith.constant 48 : index
      %swap3A_1466 = tpu.vector_load %arg6[%swap3A_1464, %swap3A_1465] {strides = array<i32>} : memref<128x128xf32, #tpu.memory_space<vmem>>, vector<1x16xf32>,
      %swap3A_1467 = vector.shape_cast %swap3A_1466 : vector<1x16xf32> to vector<16xf32>
      %swap3A_1468 = vector.shape_cast %mul3A_1463 : vector<16xf32> to vector<1x16xf32>
      tpu.vector_store %arg6[%swap3A_1464, %swap3A_1465], %swap3A_1468 {strides = array<i32>} : memref<128x128xf32, #tpu.memory_space<vmem>>, vector<1x16xf32>,
    }
    %scan3A_1285 = arith.constant 128 : i32
    %add3A_1286 = arith.constant 3584 : i32
    %add3A_1287 = arith.addi %mul3A_2, %add3A_1286 : i32
    %dma_start3A_1288 = arith.constant 0 : i32
    %dma_start3A_1289 = tpu.memref_slice %arg4[%add3A_1287, %dma_start3A_1288] : memref<131072x128xf32, #tpu.memory_space<hbm>> -> memref<128x128xf32, #tpu.memory_space<hbm>>
    %dma_start3A_1290 = arith.constant 0 : i32
    %dma_start3A_1291 = tpu.memref_slice %arg4[%add3A_1287, %dma_start3A_1290] : memref<131072x128xf32, #tpu.memory_space<hbm>> -> memref<128x128xf32, #tpu.memory_space<hbm>>
    tpu.enqueue_dma source(%arg6 : memref<128x128xf32, #tpu.memory_space<vmem>>) target(%dma_start3A_1291 : memref<128x128xf32, #tpu.memory_space<hbm>>) target_semaphore(%arg15 : memref<!tpu.dma_semaphore, #tpu.memory_space<semaphore_mem>>)
    %dma_wait3A_1292 = arith.constant 29 : i32
    %dma_wait3A_1293 = arith.constant 0 : i32
    %dma_wait3A_1294 = tpu.memref_slice %arg5[%dma_wait3A_1292, %dma_wait3A_1293] : memref<64x128xi32, #tpu.memory_space<vmem>> -> memref<1x128xi32, #tpu.memory_space<vmem>>
    %dma_wait3A_1295 = tpu.memref_squeeze %dma_wait3A_1294 : memref<1x128xi32, #tpu.memory_space<vmem>> -> memref<128xi32, #tpu.memory_space<vmem>>
    %dma_wait3A_1296 = arith.constant 0 : i32
    %dma_wait3A_1297 = arith.constant 0 : i32
    %dma_wait3A_1298 = tpu.memref_slice %arg10[%dma_wait3A_1296, %dma_wait3A_1297] : memref<1024x128xf32, #tpu.memory_space<vmem_shared>> -> memref<1024x128xf32, #tpu.memory_space<vmem_shared>>
    tpu.wait_indirect_dma semaphore(%arg13 : memref<!tpu.dma_semaphore, #tpu.memory_space<semaphore_mem>>) src(%dma_wait3A_1298 : memref<1024x128xf32, #tpu.memory_space<vmem_shared>>) dst(%arg8 : memref<128x128xf32, #tpu.memory_space<vmem>>)
    %dma_wait3A_1299 = arith.constant 61 : i32
    %dma_wait3A_1300 = arith.constant 0 : i32
    %dma_wait3A_1301 = tpu.memref_slice %arg5[%dma_wait3A_1299, %dma_wait3A_1300] : memref<64x128xi32, #tpu.memory_space<vmem>> -> memref<1x128xi32, #tpu.memory_space<vmem>>
    %dma_wait3A_1302 = tpu.memref_squeeze %dma_wait3A_1301 : memref<1x128xi32, #tpu.memory_space<vmem>> -> memref<128xi32, #tpu.memory_space<vmem>>
    %dma_wait3A_1303 = arith.constant 0 : i32
    %dma_wait3A_1304 = arith.constant 0 : i32
    %dma_wait3A_1305 = tpu.memref_slice %arg10[%dma_wait3A_1303, %dma_wait3A_1304] : memref<1024x128xf32, #tpu.memory_space<vmem_shared>> -> memref<1024x128xf32, #tpu.memory_space<vmem_shared>>
    tpu.wait_indirect_dma semaphore(%arg14 : memref<!tpu.dma_semaphore, #tpu.memory_space<semaphore_mem>>) src(%dma_wait3A_1305 : memref<1024x128xf32, #tpu.memory_space<vmem_shared>>) dst(%arg9 : memref<128x128xf32, #tpu.memory_space<vmem>>)
    %dma_wait3A_1306 = arith.constant 0 : i32
    %dma_wait3A_1307 = tpu.memref_slice %arg4[%add3A_1287, %dma_wait3A_1306] : memref<131072x128xf32, #tpu.memory_space<hbm>> -> memref<128x128xf32, #tpu.memory_space<hbm>>
    %dma_wait3A_1308 = arith.constant 0 : i32
    %dma_wait3A_1309 = tpu.memref_slice %arg4[%add3A_1287, %dma_wait3A_1308] : memref<131072x128xf32, #tpu.memory_space<hbm>> -> memref<128x128xf32, #tpu.memory_space<hbm>>
    tpu.wait_dma2 semaphore(%arg15 : memref<!tpu.dma_semaphore, #tpu.memory_space<semaphore_mem>>) src(%arg6 : memref<128x128xf32, #tpu.memory_space<vmem>>) dst(%dma_wait3A_1309 : memref<128x128xf32, #tpu.memory_space<hbm>>)
    %dma_start3A_1310 = arith.constant 30 : i32
    %dma_start3A_1311 = arith.constant 0 : i32
    %dma_start3A_1312 = tpu.memref_slice %arg5[%dma_start3A_1310, %dma_start3A_1311] : memref<64x128xi32, #tpu.memory_space<vmem>> -> memref<1x128xi32, #tpu.memory_space<vmem>>
    %dma_start3A_1313 = tpu.memref_squeeze %dma_start3A_1312 : memref<1x128xi32, #tpu.memory_space<vmem>> -> memref<128xi32, #tpu.memory_space<vmem>>
    %dma_start3A_1314 = arith.constant 0 : i32
    %dma_start3A_1315 = arith.constant 0 : i32
    %dma_start3A_1316 = tpu.memref_slice %arg10[%dma_start3A_1314, %dma_start3A_1315] : memref<1024x128xf32, #tpu.memory_space<vmem_shared>> -> memref<1024x128xf32, #tpu.memory_space<vmem_shared>>
    tpu.enqueue_indirect_dma source(%dma_start3A_1316 : memref<1024x128xf32, #tpu.memory_space<vmem_shared>>) target(%arg6 : memref<128x128xf32, #tpu.memory_space<vmem>>) offsets(%dma_start3A_1313 : memref<128xi32, #tpu.memory_space<vmem>>) semaphore(%arg11 : memref<!tpu.dma_semaphore, #tpu.memory_space<semaphore_mem>>)
    %dma_start3A_1317 = arith.constant 62 : i32
    %dma_start3A_1318 = arith.constant 0 : i32
    %dma_start3A_1319 = tpu.memref_slice %arg5[%dma_start3A_1317, %dma_start3A_1318] : memref<64x128xi32, #tpu.memory_space<vmem>> -> memref<1x128xi32, #tpu.memory_space<vmem>>
    %dma_start3A_1320 = tpu.memref_squeeze %dma_start3A_1319 : memref<1x128xi32, #tpu.memory_space<vmem>> -> memref<128xi32, #tpu.memory_space<vmem>>
    %dma_start3A_1321 = arith.constant 0 : i32
    %dma_start3A_1322 = arith.constant 0 : i32
    %dma_start3A_1323 = tpu.memref_slice %arg10[%dma_start3A_1321, %dma_start3A_1322] : memref<1024x128xf32, #tpu.memory_space<vmem_shared>> -> memref<1024x128xf32, #tpu.memory_space<vmem_shared>>
    tpu.enqueue_indirect_dma source(%dma_start3A_1323 : memref<1024x128xf32, #tpu.memory_space<vmem_shared>>) target(%arg7 : memref<128x128xf32, #tpu.memory_space<vmem>>) offsets(%dma_start3A_1320 : memref<128xi32, #tpu.memory_space<vmem>>) semaphore(%arg12 : memref<!tpu.dma_semaphore, #tpu.memory_space<semaphore_mem>>)
    %scan3A_1324 = arith.constant 0 : i32
    %scan3A_1325 = arith.constant 0 : i32
    %scan3A_1326 = arith.constant 128 : i32
    %scan3A_1327 = arith.addi %scan3A_1325, %scan3A_1326 : i32
    %scan3A_1328 = arith.constant 1 : i32
    scf.for %scan3A_1414 = %scan3A_1325 to %scan3A_1327 step %scan3A_1328  : i32 {
      %get3A = arith.index_cast %scan3A_1414 : i32 to index
      %get3A_1415 = arith.constant 0 : index
      %get3A_1416 = tpu.vector_load %arg8[%get3A, %get3A_1415] {strides = array<i32>} : memref<128x128xf32, #tpu.memory_space<vmem>>, vector<1x16xf32>,
      %get3A_1417 = vector.shape_cast %get3A_1416 : vector<1x16xf32> to vector<16xf32>
      %get3A_1418 = arith.index_cast %scan3A_1414 : i32 to index
      %get3A_1419 = arith.constant 0 : index
      %get3A_1420 = tpu.vector_load %arg9[%get3A_1418, %get3A_1419] {strides = array<i32>} : memref<128x128xf32, #tpu.memory_space<vmem>>, vector<1x16xf32>,
      %get3A_1421 = vector.shape_cast %get3A_1420 : vector<1x16xf32> to vector<16xf32>
      %mul3A_1422 = arith.mulf %get3A_1417, %get3A_1421 : vector<16xf32>
      %swap3A = arith.index_cast %scan3A_1414 : i32 to index
      %swap3A_1423 = arith.constant 0 : index
      %swap3A_1424 = tpu.vector_load %arg8[%swap3A, %swap3A_1423] {strides = array<i32>} : memref<128x128xf32, #tpu.memory_space<vmem>>, vector<1x16xf32>,
      %swap3A_1425 = vector.shape_cast %swap3A_1424 : vector<1x16xf32> to vector<16xf32>
      %swap3A_1426 = vector.shape_cast %mul3A_1422 : vector<16xf32> to vector<1x16xf32>
      tpu.vector_store %arg8[%swap3A, %swap3A_1423], %swap3A_1426 {strides = array<i32>} : memref<128x128xf32, #tpu.memory_space<vmem>>, vector<1x16xf32>,
      %get3A_1427 = arith.index_cast %scan3A_1414 : i32 to index
      %get3A_1428 = arith.constant 16 : index
      %get3A_1429 = tpu.vector_load %arg8[%get3A_1427, %get3A_1428] {strides = array<i32>} : memref<128x128xf32, #tpu.memory_space<vmem>>, vector<1x16xf32>,
      %get3A_1430 = vector.shape_cast %get3A_1429 : vector<1x16xf32> to vector<16xf32>
      %get3A_1431 = arith.index_cast %scan3A_1414 : i32 to index
      %get3A_1432 = arith.constant 16 : index
      %get3A_1433 = tpu.vector_load %arg9[%get3A_1431, %get3A_1432] {strides = array<i32>} : memref<128x128xf32, #tpu.memory_space<vmem>>, vector<1x16xf32>,
      %get3A_1434 = vector.shape_cast %get3A_1433 : vector<1x16xf32> to vector<16xf32>
      %mul3A_1435 = arith.mulf %get3A_1430, %get3A_1434 : vector<16xf32>
      %swap3A_1436 = arith.index_cast %scan3A_1414 : i32 to index
      %swap3A_1437 = arith.constant 16 : index
      %swap3A_1438 = tpu.vector_load %arg8[%swap3A_1436, %swap3A_1437] {strides = array<i32>} : memref<128x128xf32, #tpu.memory_space<vmem>>, vector<1x16xf32>,
      %swap3A_1439 = vector.shape_cast %swap3A_1438 : vector<1x16xf32> to vector<16xf32>
      %swap3A_1440 = vector.shape_cast %mul3A_1435 : vector<16xf32> to vector<1x16xf32>
      tpu.vector_store %arg8[%swap3A_1436, %swap3A_1437], %swap3A_1440 {strides = array<i32>} : memref<128x128xf32, #tpu.memory_space<vmem>>, vector<1x16xf32>,
      %get3A_1441 = arith.index_cast %scan3A_1414 : i32 to index
      %get3A_1442 = arith.constant 32 : index
      %get3A_1443 = tpu.vector_load %arg8[%get3A_1441, %get3A_1442] {strides = array<i32>} : memref<128x128xf32, #tpu.memory_space<vmem>>, vector<1x16xf32>,
      %get3A_1444 = vector.shape_cast %get3A_1443 : vector<1x16xf32> to vector<16xf32>
      %get3A_1445 = arith.index_cast %scan3A_1414 : i32 to index
      %get3A_1446 = arith.constant 32 : index
      %get3A_1447 = tpu.vector_load %arg9[%get3A_1445, %get3A_1446] {strides = array<i32>} : memref<128x128xf32, #tpu.memory_space<vmem>>, vector<1x16xf32>,
      %get3A_1448 = vector.shape_cast %get3A_1447 : vector<1x16xf32> to vector<16xf32>
      %mul3A_1449 = arith.mulf %get3A_1444, %get3A_1448 : vector<16xf32>
      %swap3A_1450 = arith.index_cast %scan3A_1414 : i32 to index
      %swap3A_1451 = arith.constant 32 : index
      %swap3A_1452 = tpu.vector_load %arg8[%swap3A_1450, %swap3A_1451] {strides = array<i32>} : memref<128x128xf32, #tpu.memory_space<vmem>>, vector<1x16xf32>,
      %swap3A_1453 = vector.shape_cast %swap3A_1452 : vector<1x16xf32> to vector<16xf32>
      %swap3A_1454 = vector.shape_cast %mul3A_1449 : vector<16xf32> to vector<1x16xf32>
      tpu.vector_store %arg8[%swap3A_1450, %swap3A_1451], %swap3A_1454 {strides = array<i32>} : memref<128x128xf32, #tpu.memory_space<vmem>>, vector<1x16xf32>,
      %get3A_1455 = arith.index_cast %scan3A_1414 : i32 to index
      %get3A_1456 = arith.constant 48 : index
      %get3A_1457 = tpu.vector_load %arg8[%get3A_1455, %get3A_1456] {strides = array<i32>} : memref<128x128xf32, #tpu.memory_space<vmem>>, vector<1x16xf32>,
      %get3A_1458 = vector.shape_cast %get3A_1457 : vector<1x16xf32> to vector<16xf32>
      %get3A_1459 = arith.index_cast %scan3A_1414 : i32 to index
      %get3A_1460 = arith.constant 48 : index
      %get3A_1461 = tpu.vector_load %arg9[%get3A_1459, %get3A_1460] {strides = array<i32>} : memref<128x128xf32, #tpu.memory_space<vmem>>, vector<1x16xf32>,
      %get3A_1462 = vector.shape_cast %get3A_1461 : vector<1x16xf32> to vector<16xf32>
      %mul3A_1463 = arith.mulf %get3A_1458, %get3A_1462 : vector<16xf32>
      %swap3A_1464 = arith.index_cast %scan3A_1414 : i32 to index
      %swap3A_1465 = arith.constant 48 : index
      %swap3A_1466 = tpu.vector_load %arg8[%swap3A_1464, %swap3A_1465] {strides = array<i32>} : memref<128x128xf32, #tpu.memory_space<vmem>>, vector<1x16xf32>,
      %swap3A_1467 = vector.shape_cast %swap3A_1466 : vector<1x16xf32> to vector<16xf32>
      %swap3A_1468 = vector.shape_cast %mul3A_1463 : vector<16xf32> to vector<1x16xf32>
      tpu.vector_store %arg8[%swap3A_1464, %swap3A_1465], %swap3A_1468 {strides = array<i32>} : memref<128x128xf32, #tpu.memory_space<vmem>>, vector<1x16xf32>,
    }
    %scan3A_1329 = arith.constant 128 : i32
    %add3A_1330 = arith.constant 3712 : i32
    %add3A_1331 = arith.addi %mul3A_2, %add3A_1330 : i32
    %dma_start3A_1332 = arith.constant 0 : i32
    %dma_start3A_1333 = tpu.memref_slice %arg4[%add3A_1331, %dma_start3A_1332] : memref<131072x128xf32, #tpu.memory_space<hbm>> -> memref<128x128xf32, #tpu.memory_space<hbm>>
    %dma_start3A_1334 = arith.constant 0 : i32
    %dma_start3A_1335 = tpu.memref_slice %arg4[%add3A_1331, %dma_start3A_1334] : memref<131072x128xf32, #tpu.memory_space<hbm>> -> memref<128x128xf32, #tpu.memory_space<hbm>>
    tpu.enqueue_dma source(%arg8 : memref<128x128xf32, #tpu.memory_space<vmem>>) target(%dma_start3A_1335 : memref<128x128xf32, #tpu.memory_space<hbm>>) target_semaphore(%arg16 : memref<!tpu.dma_semaphore, #tpu.memory_space<semaphore_mem>>)
    %dma_wait3A_1336 = arith.constant 30 : i32
    %dma_wait3A_1337 = arith.constant 0 : i32
    %dma_wait3A_1338 = tpu.memref_slice %arg5[%dma_wait3A_1336, %dma_wait3A_1337] : memref<64x128xi32, #tpu.memory_space<vmem>> -> memref<1x128xi32, #tpu.memory_space<vmem>>
    %dma_wait3A_1339 = tpu.memref_squeeze %dma_wait3A_1338 : memref<1x128xi32, #tpu.memory_space<vmem>> -> memref<128xi32, #tpu.memory_space<vmem>>
    %dma_wait3A_1340 = arith.constant 0 : i32
    %dma_wait3A_1341 = arith.constant 0 : i32
    %dma_wait3A_1342 = tpu.memref_slice %arg10[%dma_wait3A_1340, %dma_wait3A_1341] : memref<1024x128xf32, #tpu.memory_space<vmem_shared>> -> memref<1024x128xf32, #tpu.memory_space<vmem_shared>>
    tpu.wait_indirect_dma semaphore(%arg11 : memref<!tpu.dma_semaphore, #tpu.memory_space<semaphore_mem>>) src(%dma_wait3A_1342 : memref<1024x128xf32, #tpu.memory_space<vmem_shared>>) dst(%arg6 : memref<128x128xf32, #tpu.memory_space<vmem>>)
    %dma_wait3A_1343 = arith.constant 62 : i32
    %dma_wait3A_1344 = arith.constant 0 : i32
    %dma_wait3A_1345 = tpu.memref_slice %arg5[%dma_wait3A_1343, %dma_wait3A_1344] : memref<64x128xi32, #tpu.memory_space<vmem>> -> memref<1x128xi32, #tpu.memory_space<vmem>>
    %dma_wait3A_1346 = tpu.memref_squeeze %dma_wait3A_1345 : memref<1x128xi32, #tpu.memory_space<vmem>> -> memref<128xi32, #tpu.memory_space<vmem>>
    %dma_wait3A_1347 = arith.constant 0 : i32
    %dma_wait3A_1348 = arith.constant 0 : i32
    %dma_wait3A_1349 = tpu.memref_slice %arg10[%dma_wait3A_1347, %dma_wait3A_1348] : memref<1024x128xf32, #tpu.memory_space<vmem_shared>> -> memref<1024x128xf32, #tpu.memory_space<vmem_shared>>
    tpu.wait_indirect_dma semaphore(%arg12 : memref<!tpu.dma_semaphore, #tpu.memory_space<semaphore_mem>>) src(%dma_wait3A_1349 : memref<1024x128xf32, #tpu.memory_space<vmem_shared>>) dst(%arg7 : memref<128x128xf32, #tpu.memory_space<vmem>>)
    %dma_wait3A_1350 = arith.constant 0 : i32
    %dma_wait3A_1351 = tpu.memref_slice %arg4[%add3A_1331, %dma_wait3A_1350] : memref<131072x128xf32, #tpu.memory_space<hbm>> -> memref<128x128xf32, #tpu.memory_space<hbm>>
    %dma_wait3A_1352 = arith.constant 0 : i32
    %dma_wait3A_1353 = tpu.memref_slice %arg4[%add3A_1331, %dma_wait3A_1352] : memref<131072x128xf32, #tpu.memory_space<hbm>> -> memref<128x128xf32, #tpu.memory_space<hbm>>
    tpu.wait_dma2 semaphore(%arg16 : memref<!tpu.dma_semaphore, #tpu.memory_space<semaphore_mem>>) src(%arg8 : memref<128x128xf32, #tpu.memory_space<vmem>>) dst(%dma_wait3A_1353 : memref<128x128xf32, #tpu.memory_space<hbm>>)
    %dma_start3A_1354 = arith.constant 31 : i32
    %dma_start3A_1355 = arith.constant 0 : i32
    %dma_start3A_1356 = tpu.memref_slice %arg5[%dma_start3A_1354, %dma_start3A_1355] : memref<64x128xi32, #tpu.memory_space<vmem>> -> memref<1x128xi32, #tpu.memory_space<vmem>>
    %dma_start3A_1357 = tpu.memref_squeeze %dma_start3A_1356 : memref<1x128xi32, #tpu.memory_space<vmem>> -> memref<128xi32, #tpu.memory_space<vmem>>
    %dma_start3A_1358 = arith.constant 0 : i32
    %dma_start3A_1359 = arith.constant 0 : i32
    %dma_start3A_1360 = tpu.memref_slice %arg10[%dma_start3A_1358, %dma_start3A_1359] : memref<1024x128xf32, #tpu.memory_space<vmem_shared>> -> memref<1024x128xf32, #tpu.memory_space<vmem_shared>>
    tpu.enqueue_indirect_dma source(%dma_start3A_1360 : memref<1024x128xf32, #tpu.memory_space<vmem_shared>>) target(%arg8 : memref<128x128xf32, #tpu.memory_space<vmem>>) offsets(%dma_start3A_1357 : memref<128xi32, #tpu.memory_space<vmem>>) semaphore(%arg13 : memref<!tpu.dma_semaphore, #tpu.memory_space<semaphore_mem>>)
    %dma_start3A_1361 = arith.constant 63 : i32
    %dma_start3A_1362 = arith.constant 0 : i32
    %dma_start3A_1363 = tpu.memref_slice %arg5[%dma_start3A_1361, %dma_start3A_1362] : memref<64x128xi32, #tpu.memory_space<vmem>> -> memref<1x128xi32, #tpu.memory_space<vmem>>
    %dma_start3A_1364 = tpu.memref_squeeze %dma_start3A_1363 : memref<1x128xi32, #tpu.memory_space<vmem>> -> memref<128xi32, #tpu.memory_space<vmem>>
    %dma_start3A_1365 = arith.constant 0 : i32
    %dma_start3A_1366 = arith.constant 0 : i32
    %dma_start3A_1367 = tpu.memref_slice %arg10[%dma_start3A_1365, %dma_start3A_1366] : memref<1024x128xf32, #tpu.memory_space<vmem_shared>> -> memref<1024x128xf32, #tpu.memory_space<vmem_shared>>
    tpu.enqueue_indirect_dma source(%dma_start3A_1367 : memref<1024x128xf32, #tpu.memory_space<vmem_shared>>) target(%arg9 : memref<128x128xf32, #tpu.memory_space<vmem>>) offsets(%dma_start3A_1364 : memref<128xi32, #tpu.memory_space<vmem>>) semaphore(%arg14 : memref<!tpu.dma_semaphore, #tpu.memory_space<semaphore_mem>>)
    %scan3A_1368 = arith.constant 0 : i32
    %scan3A_1369 = arith.constant 0 : i32
    %scan3A_1370 = arith.constant 128 : i32
    %scan3A_1371 = arith.addi %scan3A_1369, %scan3A_1370 : i32
    %scan3A_1372 = arith.constant 1 : i32
    scf.for %scan3A_1414 = %scan3A_1369 to %scan3A_1371 step %scan3A_1372  : i32 {
      %get3A = arith.index_cast %scan3A_1414 : i32 to index
      %get3A_1415 = arith.constant 0 : index
      %get3A_1416 = tpu.vector_load %arg6[%get3A, %get3A_1415] {strides = array<i32>} : memref<128x128xf32, #tpu.memory_space<vmem>>, vector<1x16xf32>,
      %get3A_1417 = vector.shape_cast %get3A_1416 : vector<1x16xf32> to vector<16xf32>
      %get3A_1418 = arith.index_cast %scan3A_1414 : i32 to index
      %get3A_1419 = arith.constant 0 : index
      %get3A_1420 = tpu.vector_load %arg7[%get3A_1418, %get3A_1419] {strides = array<i32>} : memref<128x128xf32, #tpu.memory_space<vmem>>, vector<1x16xf32>,
      %get3A_1421 = vector.shape_cast %get3A_1420 : vector<1x16xf32> to vector<16xf32>
      %mul3A_1422 = arith.mulf %get3A_1417, %get3A_1421 : vector<16xf32>
      %swap3A = arith.index_cast %scan3A_1414 : i32 to index
      %swap3A_1423 = arith.constant 0 : index
      %swap3A_1424 = tpu.vector_load %arg6[%swap3A, %swap3A_1423] {strides = array<i32>} : memref<128x128xf32, #tpu.memory_space<vmem>>, vector<1x16xf32>,
      %swap3A_1425 = vector.shape_cast %swap3A_1424 : vector<1x16xf32> to vector<16xf32>
      %swap3A_1426 = vector.shape_cast %mul3A_1422 : vector<16xf32> to vector<1x16xf32>
      tpu.vector_store %arg6[%swap3A, %swap3A_1423], %swap3A_1426 {strides = array<i32>} : memref<128x128xf32, #tpu.memory_space<vmem>>, vector<1x16xf32>,
      %get3A_1427 = arith.index_cast %scan3A_1414 : i32 to index
      %get3A_1428 = arith.constant 16 : index
      %get3A_1429 = tpu.vector_load %arg6[%get3A_1427, %get3A_1428] {strides = array<i32>} : memref<128x128xf32, #tpu.memory_space<vmem>>, vector<1x16xf32>,
      %get3A_1430 = vector.shape_cast %get3A_1429 : vector<1x16xf32> to vector<16xf32>
      %get3A_1431 = arith.index_cast %scan3A_1414 : i32 to index
      %get3A_1432 = arith.constant 16 : index
      %get3A_1433 = tpu.vector_load %arg7[%get3A_1431, %get3A_1432] {strides = array<i32>} : memref<128x128xf32, #tpu.memory_space<vmem>>, vector<1x16xf32>,
      %get3A_1434 = vector.shape_cast %get3A_1433 : vector<1x16xf32> to vector<16xf32>
      %mul3A_1435 = arith.mulf %get3A_1430, %get3A_1434 : vector<16xf32>
      %swap3A_1436 = arith.index_cast %scan3A_1414 : i32 to index
      %swap3A_1437 = arith.constant 16 : index
      %swap3A_1438 = tpu.vector_load %arg6[%swap3A_1436, %swap3A_1437] {strides = array<i32>} : memref<128x128xf32, #tpu.memory_space<vmem>>, vector<1x16xf32>,
      %swap3A_1439 = vector.shape_cast %swap3A_1438 : vector<1x16xf32> to vector<16xf32>
      %swap3A_1440 = vector.shape_cast %mul3A_1435 : vector<16xf32> to vector<1x16xf32>
      tpu.vector_store %arg6[%swap3A_1436, %swap3A_1437], %swap3A_1440 {strides = array<i32>} : memref<128x128xf32, #tpu.memory_space<vmem>>, vector<1x16xf32>,
      %get3A_1441 = arith.index_cast %scan3A_1414 : i32 to index
      %get3A_1442 = arith.constant 32 : index
      %get3A_1443 = tpu.vector_load %arg6[%get3A_1441, %get3A_1442] {strides = array<i32>} : memref<128x128xf32, #tpu.memory_space<vmem>>, vector<1x16xf32>,
      %get3A_1444 = vector.shape_cast %get3A_1443 : vector<1x16xf32> to vector<16xf32>
      %get3A_1445 = arith.index_cast %scan3A_1414 : i32 to index
      %get3A_1446 = arith.constant 32 : index
      %get3A_1447 = tpu.vector_load %arg7[%get3A_1445, %get3A_1446] {strides = array<i32>} : memref<128x128xf32, #tpu.memory_space<vmem>>, vector<1x16xf32>,
      %get3A_1448 = vector.shape_cast %get3A_1447 : vector<1x16xf32> to vector<16xf32>
      %mul3A_1449 = arith.mulf %get3A_1444, %get3A_1448 : vector<16xf32>
      %swap3A_1450 = arith.index_cast %scan3A_1414 : i32 to index
      %swap3A_1451 = arith.constant 32 : index
      %swap3A_1452 = tpu.vector_load %arg6[%swap3A_1450, %swap3A_1451] {strides = array<i32>} : memref<128x128xf32, #tpu.memory_space<vmem>>, vector<1x16xf32>,
      %swap3A_1453 = vector.shape_cast %swap3A_1452 : vector<1x16xf32> to vector<16xf32>
      %swap3A_1454 = vector.shape_cast %mul3A_1449 : vector<16xf32> to vector<1x16xf32>
      tpu.vector_store %arg6[%swap3A_1450, %swap3A_1451], %swap3A_1454 {strides = array<i32>} : memref<128x128xf32, #tpu.memory_space<vmem>>, vector<1x16xf32>,
      %get3A_1455 = arith.index_cast %scan3A_1414 : i32 to index
      %get3A_1456 = arith.constant 48 : index
      %get3A_1457 = tpu.vector_load %arg6[%get3A_1455, %get3A_1456] {strides = array<i32>} : memref<128x128xf32, #tpu.memory_space<vmem>>, vector<1x16xf32>,
      %get3A_1458 = vector.shape_cast %get3A_1457 : vector<1x16xf32> to vector<16xf32>
      %get3A_1459 = arith.index_cast %scan3A_1414 : i32 to index
      %get3A_1460 = arith.constant 48 : index
      %get3A_1461 = tpu.vector_load %arg7[%get3A_1459, %get3A_1460] {strides = array<i32>} : memref<128x128xf32, #tpu.memory_space<vmem>>, vector<1x16xf32>,
      %get3A_1462 = vector.shape_cast %get3A_1461 : vector<1x16xf32> to vector<16xf32>
      %mul3A_1463 = arith.mulf %get3A_1458, %get3A_1462 : vector<16xf32>
      %swap3A_1464 = arith.index_cast %scan3A_1414 : i32 to index
      %swap3A_1465 = arith.constant 48 : index
      %swap3A_1466 = tpu.vector_load %arg6[%swap3A_1464, %swap3A_1465] {strides = array<i32>} : memref<128x128xf32, #tpu.memory_space<vmem>>, vector<1x16xf32>,
      %swap3A_1467 = vector.shape_cast %swap3A_1466 : vector<1x16xf32> to vector<16xf32>
      %swap3A_1468 = vector.shape_cast %mul3A_1463 : vector<16xf32> to vector<1x16xf32>
      tpu.vector_store %arg6[%swap3A_1464, %swap3A_1465], %swap3A_1468 {strides = array<i32>} : memref<128x128xf32, #tpu.memory_space<vmem>>, vector<1x16xf32>,
    }
    %scan3A_1373 = arith.constant 128 : i32
    %add3A_1374 = arith.constant 3840 : i32
    %add3A_1375 = arith.addi %mul3A_2, %add3A_1374 : i32
    %dma_start3A_1376 = arith.constant 0 : i32
    %dma_start3A_1377 = tpu.memref_slice %arg4[%add3A_1375, %dma_start3A_1376] : memref<131072x128xf32, #tpu.memory_space<hbm>> -> memref<128x128xf32, #tpu.memory_space<hbm>>
    %dma_start3A_1378 = arith.constant 0 : i32
    %dma_start3A_1379 = tpu.memref_slice %arg4[%add3A_1375, %dma_start3A_1378] : memref<131072x128xf32, #tpu.memory_space<hbm>> -> memref<128x128xf32, #tpu.memory_space<hbm>>
    tpu.enqueue_dma source(%arg6 : memref<128x128xf32, #tpu.memory_space<vmem>>) target(%dma_start3A_1379 : memref<128x128xf32, #tpu.memory_space<hbm>>) target_semaphore(%arg15 : memref<!tpu.dma_semaphore, #tpu.memory_space<semaphore_mem>>)
    %dma_wait3A_1380 = arith.constant 31 : i32
    %dma_wait3A_1381 = arith.constant 0 : i32
    %dma_wait3A_1382 = tpu.memref_slice %arg5[%dma_wait3A_1380, %dma_wait3A_1381] : memref<64x128xi32, #tpu.memory_space<vmem>> -> memref<1x128xi32, #tpu.memory_space<vmem>>
    %dma_wait3A_1383 = tpu.memref_squeeze %dma_wait3A_1382 : memref<1x128xi32, #tpu.memory_space<vmem>> -> memref<128xi32, #tpu.memory_space<vmem>>
    %dma_wait3A_1384 = arith.constant 0 : i32
    %dma_wait3A_1385 = arith.constant 0 : i32
    %dma_wait3A_1386 = tpu.memref_slice %arg10[%dma_wait3A_1384, %dma_wait3A_1385] : memref<1024x128xf32, #tpu.memory_space<vmem_shared>> -> memref<1024x128xf32, #tpu.memory_space<vmem_shared>>
    tpu.wait_indirect_dma semaphore(%arg13 : memref<!tpu.dma_semaphore, #tpu.memory_space<semaphore_mem>>) src(%dma_wait3A_1386 : memref<1024x128xf32, #tpu.memory_space<vmem_shared>>) dst(%arg8 : memref<128x128xf32, #tpu.memory_space<vmem>>)
    %dma_wait3A_1387 = arith.constant 63 : i32
    %dma_wait3A_1388 = arith.constant 0 : i32
    %dma_wait3A_1389 = tpu.memref_slice %arg5[%dma_wait3A_1387, %dma_wait3A_1388] : memref<64x128xi32, #tpu.memory_space<vmem>> -> memref<1x128xi32, #tpu.memory_space<vmem>>
    %dma_wait3A_1390 = tpu.memref_squeeze %dma_wait3A_1389 : memref<1x128xi32, #tpu.memory_space<vmem>> -> memref<128xi32, #tpu.memory_space<vmem>>
    %dma_wait3A_1391 = arith.constant 0 : i32
    %dma_wait3A_1392 = arith.constant 0 : i32
    %dma_wait3A_1393 = tpu.memref_slice %arg10[%dma_wait3A_1391, %dma_wait3A_1392] : memref<1024x128xf32, #tpu.memory_space<vmem_shared>> -> memref<1024x128xf32, #tpu.memory_space<vmem_shared>>
    tpu.wait_indirect_dma semaphore(%arg14 : memref<!tpu.dma_semaphore, #tpu.memory_space<semaphore_mem>>) src(%dma_wait3A_1393 : memref<1024x128xf32, #tpu.memory_space<vmem_shared>>) dst(%arg9 : memref<128x128xf32, #tpu.memory_space<vmem>>)
    %scan3A_1394 = arith.constant 0 : i32
    %scan3A_1395 = arith.constant 0 : i32
    %scan3A_1396 = arith.constant 128 : i32
    %scan3A_1397 = arith.addi %scan3A_1395, %scan3A_1396 : i32
    %scan3A_1398 = arith.constant 1 : i32
    scf.for %scan3A_1414 = %scan3A_1395 to %scan3A_1397 step %scan3A_1398  : i32 {
      %get3A = arith.index_cast %scan3A_1414 : i32 to index
      %get3A_1415 = arith.constant 0 : index
      %get3A_1416 = tpu.vector_load %arg8[%get3A, %get3A_1415] {strides = array<i32>} : memref<128x128xf32, #tpu.memory_space<vmem>>, vector<1x16xf32>,
      %get3A_1417 = vector.shape_cast %get3A_1416 : vector<1x16xf32> to vector<16xf32>
      %get3A_1418 = arith.index_cast %scan3A_1414 : i32 to index
      %get3A_1419 = arith.constant 0 : index
      %get3A_1420 = tpu.vector_load %arg9[%get3A_1418, %get3A_1419] {strides = array<i32>} : memref<128x128xf32, #tpu.memory_space<vmem>>, vector<1x16xf32>,
      %get3A_1421 = vector.shape_cast %get3A_1420 : vector<1x16xf32> to vector<16xf32>
      %mul3A_1422 = arith.mulf %get3A_1417, %get3A_1421 : vector<16xf32>
      %swap3A = arith.index_cast %scan3A_1414 : i32 to index
      %swap3A_1423 = arith.constant 0 : index
      %swap3A_1424 = tpu.vector_load %arg8[%swap3A, %swap3A_1423] {strides = array<i32>} : memref<128x128xf32, #tpu.memory_space<vmem>>, vector<1x16xf32>,
      %swap3A_1425 = vector.shape_cast %swap3A_1424 : vector<1x16xf32> to vector<16xf32>
      %swap3A_1426 = vector.shape_cast %mul3A_1422 : vector<16xf32> to vector<1x16xf32>
      tpu.vector_store %arg8[%swap3A, %swap3A_1423], %swap3A_1426 {strides = array<i32>} : memref<128x128xf32, #tpu.memory_space<vmem>>, vector<1x16xf32>,
      %get3A_1427 = arith.index_cast %scan3A_1414 : i32 to index
      %get3A_1428 = arith.constant 16 : index
      %get3A_1429 = tpu.vector_load %arg8[%get3A_1427, %get3A_1428] {strides = array<i32>} : memref<128x128xf32, #tpu.memory_space<vmem>>, vector<1x16xf32>,
      %get3A_1430 = vector.shape_cast %get3A_1429 : vector<1x16xf32> to vector<16xf32>
      %get3A_1431 = arith.index_cast %scan3A_1414 : i32 to index
      %get3A_1432 = arith.constant 16 : index
      %get3A_1433 = tpu.vector_load %arg9[%get3A_1431, %get3A_1432] {strides = array<i32>} : memref<128x128xf32, #tpu.memory_space<vmem>>, vector<1x16xf32>,
      %get3A_1434 = vector.shape_cast %get3A_1433 : vector<1x16xf32> to vector<16xf32>
      %mul3A_1435 = arith.mulf %get3A_1430, %get3A_1434 : vector<16xf32>
      %swap3A_1436 = arith.index_cast %scan3A_1414 : i32 to index
      %swap3A_1437 = arith.constant 16 : index
      %swap3A_1438 = tpu.vector_load %arg8[%swap3A_1436, %swap3A_1437] {strides = array<i32>} : memref<128x128xf32, #tpu.memory_space<vmem>>, vector<1x16xf32>,
      %swap3A_1439 = vector.shape_cast %swap3A_1438 : vector<1x16xf32> to vector<16xf32>
      %swap3A_1440 = vector.shape_cast %mul3A_1435 : vector<16xf32> to vector<1x16xf32>
      tpu.vector_store %arg8[%swap3A_1436, %swap3A_1437], %swap3A_1440 {strides = array<i32>} : memref<128x128xf32, #tpu.memory_space<vmem>>, vector<1x16xf32>,
      %get3A_1441 = arith.index_cast %scan3A_1414 : i32 to index
      %get3A_1442 = arith.constant 32 : index
      %get3A_1443 = tpu.vector_load %arg8[%get3A_1441, %get3A_1442] {strides = array<i32>} : memref<128x128xf32, #tpu.memory_space<vmem>>, vector<1x16xf32>,
      %get3A_1444 = vector.shape_cast %get3A_1443 : vector<1x16xf32> to vector<16xf32>
      %get3A_1445 = arith.index_cast %scan3A_1414 : i32 to index
      %get3A_1446 = arith.constant 32 : index
      %get3A_1447 = tpu.vector_load %arg9[%get3A_1445, %get3A_1446] {strides = array<i32>} : memref<128x128xf32, #tpu.memory_space<vmem>>, vector<1x16xf32>,
      %get3A_1448 = vector.shape_cast %get3A_1447 : vector<1x16xf32> to vector<16xf32>
      %mul3A_1449 = arith.mulf %get3A_1444, %get3A_1448 : vector<16xf32>
      %swap3A_1450 = arith.index_cast %scan3A_1414 : i32 to index
      %swap3A_1451 = arith.constant 32 : index
      %swap3A_1452 = tpu.vector_load %arg8[%swap3A_1450, %swap3A_1451] {strides = array<i32>} : memref<128x128xf32, #tpu.memory_space<vmem>>, vector<1x16xf32>,
      %swap3A_1453 = vector.shape_cast %swap3A_1452 : vector<1x16xf32> to vector<16xf32>
      %swap3A_1454 = vector.shape_cast %mul3A_1449 : vector<16xf32> to vector<1x16xf32>
      tpu.vector_store %arg8[%swap3A_1450, %swap3A_1451], %swap3A_1454 {strides = array<i32>} : memref<128x128xf32, #tpu.memory_space<vmem>>, vector<1x16xf32>,
      %get3A_1455 = arith.index_cast %scan3A_1414 : i32 to index
      %get3A_1456 = arith.constant 48 : index
      %get3A_1457 = tpu.vector_load %arg8[%get3A_1455, %get3A_1456] {strides = array<i32>} : memref<128x128xf32, #tpu.memory_space<vmem>>, vector<1x16xf32>,
      %get3A_1458 = vector.shape_cast %get3A_1457 : vector<1x16xf32> to vector<16xf32>
      %get3A_1459 = arith.index_cast %scan3A_1414 : i32 to index
      %get3A_1460 = arith.constant 48 : index
      %get3A_1461 = tpu.vector_load %arg9[%get3A_1459, %get3A_1460] {strides = array<i32>} : memref<128x128xf32, #tpu.memory_space<vmem>>, vector<1x16xf32>,
      %get3A_1462 = vector.shape_cast %get3A_1461 : vector<1x16xf32> to vector<16xf32>
      %mul3A_1463 = arith.mulf %get3A_1458, %get3A_1462 : vector<16xf32>
      %swap3A_1464 = arith.index_cast %scan3A_1414 : i32 to index
      %swap3A_1465 = arith.constant 48 : index
      %swap3A_1466 = tpu.vector_load %arg8[%swap3A_1464, %swap3A_1465] {strides = array<i32>} : memref<128x128xf32, #tpu.memory_space<vmem>>, vector<1x16xf32>,
      %swap3A_1467 = vector.shape_cast %swap3A_1466 : vector<1x16xf32> to vector<16xf32>
      %swap3A_1468 = vector.shape_cast %mul3A_1463 : vector<16xf32> to vector<1x16xf32>
      tpu.vector_store %arg8[%swap3A_1464, %swap3A_1465], %swap3A_1468 {strides = array<i32>} : memref<128x128xf32, #tpu.memory_space<vmem>>, vector<1x16xf32>,
    }
    %scan3A_1399 = arith.constant 128 : i32
    %add3A_1400 = arith.constant 3968 : i32
    %add3A_1401 = arith.addi %mul3A_2, %add3A_1400 : i32
    %dma_start3A_1402 = arith.constant 0 : i32
    %dma_start3A_1403 = tpu.memref_slice %arg4[%add3A_1401, %dma_start3A_1402] : memref<131072x128xf32, #tpu.memory_space<hbm>> -> memref<128x128xf32, #tpu.memory_space<hbm>>
    %dma_start3A_1404 = arith.constant 0 : i32
    %dma_start3A_1405 = tpu.memref_slice %arg4[%add3A_1401, %dma_start3A_1404] : memref<131072x128xf32, #tpu.memory_space<hbm>> -> memref<128x128xf32, #tpu.memory_space<hbm>>
    tpu.enqueue_dma source(%arg8 : memref<128x128xf32, #tpu.memory_space<vmem>>) target(%dma_start3A_1405 : memref<128x128xf32, #tpu.memory_space<hbm>>) target_semaphore(%arg16 : memref<!tpu.dma_semaphore, #tpu.memory_space<semaphore_mem>>)
    %dma_wait3A_1406 = arith.constant 0 : i32
    %dma_wait3A_1407 = tpu.memref_slice %arg4[%add3A_1375, %dma_wait3A_1406] : memref<131072x128xf32, #tpu.memory_space<hbm>> -> memref<128x128xf32, #tpu.memory_space<hbm>>
    %dma_wait3A_1408 = arith.constant 0 : i32
    %dma_wait3A_1409 = tpu.memref_slice %arg4[%add3A_1375, %dma_wait3A_1408] : memref<131072x128xf32, #tpu.memory_space<hbm>> -> memref<128x128xf32, #tpu.memory_space<hbm>>
    tpu.wait_dma2 semaphore(%arg15 : memref<!tpu.dma_semaphore, #tpu.memory_space<semaphore_mem>>) src(%arg6 : memref<128x128xf32, #tpu.memory_space<vmem>>) dst(%dma_wait3A_1409 : memref<128x128xf32, #tpu.memory_space<hbm>>)
    %dma_wait3A_1410 = arith.constant 0 : i32
    %dma_wait3A_1411 = tpu.memref_slice %arg4[%add3A_1401, %dma_wait3A_1410] : memref<131072x128xf32, #tpu.memory_space<hbm>> -> memref<128x128xf32, #tpu.memory_space<hbm>>
    %dma_wait3A_1412 = arith.constant 0 : i32
    %dma_wait3A_1413 = tpu.memref_slice %arg4[%add3A_1401, %dma_wait3A_1412] : memref<131072x128xf32, #tpu.memory_space<hbm>> -> memref<128x128xf32, #tpu.memory_space<hbm>>
    tpu.wait_dma2 semaphore(%arg16 : memref<!tpu.dma_semaphore, #tpu.memory_space<semaphore_mem>>) src(%arg8 : memref<128x128xf32, #tpu.memory_space<vmem>>) dst(%dma_wait3A_1413 : memref<128x128xf32, #tpu.memory_space<hbm>>)
    return
  }
}

module attributes {stable_mosaic.version = 14 : i64} {
  func.func @_gcn_body(%arg0: memref<1024x1024xi32, #tpu.memory_space<vmem>>, %arg1: memref<1024x64xf32, #tpu.memory_space<vmem>>, %arg2: memref<64x64xf32, #tpu.memory_space<vmem>>, %arg3: memref<1x64xf32, #tpu.memory_space<vmem>>, %arg4: memref<64x64xf32, #tpu.memory_space<vmem>>, %arg5: memref<1x64xf32, #tpu.memory_space<vmem>>, %arg6: memref<64x128xf32, #tpu.memory_space<vmem>>, %arg7: memref<1x128xf32, #tpu.memory_space<vmem>>, %arg8: memref<1024x128xf32, #tpu.memory_space<vmem>>, %arg9: memref<1024x1024xf32, #tpu.memory_space<vmem>>) attributes {dimension_semantics = [], scalar_prefetch = 0 : i64, scratch_operands = 1 : i64, tpu.core_type = #tpu.core_type<tc>} {
    %get3A = arith.constant 0 : index
    %get3A_0 = arith.constant 0 : index
    %get3A_1 = vector.load %arg0[%get3A, %get3A_0] : memref<1024x1024xi32, #tpu.memory_space<vmem>>, vector<1024x1024xi32>
    %transpose3A = tpu.transpose %get3A_1, [1, 0] : vector<1024x1024xi32> -> vector<1024x1024xi32>
    %add3A = arith.addi %get3A_1, %transpose3A : vector<1024x1024xi32>
    %gt3A = arith.constant 0 : i32
    %gt3A_2 = vector.broadcast %gt3A : i32 to vector<1024x1024xi32>
    %gt3A_3 = arith.cmpi sgt, %add3A, %gt3A_2 : vector<1024x1024xi32>
    %convert_element_type3A = arith.extui %gt3A_3 : vector<1024x1024xi1> to vector<1024x1024xi32>
    %convert_element_type3A_4 = arith.sitofp %convert_element_type3A : vector<1024x1024xi32> to vector<1024x1024xf32>
    %swap3A = arith.constant 0 : index
    %swap3A_5 = arith.constant 0 : index
    %swap3A_6 = vector.load %arg9[%swap3A, %swap3A_5] : memref<1024x1024xf32, #tpu.memory_space<vmem>>, vector<1024x1024xf32>
    tpu.vector_store %arg9[%swap3A, %swap3A_5], %convert_element_type3A_4 {strides = array<i32>} : memref<1024x1024xf32, #tpu.memory_space<vmem>>, vector<1024x1024xf32>,
    %get3A_7 = arith.constant 0 : index
    %get3A_8 = arith.constant 0 : index
    %get3A_9 = vector.load %arg9[%get3A_7, %get3A_8] : memref<1024x1024xf32, #tpu.memory_space<vmem>>, vector<1024x1024xf32>
    %get3A_10 = arith.constant 0 : index
    %get3A_11 = arith.constant 0 : index
    %get3A_12 = vector.load %arg1[%get3A_10, %get3A_11] : memref<1024x64xf32, #tpu.memory_space<vmem>>, vector<1024x64xf32>
    %get3A_13 = arith.constant 0 : index
    %get3A_14 = arith.constant 0 : index
    %get3A_15 = vector.load %arg2[%get3A_13, %get3A_14] : memref<64x64xf32, #tpu.memory_space<vmem>>, vector<64x64xf32>
    %dot_general3A = arith.constant dense<0.000000e+00> : vector<1024x64xf32>
    %dot_general3A_16 = tpu.matmul %get3A_12, %get3A_15, %dot_general3A {dimension_numbers = #tpu.dot_dimension_numbers<[1], [0], [0], [1], [0, 0, 1, 1], [], []>, transpose_lhs_hint = false} : vector<1024x64xf32>, vector<64x64xf32>, vector<1024x64xf32> -> vector<1024x64xf32>
    %dot_general3A_17 = arith.constant dense<0.000000e+00> : vector<1024x64xf32>
    %dot_general3A_18 = tpu.matmul %get3A_9, %dot_general3A_16, %dot_general3A_17 {dimension_numbers = #tpu.dot_dimension_numbers<[1], [0], [0], [1], [0, 0, 1, 1], [], []>, precision = #tpu.contract_precision<fp32>, transpose_lhs_hint = false} : vector<1024x1024xf32>, vector<1024x64xf32>, vector<1024x64xf32> -> vector<1024x64xf32>
    %get3A_19 = arith.constant 0 : index
    %get3A_20 = arith.constant 0 : index
    %get3A_21 = vector.load %arg3[%get3A_19, %get3A_20] : memref<1x64xf32, #tpu.memory_space<vmem>>, vector<1x64xf32>
    %add3A_22 = vector.broadcast %get3A_21 : vector<1x64xf32> to vector<1024x64xf32>
    %add3A_23 = arith.addf %dot_general3A_18, %add3A_22 : vector<1024x64xf32>
    %max3A = arith.constant 0.000000e+00 : f32
    %max3A_24 = vector.broadcast %max3A : f32 to vector<1024x64xf32>
    %max3A_25 = arith.maximumf %add3A_23, %max3A_24 : vector<1024x64xf32>
    %get3A_26 = arith.constant 0 : index
    %get3A_27 = arith.constant 0 : index
    %get3A_28 = vector.load %arg4[%get3A_26, %get3A_27] : memref<64x64xf32, #tpu.memory_space<vmem>>, vector<64x64xf32>
    %dot_general3A_29 = arith.constant dense<0.000000e+00> : vector<1024x64xf32>
    %dot_general3A_30 = tpu.matmul %max3A_25, %get3A_28, %dot_general3A_29 {dimension_numbers = #tpu.dot_dimension_numbers<[1], [0], [0], [1], [0, 0, 1, 1], [], []>, transpose_lhs_hint = false} : vector<1024x64xf32>, vector<64x64xf32>, vector<1024x64xf32> -> vector<1024x64xf32>
    %dot_general3A_31 = arith.constant dense<0.000000e+00> : vector<1024x64xf32>
    %dot_general3A_32 = tpu.matmul %get3A_9, %dot_general3A_30, %dot_general3A_31 {dimension_numbers = #tpu.dot_dimension_numbers<[1], [0], [0], [1], [0, 0, 1, 1], [], []>, precision = #tpu.contract_precision<fp32>, transpose_lhs_hint = false} : vector<1024x1024xf32>, vector<1024x64xf32>, vector<1024x64xf32> -> vector<1024x64xf32>
    %get3A_33 = arith.constant 0 : index
    %get3A_34 = arith.constant 0 : index
    %get3A_35 = vector.load %arg5[%get3A_33, %get3A_34] : memref<1x64xf32, #tpu.memory_space<vmem>>, vector<1x64xf32>
    %add3A_36 = vector.broadcast %get3A_35 : vector<1x64xf32> to vector<1024x64xf32>
    %add3A_37 = arith.addf %dot_general3A_32, %add3A_36 : vector<1024x64xf32>
    %max3A_38 = arith.constant 0.000000e+00 : f32
    %max3A_39 = vector.broadcast %max3A_38 : f32 to vector<1024x64xf32>
    %max3A_40 = arith.maximumf %add3A_37, %max3A_39 : vector<1024x64xf32>
    %get3A_41 = arith.constant 0 : index
    %get3A_42 = arith.constant 0 : index
    %get3A_43 = vector.load %arg6[%get3A_41, %get3A_42] : memref<64x128xf32, #tpu.memory_space<vmem>>, vector<64x128xf32>
    %dot_general3A_44 = arith.constant dense<0.000000e+00> : vector<1024x128xf32>
    %dot_general3A_45 = tpu.matmul %max3A_40, %get3A_43, %dot_general3A_44 {dimension_numbers = #tpu.dot_dimension_numbers<[1], [0], [0], [1], [0, 0, 1, 1], [], []>, transpose_lhs_hint = false} : vector<1024x64xf32>, vector<64x128xf32>, vector<1024x128xf32> -> vector<1024x128xf32>
    %dot_general3A_46 = arith.constant dense<0.000000e+00> : vector<1024x128xf32>
    %dot_general3A_47 = tpu.matmul %get3A_9, %dot_general3A_45, %dot_general3A_46 {dimension_numbers = #tpu.dot_dimension_numbers<[1], [0], [0], [1], [0, 0, 1, 1], [], []>, precision = #tpu.contract_precision<fp32>, transpose_lhs_hint = false} : vector<1024x1024xf32>, vector<1024x128xf32>, vector<1024x128xf32> -> vector<1024x128xf32>
    %get3A_48 = arith.constant 0 : index
    %get3A_49 = arith.constant 0 : index
    %get3A_50 = vector.load %arg7[%get3A_48, %get3A_49] : memref<1x128xf32, #tpu.memory_space<vmem>>, vector<1x128xf32>
    %add3A_51 = vector.broadcast %get3A_50 : vector<1x128xf32> to vector<1024x128xf32>
    %add3A_52 = arith.addf %dot_general3A_47, %add3A_51 : vector<1024x128xf32>
    %swap3A_53 = arith.constant 0 : index
    %swap3A_54 = arith.constant 0 : index
    %swap3A_55 = vector.load %arg8[%swap3A_53, %swap3A_54] : memref<1024x128xf32, #tpu.memory_space<vmem>>, vector<1024x128xf32>
    tpu.vector_store %arg8[%swap3A_53, %swap3A_54], %add3A_52 {strides = array<i32>} : memref<1024x128xf32, #tpu.memory_space<vmem>>, vector<1024x128xf32>,
    return
  }
}

module attributes {stable_mosaic.version = 14 : i64} {
  func.func @_pred_body(%arg0: i32, %arg1: memref<8192x128xf32, #tpu.memory_space<vmem>>, %arg2: memref<128x64xf32, #tpu.memory_space<vmem>>, %arg3: memref<1x64xf32, #tpu.memory_space<vmem>>, %arg4: memref<64x64xf32, #tpu.memory_space<vmem>>, %arg5: memref<1x64xf32, #tpu.memory_space<vmem>>, %arg6: memref<64x2xf32, #tpu.memory_space<vmem>>, %arg7: memref<2x1xf32, #tpu.memory_space<vmem>>, %arg8: memref<2x8192xf32, #tpu.memory_space<vmem>>) attributes {dimension_semantics = [#tpu.dimension_semantics<arbitrary>], iteration_bounds = array<i64: 16>, scalar_prefetch = 0 : i64, scratch_operands = 0 : i64, tpu.core_type = #tpu.core_type<tc>, window_params = [{transform_indices = @transform_0, window_bounds = array<i64: 8192, 128>}, {pipeline_mode = #tpu.pipeline_mode<synchronous>, transform_indices = @transform_1, window_bounds = array<i64: 128, 64>}, {pipeline_mode = #tpu.pipeline_mode<synchronous>, transform_indices = @transform_2, window_bounds = array<i64: 1, 64>}, {pipeline_mode = #tpu.pipeline_mode<synchronous>, transform_indices = @transform_3, window_bounds = array<i64: 64, 64>}, {pipeline_mode = #tpu.pipeline_mode<synchronous>, transform_indices = @transform_4, window_bounds = array<i64: 1, 64>}, {pipeline_mode = #tpu.pipeline_mode<synchronous>, transform_indices = @transform_5, window_bounds = array<i64: 64, 2>}, {pipeline_mode = #tpu.pipeline_mode<synchronous>, transform_indices = @transform_6, window_bounds = array<i64: 2, 1>}, {transform_indices = @transform_7, window_bounds = array<i64: 2, 8192>}]} {
    %get3A = arith.constant 0 : index
    %get3A_0 = arith.constant 0 : index
    %get3A_1 = vector.load %arg1[%get3A, %get3A_0] : memref<8192x128xf32, #tpu.memory_space<vmem>>, vector<8192x128xf32>
    %get3A_2 = arith.constant 0 : index
    %get3A_3 = arith.constant 0 : index
    %get3A_4 = vector.load %arg2[%get3A_2, %get3A_3] : memref<128x64xf32, #tpu.memory_space<vmem>>, vector<128x64xf32>
    %dot_general3A = arith.constant dense<0.000000e+00> : vector<8192x64xf32>
    %dot_general3A_5 = tpu.matmul %get3A_1, %get3A_4, %dot_general3A {dimension_numbers = #tpu.dot_dimension_numbers<[1], [0], [0], [1], [0, 0, 1, 1], [], []>, transpose_lhs_hint = false} : vector<8192x128xf32>, vector<128x64xf32>, vector<8192x64xf32> -> vector<8192x64xf32>
    %get3A_6 = arith.constant 0 : index
    %get3A_7 = arith.constant 0 : index
    %get3A_8 = vector.load %arg3[%get3A_6, %get3A_7] : memref<1x64xf32, #tpu.memory_space<vmem>>, vector<1x64xf32>
    %add3A = vector.broadcast %get3A_8 : vector<1x64xf32> to vector<8192x64xf32>
    %add3A_9 = arith.addf %dot_general3A_5, %add3A : vector<8192x64xf32>
    %max3A = arith.constant 0.000000e+00 : f32
    %max3A_10 = vector.broadcast %max3A : f32 to vector<8192x64xf32>
    %max3A_11 = arith.maximumf %add3A_9, %max3A_10 : vector<8192x64xf32>
    %get3A_12 = arith.constant 0 : index
    %get3A_13 = arith.constant 0 : index
    %get3A_14 = vector.load %arg4[%get3A_12, %get3A_13] : memref<64x64xf32, #tpu.memory_space<vmem>>, vector<64x64xf32>
    %dot_general3A_15 = arith.constant dense<0.000000e+00> : vector<8192x64xf32>
    %dot_general3A_16 = tpu.matmul %max3A_11, %get3A_14, %dot_general3A_15 {dimension_numbers = #tpu.dot_dimension_numbers<[1], [0], [0], [1], [0, 0, 1, 1], [], []>, transpose_lhs_hint = false} : vector<8192x64xf32>, vector<64x64xf32>, vector<8192x64xf32> -> vector<8192x64xf32>
    %get3A_17 = arith.constant 0 : index
    %get3A_18 = arith.constant 0 : index
    %get3A_19 = vector.load %arg5[%get3A_17, %get3A_18] : memref<1x64xf32, #tpu.memory_space<vmem>>, vector<1x64xf32>
    %add3A_20 = vector.broadcast %get3A_19 : vector<1x64xf32> to vector<8192x64xf32>
    %add3A_21 = arith.addf %dot_general3A_16, %add3A_20 : vector<8192x64xf32>
    %max3A_22 = arith.constant 0.000000e+00 : f32
    %max3A_23 = vector.broadcast %max3A_22 : f32 to vector<8192x64xf32>
    %max3A_24 = arith.maximumf %add3A_21, %max3A_23 : vector<8192x64xf32>
    %get3A_25 = arith.constant 0 : index
    %get3A_26 = arith.constant 0 : index
    %get3A_27 = vector.load %arg6[%get3A_25, %get3A_26] : memref<64x2xf32, #tpu.memory_space<vmem>>, vector<64x2xf32>
    %dot_general3A_28 = arith.constant dense<0.000000e+00> : vector<2x8192xf32>
    %dot_general3A_29 = tpu.matmul %get3A_27, %max3A_24, %dot_general3A_28 {dimension_numbers = #tpu.dot_dimension_numbers<[0], [1], [1], [0], [0, 1, 1, 0], [], []>, transpose_lhs_hint = false} : vector<64x2xf32>, vector<8192x64xf32>, vector<2x8192xf32> -> vector<2x8192xf32>
    %get3A_30 = arith.constant 0 : index
    %get3A_31 = arith.constant 0 : index
    %get3A_32 = vector.load %arg7[%get3A_30, %get3A_31] : memref<2x1xf32, #tpu.memory_space<vmem>>, vector<2x1xf32>
    %add3A_33 = vector.broadcast %get3A_32 : vector<2x1xf32> to vector<2x8192xf32>
    %add3A_34 = arith.addf %dot_general3A_29, %add3A_33 : vector<2x8192xf32>
    %slice3A = vector.extract_strided_slice %add3A_34 {offsets = [0, 0], sizes = [1, 8192], strides = [1, 1]} : vector<2x8192xf32> to vector<1x8192xf32>
    %slice3A_35 = vector.extract_strided_slice %add3A_34 {offsets = [1, 0], sizes = [1, 8192], strides = [1, 1]} : vector<2x8192xf32> to vector<1x8192xf32>
    %mul3A = arith.mulf %slice3A, %slice3A : vector<1x8192xf32>
    %mul3A_36 = arith.mulf %slice3A_35, %slice3A_35 : vector<1x8192xf32>
    %add3A_37 = arith.addf %mul3A, %mul3A_36 : vector<1x8192xf32>
    %sqrt3A = math.sqrt %add3A_37 : vector<1x8192xf32>
    %sub3A = arith.subf %slice3A_35, %slice3A : vector<1x8192xf32>
    %jit3A = arith.constant 9.99999996E-13 : f32
    %max3A_38 = vector.broadcast %jit3A : f32 to vector<1x8192xf32>
    %max3A_39 = arith.maximumf %max3A_38, %sqrt3A : vector<1x8192xf32>
    %div3A = arith.divf %sub3A, %max3A_39 : vector<1x8192xf32>
    %exp3A = math.exp %div3A : vector<1x8192xf32>
    %log1p3A = math.log1p %exp3A : vector<1x8192xf32>
    %neg3A = arith.constant 0.000000e+00 : f32
    %neg3A_40 = vector.broadcast %neg3A : f32 to vector<1x8192xf32>
    %neg3A_41 = arith.subf %neg3A_40, %log1p3A : vector<1x8192xf32>
    %neg3A_42 = arith.constant 0.000000e+00 : f32
    %neg3A_43 = vector.broadcast %neg3A_42 : f32 to vector<1x8192xf32>
    %neg3A_44 = arith.subf %neg3A_43, %div3A : vector<1x8192xf32>
    %exp3A_45 = math.exp %neg3A_44 : vector<1x8192xf32>
    %log1p3A_46 = math.log1p %exp3A_45 : vector<1x8192xf32>
    %neg3A_47 = arith.constant 0.000000e+00 : f32
    %neg3A_48 = vector.broadcast %neg3A_47 : f32 to vector<1x8192xf32>
    %neg3A_49 = arith.subf %neg3A_48, %log1p3A_46 : vector<1x8192xf32>
    %concatenate3A = tpu.concatenate %neg3A_41, %neg3A_49 in 0 : vector<1x8192xf32>, vector<1x8192xf32> -> vector<2x8192xf32>
    %swap3A = arith.constant 0 : index
    %swap3A_50 = arith.constant 0 : index
    %swap3A_51 = vector.load %arg8[%swap3A, %swap3A_50] : memref<2x8192xf32, #tpu.memory_space<vmem>>, vector<2x8192xf32>
    tpu.vector_store %arg8[%swap3A, %swap3A_50], %concatenate3A {strides = array<i32>} : memref<2x8192xf32, #tpu.memory_space<vmem>>, vector<2x8192xf32>,
    return
  }
  func.func @transform_0(%arg0: i32) -> (i32, i32) {
    %c0_i32 = arith.constant 0 : i32
    %c0_i32_0 = arith.constant 0 : i32
    return %arg0, %c0_i32 : i32, i32
  }
  func.func @transform_1(%arg0: i32) -> (i32, i32) {
    %c0_i32 = arith.constant 0 : i32
    %c0_i32_0 = arith.constant 0 : i32
    %c0_i32_1 = arith.constant 0 : i32
    return %c0_i32, %c0_i32_0 : i32, i32
  }
  func.func @transform_2(%arg0: i32) -> (i32, i32) {
    %c0_i32 = arith.constant 0 : i32
    %c0_i32_0 = arith.constant 0 : i32
    %c0_i32_1 = arith.constant 0 : i32
    return %c0_i32, %c0_i32_0 : i32, i32
  }
  func.func @transform_3(%arg0: i32) -> (i32, i32) {
    %c0_i32 = arith.constant 0 : i32
    %c0_i32_0 = arith.constant 0 : i32
    %c0_i32_1 = arith.constant 0 : i32
    return %c0_i32, %c0_i32_0 : i32, i32
  }
  func.func @transform_4(%arg0: i32) -> (i32, i32) {
    %c0_i32 = arith.constant 0 : i32
    %c0_i32_0 = arith.constant 0 : i32
    %c0_i32_1 = arith.constant 0 : i32
    return %c0_i32, %c0_i32_0 : i32, i32
  }
  func.func @transform_5(%arg0: i32) -> (i32, i32) {
    %c0_i32 = arith.constant 0 : i32
    %c0_i32_0 = arith.constant 0 : i32
    %c0_i32_1 = arith.constant 0 : i32
    return %c0_i32, %c0_i32_0 : i32, i32
  }
  func.func @transform_6(%arg0: i32) -> (i32, i32) {
    %c0_i32 = arith.constant 0 : i32
    %c0_i32_0 = arith.constant 0 : i32
    %c0_i32_1 = arith.constant 0 : i32
    return %c0_i32, %c0_i32_0 : i32, i32
  }
  func.func @transform_7(%arg0: i32) -> (i32, i32) {
    %c0_i32 = arith.constant 0 : i32
    %c0_i32_0 = arith.constant 0 : i32
    return %c0_i32, %arg0 : i32, i32
  }
}

</mosaic_0001>

<sc_bundles>
// kernel: kernel.5.cloned.1.call-start
scs
__scs_entry_jumppad:
0x0: {  	(pc) =	sbr.rel $0x88, $3  }
0x1: {  	(tag) =	ssettag $0x0;
	lr =	simm.s32 $0x1  }
0x2: {  	[smem:$0x3F92] =	sst lr;
	_ =	strace $0xD0000000  }
0x3: {  	_ = 	snop  }
0x4: {  	_ = 	snop  }
0x5: {  	_ = 	snop  }
0x6: {  	_ = 	snop  }
0x7: {  	_ = 	snop  }
__scs_overlays_trampoline_lowered:
0x8: {  	[smem:$0x3FA1] =	sst s0  }
0x9: {  	[smem:$0x3FA2] =	sst s1  }
0xa: {  	[smem:$0x3FA3] =	sst s2  }
0xb: {  	[smem:$0x3FA4] =	sst s3  }
0xc: {  	[smem:$0x3FA5] =	sst s4  }
0xd: {  	[smem:$0x3FA6] =	sst s5  }
0xe: {  	[smem:$0x3FA7] =	sst s6  }
0xf: {  	[smem:$0x3FA8] =	sst s7  }
0x10: {  	[smem:$0x3FA9] =	sst s8  }
0x11: {  	[smem:$0x3FAA] =	sst s9;
	s0 =	simm.s32 @!p0 $0x0  }
0x12: {  	s1 =	sld [smem:$0x3F90];
	s0 =	simm.s32 @p0 $0x1  }
0x13: {  	[smem:$0x3FAB] =	sst s0;
	s0 =	simm.s32 @!p1 $0x0  }
0x14: {  	s2 =	sld [smem:$0x3F8F];
	s0 =	simm.s32 @p1 $0x1  }
0x15: {  	[smem:$0x3FAC] =	sst s0;
	s0 =	simm.s32 @!p2 $0x0  }
0x16: {  	s3 =	sld [smem:$0x3FDB];
	s0 =	simm.s32 @p2 $0x1  }
0x17: {  	s4 =	simm.s32 $0x1BF5;
	[smem:$0x3FAE] =	sst s0  }
0x18: {  	s0 =	sld [smem:$0x3F91];
	_ =	swait.ge [sflag:s4], $0x0  }
0x19: {  	s7 =	sld [smem:$0x3F92]  }
0x1a: {  	s8 =	sadd.s32 $0xFFFFE003, lr  }
0x1b: {  	s9 =	sadd.s32 $0xFFFFFEF7, lr;
	s5 =	simm.s32 $0xFFFFFFFF;
	p2 =	slt.u32 s8, $0xFFFFF086  }
0x1c: {  	p1 =	slt.u32 s9, $0xF7A;
	s5 =	simm.s32 @!p2 $0x0  }
0x1d: {  	s5 =	simm.s32 @p1 $0x1;
	p0 =	seq.s32 s7, s2  }
0x1e: {  	s7 =	smul.u32 @!p0 $0xF7A, s2;
	p2 =	seq.s32 @!p0 s5, $0x0  }
0x1f: {  	s9 =	smul.u32 $0xF7A, s1;
	s8 =	simm.s32 @!p0 $0x1BF5;
	p2 =	por !p2, p0  }
0x20: {  	[sflag:s8] =	ssyncset.s32 @!p0 $0xFFFFF086;
	s6 =	sadd.s32 @!p0 s3, s7;
	s7 =	simm.s32 @!p0 $0x108  }
0x21: {  	s3 =	sadd.s32 s3, s9;
	s6 =	sadd.s32 @!p0 $0x88, s6;
	s7 =	simm.s32 @p2 $0x1082  }
0x22: {  	[simem:s7], [sflag:s8] =	dma.local @!p0 [hbm:s6], $0xF7A  }
0x23: {  	s9 =	sor.u32 $0xD0000000, s2;
	s6 =	simm.s32 $0x108;
	_ =	swait.ge @!p0 [sflag:s8], $0x0  }
0x24: {  	s3 =	sadd.s32 $0x88, s3;
	s6 =	simm.s32 @!p1 $0x1082;
	[sflag:s4] =	ssyncset.s32 $0xFFFFF086  }
0x25: {  	[simem:s6], [sflag:s4] =	dma.local [hbm:s3], $0xF7A  }
0x26: {  	[smem:$0x3F92] =	sst s1;
	(tag) =	ssettag s2;
	_ =	strace s9  }
0x27: {  	s1 =	sld [smem:$0x3FA2]  }
0x28: {  	s2 =	sld [smem:$0x3FA3]  }
0x29: {  	s4 =	sld [smem:$0x3FA5]  }
0x2a: {  	p0 =	seq.s32 s5, $0x0;
	s5 =	sld [smem:$0x3FA6]  }
0x2b: {  	s6 =	sld [smem:$0x3FA7]  }
0x2c: {  	s7 =	sld [smem:$0x3FA8]  }
0x2d: {  	s3 =	simm.s32 $0x108;
	s8 =	sld [smem:$0x3FA9]  }
0x2e: {  	s3 =	simm.s32 @!p0 $0x1082;
	s9 =	sld [smem:$0x3FAA]  }
0x2f: {  	lr =	sadd.s32 s0, s3;
	s0 =	sld [smem:$0x3FA1]  }
0x30: {  	s3 =	sld [smem:$0x3FA4]  }
0x31: {  	[smem:$0x3FAD] =	sst s10  }
0x32: {  	s10 =	sld [smem:$0x3FAB];
	_ =	sdelay $0x3  }
0x33: {  	p0 =	seq.s32 s10, $0x1;
	s10 =	sld [smem:$0x3FAD];
	_ =	sdelay $0x3  }
0x34: {  	[smem:$0x3FAD] =	sst s10  }
0x35: {  	s10 =	sld [smem:$0x3FAC];
	_ =	sdelay $0x3  }
0x36: {  	p1 =	seq.s32 s10, $0x1;
	s10 =	sld [smem:$0x3FAD];
	_ =	sdelay $0x3  }
0x37: {  	[smem:$0x3FAD] =	sst s10  }
0x38: {  	s10 =	sld [smem:$0x3FAE]  }
0x39: {  	_ = 	snop;
	(pc) =	sbr.ind lr, $3  }
0x3a: {  	_ = 	snop  }
0x3b: {  	_ = 	snop  }
0x3c: {  	p2 =	seq.s32 s10, $0x1;
	s10 =	sld [smem:$0x3FAD]  }
0x3d: {  	_ =	shalt  }
0x3e: {  	_ =	shalt  }
0x3f: {  	_ =	shalt  }
0x40: {  	_ =	shalt  }
0x41: {  	_ =	shalt  }
0x42: {  	_ =	shalt  }
0x43: {  	_ =	shalt  }
0x44: {  	_ =	shalt  }
0x45: {  	_ =	shalt  }
0x46: {  	_ =	shalt  }
0x47: {  	_ =	shalt  }
0x48: {  	_ =	shalt  }
0x49: {  	_ =	shalt  }
0x4a: {  	_ =	shalt  }
0x4b: {  	_ =	shalt  }
0x4c: {  	_ =	shalt  }
0x4d: {  	_ =	shalt  }
0x4e: {  	_ =	shalt  }
0x4f: {  	_ =	shalt  }
0x50: {  	_ =	shalt  }
0x51: {  	_ =	shalt  }
0x52: {  	_ =	shalt  }
0x53: {  	_ =	shalt  }
0x54: {  	_ =	shalt  }
0x55: {  	_ =	shalt  }
0x56: {  	_ =	shalt  }
0x57: {  	_ =	shalt  }
0x58: {  	_ =	shalt  }
0x59: {  	_ =	shalt  }
0x5a: {  	_ =	shalt  }
0x5b: {  	_ =	shalt  }
0x5c: {  	_ =	shalt  }
0x5d: {  	_ =	shalt  }
0x5e: {  	_ =	shalt  }
0x5f: {  	_ =	shalt  }
0x60: {  	_ =	shalt  }
0x61: {  	_ =	shalt  }
0x62: {  	_ =	shalt  }
0x63: {  	_ =	shalt  }
0x64: {  	_ =	shalt  }
0x65: {  	_ =	shalt  }
0x66: {  	_ =	shalt  }
0x67: {  	_ =	shalt  }
0x68: {  	_ =	shalt  }
0x69: {  	_ =	shalt  }
0x6a: {  	_ =	shalt  }
0x6b: {  	_ =	shalt  }
0x6c: {  	_ =	shalt  }
0x6d: {  	_ =	shalt  }
0x6e: {  	_ =	shalt  }
0x6f: {  	_ =	shalt  }
0x70: {  	_ =	shalt  }
0x71: {  	_ =	shalt  }
0x72: {  	_ =	shalt  }
0x73: {  	_ =	shalt  }
0x74: {  	_ =	shalt  }
0x75: {  	_ =	shalt  }
0x76: {  	_ =	shalt  }
0x77: {  	_ =	shalt  }
0x78: {  	_ =	shalt  }
0x79: {  	_ =	shalt  }
0x7a: {  	_ =	shalt  }
0x7b: {  	_ =	shalt  }
0x7c: {  	_ =	shalt  }
0x7d: {  	_ =	shalt  }
0x7e: {  	_ =	shalt  }
0x7f: {  	_ =	shalt  }
0x80: {  	_ =	shalt  }
0x81: {  	_ =	shalt  }
0x82: {  	_ =	shalt  }
0x83: {  	_ =	shalt  }
0x84: {  	_ =	shalt  }
0x85: {  	_ =	shalt  }
0x86: {  	_ =	shalt  }
0x87: {  	_ =	shalt  }
.Lfunc_end0:
.L_simem_size_0:
called_computation_lowered:
.L_overlay_start_0:
0x88: {  	s2 =	sld [smem:$0x3FD9]  }
0x89: {  	s3 =	sld [smem:$0x3FFE];
	_ =	sdelay $0x1  }
0x8a: {  	s1 =	srdreg.scid  }
0x8b: {  	s0 =	sand.u32 $0x1, s1  }
0x8c: {  	s17 =	sshll.u32 s0, $0xA;
	s2 =	sadd.s32 s3, s2  }
0x8d: {  	s2 =	sadd.s32 s2, s17  }
0x8e: {  	[smem:$0x3FB9] =	sst s2  }
0x8f: {  	_ = 	snop  }
0x90: {  	s2 =	sld [smem:$0x3FD0];
	(tm) =	ssettm $0x1  }
0x91: {  	s18 =	sld [smem:$0x3FFB];
	_ =	sdelay $0x3  }
0x92: {  	_ =	strace s18  }
0x93: {  	s3 =	sld [smem:$0x3FFC];
	_ =	sdelay $0x3  }
0x94: {  	_ =	strace s3  }
0x95: {  	s3 =	sld [smem:$0x3FFD];
	_ =	sdelay $0x3  }
0x96: {  	_ =	strace s3  }
0x97: {  	_ =	strace $0x8FFFFFFF  }
0x98: {  	s19 =	sld [smem:$0x3FDB];
	_ =	sdelay $0x1  }
0x99: {  	s4 =	simm.s32 $_scs_section_size  }
0x9a: {  	s5 =	simm.s32 $_size__tile_overlayer_lowered;
	s6 =	simm.s32 $_tile_overlayer_lowered  }
0x9b: {  	s22 =	simm.s32 $0x1BFF;
	s21 =	sshll.u32 s6, $0x1;
	s3 =	sadd.s32 s4, s19  }
0x9c: {  	s7 =	simm.s32 $0x0;
	s20 =	sshll.u32 s5, $0x1;
	s5 =	sadd.s32 s21, s3  }
0x9d: {  	[timem:s7], [sflag:s22] =	dma.local [hbm:s5], s20  }
0x9e: {  	_ =	swait.ge [sflag:s22], s20  }
0x9f: {  	s4 =	ssub.s32 $0x0, s20;
	[sflag:s22] =	ssyncset.done $0x0  }
0xa0: {  	[sflag:s22] =	ssyncadd.s32 s4;
	_ =	sdelay $0x1  }
0xa1: {  	s23 =	simm.s32 $0x1B8B  }
0xa2: {  	_ =	swait.ge [sflag:s23], $0x1  }
0xa3: {  	[sflag:s23] =	ssyncset.done $0x0  }
0xa4: {  	s25 =	simm.s32 $0x1B8E;
	s24 =	sld [smem:$0x3FFE];
	[sflag:s23] =	ssyncadd.s32 $0xFFFFFFFF  }
0xa5: {  	s26 =	simm.s32 $execute0_lowered;
	[smem:$0x3FD2] =	sst s25  }
0xa6: {  	s5 =	sshll.u32 s26, $0x1;
	_ =	strace $0x80000046;
	[dreg:$0x1] =	wrdreg $0xFFFFFFFF  }
0xa7: {  	s28 =	simm.s32 $_size_execute0_lowered;
	s3 =	sadd.s32 s3, s5;
	[dreg:$0x0] =	wrdreg $0x0  }
0xa8: {  	s5 =	sshll.u32 s28, $0x1;
	[dreg:$0x2] =	wrdreg s3  }
0xa9: {  	[dreg:$0x3] =	wrdreg s5  }
0xaa: {  	[dreg:$0x4] =	wrdreg $0xC0  }
0xab: {  	_ =	task [dreg:s7], $0x5FFFF  }
0xac: {  	[dreg:$0x1] =	wrdreg $0xFFFFFFFF  }
0xad: {  	[dreg:$0x0] =	wrdreg $0x60  }
0xae: {  	[dreg:$0x2] =	wrdreg s24  }
0xaf: {  	[dreg:$0x3] =	wrdreg s2  }
0xb0: {  	[dreg:$0x4] =	wrdreg $0x120000  }
0xb1: {  	[dreg:$0x5] =	wrdreg $0x9  }
0xb2: {  	_ =	task.clear_ibuf [dreg:s7], $0x6FFFF;
	_ =	strace $0x90000046  }
0xb3: {  	s29 =	simm.s32 $0x9;
	_ =	strace $0x80000048  }
0xb4: {  	_ =	swait.ge [sflag:s29], $0x1  }
0xb5: {  	[sflag:s29] =	ssyncadd.s32 $0xFFFFFFFF  }
0xb6: {  	_ =	strace $0x90000048  }
0xb7: {  	_ =	sfence  }
0xb8: {  	s30 =	sld [smem:$0x0];
	_ =	sdelay $0x2  }
0xb9: {  	s31 =	sshll.u32 s1, $0xD;
	s1 =	sshrl.u32 s1, $0x2  }
0xba: {  	s3 =	sand.u32 $0x4000, s31;
	s1 =	sadd.s32 s1, s30  }
0xbb: {  	s0 =	sor.u32 s3, s0;
	s1 =	sshll.u32 s1, $0x11  }
0xbc: {  	s0 =	sor.u32 s1, s0  }
0xbd: {  	s0 =	sadd.s32 $0x8F2B, s0  }
0xbe: {  	[sflag:s0] =	ssyncadd.remote.s32 $0x1  }
0xbf: {  	_ =	sfence.sel $0xFFFF  }
0xc0: {  	[dreg:$0x0] =	wrdreg $0xFFFFFFFF;
	(pc) =	sbr.abs _section_cstart, $3  }
0xc1: {  	[dreg:$0x1] =	wrdreg $0xFFFFFFFF  }
0xc2: {  	_ =	task.clear_ibuf [dreg:s7], $0x2FFFF;
	_ =	strace $0x9FFFFFFF  }
0xc3: {  	(tm) =	ssettm $0x7FFFFFFF  }
tec
execute0_lowered:
.L_overlay_start_1:
0x0: {  	(tag) =	ssettag $0x1  }
0x1: {  	s0 =	rddreg [dreg:$0x0]  }
0x2: {  	s3 =	rddreg [dreg:$0x1]  }
0x3: {  	s1 =	rddreg [dreg:$0x2];
	s2 =	simm.s32 $0x0;
	s4 =	srdreg.scid  }
0x4: {  	s5 =	stileid.u32;
	[smem:$0x7FF] =	sst s2  }
0x5: {  	s4 =	sand.u32 $0x1, s4;
	s6 =	sshll.u32 s5, $0x1;
	s7 =	sadd.s32 $0x1E00, s0  }
0x6: {  	_ =	strace $0x80000047;
	s6 =	sor.u32 s4, s6;
	[dreg:$0x4] =	wrdreg s7  }
0x7: {  	s4 =	ssub.s32 $0x2, s4;
	s25 =	sshll.u32 s6, $0x10;
	s6 =	sshll.u32 s6, $0xA  }
0x8: {  	s26 =	sshrl.u32 s4, $0x1;
	s7 =	sadd.s32 s25, s0;
	s3 =	sadd.s32 s3, s6  }
0x9: {  	s8 =	ssub.s32 s4, s26;
	[dreg:$0x5] =	wrdreg s3;
	s4 =	sadd.s32 $0x5E00, s7  }
0xa: {  	s6 =	sadd.s32 $0x6600, s7;
	[dreg:$0x6] =	wrdreg s4  }
0xb: {  	s9 =	sadd.s32 $0x6E00, s7;
	[dreg:$0x7] =	wrdreg s6  }
0xc: {  	s10 =	sadd.s32 $0x7600, s7;
	[dreg:$0x8] =	wrdreg s9  }
0xd: {  	s11 =	sadd.s32 $0x7E00, s7;
	[dreg:$0x9] =	wrdreg s10  }
0xe: {  	s12 =	sadd.s32 $0x8600, s7;
	[dreg:$0xa] =	wrdreg s11  }
0xf: {  	s13 =	sadd.s32 $0x8E00, s7;
	[dreg:$0xb] =	wrdreg s12  }
0x10: {  	s14 =	sadd.s32 $0x9600, s7;
	[dreg:$0xc] =	wrdreg s13  }
0x11: {  	s15 =	sadd.s32 $0x9E00, s7;
	[dreg:$0xd] =	wrdreg s14  }
0x12: {  	s16 =	sadd.s32 $0xA600, s7;
	[dreg:$0xe] =	wrdreg s15  }
0x13: {  	s17 =	sadd.s32 $0xAE00, s7;
	[dreg:$0xf] =	wrdreg s16  }
0x14: {  	s18 =	sadd.s32 $0xB600, s7;
	[dreg:$0x10] =	wrdreg s17  }
0x15: {  	s19 =	sadd.s32 $0xBE00, s7;
	[dreg:$0x11] =	wrdreg s18  }
0x16: {  	p0 =	sne.s32 s5, $0x0;
	s20 =	sadd.s32 $0xC600, s7;
	[dreg:$0x12] =	wrdreg s19  }
0x17: {  	s21 =	sadd.s32 $0xCE00, s7;
	s22 =	sadd.s32 $0xD600, s7;
	[dreg:$0x13] =	wrdreg s20  }
0x18: {  	s23 =	sadd.s32 $0xDE00, s7;
	s24 =	sadd.s32 $0xE600, s7;
	[dreg:$0x14] =	wrdreg s21  }
0x19: {  	s25 =	sadd.s32 $0xEE00, s7;
	s26 =	sadd.s32 $0xF600, s7;
	[dreg:$0x15] =	wrdreg s22  }
0x1a: {  	s28 =	sadd.s32 $0x10E00, s7;
	s29 =	sadd.s32 $0x11600, s7;
	[dreg:$0x16] =	wrdreg s23  }
0x1b: {  	s30 =	sadd.s32 $0x11E00, s7;
	s31 =	sadd.s32 $0x12600, s7;
	[dreg:$0x17] =	wrdreg s24  }
0x1c: {  	s0 =	sadd.s32 $0x12E00, s7;
	s3 =	sadd.s32 $0x13600, s7;
	[dreg:$0x18] =	wrdreg s25  }
0x1d: {  	s5 =	sadd.s32 $0x14600, s7;
	s8 =	smax.u32 s8, $0x1;
	[dreg:$0x19] =	wrdreg s26  }
0x1e: {  	s25 =	sadd.s32 $0xFE00, s7;
	s26 =	sadd.s32 $0x10600, s7;
	s4 =	sadd.s32 $0x13E00, s7  }
0x1f: {  	s6 =	sadd.s32 $0x14E00, s7;
	s7 =	sadd.s32 $0x15600, s7;
	s9 =	simm.s32 $0x7  }
0x20: {  	s10 =	simm.s32 $0x80;
	s11 =	simm.s32 $0x2000;
	s12 =	simm.s32 $0x6000  }
0x21: {  	s13 =	simm.s32 $0x1;
	s14 =	simm.s32 $0x2;
	s15 =	simm.s32 $0xA000  }
0x22: {  	s16 =	simm.s32 $0xE000;
	s17 =	simm.s32 $0x3;
	s18 =	simm.s32 $0x4  }
0x23: {  	s19 =	simm.s32 $0x5;
	s20 =	simm.s32 $0x6;
	s21 =	simm.s32 $0x0  }
.LBB2_1:
0x24: {  	s22 =	sshrl.u32 @!p0 s1, $0x3;
	s23 =	simm.s32 @!p0 $0x1C07;
	s24 =	rddreg [dreg:$0x4]  }
0x25: {  	[spmem:s22], [sflag:s23] =	dma.local @!p0 [hbm:s24], $0x4000  }
0x26: {  	s22 =	simm.s32 @!p0 $0x7  }
0x27: {  	_ =	swait.ge @!p0 [sflag:s22], $0x4000  }
0x28: {  	[sflag:s22] =	ssyncset.done @!p0 $0x0  }
0x29: {  	[sflag:s22] =	ssyncadd.s32 @!p0 $0xFFFFC000  }
0x2a: {  	[bflag:$0x0] =	sbarrier.arrive $0xFFFF  }
0x2b: {  	s24 =	rddreg [dreg:$0x5]  }
0x2c: {  	[tilespmem:s2], [sflag:$0x7] =	stream.linear.gather [hbm4b:s24+s2], $0x2000, $0x38;
	[tilespmem:$0x14000] =	vst v63  }
0x2d: {  	_ =	swait.ge [sflag:s9], $0x2000  }
0x2e: {  	[sflag:s9] =	ssyncset.done $0x0  }
0x2f: {  	[sflag:s9] =	ssyncadd.s32 $0xFFFFE000  }
0x30: {  	[tilespmem:s11], [sflag:$0x1] =	stream.indirect.gather [spmem:s1], $0x80, s2, s10, $0xb8;
	[tilespmem:$0x14000] =	vst v63  }
0x31: {  	s23 =	simm.s32 $0x1000  }
0x32: {  	[tilespmem:s12], [sflag:$0x2] =	stream.indirect.gather [spmem:s1], $0x80, s23, s10, $0xb8;
	[tilespmem:$0x14000] =	vst v63  }
0x33: {  	_ =	swait.ge [sflag:s13], $0x4000  }
0x34: {  	[sflag:s13] =	ssyncset.done $0x0  }
0x35: {  	[sflag:s13] =	ssyncadd.s32 $0xFFFFC000  }
0x36: {  	_ =	swait.ge [sflag:s14], $0x4000  }
0x37: {  	[sflag:s14] =	ssyncset.done $0x0  }
0x38: {  	[sflag:s14] =	ssyncadd.s32 $0xFFFFC000  }
0x39: {  	[tilespmem:s15], [sflag:$0x3] =	stream.indirect.gather [spmem:s1], $0x80, s10, s10, $0xb8;
	[tilespmem:$0x14000] =	vst v63  }
0x3a: {  	s22 =	simm.s32 $0x0;
	s24 =	simm.s32 $0x1080  }
0x3b: {  	[tilespmem:s16], [sflag:$0x4] =	stream.indirect.gather [spmem:s1], $0x80, s24, s10, $0xb8;
	[tilespmem:$0x14000] =	vst v63  }
0x3c: {  	v5 =	vld [tilespmem:s22+$0x6000]  }
0x3d: {  	v6 =	vld [tilespmem:s22+$0x6010]  }
0x3e: {  	v1 =	vld [tilespmem:s22+$0x6020]  }
0x3f: {  	v0 =	vld [tilespmem:s22+$0x6030]  }
0x40: {  	v2 =	vld [tilespmem:s22+$0x2000]  }
0x41: {  	v4 =	vld [tilespmem:s22+$0x2010]  }
0x42: {  	s23 =	simm.s32 $0x200;
	v3 =	vld [tilespmem:s22+$0x2020]  }
.LBB2_2:
0x43: {  	s24 =	sshra.s32 s23, $0x2;
	p1 =	sne.s32 s23, $0xFE00;
	v7 =	vld [tilespmem:s22+$0x2030];
	v8 =	vmov v1  }
0x44: {  	v9 =	vld [tilespmem:s24+$0x6000];
	v10 =	vmov v0  }
0x45: {  	v11 =	vld [tilespmem:s24+$0x6010];
	v2 =	vmul.f32 v5, v2  }
.Ltmp0:
0x46: {  	v1 =	vld [tilespmem:s24+$0x6020];
	v4 =	vmul.f32 v6, v4;
	(pc) =	sbr.rel @p1 .LBB2_2-.Ltmp0, $4  }
0x47: {  	v0 =	vld [tilespmem:s24+$0x6030];
	[tilespmem:s22+$0x2000] =	vst v2;
	v3 =	vmul.f32 v8, v3  }
0x48: {  	v2 =	vld [tilespmem:s24+$0x2000];
	[tilespmem:s22+$0x2010] =	vst v4;
	v7 =	vmul.f32 v10, v7  }
0x49: {  	v4 =	vld [tilespmem:s24+$0x2010];
	[tilespmem:s22+$0x2020] =	vst v3;
	v5 =	vmov v9  }
0x4a: {  	s23 =	sadd.s32 $0x200, s23;
	v3 =	vld [tilespmem:s24+$0x2020];
	[tilespmem:s22+$0x2030] =	vst v7;
	v6 =	vmov v11;
	s22 =	smov.u32 s24  }
0x4b: {  	v7 =	vld [tilespmem:s22+$0x2030];
	_ =	sdelay $0x1  }
0x4c: {  	v2 =	vmul.f32 v5, v2  }
0x4d: {  	v4 =	vmul.f32 v6, v4  }
0x4e: {  	[tilespmem:s22+$0x2000] =	vst v2;
	v1 =	vmul.f32 v1, v3  }
0x4f: {  	[tilespmem:s22+$0x2010] =	vst v4;
	v0 =	vmul.f32 v0, v7  }
0x50: {  	[tilespmem:s22+$0x2020] =	vst v1  }
0x51: {  	s24 =	simm.s32 $0x0;
	s23 =	rddreg [dreg:$0x6];
	[tilespmem:s22+$0x2030] =	vst v0  }
0x52: {  	[hbm4b:s23+s24] =	stream.linear.scatter [tilespmem:s11], [sflag:$0x5], $0x4000, $0x38;
	[tilespmem:$0x14000] =	vst v63  }
0x53: {  	_ =	swait.ge [sflag:s17], $0x4000  }
0x54: {  	[sflag:s17] =	ssyncset.done $0x0  }
0x55: {  	[sflag:s17] =	ssyncadd.s32 $0xFFFFC000  }
0x56: {  	_ =	swait.ge [sflag:s18], $0x4000  }
0x57: {  	[sflag:s18] =	ssyncset.done $0x0  }
0x58: {  	[sflag:s18] =	ssyncadd.s32 $0xFFFFC000  }
0x59: {  	_ =	swait.ge [sflag:s19], $0x4000  }
0x5a: {  	[sflag:s19] =	ssyncset.done $0x0  }
0x5b: {  	s23 =	simm.s32 $0x100;
	[sflag:s19] =	ssyncadd.s32 $0xFFFFC000  }
0x5c: {  	[tilespmem:s11], [sflag:$0x1] =	stream.indirect.gather [spmem:s1], $0x80, s23, s10, $0xb8;
	[tilespmem:$0x14000] =	vst v63  }
0x5d: {  	s22 =	simm.s32 $0x0;
	s24 =	simm.s32 $0x1100  }
0x5e: {  	[tilespmem:s12], [sflag:$0x2] =	stream.indirect.gather [spmem:s1], $0x80, s24, s10, $0xb8;
	[tilespmem:$0x14000] =	vst v63  }
0x5f: {  	v5 =	vld [tilespmem:s22+$0xE000]  }
0x60: {  	v6 =	vld [tilespmem:s22+$0xE010]  }
0x61: {  	v1 =	vld [tilespmem:s22+$0xE020]  }
0x62: {  	v0 =	vld [tilespmem:s22+$0xE030]  }
0x63: {  	v2 =	vld [tilespmem:s22+$0xA000]  }
0x64: {  	v4 =	vld [tilespmem:s22+$0xA010]  }
0x65: {  	s23 =	simm.s32 $0x200;
	v3 =	vld [tilespmem:s22+$0xA020]  }
.LBB2_4:
0x66: {  	s24 =	sshra.s32 s23, $0x2;
	p1 =	sne.s32 s23, $0xFE00;
	v7 =	vld [tilespmem:s22+$0xA030];
	v8 =	vmov v1  }
0x67: {  	v9 =	vld [tilespmem:s24+$0xE000];
	v10 =	vmov v0  }
0x68: {  	v11 =	vld [tilespmem:s24+$0xE010];
	v2 =	vmul.f32 v5, v2  }
.Ltmp1:
0x69: {  	v1 =	vld [tilespmem:s24+$0xE020];
	v4 =	vmul.f32 v6, v4;
	(pc) =	sbr.rel @p1 .LBB2_4-.Ltmp1, $4  }
0x6a: {  	v0 =	vld [tilespmem:s24+$0xE030];
	[tilespmem:s22+$0xA000] =	vst v2;
	v3 =	vmul.f32 v8, v3  }
0x6b: {  	v2 =	vld [tilespmem:s24+$0xA000];
	[tilespmem:s22+$0xA010] =	vst v4;
	v7 =	vmul.f32 v10, v7  }
0x6c: {  	v4 =	vld [tilespmem:s24+$0xA010];
	[tilespmem:s22+$0xA020] =	vst v3;
	v5 =	vmov v9  }
0x6d: {  	s23 =	sadd.s32 $0x200, s23;
	v3 =	vld [tilespmem:s24+$0xA020];
	[tilespmem:s22+$0xA030] =	vst v7;
	v6 =	vmov v11;
	s22 =	smov.u32 s24  }
0x6e: {  	v7 =	vld [tilespmem:s22+$0xA030];
	_ =	sdelay $0x1  }
0x6f: {  	v2 =	vmul.f32 v5, v2  }
0x70: {  	v4 =	vmul.f32 v6, v4  }
0x71: {  	[tilespmem:s22+$0xA000] =	vst v2;
	v1 =	vmul.f32 v1, v3  }
0x72: {  	[tilespmem:s22+$0xA010] =	vst v4;
	v0 =	vmul.f32 v0, v7  }
0x73: {  	[tilespmem:s22+$0xA020] =	vst v1  }
0x74: {  	s24 =	simm.s32 $0x0;
	s23 =	rddreg [dreg:$0x7];
	[tilespmem:s22+$0xA030] =	vst v0  }
0x75: {  	[hbm4b:s23+s24] =	stream.linear.scatter [tilespmem:s15], [sflag:$0x6], $0x4000, $0x38;
	[tilespmem:$0x14000] =	vst v63  }
0x76: {  	_ =	swait.ge [sflag:s13], $0x4000  }
0x77: {  	[sflag:s13] =	ssyncset.done $0x0  }
0x78: {  	[sflag:s13] =	ssyncadd.s32 $0xFFFFC000  }
0x79: {  	_ =	swait.ge [sflag:s14], $0x4000  }
0x7a: {  	[sflag:s14] =	ssyncset.done $0x0  }
0x7b: {  	[sflag:s14] =	ssyncadd.s32 $0xFFFFC000  }
0x7c: {  	_ =	swait.ge [sflag:s20], $0x4000  }
0x7d: {  	[sflag:s20] =	ssyncset.done $0x0  }
0x7e: {  	s23 =	simm.s32 $0x180;
	[sflag:s20] =	ssyncadd.s32 $0xFFFFC000  }
0x7f: {  	[tilespmem:s15], [sflag:$0x3] =	stream.indirect.gather [spmem:s1], $0x80, s23, s10, $0xb8;
	[tilespmem:$0x14000] =	vst v63  }
0x80: {  	s22 =	simm.s32 $0x0;
	s24 =	simm.s32 $0x1180  }
0x81: {  	[tilespmem:s16], [sflag:$0x4] =	stream.indirect.gather [spmem:s1], $0x80, s24, s10, $0xb8;
	[tilespmem:$0x14000] =	vst v63  }
0x82: {  	v5 =	vld [tilespmem:s22+$0x6000]  }
0x83: {  	v6 =	vld [tilespmem:s22+$0x6010]  }
0x84: {  	v1 =	vld [tilespmem:s22+$0x6020]  }
0x85: {  	v0 =	vld [tilespmem:s22+$0x6030]  }
0x86: {  	v2 =	vld [tilespmem:s22+$0x2000]  }
0x87: {  	v4 =	vld [tilespmem:s22+$0x2010]  }
0x88: {  	s23 =	simm.s32 $0x200;
	v3 =	vld [tilespmem:s22+$0x2020]  }
.LBB2_6:
0x89: {  	s24 =	sshra.s32 s23, $0x2;
	p1 =	sne.s32 s23, $0xFE00;
	v7 =	vld [tilespmem:s22+$0x2030];
	v8 =	vmov v1  }
0x8a: {  	v9 =	vld [tilespmem:s24+$0x6000];
	v10 =	vmov v0  }
0x8b: {  	v11 =	vld [tilespmem:s24+$0x6010];
	v2 =	vmul.f32 v5, v2  }
.Ltmp2:
0x8c: {  	v1 =	vld [tilespmem:s24+$0x6020];
	v4 =	vmul.f32 v6, v4;
	(pc) =	sbr.rel @p1 .LBB2_6-.Ltmp2, $4  }
0x8d: {  	v0 =	vld [tilespmem:s24+$0x6030];
	[tilespmem:s22+$0x2000] =	vst v2;
	v3 =	vmul.f32 v8, v3  }
0x8e: {  	v2 =	vld [tilespmem:s24+$0x2000];
	[tilespmem:s22+$0x2010] =	vst v4;
	v7 =	vmul.f32 v10, v7  }
0x8f: {  	v4 =	vld [tilespmem:s24+$0x2010];
	[tilespmem:s22+$0x2020] =	vst v3;
	v5 =	vmov v9  }
0x90: {  	s23 =	sadd.s32 $0x200, s23;
	v3 =	vld [tilespmem:s24+$0x2020];
	[tilespmem:s22+$0x2030] =	vst v7;
	v6 =	vmov v11;
	s22 =	smov.u32 s24  }
0x91: {  	v7 =	vld [tilespmem:s22+$0x2030];
	_ =	sdelay $0x1  }
0x92: {  	v2 =	vmul.f32 v5, v2  }
0x93: {  	v4 =	vmul.f32 v6, v4  }
0x94: {  	[tilespmem:s22+$0x2000] =	vst v2;
	v1 =	vmul.f32 v1, v3  }
0x95: {  	[tilespmem:s22+$0x2010] =	vst v4;
	v0 =	vmul.f32 v0, v7  }
0x96: {  	[tilespmem:s22+$0x2020] =	vst v1  }
0x97: {  	s24 =	simm.s32 $0x0;
	s23 =	rddreg [dreg:$0x8];
	[tilespmem:s22+$0x2030] =	vst v0  }
0x98: {  	[hbm4b:s23+s24] =	stream.linear.scatter [tilespmem:s11], [sflag:$0x5], $0x4000, $0x38;
	[tilespmem:$0x14000] =	vst v63  }
0x99: {  	_ =	swait.ge [sflag:s17], $0x4000  }
0x9a: {  	[sflag:s17] =	ssyncset.done $0x0  }
0x9b: {  	[sflag:s17] =	ssyncadd.s32 $0xFFFFC000  }
0x9c: {  	_ =	swait.ge [sflag:s18], $0x4000  }
0x9d: {  	[sflag:s18] =	ssyncset.done $0x0  }
0x9e: {  	[sflag:s18] =	ssyncadd.s32 $0xFFFFC000  }
0x9f: {  	_ =	swait.ge [sflag:s19], $0x4000  }
0xa0: {  	[sflag:s19] =	ssyncset.done $0x0  }
0xa1: {  	s23 =	simm.s32 $0x200;
	[sflag:s19] =	ssyncadd.s32 $0xFFFFC000  }
0xa2: {  	[tilespmem:s11], [sflag:$0x1] =	stream.indirect.gather [spmem:s1], $0x80, s23, s10, $0xb8;
	[tilespmem:$0x14000] =	vst v63  }
0xa3: {  	s22 =	simm.s32 $0x0;
	s24 =	simm.s32 $0x1200  }
0xa4: {  	[tilespmem:s12], [sflag:$0x2] =	stream.indirect.gather [spmem:s1], $0x80, s24, s10, $0xb8;
	[tilespmem:$0x14000] =	vst v63  }
0xa5: {  	v5 =	vld [tilespmem:s22+$0xE000]  }
0xa6: {  	v6 =	vld [tilespmem:s22+$0xE010]  }
0xa7: {  	v1 =	vld [tilespmem:s22+$0xE020]  }
0xa8: {  	v0 =	vld [tilespmem:s22+$0xE030]  }
0xa9: {  	v2 =	vld [tilespmem:s22+$0xA000]  }
0xaa: {  	v4 =	vld [tilespmem:s22+$0xA010]  }
0xab: {  	s23 =	simm.s32 $0x200;
	v3 =	vld [tilespmem:s22+$0xA020]  }
.LBB2_8:
0xac: {  	s24 =	sshra.s32 s23, $0x2;
	p1 =	sne.s32 s23, $0xFE00;
	v7 =	vld [tilespmem:s22+$0xA030];
	v8 =	vmov v1  }
0xad: {  	v9 =	vld [tilespmem:s24+$0xE000];
	v10 =	vmov v0  }
0xae: {  	v11 =	vld [tilespmem:s24+$0xE010];
	v2 =	vmul.f32 v5, v2  }
.Ltmp3:
0xaf: {  	v1 =	vld [tilespmem:s24+$0xE020];
	v4 =	vmul.f32 v6, v4;
	(pc) =	sbr.rel @p1 .LBB2_8-.Ltmp3, $4  }
0xb0: {  	v0 =	vld [tilespmem:s24+$0xE030];
	[tilespmem:s22+$0xA000] =	vst v2;
	v3 =	vmul.f32 v8, v3  }
0xb1: {  	v2 =	vld [tilespmem:s24+$0xA000];
	[tilespmem:s22+$0xA010] =	vst v4;
	v7 =	vmul.f32 v10, v7  }
0xb2: {  	v4 =	vld [tilespmem:s24+$0xA010];
	[tilespmem:s22+$0xA020] =	vst v3;
	v5 =	vmov v9  }
0xb3: {  	s23 =	sadd.s32 $0x200, s23;
	v3 =	vld [tilespmem:s24+$0xA020];
	[tilespmem:s22+$0xA030] =	vst v7;
	v6 =	vmov v11;
	s22 =	smov.u32 s24  }
0xb4: {  	v7 =	vld [tilespmem:s22+$0xA030];
	_ =	sdelay $0x1  }
0xb5: {  	v2 =	vmul.f32 v5, v2  }
0xb6: {  	v4 =	vmul.f32 v6, v4  }
0xb7: {  	[tilespmem:s22+$0xA000] =	vst v2;
	v1 =	vmul.f32 v1, v3  }
0xb8: {  	[tilespmem:s22+$0xA010] =	vst v4;
	v0 =	vmul.f32 v0, v7  }
0xb9: {  	[tilespmem:s22+$0xA020] =	vst v1  }
0xba: {  	s24 =	simm.s32 $0x0;
	s23 =	rddreg [dreg:$0x9];
	[tilespmem:s22+$0xA030] =	vst v0  }
0xbb: {  	[hbm4b:s23+s24] =	stream.linear.scatter [tilespmem:s15], [sflag:$0x6], $0x4000, $0x38;
	[tilespmem:$0x14000] =	vst v63  }
0xbc: {  	_ =	swait.ge [sflag:s13], $0x4000  }
0xbd: {  	[sflag:s13] =	ssyncset.done $0x0  }
0xbe: {  	[sflag:s13] =	ssyncadd.s32 $0xFFFFC000  }
0xbf: {  	_ =	swait.ge [sflag:s14], $0x4000  }
0xc0: {  	[sflag:s14] =	ssyncset.done $0x0  }
0xc1: {  	[sflag:s14] =	ssyncadd.s32 $0xFFFFC000  }
0xc2: {  	_ =	swait.ge [sflag:s20], $0x4000  }
0xc3: {  	[sflag:s20] =	ssyncset.done $0x0  }
0xc4: {  	s23 =	simm.s32 $0x280;
	[sflag:s20] =	ssyncadd.s32 $0xFFFFC000  }
0xc5: {  	[tilespmem:s15], [sflag:$0x3] =	stream.indirect.gather [spmem:s1], $0x80, s23, s10, $0xb8;
	[tilespmem:$0x14000] =	vst v63  }
0xc6: {  	s22 =	simm.s32 $0x0;
	s24 =	simm.s32 $0x1280  }
0xc7: {  	[tilespmem:s16], [sflag:$0x4] =	stream.indirect.gather [spmem:s1], $0x80, s24, s10, $0xb8;
	[tilespmem:$0x14000] =	vst v63  }
0xc8: {  	v5 =	vld [tilespmem:s22+$0x6000]  }
0xc9: {  	v6 =	vld [tilespmem:s22+$0x6010]  }
0xca: {  	v1 =	vld [tilespmem:s22+$0x6020]  }
0xcb: {  	v0 =	vld [tilespmem:s22+$0x6030]  }
0xcc: {  	v2 =	vld [tilespmem:s22+$0x2000]  }
0xcd: {  	v4 =	vld [tilespmem:s22+$0x2010]  }
0xce: {  	s23 =	simm.s32 $0x200;
	v3 =	vld [tilespmem:s22+$0x2020]  }
.LBB2_10:
0xcf: {  	s24 =	sshra.s32 s23, $0x2;
	p1 =	sne.s32 s23, $0xFE00;
	v7 =	vld [tilespmem:s22+$0x2030];
	v8 =	vmov v1  }
0xd0: {  	v9 =	vld [tilespmem:s24+$0x6000];
	v10 =	vmov v0  }
0xd1: {  	v11 =	vld [tilespmem:s24+$0x6010];
	v2 =	vmul.f32 v5, v2  }
.Ltmp4:
0xd2: {  	v1 =	vld [tilespmem:s24+$0x6020];
	v4 =	vmul.f32 v6, v4;
	(pc) =	sbr.rel @p1 .LBB2_10-.Ltmp4, $4  }
0xd3: {  	v0 =	vld [tilespmem:s24+$0x6030];
	[tilespmem:s22+$0x2000] =	vst v2;
	v3 =	vmul.f32 v8, v3  }
0xd4: {  	v2 =	vld [tilespmem:s24+$0x2000];
	[tilespmem:s22+$0x2010] =	vst v4;
	v7 =	vmul.f32 v10, v7  }
0xd5: {  	v4 =	vld [tilespmem:s24+$0x2010];
	[tilespmem:s22+$0x2020] =	vst v3;
	v5 =	vmov v9  }
0xd6: {  	s23 =	sadd.s32 $0x200, s23;
	v3 =	vld [tilespmem:s24+$0x2020];
	[tilespmem:s22+$0x2030] =	vst v7;
	v6 =	vmov v11;
	s22 =	smov.u32 s24  }
0xd7: {  	v7 =	vld [tilespmem:s22+$0x2030];
	_ =	sdelay $0x1  }
0xd8: {  	v2 =	vmul.f32 v5, v2  }
0xd9: {  	v4 =	vmul.f32 v6, v4  }
0xda: {  	[tilespmem:s22+$0x2000] =	vst v2;
	v1 =	vmul.f32 v1, v3  }
0xdb: {  	[tilespmem:s22+$0x2010] =	vst v4;
	v0 =	vmul.f32 v0, v7  }
0xdc: {  	[tilespmem:s22+$0x2020] =	vst v1  }
0xdd: {  	s24 =	simm.s32 $0x0;
	s23 =	rddreg [dreg:$0xa];
	[tilespmem:s22+$0x2030] =	vst v0  }
0xde: {  	[hbm4b:s23+s24] =	stream.linear.scatter [tilespmem:s11], [sflag:$0x5], $0x4000, $0x38;
	[tilespmem:$0x14000] =	vst v63  }
0xdf: {  	_ =	swait.ge [sflag:s17], $0x4000  }
0xe0: {  	[sflag:s17] =	ssyncset.done $0x0  }
0xe1: {  	[sflag:s17] =	ssyncadd.s32 $0xFFFFC000  }
0xe2: {  	_ =	swait.ge [sflag:s18], $0x4000  }
0xe3: {  	[sflag:s18] =	ssyncset.done $0x0  }
0xe4: {  	[sflag:s18] =	ssyncadd.s32 $0xFFFFC000  }
0xe5: {  	_ =	swait.ge [sflag:s19], $0x4000  }
0xe6: {  	[sflag:s19] =	ssyncset.done $0x0  }
0xe7: {  	s23 =	simm.s32 $0x300;
	[sflag:s19] =	ssyncadd.s32 $0xFFFFC000  }
0xe8: {  	[tilespmem:s11], [sflag:$0x1] =	stream.indirect.gather [spmem:s1], $0x80, s23, s10, $0xb8;
	[tilespmem:$0x14000] =	vst v63  }
0xe9: {  	s22 =	simm.s32 $0x0;
	s24 =	simm.s32 $0x1300  }
0xea: {  	[tilespmem:s12], [sflag:$0x2] =	stream.indirect.gather [spmem:s1], $0x80, s24, s10, $0xb8;
	[tilespmem:$0x14000] =	vst v63  }
0xeb: {  	v5 =	vld [tilespmem:s22+$0xE000]  }
0xec: {  	v6 =	vld [tilespmem:s22+$0xE010]  }
0xed: {  	v1 =	vld [tilespmem:s22+$0xE020]  }
0xee: {  	v0 =	vld [tilespmem:s22+$0xE030]  }
0xef: {  	v2 =	vld [tilespmem:s22+$0xA000]  }
0xf0: {  	v4 =	vld [tilespmem:s22+$0xA010]  }
0xf1: {  	s23 =	simm.s32 $0x200;
	v3 =	vld [tilespmem:s22+$0xA020]  }
.LBB2_12:
0xf2: {  	s24 =	sshra.s32 s23, $0x2;
	p1 =	sne.s32 s23, $0xFE00;
	v7 =	vld [tilespmem:s22+$0xA030];
	v8 =	vmov v1  }
0xf3: {  	v9 =	vld [tilespmem:s24+$0xE000];
	v10 =	vmov v0  }
0xf4: {  	v11 =	vld [tilespmem:s24+$0xE010];
	v2 =	vmul.f32 v5, v2  }
.Ltmp5:
0xf5: {  	v1 =	vld [tilespmem:s24+$0xE020];
	v4 =	vmul.f32 v6, v4;
	(pc) =	sbr.rel @p1 .LBB2_12-.Ltmp5, $4  }
0xf6: {  	v0 =	vld [tilespmem:s24+$0xE030];
	[tilespmem:s22+$0xA000] =	vst v2;
	v3 =	vmul.f32 v8, v3  }
0xf7: {  	v2 =	vld [tilespmem:s24+$0xA000];
	[tilespmem:s22+$0xA010] =	vst v4;
	v7 =	vmul.f32 v10, v7  }
0xf8: {  	v4 =	vld [tilespmem:s24+$0xA010];
	[tilespmem:s22+$0xA020] =	vst v3;
	v5 =	vmov v9  }
0xf9: {  	s23 =	sadd.s32 $0x200, s23;
	v3 =	vld [tilespmem:s24+$0xA020];
	[tilespmem:s22+$0xA030] =	vst v7;
	v6 =	vmov v11;
	s22 =	smov.u32 s24  }
0xfa: {  	v7 =	vld [tilespmem:s22+$0xA030];
	_ =	sdelay $0x1  }
0xfb: {  	v2 =	vmul.f32 v5, v2  }
0xfc: {  	v4 =	vmul.f32 v6, v4  }
0xfd: {  	[tilespmem:s22+$0xA000] =	vst v2;
	v1 =	vmul.f32 v1, v3  }
0xfe: {  	[tilespmem:s22+$0xA010] =	vst v4;
	v0 =	vmul.f32 v0, v7  }
0xff: {  	[tilespmem:s22+$0xA020] =	vst v1  }
0x100: {  	s24 =	simm.s32 $0x0;
	s23 =	rddreg [dreg:$0xb];
	[tilespmem:s22+$0xA030] =	vst v0  }
0x101: {  	[hbm4b:s23+s24] =	stream.linear.scatter [tilespmem:s15], [sflag:$0x6], $0x4000, $0x38;
	[tilespmem:$0x14000] =	vst v63  }
0x102: {  	_ =	swait.ge [sflag:s13], $0x4000  }
0x103: {  	[sflag:s13] =	ssyncset.done $0x0  }
0x104: {  	[sflag:s13] =	ssyncadd.s32 $0xFFFFC000  }
0x105: {  	_ =	swait.ge [sflag:s14], $0x4000  }
0x106: {  	[sflag:s14] =	ssyncset.done $0x0  }
0x107: {  	[sflag:s14] =	ssyncadd.s32 $0xFFFFC000  }
0x108: {  	_ =	swait.ge [sflag:s20], $0x4000  }
0x109: {  	[sflag:s20] =	ssyncset.done $0x0  }
0x10a: {  	s23 =	simm.s32 $0x380;
	[sflag:s20] =	ssyncadd.s32 $0xFFFFC000  }
0x10b: {  	[tilespmem:s15], [sflag:$0x3] =	stream.indirect.gather [spmem:s1], $0x80, s23, s10, $0xb8;
	[tilespmem:$0x14000] =	vst v63  }
0x10c: {  	s22 =	simm.s32 $0x0;
	s24 =	simm.s32 $0x1380  }
0x10d: {  	[tilespmem:s16], [sflag:$0x4] =	stream.indirect.gather [spmem:s1], $0x80, s24, s10, $0xb8;
	[tilespmem:$0x14000] =	vst v63  }
0x10e: {  	v5 =	vld [tilespmem:s22+$0x6000]  }
0x10f: {  	v6 =	vld [tilespmem:s22+$0x6010]  }
0x110: {  	v1 =	vld [tilespmem:s22+$0x6020]  }
0x111: {  	v0 =	vld [tilespmem:s22+$0x6030]  }
0x112: {  	v2 =	vld [tilespmem:s22+$0x2000]  }
0x113: {  	v4 =	vld [tilespmem:s22+$0x2010]  }
0x114: {  	s23 =	simm.s32 $0x200;
	v3 =	vld [tilespmem:s22+$0x2020]  }
.LBB2_14:
0x115: {  	s24 =	sshra.s32 s23, $0x2;
	p1 =	sne.s32 s23, $0xFE00;
	v7 =	vld [tilespmem:s22+$0x2030];
	v8 =	vmov v1  }
0x116: {  	v9 =	vld [tilespmem:s24+$0x6000];
	v10 =	vmov v0  }
0x117: {  	v11 =	vld [tilespmem:s24+$0x6010];
	v2 =	vmul.f32 v5, v2  }
.Ltmp6:
0x118: {  	v1 =	vld [tilespmem:s24+$0x6020];
	v4 =	vmul.f32 v6, v4;
	(pc) =	sbr.rel @p1 .LBB2_14-.Ltmp6, $4  }
0x119: {  	v0 =	vld [tilespmem:s24+$0x6030];
	[tilespmem:s22+$0x2000] =	vst v2;
	v3 =	vmul.f32 v8, v3  }
0x11a: {  	v2 =	vld [tilespmem:s24+$0x2000];
	[tilespmem:s22+$0x2010] =	vst v4;
	v7 =	vmul.f32 v10, v7  }
0x11b: {  	v4 =	vld [tilespmem:s24+$0x2010];
	[tilespmem:s22+$0x2020] =	vst v3;
	v5 =	vmov v9  }
0x11c: {  	s23 =	sadd.s32 $0x200, s23;
	v3 =	vld [tilespmem:s24+$0x2020];
	[tilespmem:s22+$0x2030] =	vst v7;
	v6 =	vmov v11;
	s22 =	smov.u32 s24  }
0x11d: {  	v7 =	vld [tilespmem:s22+$0x2030];
	_ =	sdelay $0x1  }
0x11e: {  	v2 =	vmul.f32 v5, v2  }
0x11f: {  	v4 =	vmul.f32 v6, v4  }
0x120: {  	[tilespmem:s22+$0x2000] =	vst v2;
	v1 =	vmul.f32 v1, v3  }
0x121: {  	[tilespmem:s22+$0x2010] =	vst v4;
	v0 =	vmul.f32 v0, v7  }
0x122: {  	[tilespmem:s22+$0x2020] =	vst v1  }
0x123: {  	s24 =	simm.s32 $0x0;
	s23 =	rddreg [dreg:$0xc];
	[tilespmem:s22+$0x2030] =	vst v0  }
0x124: {  	[hbm4b:s23+s24] =	stream.linear.scatter [tilespmem:s11], [sflag:$0x5], $0x4000, $0x38;
	[tilespmem:$0x14000] =	vst v63  }
0x125: {  	_ =	swait.ge [sflag:s17], $0x4000  }
0x126: {  	[sflag:s17] =	ssyncset.done $0x0  }
0x127: {  	[sflag:s17] =	ssyncadd.s32 $0xFFFFC000  }
0x128: {  	_ =	swait.ge [sflag:s18], $0x4000  }
0x129: {  	[sflag:s18] =	ssyncset.done $0x0  }
0x12a: {  	[sflag:s18] =	ssyncadd.s32 $0xFFFFC000  }
0x12b: {  	_ =	swait.ge [sflag:s19], $0x4000  }
0x12c: {  	[sflag:s19] =	ssyncset.done $0x0  }
0x12d: {  	s23 =	simm.s32 $0x400;
	[sflag:s19] =	ssyncadd.s32 $0xFFFFC000  }
0x12e: {  	[tilespmem:s11], [sflag:$0x1] =	stream.indirect.gather [spmem:s1], $0x80, s23, s10, $0xb8;
	[tilespmem:$0x14000] =	vst v63  }
0x12f: {  	s22 =	simm.s32 $0x0;
	s24 =	simm.s32 $0x1400  }
0x130: {  	[tilespmem:s12], [sflag:$0x2] =	stream.indirect.gather [spmem:s1], $0x80, s24, s10, $0xb8;
	[tilespmem:$0x14000] =	vst v63  }
0x131: {  	v5 =	vld [tilespmem:s22+$0xE000]  }
0x132: {  	v6 =	vld [tilespmem:s22+$0xE010]  }
0x133: {  	v1 =	vld [tilespmem:s22+$0xE020]  }
0x134: {  	v0 =	vld [tilespmem:s22+$0xE030]  }
0x135: {  	v2 =	vld [tilespmem:s22+$0xA000]  }
0x136: {  	v4 =	vld [tilespmem:s22+$0xA010]  }
0x137: {  	s23 =	simm.s32 $0x200;
	v3 =	vld [tilespmem:s22+$0xA020]  }
.LBB2_16:
0x138: {  	s24 =	sshra.s32 s23, $0x2;
	p1 =	sne.s32 s23, $0xFE00;
	v7 =	vld [tilespmem:s22+$0xA030];
	v8 =	vmov v1  }
0x139: {  	v9 =	vld [tilespmem:s24+$0xE000];
	v10 =	vmov v0  }
0x13a: {  	v11 =	vld [tilespmem:s24+$0xE010];
	v2 =	vmul.f32 v5, v2  }
.Ltmp7:
0x13b: {  	v1 =	vld [tilespmem:s24+$0xE020];
	v4 =	vmul.f32 v6, v4;
	(pc) =	sbr.rel @p1 .LBB2_16-.Ltmp7, $4  }
0x13c: {  	v0 =	vld [tilespmem:s24+$0xE030];
	[tilespmem:s22+$0xA000] =	vst v2;
	v3 =	vmul.f32 v8, v3  }
0x13d: {  	v2 =	vld [tilespmem:s24+$0xA000];
	[tilespmem:s22+$0xA010] =	vst v4;
	v7 =	vmul.f32 v10, v7  }
0x13e: {  	v4 =	vld [tilespmem:s24+$0xA010];
	[tilespmem:s22+$0xA020] =	vst v3;
	v5 =	vmov v9  }
0x13f: {  	s23 =	sadd.s32 $0x200, s23;
	v3 =	vld [tilespmem:s24+$0xA020];
	[tilespmem:s22+$0xA030] =	vst v7;
	v6 =	vmov v11;
	s22 =	smov.u32 s24  }
0x140: {  	v7 =	vld [tilespmem:s22+$0xA030];
	_ =	sdelay $0x1  }
0x141: {  	v2 =	vmul.f32 v5, v2  }
0x142: {  	v4 =	vmul.f32 v6, v4  }
0x143: {  	[tilespmem:s22+$0xA000] =	vst v2;
	v1 =	vmul.f32 v1, v3  }
0x144: {  	[tilespmem:s22+$0xA010] =	vst v4;
	v0 =	vmul.f32 v0, v7  }
0x145: {  	[tilespmem:s22+$0xA020] =	vst v1  }
0x146: {  	s24 =	simm.s32 $0x0;
	s23 =	rddreg [dreg:$0xd];
	[tilespmem:s22+$0xA030] =	vst v0  }
0x147: {  	[hbm4b:s23+s24] =	stream.linear.scatter [tilespmem:s15], [sflag:$0x6], $0x4000, $0x38;
	[tilespmem:$0x14000] =	vst v63  }
0x148: {  	_ =	swait.ge [sflag:s13], $0x4000  }
0x149: {  	[sflag:s13] =	ssyncset.done $0x0  }
0x14a: {  	[sflag:s13] =	ssyncadd.s32 $0xFFFFC000  }
0x14b: {  	_ =	swait.ge [sflag:s14], $0x4000  }
0x14c: {  	[sflag:s14] =	ssyncset.done $0x0  }
0x14d: {  	[sflag:s14] =	ssyncadd.s32 $0xFFFFC000  }
0x14e: {  	_ =	swait.ge [sflag:s20], $0x4000  }
0x14f: {  	[sflag:s20] =	ssyncset.done $0x0  }
0x150: {  	s23 =	simm.s32 $0x480;
	[sflag:s20] =	ssyncadd.s32 $0xFFFFC000  }
0x151: {  	[tilespmem:s15], [sflag:$0x3] =	stream.indirect.gather [spmem:s1], $0x80, s23, s10, $0xb8;
	[tilespmem:$0x14000] =	vst v63  }
0x152: {  	s22 =	simm.s32 $0x0;
	s24 =	simm.s32 $0x1480  }
0x153: {  	[tilespmem:s16], [sflag:$0x4] =	stream.indirect.gather [spmem:s1], $0x80, s24, s10, $0xb8;
	[tilespmem:$0x14000] =	vst v63  }
0x154: {  	v5 =	vld [tilespmem:s22+$0x6000]  }
0x155: {  	v6 =	vld [tilespmem:s22+$0x6010]  }
0x156: {  	v1 =	vld [tilespmem:s22+$0x6020]  }
0x157: {  	v0 =	vld [tilespmem:s22+$0x6030]  }
0x158: {  	v2 =	vld [tilespmem:s22+$0x2000]  }
0x159: {  	v4 =	vld [tilespmem:s22+$0x2010]  }
0x15a: {  	s23 =	simm.s32 $0x200;
	v3 =	vld [tilespmem:s22+$0x2020]  }
.LBB2_18:
0x15b: {  	s24 =	sshra.s32 s23, $0x2;
	p1 =	sne.s32 s23, $0xFE00;
	v7 =	vld [tilespmem:s22+$0x2030];
	v8 =	vmov v1  }
0x15c: {  	v9 =	vld [tilespmem:s24+$0x6000];
	v10 =	vmov v0  }
0x15d: {  	v11 =	vld [tilespmem:s24+$0x6010];
	v2 =	vmul.f32 v5, v2  }
.Ltmp8:
0x15e: {  	v1 =	vld [tilespmem:s24+$0x6020];
	v4 =	vmul.f32 v6, v4;
	(pc) =	sbr.rel @p1 .LBB2_18-.Ltmp8, $4  }
0x15f: {  	v0 =	vld [tilespmem:s24+$0x6030];
	[tilespmem:s22+$0x2000] =	vst v2;
	v3 =	vmul.f32 v8, v3  }
0x160: {  	v2 =	vld [tilespmem:s24+$0x2000];
	[tilespmem:s22+$0x2010] =	vst v4;
	v7 =	vmul.f32 v10, v7  }
0x161: {  	v4 =	vld [tilespmem:s24+$0x2010];
	[tilespmem:s22+$0x2020] =	vst v3;
	v5 =	vmov v9  }
0x162: {  	s23 =	sadd.s32 $0x200, s23;
	v3 =	vld [tilespmem:s24+$0x2020];
	[tilespmem:s22+$0x2030] =	vst v7;
	v6 =	vmov v11;
	s22 =	smov.u32 s24  }
0x163: {  	v7 =	vld [tilespmem:s22+$0x2030];
	_ =	sdelay $0x1  }
0x164: {  	v2 =	vmul.f32 v5, v2  }
0x165: {  	v4 =	vmul.f32 v6, v4  }
0x166: {  	[tilespmem:s22+$0x2000] =	vst v2;
	v1 =	vmul.f32 v1, v3  }
0x167: {  	[tilespmem:s22+$0x2010] =	vst v4;
	v0 =	vmul.f32 v0, v7  }
0x168: {  	[tilespmem:s22+$0x2020] =	vst v1  }
0x169: {  	s24 =	simm.s32 $0x0;
	s23 =	rddreg [dreg:$0xe];
	[tilespmem:s22+$0x2030] =	vst v0  }
0x16a: {  	[hbm4b:s23+s24] =	stream.linear.scatter [tilespmem:s11], [sflag:$0x5], $0x4000, $0x38;
	[tilespmem:$0x14000] =	vst v63  }
0x16b: {  	_ =	swait.ge [sflag:s17], $0x4000  }
0x16c: {  	[sflag:s17] =	ssyncset.done $0x0  }
0x16d: {  	[sflag:s17] =	ssyncadd.s32 $0xFFFFC000  }
0x16e: {  	_ =	swait.ge [sflag:s18], $0x4000  }
0x16f: {  	[sflag:s18] =	ssyncset.done $0x0  }
0x170: {  	[sflag:s18] =	ssyncadd.s32 $0xFFFFC000  }
0x171: {  	_ =	swait.ge [sflag:s19], $0x4000  }
0x172: {  	[sflag:s19] =	ssyncset.done $0x0  }
0x173: {  	s23 =	simm.s32 $0x500;
	[sflag:s19] =	ssyncadd.s32 $0xFFFFC000  }
0x174: {  	[tilespmem:s11], [sflag:$0x1] =	stream.indirect.gather [spmem:s1], $0x80, s23, s10, $0xb8;
	[tilespmem:$0x14000] =	vst v63  }
0x175: {  	s22 =	simm.s32 $0x0;
	s24 =	simm.s32 $0x1500  }
0x176: {  	[tilespmem:s12], [sflag:$0x2] =	stream.indirect.gather [spmem:s1], $0x80, s24, s10, $0xb8;
	[tilespmem:$0x14000] =	vst v63  }
0x177: {  	v5 =	vld [tilespmem:s22+$0xE000]  }
0x178: {  	v6 =	vld [tilespmem:s22+$0xE010]  }
0x179: {  	v1 =	vld [tilespmem:s22+$0xE020]  }
0x17a: {  	v0 =	vld [tilespmem:s22+$0xE030]  }
0x17b: {  	v2 =	vld [tilespmem:s22+$0xA000]  }
0x17c: {  	v4 =	vld [tilespmem:s22+$0xA010]  }
0x17d: {  	s23 =	simm.s32 $0x200;
	v3 =	vld [tilespmem:s22+$0xA020]  }
.LBB2_20:
0x17e: {  	s24 =	sshra.s32 s23, $0x2;
	p1 =	sne.s32 s23, $0xFE00;
	v7 =	vld [tilespmem:s22+$0xA030];
	v8 =	vmov v1  }
0x17f: {  	v9 =	vld [tilespmem:s24+$0xE000];
	v10 =	vmov v0  }
0x180: {  	v11 =	vld [tilespmem:s24+$0xE010];
	v2 =	vmul.f32 v5, v2  }
.Ltmp9:
0x181: {  	v1 =	vld [tilespmem:s24+$0xE020];
	v4 =	vmul.f32 v6, v4;
	(pc) =	sbr.rel @p1 .LBB2_20-.Ltmp9, $4  }
0x182: {  	v0 =	vld [tilespmem:s24+$0xE030];
	[tilespmem:s22+$0xA000] =	vst v2;
	v3 =	vmul.f32 v8, v3  }
0x183: {  	v2 =	vld [tilespmem:s24+$0xA000];
	[tilespmem:s22+$0xA010] =	vst v4;
	v7 =	vmul.f32 v10, v7  }
0x184: {  	v4 =	vld [tilespmem:s24+$0xA010];
	[tilespmem:s22+$0xA020] =	vst v3;
	v5 =	vmov v9  }
0x185: {  	s23 =	sadd.s32 $0x200, s23;
	v3 =	vld [tilespmem:s24+$0xA020];
	[tilespmem:s22+$0xA030] =	vst v7;
	v6 =	vmov v11;
	s22 =	smov.u32 s24  }
0x186: {  	v7 =	vld [tilespmem:s22+$0xA030];
	_ =	sdelay $0x1  }
0x187: {  	v2 =	vmul.f32 v5, v2  }
0x188: {  	v4 =	vmul.f32 v6, v4  }
0x189: {  	[tilespmem:s22+$0xA000] =	vst v2;
	v1 =	vmul.f32 v1, v3  }
0x18a: {  	[tilespmem:s22+$0xA010] =	vst v4;
	v0 =	vmul.f32 v0, v7  }
0x18b: {  	[tilespmem:s22+$0xA020] =	vst v1  }
0x18c: {  	s24 =	simm.s32 $0x0;
	s23 =	rddreg [dreg:$0xf];
	[tilespmem:s22+$0xA030] =	vst v0  }
0x18d: {  	[hbm4b:s23+s24] =	stream.linear.scatter [tilespmem:s15], [sflag:$0x6], $0x4000, $0x38;
	[tilespmem:$0x14000] =	vst v63  }
0x18e: {  	_ =	swait.ge [sflag:s13], $0x4000  }
0x18f: {  	[sflag:s13] =	ssyncset.done $0x0  }
0x190: {  	[sflag:s13] =	ssyncadd.s32 $0xFFFFC000  }
0x191: {  	_ =	swait.ge [sflag:s14], $0x4000  }
0x192: {  	[sflag:s14] =	ssyncset.done $0x0  }
0x193: {  	[sflag:s14] =	ssyncadd.s32 $0xFFFFC000  }
0x194: {  	_ =	swait.ge [sflag:s20], $0x4000  }
0x195: {  	[sflag:s20] =	ssyncset.done $0x0  }
0x196: {  	s23 =	simm.s32 $0x580;
	[sflag:s20] =	ssyncadd.s32 $0xFFFFC000  }
0x197: {  	[tilespmem:s15], [sflag:$0x3] =	stream.indirect.gather [spmem:s1], $0x80, s23, s10, $0xb8;
	[tilespmem:$0x14000] =	vst v63  }
0x198: {  	s22 =	simm.s32 $0x0;
	s24 =	simm.s32 $0x1580  }
0x199: {  	[tilespmem:s16], [sflag:$0x4] =	stream.indirect.gather [spmem:s1], $0x80, s24, s10, $0xb8;
	[tilespmem:$0x14000] =	vst v63  }
0x19a: {  	v5 =	vld [tilespmem:s22+$0x6000]  }
0x19b: {  	v6 =	vld [tilespmem:s22+$0x6010]  }
0x19c: {  	v1 =	vld [tilespmem:s22+$0x6020]  }
0x19d: {  	v0 =	vld [tilespmem:s22+$0x6030]  }
0x19e: {  	v2 =	vld [tilespmem:s22+$0x2000]  }
0x19f: {  	v4 =	vld [tilespmem:s22+$0x2010]  }
0x1a0: {  	s23 =	simm.s32 $0x200;
	v3 =	vld [tilespmem:s22+$0x2020]  }
.LBB2_22:
0x1a1: {  	s24 =	sshra.s32 s23, $0x2;
	p1 =	sne.s32 s23, $0xFE00;
	v7 =	vld [tilespmem:s22+$0x2030];
	v8 =	vmov v1  }
0x1a2: {  	v9 =	vld [tilespmem:s24+$0x6000];
	v10 =	vmov v0  }
0x1a3: {  	v11 =	vld [tilespmem:s24+$0x6010];
	v2 =	vmul.f32 v5, v2  }
.Ltmp10:
0x1a4: {  	v1 =	vld [tilespmem:s24+$0x6020];
	v4 =	vmul.f32 v6, v4;
	(pc) =	sbr.rel @p1 .LBB2_22-.Ltmp10, $4  }
0x1a5: {  	v0 =	vld [tilespmem:s24+$0x6030];
	[tilespmem:s22+$0x2000] =	vst v2;
	v3 =	vmul.f32 v8, v3  }
0x1a6: {  	v2 =	vld [tilespmem:s24+$0x2000];
	[tilespmem:s22+$0x2010] =	vst v4;
	v7 =	vmul.f32 v10, v7  }
0x1a7: {  	v4 =	vld [tilespmem:s24+$0x2010];
	[tilespmem:s22+$0x2020] =	vst v3;
	v5 =	vmov v9  }
0x1a8: {  	s23 =	sadd.s32 $0x200, s23;
	v3 =	vld [tilespmem:s24+$0x2020];
	[tilespmem:s22+$0x2030] =	vst v7;
	v6 =	vmov v11;
	s22 =	smov.u32 s24  }
0x1a9: {  	v7 =	vld [tilespmem:s22+$0x2030];
	_ =	sdelay $0x1  }
0x1aa: {  	v2 =	vmul.f32 v5, v2  }
0x1ab: {  	v4 =	vmul.f32 v6, v4  }
0x1ac: {  	[tilespmem:s22+$0x2000] =	vst v2;
	v1 =	vmul.f32 v1, v3  }
0x1ad: {  	[tilespmem:s22+$0x2010] =	vst v4;
	v0 =	vmul.f32 v0, v7  }
0x1ae: {  	[tilespmem:s22+$0x2020] =	vst v1  }
0x1af: {  	s24 =	simm.s32 $0x0;
	s23 =	rddreg [dreg:$0x10];
	[tilespmem:s22+$0x2030] =	vst v0  }
0x1b0: {  	[hbm4b:s23+s24] =	stream.linear.scatter [tilespmem:s11], [sflag:$0x5], $0x4000, $0x38;
	[tilespmem:$0x14000] =	vst v63  }
0x1b1: {  	_ =	swait.ge [sflag:s17], $0x4000  }
0x1b2: {  	[sflag:s17] =	ssyncset.done $0x0  }
0x1b3: {  	[sflag:s17] =	ssyncadd.s32 $0xFFFFC000  }
0x1b4: {  	_ =	swait.ge [sflag:s18], $0x4000  }
0x1b5: {  	[sflag:s18] =	ssyncset.done $0x0  }
0x1b6: {  	[sflag:s18] =	ssyncadd.s32 $0xFFFFC000  }
0x1b7: {  	_ =	swait.ge [sflag:s19], $0x4000  }
0x1b8: {  	[sflag:s19] =	ssyncset.done $0x0  }
0x1b9: {  	s23 =	simm.s32 $0x600;
	[sflag:s19] =	ssyncadd.s32 $0xFFFFC000  }
0x1ba: {  	[tilespmem:s11], [sflag:$0x1] =	stream.indirect.gather [spmem:s1], $0x80, s23, s10, $0xb8;
	[tilespmem:$0x14000] =	vst v63  }
0x1bb: {  	s22 =	simm.s32 $0x0;
	s24 =	simm.s32 $0x1600  }
0x1bc: {  	[tilespmem:s12], [sflag:$0x2] =	stream.indirect.gather [spmem:s1], $0x80, s24, s10, $0xb8;
	[tilespmem:$0x14000] =	vst v63  }
0x1bd: {  	v5 =	vld [tilespmem:s22+$0xE000]  }
0x1be: {  	v6 =	vld [tilespmem:s22+$0xE010]  }
0x1bf: {  	v1 =	vld [tilespmem:s22+$0xE020]  }
0x1c0: {  	v0 =	vld [tilespmem:s22+$0xE030]  }
0x1c1: {  	v2 =	vld [tilespmem:s22+$0xA000]  }
0x1c2: {  	v4 =	vld [tilespmem:s22+$0xA010]  }
0x1c3: {  	s23 =	simm.s32 $0x200;
	v3 =	vld [tilespmem:s22+$0xA020]  }
.LBB2_24:
0x1c4: {  	s24 =	sshra.s32 s23, $0x2;
	p1 =	sne.s32 s23, $0xFE00;
	v7 =	vld [tilespmem:s22+$0xA030];
	v8 =	vmov v1  }
0x1c5: {  	v9 =	vld [tilespmem:s24+$0xE000];
	v10 =	vmov v0  }
0x1c6: {  	v11 =	vld [tilespmem:s24+$0xE010];
	v2 =	vmul.f32 v5, v2  }
.Ltmp11:
0x1c7: {  	v1 =	vld [tilespmem:s24+$0xE020];
	v4 =	vmul.f32 v6, v4;
	(pc) =	sbr.rel @p1 .LBB2_24-.Ltmp11, $4  }
0x1c8: {  	v0 =	vld [tilespmem:s24+$0xE030];
	[tilespmem:s22+$0xA000] =	vst v2;
	v3 =	vmul.f32 v8, v3  }
0x1c9: {  	v2 =	vld [tilespmem:s24+$0xA000];
	[tilespmem:s22+$0xA010] =	vst v4;
	v7 =	vmul.f32 v10, v7  }
0x1ca: {  	v4 =	vld [tilespmem:s24+$0xA010];
	[tilespmem:s22+$0xA020] =	vst v3;
	v5 =	vmov v9  }
0x1cb: {  	s23 =	sadd.s32 $0x200, s23;
	v3 =	vld [tilespmem:s24+$0xA020];
	[tilespmem:s22+$0xA030] =	vst v7;
	v6 =	vmov v11;
	s22 =	smov.u32 s24  }
0x1cc: {  	v7 =	vld [tilespmem:s22+$0xA030];
	_ =	sdelay $0x1  }
0x1cd: {  	v2 =	vmul.f32 v5, v2  }
0x1ce: {  	v4 =	vmul.f32 v6, v4  }
0x1cf: {  	[tilespmem:s22+$0xA000] =	vst v2;
	v1 =	vmul.f32 v1, v3  }
0x1d0: {  	[tilespmem:s22+$0xA010] =	vst v4;
	v0 =	vmul.f32 v0, v7  }
0x1d1: {  	[tilespmem:s22+$0xA020] =	vst v1  }
0x1d2: {  	s24 =	simm.s32 $0x0;
	s23 =	rddreg [dreg:$0x11];
	[tilespmem:s22+$0xA030] =	vst v0  }
0x1d3: {  	[hbm4b:s23+s24] =	stream.linear.scatter [tilespmem:s15], [sflag:$0x6], $0x4000, $0x38;
	[tilespmem:$0x14000] =	vst v63  }
0x1d4: {  	_ =	swait.ge [sflag:s13], $0x4000  }
0x1d5: {  	[sflag:s13] =	ssyncset.done $0x0  }
0x1d6: {  	[sflag:s13] =	ssyncadd.s32 $0xFFFFC000  }
0x1d7: {  	_ =	swait.ge [sflag:s14], $0x4000  }
0x1d8: {  	[sflag:s14] =	ssyncset.done $0x0  }
0x1d9: {  	[sflag:s14] =	ssyncadd.s32 $0xFFFFC000  }
0x1da: {  	_ =	swait.ge [sflag:s20], $0x4000  }
0x1db: {  	[sflag:s20] =	ssyncset.done $0x0  }
0x1dc: {  	s23 =	simm.s32 $0x680;
	[sflag:s20] =	ssyncadd.s32 $0xFFFFC000  }
0x1dd: {  	[tilespmem:s15], [sflag:$0x3] =	stream.indirect.gather [spmem:s1], $0x80, s23, s10, $0xb8;
	[tilespmem:$0x14000] =	vst v63  }
0x1de: {  	s22 =	simm.s32 $0x0;
	s24 =	simm.s32 $0x1680  }
0x1df: {  	[tilespmem:s16], [sflag:$0x4] =	stream.indirect.gather [spmem:s1], $0x80, s24, s10, $0xb8;
	[tilespmem:$0x14000] =	vst v63  }
0x1e0: {  	v5 =	vld [tilespmem:s22+$0x6000]  }
0x1e1: {  	v6 =	vld [tilespmem:s22+$0x6010]  }
0x1e2: {  	v1 =	vld [tilespmem:s22+$0x6020]  }
0x1e3: {  	v0 =	vld [tilespmem:s22+$0x6030]  }
0x1e4: {  	v2 =	vld [tilespmem:s22+$0x2000]  }
0x1e5: {  	v4 =	vld [tilespmem:s22+$0x2010]  }
0x1e6: {  	s23 =	simm.s32 $0x200;
	v3 =	vld [tilespmem:s22+$0x2020]  }
.LBB2_26:
0x1e7: {  	s24 =	sshra.s32 s23, $0x2;
	p1 =	sne.s32 s23, $0xFE00;
	v7 =	vld [tilespmem:s22+$0x2030];
	v8 =	vmov v1  }
0x1e8: {  	v9 =	vld [tilespmem:s24+$0x6000];
	v10 =	vmov v0  }
0x1e9: {  	v11 =	vld [tilespmem:s24+$0x6010];
	v2 =	vmul.f32 v5, v2  }
.Ltmp12:
0x1ea: {  	v1 =	vld [tilespmem:s24+$0x6020];
	v4 =	vmul.f32 v6, v4;
	(pc) =	sbr.rel @p1 .LBB2_26-.Ltmp12, $4  }
0x1eb: {  	v0 =	vld [tilespmem:s24+$0x6030];
	[tilespmem:s22+$0x2000] =	vst v2;
	v3 =	vmul.f32 v8, v3  }
0x1ec: {  	v2 =	vld [tilespmem:s24+$0x2000];
	[tilespmem:s22+$0x2010] =	vst v4;
	v7 =	vmul.f32 v10, v7  }
0x1ed: {  	v4 =	vld [tilespmem:s24+$0x2010];
	[tilespmem:s22+$0x2020] =	vst v3;
	v5 =	vmov v9  }
0x1ee: {  	s23 =	sadd.s32 $0x200, s23;
	v3 =	vld [tilespmem:s24+$0x2020];
	[tilespmem:s22+$0x2030] =	vst v7;
	v6 =	vmov v11;
	s22 =	smov.u32 s24  }
0x1ef: {  	v7 =	vld [tilespmem:s22+$0x2030];
	_ =	sdelay $0x1  }
0x1f0: {  	v2 =	vmul.f32 v5, v2  }
0x1f1: {  	v4 =	vmul.f32 v6, v4  }
0x1f2: {  	[tilespmem:s22+$0x2000] =	vst v2;
	v1 =	vmul.f32 v1, v3  }
0x1f3: {  	[tilespmem:s22+$0x2010] =	vst v4;
	v0 =	vmul.f32 v0, v7  }
0x1f4: {  	[tilespmem:s22+$0x2020] =	vst v1  }
0x1f5: {  	s24 =	simm.s32 $0x0;
	s23 =	rddreg [dreg:$0x12];
	[tilespmem:s22+$0x2030] =	vst v0  }
0x1f6: {  	[hbm4b:s23+s24] =	stream.linear.scatter [tilespmem:s11], [sflag:$0x5], $0x4000, $0x38;
	[tilespmem:$0x14000] =	vst v63  }
0x1f7: {  	_ =	swait.ge [sflag:s17], $0x4000  }
0x1f8: {  	[sflag:s17] =	ssyncset.done $0x0  }
0x1f9: {  	[sflag:s17] =	ssyncadd.s32 $0xFFFFC000  }
0x1fa: {  	_ =	swait.ge [sflag:s18], $0x4000  }
0x1fb: {  	[sflag:s18] =	ssyncset.done $0x0  }
0x1fc: {  	[sflag:s18] =	ssyncadd.s32 $0xFFFFC000  }
0x1fd: {  	_ =	swait.ge [sflag:s19], $0x4000  }
0x1fe: {  	[sflag:s19] =	ssyncset.done $0x0  }
0x1ff: {  	s23 =	simm.s32 $0x700;
	[sflag:s19] =	ssyncadd.s32 $0xFFFFC000  }
0x200: {  	[tilespmem:s11], [sflag:$0x1] =	stream.indirect.gather [spmem:s1], $0x80, s23, s10, $0xb8;
	[tilespmem:$0x14000] =	vst v63  }
0x201: {  	s22 =	simm.s32 $0x0;
	s24 =	simm.s32 $0x1700  }
0x202: {  	[tilespmem:s12], [sflag:$0x2] =	stream.indirect.gather [spmem:s1], $0x80, s24, s10, $0xb8;
	[tilespmem:$0x14000] =	vst v63  }
0x203: {  	v5 =	vld [tilespmem:s22+$0xE000]  }
0x204: {  	v6 =	vld [tilespmem:s22+$0xE010]  }
0x205: {  	v1 =	vld [tilespmem:s22+$0xE020]  }
0x206: {  	v0 =	vld [tilespmem:s22+$0xE030]  }
0x207: {  	v2 =	vld [tilespmem:s22+$0xA000]  }
0x208: {  	v4 =	vld [tilespmem:s22+$0xA010]  }
0x209: {  	s23 =	simm.s32 $0x200;
	v3 =	vld [tilespmem:s22+$0xA020]  }
.LBB2_28:
0x20a: {  	s24 =	sshra.s32 s23, $0x2;
	p1 =	sne.s32 s23, $0xFE00;
	v7 =	vld [tilespmem:s22+$0xA030];
	v8 =	vmov v1  }
0x20b: {  	v9 =	vld [tilespmem:s24+$0xE000];
	v10 =	vmov v0  }
0x20c: {  	v11 =	vld [tilespmem:s24+$0xE010];
	v2 =	vmul.f32 v5, v2  }
.Ltmp13:
0x20d: {  	v1 =	vld [tilespmem:s24+$0xE020];
	v4 =	vmul.f32 v6, v4;
	(pc) =	sbr.rel @p1 .LBB2_28-.Ltmp13, $4  }
0x20e: {  	v0 =	vld [tilespmem:s24+$0xE030];
	[tilespmem:s22+$0xA000] =	vst v2;
	v3 =	vmul.f32 v8, v3  }
0x20f: {  	v2 =	vld [tilespmem:s24+$0xA000];
	[tilespmem:s22+$0xA010] =	vst v4;
	v7 =	vmul.f32 v10, v7  }
0x210: {  	v4 =	vld [tilespmem:s24+$0xA010];
	[tilespmem:s22+$0xA020] =	vst v3;
	v5 =	vmov v9  }
0x211: {  	s23 =	sadd.s32 $0x200, s23;
	v3 =	vld [tilespmem:s24+$0xA020];
	[tilespmem:s22+$0xA030] =	vst v7;
	v6 =	vmov v11;
	s22 =	smov.u32 s24  }
0x212: {  	v7 =	vld [tilespmem:s22+$0xA030];
	_ =	sdelay $0x1  }
0x213: {  	v2 =	vmul.f32 v5, v2  }
0x214: {  	v4 =	vmul.f32 v6, v4  }
0x215: {  	[tilespmem:s22+$0xA000] =	vst v2;
	v1 =	vmul.f32 v1, v3  }
0x216: {  	[tilespmem:s22+$0xA010] =	vst v4;
	v0 =	vmul.f32 v0, v7  }
0x217: {  	[tilespmem:s22+$0xA020] =	vst v1  }
0x218: {  	s24 =	simm.s32 $0x0;
	s23 =	rddreg [dreg:$0x13];
	[tilespmem:s22+$0xA030] =	vst v0  }
0x219: {  	[hbm4b:s23+s24] =	stream.linear.scatter [tilespmem:s15], [sflag:$0x6], $0x4000, $0x38;
	[tilespmem:$0x14000] =	vst v63  }
0x21a: {  	_ =	swait.ge [sflag:s13], $0x4000  }
0x21b: {  	[sflag:s13] =	ssyncset.done $0x0  }
0x21c: {  	[sflag:s13] =	ssyncadd.s32 $0xFFFFC000  }
0x21d: {  	_ =	swait.ge [sflag:s14], $0x4000  }
0x21e: {  	[sflag:s14] =	ssyncset.done $0x0  }
0x21f: {  	[sflag:s14] =	ssyncadd.s32 $0xFFFFC000  }
0x220: {  	_ =	swait.ge [sflag:s20], $0x4000  }
0x221: {  	[sflag:s20] =	ssyncset.done $0x0  }
0x222: {  	s23 =	simm.s32 $0x780;
	[sflag:s20] =	ssyncadd.s32 $0xFFFFC000  }
0x223: {  	[tilespmem:s15], [sflag:$0x3] =	stream.indirect.gather [spmem:s1], $0x80, s23, s10, $0xb8;
	[tilespmem:$0x14000] =	vst v63  }
0x224: {  	s22 =	simm.s32 $0x0;
	s24 =	simm.s32 $0x1780  }
0x225: {  	[tilespmem:s16], [sflag:$0x4] =	stream.indirect.gather [spmem:s1], $0x80, s24, s10, $0xb8;
	[tilespmem:$0x14000] =	vst v63  }
0x226: {  	v5 =	vld [tilespmem:s22+$0x6000]  }
0x227: {  	v6 =	vld [tilespmem:s22+$0x6010]  }
0x228: {  	v1 =	vld [tilespmem:s22+$0x6020]  }
0x229: {  	v0 =	vld [tilespmem:s22+$0x6030]  }
0x22a: {  	v2 =	vld [tilespmem:s22+$0x2000]  }
0x22b: {  	v4 =	vld [tilespmem:s22+$0x2010]  }
0x22c: {  	s23 =	simm.s32 $0x200;
	v3 =	vld [tilespmem:s22+$0x2020]  }
.LBB2_30:
0x22d: {  	s24 =	sshra.s32 s23, $0x2;
	p1 =	sne.s32 s23, $0xFE00;
	v7 =	vld [tilespmem:s22+$0x2030];
	v8 =	vmov v1  }
0x22e: {  	v9 =	vld [tilespmem:s24+$0x6000];
	v10 =	vmov v0  }
0x22f: {  	v11 =	vld [tilespmem:s24+$0x6010];
	v2 =	vmul.f32 v5, v2  }
.Ltmp14:
0x230: {  	v1 =	vld [tilespmem:s24+$0x6020];
	v4 =	vmul.f32 v6, v4;
	(pc) =	sbr.rel @p1 .LBB2_30-.Ltmp14, $4  }
0x231: {  	v0 =	vld [tilespmem:s24+$0x6030];
	[tilespmem:s22+$0x2000] =	vst v2;
	v3 =	vmul.f32 v8, v3  }
0x232: {  	v2 =	vld [tilespmem:s24+$0x2000];
	[tilespmem:s22+$0x2010] =	vst v4;
	v7 =	vmul.f32 v10, v7  }
0x233: {  	v4 =	vld [tilespmem:s24+$0x2010];
	[tilespmem:s22+$0x2020] =	vst v3;
	v5 =	vmov v9  }
0x234: {  	s23 =	sadd.s32 $0x200, s23;
	v3 =	vld [tilespmem:s24+$0x2020];
	[tilespmem:s22+$0x2030] =	vst v7;
	v6 =	vmov v11;
	s22 =	smov.u32 s24  }
0x235: {  	v7 =	vld [tilespmem:s22+$0x2030];
	_ =	sdelay $0x1  }
0x236: {  	v2 =	vmul.f32 v5, v2  }
0x237: {  	v4 =	vmul.f32 v6, v4  }
0x238: {  	[tilespmem:s22+$0x2000] =	vst v2;
	v1 =	vmul.f32 v1, v3  }
0x239: {  	[tilespmem:s22+$0x2010] =	vst v4;
	v0 =	vmul.f32 v0, v7  }
0x23a: {  	[tilespmem:s22+$0x2020] =	vst v1  }
0x23b: {  	s24 =	simm.s32 $0x0;
	s23 =	rddreg [dreg:$0x14];
	[tilespmem:s22+$0x2030] =	vst v0  }
0x23c: {  	[hbm4b:s23+s24] =	stream.linear.scatter [tilespmem:s11], [sflag:$0x5], $0x4000, $0x38;
	[tilespmem:$0x14000] =	vst v63  }
0x23d: {  	_ =	swait.ge [sflag:s17], $0x4000  }
0x23e: {  	[sflag:s17] =	ssyncset.done $0x0  }
0x23f: {  	[sflag:s17] =	ssyncadd.s32 $0xFFFFC000  }
0x240: {  	_ =	swait.ge [sflag:s18], $0x4000  }
0x241: {  	[sflag:s18] =	ssyncset.done $0x0  }
0x242: {  	[sflag:s18] =	ssyncadd.s32 $0xFFFFC000  }
0x243: {  	_ =	swait.ge [sflag:s19], $0x4000  }
0x244: {  	[sflag:s19] =	ssyncset.done $0x0  }
0x245: {  	s23 =	simm.s32 $0x800;
	[sflag:s19] =	ssyncadd.s32 $0xFFFFC000  }
0x246: {  	[tilespmem:s11], [sflag:$0x1] =	stream.indirect.gather [spmem:s1], $0x80, s23, s10, $0xb8;
	[tilespmem:$0x14000] =	vst v63  }
0x247: {  	s22 =	simm.s32 $0x0;
	s24 =	simm.s32 $0x1800  }
0x248: {  	[tilespmem:s12], [sflag:$0x2] =	stream.indirect.gather [spmem:s1], $0x80, s24, s10, $0xb8;
	[tilespmem:$0x14000] =	vst v63  }
0x249: {  	v5 =	vld [tilespmem:s22+$0xE000]  }
0x24a: {  	v6 =	vld [tilespmem:s22+$0xE010]  }
0x24b: {  	v1 =	vld [tilespmem:s22+$0xE020]  }
0x24c: {  	v0 =	vld [tilespmem:s22+$0xE030]  }
0x24d: {  	v2 =	vld [tilespmem:s22+$0xA000]  }
0x24e: {  	v4 =	vld [tilespmem:s22+$0xA010]  }
0x24f: {  	s23 =	simm.s32 $0x200;
	v3 =	vld [tilespmem:s22+$0xA020]  }
.LBB2_32:
0x250: {  	s24 =	sshra.s32 s23, $0x2;
	p1 =	sne.s32 s23, $0xFE00;
	v7 =	vld [tilespmem:s22+$0xA030];
	v8 =	vmov v1  }
0x251: {  	v9 =	vld [tilespmem:s24+$0xE000];
	v10 =	vmov v0  }
0x252: {  	v11 =	vld [tilespmem:s24+$0xE010];
	v2 =	vmul.f32 v5, v2  }
.Ltmp15:
0x253: {  	v1 =	vld [tilespmem:s24+$0xE020];
	v4 =	vmul.f32 v6, v4;
	(pc) =	sbr.rel @p1 .LBB2_32-.Ltmp15, $4  }
0x254: {  	v0 =	vld [tilespmem:s24+$0xE030];
	[tilespmem:s22+$0xA000] =	vst v2;
	v3 =	vmul.f32 v8, v3  }
0x255: {  	v2 =	vld [tilespmem:s24+$0xA000];
	[tilespmem:s22+$0xA010] =	vst v4;
	v7 =	vmul.f32 v10, v7  }
0x256: {  	v4 =	vld [tilespmem:s24+$0xA010];
	[tilespmem:s22+$0xA020] =	vst v3;
	v5 =	vmov v9  }
0x257: {  	s23 =	sadd.s32 $0x200, s23;
	v3 =	vld [tilespmem:s24+$0xA020];
	[tilespmem:s22+$0xA030] =	vst v7;
	v6 =	vmov v11;
	s22 =	smov.u32 s24  }
0x258: {  	v7 =	vld [tilespmem:s22+$0xA030];
	_ =	sdelay $0x1  }
0x259: {  	v2 =	vmul.f32 v5, v2  }
0x25a: {  	v4 =	vmul.f32 v6, v4  }
0x25b: {  	[tilespmem:s22+$0xA000] =	vst v2;
	v1 =	vmul.f32 v1, v3  }
0x25c: {  	[tilespmem:s22+$0xA010] =	vst v4;
	v0 =	vmul.f32 v0, v7  }
0x25d: {  	[tilespmem:s22+$0xA020] =	vst v1  }
0x25e: {  	s24 =	simm.s32 $0x0;
	s23 =	rddreg [dreg:$0x15];
	[tilespmem:s22+$0xA030] =	vst v0  }
0x25f: {  	[hbm4b:s23+s24] =	stream.linear.scatter [tilespmem:s15], [sflag:$0x6], $0x4000, $0x38;
	[tilespmem:$0x14000] =	vst v63  }
0x260: {  	_ =	swait.ge [sflag:s13], $0x4000  }
0x261: {  	[sflag:s13] =	ssyncset.done $0x0  }
0x262: {  	[sflag:s13] =	ssyncadd.s32 $0xFFFFC000  }
0x263: {  	_ =	swait.ge [sflag:s14], $0x4000  }
0x264: {  	[sflag:s14] =	ssyncset.done $0x0  }
0x265: {  	[sflag:s14] =	ssyncadd.s32 $0xFFFFC000  }
0x266: {  	_ =	swait.ge [sflag:s20], $0x4000  }
0x267: {  	[sflag:s20] =	ssyncset.done $0x0  }
0x268: {  	s23 =	simm.s32 $0x880;
	[sflag:s20] =	ssyncadd.s32 $0xFFFFC000  }
0x269: {  	[tilespmem:s15], [sflag:$0x3] =	stream.indirect.gather [spmem:s1], $0x80, s23, s10, $0xb8;
	[tilespmem:$0x14000] =	vst v63  }
0x26a: {  	s22 =	simm.s32 $0x0;
	s24 =	simm.s32 $0x1880  }
0x26b: {  	[tilespmem:s16], [sflag:$0x4] =	stream.indirect.gather [spmem:s1], $0x80, s24, s10, $0xb8;
	[tilespmem:$0x14000] =	vst v63  }
0x26c: {  	v5 =	vld [tilespmem:s22+$0x6000]  }
0x26d: {  	v6 =	vld [tilespmem:s22+$0x6010]  }
0x26e: {  	v1 =	vld [tilespmem:s22+$0x6020]  }
0x26f: {  	v0 =	vld [tilespmem:s22+$0x6030]  }
0x270: {  	v2 =	vld [tilespmem:s22+$0x2000]  }
0x271: {  	v4 =	vld [tilespmem:s22+$0x2010]  }
0x272: {  	s23 =	simm.s32 $0x200;
	v3 =	vld [tilespmem:s22+$0x2020]  }
.LBB2_34:
0x273: {  	s24 =	sshra.s32 s23, $0x2;
	p1 =	sne.s32 s23, $0xFE00;
	v7 =	vld [tilespmem:s22+$0x2030];
	v8 =	vmov v1  }
0x274: {  	v9 =	vld [tilespmem:s24+$0x6000];
	v10 =	vmov v0  }
0x275: {  	v11 =	vld [tilespmem:s24+$0x6010];
	v2 =	vmul.f32 v5, v2  }
.Ltmp16:
0x276: {  	v1 =	vld [tilespmem:s24+$0x6020];
	v4 =	vmul.f32 v6, v4;
	(pc) =	sbr.rel @p1 .LBB2_34-.Ltmp16, $4  }
0x277: {  	v0 =	vld [tilespmem:s24+$0x6030];
	[tilespmem:s22+$0x2000] =	vst v2;
	v3 =	vmul.f32 v8, v3  }
0x278: {  	v2 =	vld [tilespmem:s24+$0x2000];
	[tilespmem:s22+$0x2010] =	vst v4;
	v7 =	vmul.f32 v10, v7  }
0x279: {  	v4 =	vld [tilespmem:s24+$0x2010];
	[tilespmem:s22+$0x2020] =	vst v3;
	v5 =	vmov v9  }
0x27a: {  	s23 =	sadd.s32 $0x200, s23;
	v3 =	vld [tilespmem:s24+$0x2020];
	[tilespmem:s22+$0x2030] =	vst v7;
	v6 =	vmov v11;
	s22 =	smov.u32 s24  }
0x27b: {  	v7 =	vld [tilespmem:s22+$0x2030];
	_ =	sdelay $0x1  }
0x27c: {  	v2 =	vmul.f32 v5, v2  }
0x27d: {  	v4 =	vmul.f32 v6, v4  }
0x27e: {  	[tilespmem:s22+$0x2000] =	vst v2;
	v1 =	vmul.f32 v1, v3  }
0x27f: {  	[tilespmem:s22+$0x2010] =	vst v4;
	v0 =	vmul.f32 v0, v7  }
0x280: {  	[tilespmem:s22+$0x2020] =	vst v1  }
0x281: {  	s24 =	simm.s32 $0x0;
	s23 =	rddreg [dreg:$0x16];
	[tilespmem:s22+$0x2030] =	vst v0  }
0x282: {  	[hbm4b:s23+s24] =	stream.linear.scatter [tilespmem:s11], [sflag:$0x5], $0x4000, $0x38;
	[tilespmem:$0x14000] =	vst v63  }
0x283: {  	_ =	swait.ge [sflag:s17], $0x4000  }
0x284: {  	[sflag:s17] =	ssyncset.done $0x0  }
0x285: {  	[sflag:s17] =	ssyncadd.s32 $0xFFFFC000  }
0x286: {  	_ =	swait.ge [sflag:s18], $0x4000  }
0x287: {  	[sflag:s18] =	ssyncset.done $0x0  }
0x288: {  	[sflag:s18] =	ssyncadd.s32 $0xFFFFC000  }
0x289: {  	_ =	swait.ge [sflag:s19], $0x4000  }
0x28a: {  	[sflag:s19] =	ssyncset.done $0x0  }
0x28b: {  	s23 =	simm.s32 $0x900;
	[sflag:s19] =	ssyncadd.s32 $0xFFFFC000  }
0x28c: {  	[tilespmem:s11], [sflag:$0x1] =	stream.indirect.gather [spmem:s1], $0x80, s23, s10, $0xb8;
	[tilespmem:$0x14000] =	vst v63  }
0x28d: {  	s22 =	simm.s32 $0x0;
	s24 =	simm.s32 $0x1900  }
0x28e: {  	[tilespmem:s12], [sflag:$0x2] =	stream.indirect.gather [spmem:s1], $0x80, s24, s10, $0xb8;
	[tilespmem:$0x14000] =	vst v63  }
0x28f: {  	v5 =	vld [tilespmem:s22+$0xE000]  }
0x290: {  	v6 =	vld [tilespmem:s22+$0xE010]  }
0x291: {  	v1 =	vld [tilespmem:s22+$0xE020]  }
0x292: {  	v0 =	vld [tilespmem:s22+$0xE030]  }
0x293: {  	v2 =	vld [tilespmem:s22+$0xA000]  }
0x294: {  	v4 =	vld [tilespmem:s22+$0xA010]  }
0x295: {  	s23 =	simm.s32 $0x200;
	v3 =	vld [tilespmem:s22+$0xA020]  }
.LBB2_36:
0x296: {  	s24 =	sshra.s32 s23, $0x2;
	p1 =	sne.s32 s23, $0xFE00;
	v7 =	vld [tilespmem:s22+$0xA030];
	v8 =	vmov v1  }
0x297: {  	v9 =	vld [tilespmem:s24+$0xE000];
	v10 =	vmov v0  }
0x298: {  	v11 =	vld [tilespmem:s24+$0xE010];
	v2 =	vmul.f32 v5, v2  }
.Ltmp17:
0x299: {  	v1 =	vld [tilespmem:s24+$0xE020];
	v4 =	vmul.f32 v6, v4;
	(pc) =	sbr.rel @p1 .LBB2_36-.Ltmp17, $4  }
0x29a: {  	v0 =	vld [tilespmem:s24+$0xE030];
	[tilespmem:s22+$0xA000] =	vst v2;
	v3 =	vmul.f32 v8, v3  }
0x29b: {  	v2 =	vld [tilespmem:s24+$0xA000];
	[tilespmem:s22+$0xA010] =	vst v4;
	v7 =	vmul.f32 v10, v7  }
0x29c: {  	v4 =	vld [tilespmem:s24+$0xA010];
	[tilespmem:s22+$0xA020] =	vst v3;
	v5 =	vmov v9  }
0x29d: {  	s23 =	sadd.s32 $0x200, s23;
	v3 =	vld [tilespmem:s24+$0xA020];
	[tilespmem:s22+$0xA030] =	vst v7;
	v6 =	vmov v11;
	s22 =	smov.u32 s24  }
0x29e: {  	v7 =	vld [tilespmem:s22+$0xA030];
	_ =	sdelay $0x1  }
0x29f: {  	v2 =	vmul.f32 v5, v2  }
0x2a0: {  	v4 =	vmul.f32 v6, v4  }
0x2a1: {  	[tilespmem:s22+$0xA000] =	vst v2;
	v1 =	vmul.f32 v1, v3  }
0x2a2: {  	[tilespmem:s22+$0xA010] =	vst v4;
	v0 =	vmul.f32 v0, v7  }
0x2a3: {  	[tilespmem:s22+$0xA020] =	vst v1  }
0x2a4: {  	s24 =	simm.s32 $0x0;
	s23 =	rddreg [dreg:$0x17];
	[tilespmem:s22+$0xA030] =	vst v0  }
0x2a5: {  	[hbm4b:s23+s24] =	stream.linear.scatter [tilespmem:s15], [sflag:$0x6], $0x4000, $0x38;
	[tilespmem:$0x14000] =	vst v63  }
0x2a6: {  	_ =	swait.ge [sflag:s13], $0x4000  }
0x2a7: {  	[sflag:s13] =	ssyncset.done $0x0  }
0x2a8: {  	[sflag:s13] =	ssyncadd.s32 $0xFFFFC000  }
0x2a9: {  	_ =	swait.ge [sflag:s14], $0x4000  }
0x2aa: {  	[sflag:s14] =	ssyncset.done $0x0  }
0x2ab: {  	[sflag:s14] =	ssyncadd.s32 $0xFFFFC000  }
0x2ac: {  	_ =	swait.ge [sflag:s20], $0x4000  }
0x2ad: {  	[sflag:s20] =	ssyncset.done $0x0  }
0x2ae: {  	s23 =	simm.s32 $0x980;
	[sflag:s20] =	ssyncadd.s32 $0xFFFFC000  }
0x2af: {  	[tilespmem:s15], [sflag:$0x3] =	stream.indirect.gather [spmem:s1], $0x80, s23, s10, $0xb8;
	[tilespmem:$0x14000] =	vst v63  }
0x2b0: {  	s22 =	simm.s32 $0x0;
	s24 =	simm.s32 $0x1980  }
0x2b1: {  	[tilespmem:s16], [sflag:$0x4] =	stream.indirect.gather [spmem:s1], $0x80, s24, s10, $0xb8;
	[tilespmem:$0x14000] =	vst v63  }
0x2b2: {  	v5 =	vld [tilespmem:s22+$0x6000]  }
0x2b3: {  	v6 =	vld [tilespmem:s22+$0x6010]  }
0x2b4: {  	v1 =	vld [tilespmem:s22+$0x6020]  }
0x2b5: {  	v0 =	vld [tilespmem:s22+$0x6030]  }
0x2b6: {  	v2 =	vld [tilespmem:s22+$0x2000]  }
0x2b7: {  	v4 =	vld [tilespmem:s22+$0x2010]  }
0x2b8: {  	s23 =	simm.s32 $0x200;
	v3 =	vld [tilespmem:s22+$0x2020]  }
.LBB2_38:
0x2b9: {  	s24 =	sshra.s32 s23, $0x2;
	p1 =	sne.s32 s23, $0xFE00;
	v7 =	vld [tilespmem:s22+$0x2030];
	v8 =	vmov v1  }
0x2ba: {  	v9 =	vld [tilespmem:s24+$0x6000];
	v10 =	vmov v0  }
0x2bb: {  	v11 =	vld [tilespmem:s24+$0x6010];
	v2 =	vmul.f32 v5, v2  }
.Ltmp18:
0x2bc: {  	v1 =	vld [tilespmem:s24+$0x6020];
	v4 =	vmul.f32 v6, v4;
	(pc) =	sbr.rel @p1 .LBB2_38-.Ltmp18, $4  }
0x2bd: {  	v0 =	vld [tilespmem:s24+$0x6030];
	[tilespmem:s22+$0x2000] =	vst v2;
	v3 =	vmul.f32 v8, v3  }
0x2be: {  	v2 =	vld [tilespmem:s24+$0x2000];
	[tilespmem:s22+$0x2010] =	vst v4;
	v7 =	vmul.f32 v10, v7  }
0x2bf: {  	v4 =	vld [tilespmem:s24+$0x2010];
	[tilespmem:s22+$0x2020] =	vst v3;
	v5 =	vmov v9  }
0x2c0: {  	s23 =	sadd.s32 $0x200, s23;
	v3 =	vld [tilespmem:s24+$0x2020];
	[tilespmem:s22+$0x2030] =	vst v7;
	v6 =	vmov v11;
	s22 =	smov.u32 s24  }
0x2c1: {  	v7 =	vld [tilespmem:s22+$0x2030];
	_ =	sdelay $0x1  }
0x2c2: {  	v2 =	vmul.f32 v5, v2  }
0x2c3: {  	v4 =	vmul.f32 v6, v4  }
0x2c4: {  	[tilespmem:s22+$0x2000] =	vst v2;
	v1 =	vmul.f32 v1, v3  }
0x2c5: {  	[tilespmem:s22+$0x2010] =	vst v4;
	v0 =	vmul.f32 v0, v7  }
0x2c6: {  	[tilespmem:s22+$0x2020] =	vst v1  }
0x2c7: {  	s24 =	simm.s32 $0x0;
	s23 =	rddreg [dreg:$0x18];
	[tilespmem:s22+$0x2030] =	vst v0  }
0x2c8: {  	[hbm4b:s23+s24] =	stream.linear.scatter [tilespmem:s11], [sflag:$0x5], $0x4000, $0x38;
	[tilespmem:$0x14000] =	vst v63  }
0x2c9: {  	_ =	swait.ge [sflag:s17], $0x4000  }
0x2ca: {  	[sflag:s17] =	ssyncset.done $0x0  }
0x2cb: {  	[sflag:s17] =	ssyncadd.s32 $0xFFFFC000  }
0x2cc: {  	_ =	swait.ge [sflag:s18], $0x4000  }
0x2cd: {  	[sflag:s18] =	ssyncset.done $0x0  }
0x2ce: {  	[sflag:s18] =	ssyncadd.s32 $0xFFFFC000  }
0x2cf: {  	_ =	swait.ge [sflag:s19], $0x4000  }
0x2d0: {  	[sflag:s19] =	ssyncset.done $0x0  }
0x2d1: {  	s23 =	simm.s32 $0xA00;
	[sflag:s19] =	ssyncadd.s32 $0xFFFFC000  }
0x2d2: {  	[tilespmem:s11], [sflag:$0x1] =	stream.indirect.gather [spmem:s1], $0x80, s23, s10, $0xb8;
	[tilespmem:$0x14000] =	vst v63  }
0x2d3: {  	s22 =	simm.s32 $0x0;
	s24 =	simm.s32 $0x1A00  }
0x2d4: {  	[tilespmem:s12], [sflag:$0x2] =	stream.indirect.gather [spmem:s1], $0x80, s24, s10, $0xb8;
	[tilespmem:$0x14000] =	vst v63  }
0x2d5: {  	v5 =	vld [tilespmem:s22+$0xE000]  }
0x2d6: {  	v6 =	vld [tilespmem:s22+$0xE010]  }
0x2d7: {  	v1 =	vld [tilespmem:s22+$0xE020]  }
0x2d8: {  	v0 =	vld [tilespmem:s22+$0xE030]  }
0x2d9: {  	v2 =	vld [tilespmem:s22+$0xA000]  }
0x2da: {  	v4 =	vld [tilespmem:s22+$0xA010]  }
0x2db: {  	s23 =	simm.s32 $0x200;
	v3 =	vld [tilespmem:s22+$0xA020]  }
.LBB2_40:
0x2dc: {  	s24 =	sshra.s32 s23, $0x2;
	p1 =	sne.s32 s23, $0xFE00;
	v7 =	vld [tilespmem:s22+$0xA030];
	v8 =	vmov v1  }
0x2dd: {  	v9 =	vld [tilespmem:s24+$0xE000];
	v10 =	vmov v0  }
0x2de: {  	v11 =	vld [tilespmem:s24+$0xE010];
	v2 =	vmul.f32 v5, v2  }
.Ltmp19:
0x2df: {  	v1 =	vld [tilespmem:s24+$0xE020];
	v4 =	vmul.f32 v6, v4;
	(pc) =	sbr.rel @p1 .LBB2_40-.Ltmp19, $4  }
0x2e0: {  	v0 =	vld [tilespmem:s24+$0xE030];
	[tilespmem:s22+$0xA000] =	vst v2;
	v3 =	vmul.f32 v8, v3  }
0x2e1: {  	v2 =	vld [tilespmem:s24+$0xA000];
	[tilespmem:s22+$0xA010] =	vst v4;
	v7 =	vmul.f32 v10, v7  }
0x2e2: {  	v4 =	vld [tilespmem:s24+$0xA010];
	[tilespmem:s22+$0xA020] =	vst v3;
	v5 =	vmov v9  }
0x2e3: {  	s23 =	sadd.s32 $0x200, s23;
	v3 =	vld [tilespmem:s24+$0xA020];
	[tilespmem:s22+$0xA030] =	vst v7;
	v6 =	vmov v11;
	s22 =	smov.u32 s24  }
0x2e4: {  	v7 =	vld [tilespmem:s22+$0xA030];
	_ =	sdelay $0x1  }
0x2e5: {  	v2 =	vmul.f32 v5, v2  }
0x2e6: {  	v4 =	vmul.f32 v6, v4  }
0x2e7: {  	[tilespmem:s22+$0xA000] =	vst v2;
	v1 =	vmul.f32 v1, v3  }
0x2e8: {  	[tilespmem:s22+$0xA010] =	vst v4;
	v0 =	vmul.f32 v0, v7  }
0x2e9: {  	[tilespmem:s22+$0xA020] =	vst v1  }
0x2ea: {  	s24 =	simm.s32 $0x0;
	s23 =	rddreg [dreg:$0x19];
	[tilespmem:s22+$0xA030] =	vst v0  }
0x2eb: {  	[hbm4b:s23+s24] =	stream.linear.scatter [tilespmem:s15], [sflag:$0x6], $0x4000, $0x38;
	[tilespmem:$0x14000] =	vst v63  }
0x2ec: {  	_ =	swait.ge [sflag:s13], $0x4000  }
0x2ed: {  	[sflag:s13] =	ssyncset.done $0x0  }
0x2ee: {  	[sflag:s13] =	ssyncadd.s32 $0xFFFFC000  }
0x2ef: {  	_ =	swait.ge [sflag:s14], $0x4000  }
0x2f0: {  	[sflag:s14] =	ssyncset.done $0x0  }
0x2f1: {  	[sflag:s14] =	ssyncadd.s32 $0xFFFFC000  }
0x2f2: {  	_ =	swait.ge [sflag:s20], $0x4000  }
0x2f3: {  	[sflag:s20] =	ssyncset.done $0x0  }
0x2f4: {  	s23 =	simm.s32 $0xA80;
	[sflag:s20] =	ssyncadd.s32 $0xFFFFC000  }
0x2f5: {  	[tilespmem:s15], [sflag:$0x3] =	stream.indirect.gather [spmem:s1], $0x80, s23, s10, $0xb8;
	[tilespmem:$0x14000] =	vst v63  }
0x2f6: {  	s22 =	simm.s32 $0x0;
	s24 =	simm.s32 $0x1A80  }
0x2f7: {  	[tilespmem:s16], [sflag:$0x4] =	stream.indirect.gather [spmem:s1], $0x80, s24, s10, $0xb8;
	[tilespmem:$0x14000] =	vst v63  }
0x2f8: {  	v5 =	vld [tilespmem:s22+$0x6000]  }
0x2f9: {  	v6 =	vld [tilespmem:s22+$0x6010]  }
0x2fa: {  	v1 =	vld [tilespmem:s22+$0x6020]  }
0x2fb: {  	v0 =	vld [tilespmem:s22+$0x6030]  }
0x2fc: {  	v2 =	vld [tilespmem:s22+$0x2000]  }
0x2fd: {  	v4 =	vld [tilespmem:s22+$0x2010]  }
0x2fe: {  	s23 =	simm.s32 $0x200;
	v3 =	vld [tilespmem:s22+$0x2020]  }
.LBB2_42:
0x2ff: {  	s24 =	sshra.s32 s23, $0x2;
	p1 =	sne.s32 s23, $0xFE00;
	v7 =	vld [tilespmem:s22+$0x2030];
	v8 =	vmov v1  }
0x300: {  	v9 =	vld [tilespmem:s24+$0x6000];
	v10 =	vmov v0  }
0x301: {  	v11 =	vld [tilespmem:s24+$0x6010];
	v2 =	vmul.f32 v5, v2  }
.Ltmp20:
0x302: {  	v1 =	vld [tilespmem:s24+$0x6020];
	v4 =	vmul.f32 v6, v4;
	(pc) =	sbr.rel @p1 .LBB2_42-.Ltmp20, $4  }
0x303: {  	v0 =	vld [tilespmem:s24+$0x6030];
	[tilespmem:s22+$0x2000] =	vst v2;
	v3 =	vmul.f32 v8, v3  }
0x304: {  	v2 =	vld [tilespmem:s24+$0x2000];
	[tilespmem:s22+$0x2010] =	vst v4;
	v7 =	vmul.f32 v10, v7  }
0x305: {  	v4 =	vld [tilespmem:s24+$0x2010];
	[tilespmem:s22+$0x2020] =	vst v3;
	v5 =	vmov v9  }
0x306: {  	s23 =	sadd.s32 $0x200, s23;
	v3 =	vld [tilespmem:s24+$0x2020];
	[tilespmem:s22+$0x2030] =	vst v7;
	v6 =	vmov v11;
	s22 =	smov.u32 s24  }
0x307: {  	v7 =	vld [tilespmem:s22+$0x2030];
	_ =	sdelay $0x1  }
0x308: {  	v2 =	vmul.f32 v5, v2  }
0x309: {  	v4 =	vmul.f32 v6, v4  }
0x30a: {  	[tilespmem:s22+$0x2000] =	vst v2;
	v1 =	vmul.f32 v1, v3  }
0x30b: {  	[tilespmem:s22+$0x2010] =	vst v4;
	v0 =	vmul.f32 v0, v7  }
0x30c: {  	[tilespmem:s22+$0x2020] =	vst v1  }
0x30d: {  	s24 =	simm.s32 $0x0;
	[tilespmem:s22+$0x2030] =	vst v0  }
0x30e: {  	[hbm4b:s25+s24] =	stream.linear.scatter [tilespmem:s11], [sflag:$0x5], $0x4000, $0x38;
	[tilespmem:$0x14000] =	vst v63  }
0x30f: {  	_ =	swait.ge [sflag:s17], $0x4000  }
0x310: {  	[sflag:s17] =	ssyncset.done $0x0  }
0x311: {  	[sflag:s17] =	ssyncadd.s32 $0xFFFFC000  }
0x312: {  	_ =	swait.ge [sflag:s18], $0x4000  }
0x313: {  	[sflag:s18] =	ssyncset.done $0x0  }
0x314: {  	[sflag:s18] =	ssyncadd.s32 $0xFFFFC000  }
0x315: {  	_ =	swait.ge [sflag:s19], $0x4000  }
0x316: {  	[sflag:s19] =	ssyncset.done $0x0  }
0x317: {  	s23 =	simm.s32 $0xB00;
	[sflag:s19] =	ssyncadd.s32 $0xFFFFC000  }
0x318: {  	[tilespmem:s11], [sflag:$0x1] =	stream.indirect.gather [spmem:s1], $0x80, s23, s10, $0xb8;
	[tilespmem:$0x14000] =	vst v63  }
0x319: {  	s22 =	simm.s32 $0x0;
	s24 =	simm.s32 $0x1B00  }
0x31a: {  	[tilespmem:s12], [sflag:$0x2] =	stream.indirect.gather [spmem:s1], $0x80, s24, s10, $0xb8;
	[tilespmem:$0x14000] =	vst v63  }
0x31b: {  	v5 =	vld [tilespmem:s22+$0xE000]  }
0x31c: {  	v6 =	vld [tilespmem:s22+$0xE010]  }
0x31d: {  	v1 =	vld [tilespmem:s22+$0xE020]  }
0x31e: {  	v0 =	vld [tilespmem:s22+$0xE030]  }
0x31f: {  	v2 =	vld [tilespmem:s22+$0xA000]  }
0x320: {  	v4 =	vld [tilespmem:s22+$0xA010]  }
0x321: {  	s23 =	simm.s32 $0x200;
	v3 =	vld [tilespmem:s22+$0xA020]  }
.LBB2_44:
0x322: {  	s24 =	sshra.s32 s23, $0x2;
	p1 =	sne.s32 s23, $0xFE00;
	v7 =	vld [tilespmem:s22+$0xA030];
	v8 =	vmov v1  }
0x323: {  	v9 =	vld [tilespmem:s24+$0xE000];
	v10 =	vmov v0  }
0x324: {  	v11 =	vld [tilespmem:s24+$0xE010];
	v2 =	vmul.f32 v5, v2  }
.Ltmp21:
0x325: {  	v1 =	vld [tilespmem:s24+$0xE020];
	v4 =	vmul.f32 v6, v4;
	(pc) =	sbr.rel @p1 .LBB2_44-.Ltmp21, $4  }
0x326: {  	v0 =	vld [tilespmem:s24+$0xE030];
	[tilespmem:s22+$0xA000] =	vst v2;
	v3 =	vmul.f32 v8, v3  }
0x327: {  	v2 =	vld [tilespmem:s24+$0xA000];
	[tilespmem:s22+$0xA010] =	vst v4;
	v7 =	vmul.f32 v10, v7  }
0x328: {  	v4 =	vld [tilespmem:s24+$0xA010];
	[tilespmem:s22+$0xA020] =	vst v3;
	v5 =	vmov v9  }
0x329: {  	s23 =	sadd.s32 $0x200, s23;
	v3 =	vld [tilespmem:s24+$0xA020];
	[tilespmem:s22+$0xA030] =	vst v7;
	v6 =	vmov v11;
	s22 =	smov.u32 s24  }
0x32a: {  	v7 =	vld [tilespmem:s22+$0xA030];
	_ =	sdelay $0x1  }
0x32b: {  	v2 =	vmul.f32 v5, v2  }
0x32c: {  	v4 =	vmul.f32 v6, v4  }
0x32d: {  	[tilespmem:s22+$0xA000] =	vst v2;
	v1 =	vmul.f32 v1, v3  }
0x32e: {  	[tilespmem:s22+$0xA010] =	vst v4;
	v0 =	vmul.f32 v0, v7  }
0x32f: {  	[tilespmem:s22+$0xA020] =	vst v1  }
0x330: {  	s24 =	simm.s32 $0x0;
	[tilespmem:s22+$0xA030] =	vst v0  }
0x331: {  	[hbm4b:s26+s24] =	stream.linear.scatter [tilespmem:s15], [sflag:$0x6], $0x4000, $0x38;
	[tilespmem:$0x14000] =	vst v63  }
0x332: {  	_ =	swait.ge [sflag:s13], $0x4000  }
0x333: {  	[sflag:s13] =	ssyncset.done $0x0  }
0x334: {  	[sflag:s13] =	ssyncadd.s32 $0xFFFFC000  }
0x335: {  	_ =	swait.ge [sflag:s14], $0x4000  }
0x336: {  	[sflag:s14] =	ssyncset.done $0x0  }
0x337: {  	[sflag:s14] =	ssyncadd.s32 $0xFFFFC000  }
0x338: {  	_ =	swait.ge [sflag:s20], $0x4000  }
0x339: {  	[sflag:s20] =	ssyncset.done $0x0  }
0x33a: {  	s23 =	simm.s32 $0xB80;
	[sflag:s20] =	ssyncadd.s32 $0xFFFFC000  }
0x33b: {  	[tilespmem:s15], [sflag:$0x3] =	stream.indirect.gather [spmem:s1], $0x80, s23, s10, $0xb8;
	[tilespmem:$0x14000] =	vst v63  }
0x33c: {  	s22 =	simm.s32 $0x0;
	s24 =	simm.s32 $0x1B80  }
0x33d: {  	[tilespmem:s16], [sflag:$0x4] =	stream.indirect.gather [spmem:s1], $0x80, s24, s10, $0xb8;
	[tilespmem:$0x14000] =	vst v63  }
0x33e: {  	v5 =	vld [tilespmem:s22+$0x6000]  }
0x33f: {  	v6 =	vld [tilespmem:s22+$0x6010]  }
0x340: {  	v1 =	vld [tilespmem:s22+$0x6020]  }
0x341: {  	v0 =	vld [tilespmem:s22+$0x6030]  }
0x342: {  	v2 =	vld [tilespmem:s22+$0x2000]  }
0x343: {  	v4 =	vld [tilespmem:s22+$0x2010]  }
0x344: {  	s23 =	simm.s32 $0x200;
	v3 =	vld [tilespmem:s22+$0x2020]  }
.LBB2_46:
0x345: {  	s24 =	sshra.s32 s23, $0x2;
	p1 =	sne.s32 s23, $0xFE00;
	v7 =	vld [tilespmem:s22+$0x2030];
	v8 =	vmov v1  }
0x346: {  	v9 =	vld [tilespmem:s24+$0x6000];
	v10 =	vmov v0  }
0x347: {  	v11 =	vld [tilespmem:s24+$0x6010];
	v2 =	vmul.f32 v5, v2  }
.Ltmp22:
0x348: {  	v1 =	vld [tilespmem:s24+$0x6020];
	v4 =	vmul.f32 v6, v4;
	(pc) =	sbr.rel @p1 .LBB2_46-.Ltmp22, $4  }
0x349: {  	v0 =	vld [tilespmem:s24+$0x6030];
	[tilespmem:s22+$0x2000] =	vst v2;
	v3 =	vmul.f32 v8, v3  }
0x34a: {  	v2 =	vld [tilespmem:s24+$0x2000];
	[tilespmem:s22+$0x2010] =	vst v4;
	v7 =	vmul.f32 v10, v7  }
0x34b: {  	v4 =	vld [tilespmem:s24+$0x2010];
	[tilespmem:s22+$0x2020] =	vst v3;
	v5 =	vmov v9  }
0x34c: {  	s23 =	sadd.s32 $0x200, s23;
	v3 =	vld [tilespmem:s24+$0x2020];
	[tilespmem:s22+$0x2030] =	vst v7;
	v6 =	vmov v11;
	s22 =	smov.u32 s24  }
0x34d: {  	v7 =	vld [tilespmem:s22+$0x2030];
	_ =	sdelay $0x1  }
0x34e: {  	v2 =	vmul.f32 v5, v2  }
0x34f: {  	v4 =	vmul.f32 v6, v4  }
0x350: {  	[tilespmem:s22+$0x2000] =	vst v2;
	v1 =	vmul.f32 v1, v3  }
0x351: {  	[tilespmem:s22+$0x2010] =	vst v4;
	v0 =	vmul.f32 v0, v7  }
0x352: {  	[tilespmem:s22+$0x2020] =	vst v1  }
0x353: {  	s24 =	simm.s32 $0x0;
	[tilespmem:s22+$0x2030] =	vst v0  }
0x354: {  	[hbm4b:s28+s24] =	stream.linear.scatter [tilespmem:s11], [sflag:$0x5], $0x4000, $0x38;
	[tilespmem:$0x14000] =	vst v63  }
0x355: {  	_ =	swait.ge [sflag:s17], $0x4000  }
0x356: {  	[sflag:s17] =	ssyncset.done $0x0  }
0x357: {  	[sflag:s17] =	ssyncadd.s32 $0xFFFFC000  }
0x358: {  	_ =	swait.ge [sflag:s18], $0x4000  }
0x359: {  	[sflag:s18] =	ssyncset.done $0x0  }
0x35a: {  	[sflag:s18] =	ssyncadd.s32 $0xFFFFC000  }
0x35b: {  	_ =	swait.ge [sflag:s19], $0x4000  }
0x35c: {  	[sflag:s19] =	ssyncset.done $0x0  }
0x35d: {  	s23 =	simm.s32 $0xC00;
	[sflag:s19] =	ssyncadd.s32 $0xFFFFC000  }
0x35e: {  	[tilespmem:s11], [sflag:$0x1] =	stream.indirect.gather [spmem:s1], $0x80, s23, s10, $0xb8;
	[tilespmem:$0x14000] =	vst v63  }
0x35f: {  	s22 =	simm.s32 $0x0;
	s24 =	simm.s32 $0x1C00  }
0x360: {  	[tilespmem:s12], [sflag:$0x2] =	stream.indirect.gather [spmem:s1], $0x80, s24, s10, $0xb8;
	[tilespmem:$0x14000] =	vst v63  }
0x361: {  	v5 =	vld [tilespmem:s22+$0xE000]  }
0x362: {  	v6 =	vld [tilespmem:s22+$0xE010]  }
0x363: {  	v1 =	vld [tilespmem:s22+$0xE020]  }
0x364: {  	v0 =	vld [tilespmem:s22+$0xE030]  }
0x365: {  	v2 =	vld [tilespmem:s22+$0xA000]  }
0x366: {  	v4 =	vld [tilespmem:s22+$0xA010]  }
0x367: {  	s23 =	simm.s32 $0x200;
	v3 =	vld [tilespmem:s22+$0xA020]  }
.LBB2_48:
0x368: {  	s24 =	sshra.s32 s23, $0x2;
	p1 =	sne.s32 s23, $0xFE00;
	v7 =	vld [tilespmem:s22+$0xA030];
	v8 =	vmov v1  }
0x369: {  	v9 =	vld [tilespmem:s24+$0xE000];
	v10 =	vmov v0  }
0x36a: {  	v11 =	vld [tilespmem:s24+$0xE010];
	v2 =	vmul.f32 v5, v2  }
.Ltmp23:
0x36b: {  	v1 =	vld [tilespmem:s24+$0xE020];
	v4 =	vmul.f32 v6, v4;
	(pc) =	sbr.rel @p1 .LBB2_48-.Ltmp23, $4  }
0x36c: {  	v0 =	vld [tilespmem:s24+$0xE030];
	[tilespmem:s22+$0xA000] =	vst v2;
	v3 =	vmul.f32 v8, v3  }
0x36d: {  	v2 =	vld [tilespmem:s24+$0xA000];
	[tilespmem:s22+$0xA010] =	vst v4;
	v7 =	vmul.f32 v10, v7  }
0x36e: {  	v4 =	vld [tilespmem:s24+$0xA010];
	[tilespmem:s22+$0xA020] =	vst v3;
	v5 =	vmov v9  }
0x36f: {  	s23 =	sadd.s32 $0x200, s23;
	v3 =	vld [tilespmem:s24+$0xA020];
	[tilespmem:s22+$0xA030] =	vst v7;
	v6 =	vmov v11;
	s22 =	smov.u32 s24  }
0x370: {  	v7 =	vld [tilespmem:s22+$0xA030];
	_ =	sdelay $0x1  }
0x371: {  	v2 =	vmul.f32 v5, v2  }
0x372: {  	v4 =	vmul.f32 v6, v4  }
0x373: {  	[tilespmem:s22+$0xA000] =	vst v2;
	v1 =	vmul.f32 v1, v3  }
0x374: {  	[tilespmem:s22+$0xA010] =	vst v4;
	v0 =	vmul.f32 v0, v7  }
0x375: {  	[tilespmem:s22+$0xA020] =	vst v1  }
0x376: {  	s24 =	simm.s32 $0x0;
	[tilespmem:s22+$0xA030] =	vst v0  }
0x377: {  	[hbm4b:s29+s24] =	stream.linear.scatter [tilespmem:s15], [sflag:$0x6], $0x4000, $0x38;
	[tilespmem:$0x14000] =	vst v63  }
0x378: {  	_ =	swait.ge [sflag:s13], $0x4000  }
0x379: {  	[sflag:s13] =	ssyncset.done $0x0  }
0x37a: {  	[sflag:s13] =	ssyncadd.s32 $0xFFFFC000  }
0x37b: {  	_ =	swait.ge [sflag:s14], $0x4000  }
0x37c: {  	[sflag:s14] =	ssyncset.done $0x0  }
0x37d: {  	[sflag:s14] =	ssyncadd.s32 $0xFFFFC000  }
0x37e: {  	_ =	swait.ge [sflag:s20], $0x4000  }
0x37f: {  	[sflag:s20] =	ssyncset.done $0x0  }
0x380: {  	s23 =	simm.s32 $0xC80;
	[sflag:s20] =	ssyncadd.s32 $0xFFFFC000  }
0x381: {  	[tilespmem:s15], [sflag:$0x3] =	stream.indirect.gather [spmem:s1], $0x80, s23, s10, $0xb8;
	[tilespmem:$0x14000] =	vst v63  }
0x382: {  	s22 =	simm.s32 $0x0;
	s24 =	simm.s32 $0x1C80  }
0x383: {  	[tilespmem:s16], [sflag:$0x4] =	stream.indirect.gather [spmem:s1], $0x80, s24, s10, $0xb8;
	[tilespmem:$0x14000] =	vst v63  }
0x384: {  	v5 =	vld [tilespmem:s22+$0x6000]  }
0x385: {  	v6 =	vld [tilespmem:s22+$0x6010]  }
0x386: {  	v1 =	vld [tilespmem:s22+$0x6020]  }
0x387: {  	v0 =	vld [tilespmem:s22+$0x6030]  }
0x388: {  	v2 =	vld [tilespmem:s22+$0x2000]  }
0x389: {  	v4 =	vld [tilespmem:s22+$0x2010]  }
0x38a: {  	s23 =	simm.s32 $0x200;
	v3 =	vld [tilespmem:s22+$0x2020]  }
.LBB2_50:
0x38b: {  	s24 =	sshra.s32 s23, $0x2;
	p1 =	sne.s32 s23, $0xFE00;
	v7 =	vld [tilespmem:s22+$0x2030];
	v8 =	vmov v1  }
0x38c: {  	v9 =	vld [tilespmem:s24+$0x6000];
	v10 =	vmov v0  }
0x38d: {  	v11 =	vld [tilespmem:s24+$0x6010];
	v2 =	vmul.f32 v5, v2  }
.Ltmp24:
0x38e: {  	v1 =	vld [tilespmem:s24+$0x6020];
	v4 =	vmul.f32 v6, v4;
	(pc) =	sbr.rel @p1 .LBB2_50-.Ltmp24, $4  }
0x38f: {  	v0 =	vld [tilespmem:s24+$0x6030];
	[tilespmem:s22+$0x2000] =	vst v2;
	v3 =	vmul.f32 v8, v3  }
0x390: {  	v2 =	vld [tilespmem:s24+$0x2000];
	[tilespmem:s22+$0x2010] =	vst v4;
	v7 =	vmul.f32 v10, v7  }
0x391: {  	v4 =	vld [tilespmem:s24+$0x2010];
	[tilespmem:s22+$0x2020] =	vst v3;
	v5 =	vmov v9  }
0x392: {  	s23 =	sadd.s32 $0x200, s23;
	v3 =	vld [tilespmem:s24+$0x2020];
	[tilespmem:s22+$0x2030] =	vst v7;
	v6 =	vmov v11;
	s22 =	smov.u32 s24  }
0x393: {  	v7 =	vld [tilespmem:s22+$0x2030];
	_ =	sdelay $0x1  }
0x394: {  	v2 =	vmul.f32 v5, v2  }
0x395: {  	v4 =	vmul.f32 v6, v4  }
0x396: {  	[tilespmem:s22+$0x2000] =	vst v2;
	v1 =	vmul.f32 v1, v3  }
0x397: {  	[tilespmem:s22+$0x2010] =	vst v4;
	v0 =	vmul.f32 v0, v7  }
0x398: {  	[tilespmem:s22+$0x2020] =	vst v1  }
0x399: {  	s24 =	simm.s32 $0x0;
	[tilespmem:s22+$0x2030] =	vst v0  }
0x39a: {  	[hbm4b:s30+s24] =	stream.linear.scatter [tilespmem:s11], [sflag:$0x5], $0x4000, $0x38;
	[tilespmem:$0x14000] =	vst v63  }
0x39b: {  	_ =	swait.ge [sflag:s17], $0x4000  }
0x39c: {  	[sflag:s17] =	ssyncset.done $0x0  }
0x39d: {  	[sflag:s17] =	ssyncadd.s32 $0xFFFFC000  }
0x39e: {  	_ =	swait.ge [sflag:s18], $0x4000  }
0x39f: {  	[sflag:s18] =	ssyncset.done $0x0  }
0x3a0: {  	[sflag:s18] =	ssyncadd.s32 $0xFFFFC000  }
0x3a1: {  	_ =	swait.ge [sflag:s19], $0x4000  }
0x3a2: {  	[sflag:s19] =	ssyncset.done $0x0  }
0x3a3: {  	s23 =	simm.s32 $0xD00;
	[sflag:s19] =	ssyncadd.s32 $0xFFFFC000  }
0x3a4: {  	[tilespmem:s11], [sflag:$0x1] =	stream.indirect.gather [spmem:s1], $0x80, s23, s10, $0xb8;
	[tilespmem:$0x14000] =	vst v63  }
0x3a5: {  	s22 =	simm.s32 $0x0;
	s24 =	simm.s32 $0x1D00  }
0x3a6: {  	[tilespmem:s12], [sflag:$0x2] =	stream.indirect.gather [spmem:s1], $0x80, s24, s10, $0xb8;
	[tilespmem:$0x14000] =	vst v63  }
0x3a7: {  	v5 =	vld [tilespmem:s22+$0xE000]  }
0x3a8: {  	v6 =	vld [tilespmem:s22+$0xE010]  }
0x3a9: {  	v1 =	vld [tilespmem:s22+$0xE020]  }
0x3aa: {  	v0 =	vld [tilespmem:s22+$0xE030]  }
0x3ab: {  	v2 =	vld [tilespmem:s22+$0xA000]  }
0x3ac: {  	v4 =	vld [tilespmem:s22+$0xA010]  }
0x3ad: {  	s23 =	simm.s32 $0x200;
	v3 =	vld [tilespmem:s22+$0xA020]  }
.LBB2_52:
0x3ae: {  	s24 =	sshra.s32 s23, $0x2;
	p1 =	sne.s32 s23, $0xFE00;
	v7 =	vld [tilespmem:s22+$0xA030];
	v8 =	vmov v1  }
0x3af: {  	v9 =	vld [tilespmem:s24+$0xE000];
	v10 =	vmov v0  }
0x3b0: {  	v11 =	vld [tilespmem:s24+$0xE010];
	v2 =	vmul.f32 v5, v2  }
.Ltmp25:
0x3b1: {  	v1 =	vld [tilespmem:s24+$0xE020];
	v4 =	vmul.f32 v6, v4;
	(pc) =	sbr.rel @p1 .LBB2_52-.Ltmp25, $4  }
0x3b2: {  	v0 =	vld [tilespmem:s24+$0xE030];
	[tilespmem:s22+$0xA000] =	vst v2;
	v3 =	vmul.f32 v8, v3  }
0x3b3: {  	v2 =	vld [tilespmem:s24+$0xA000];
	[tilespmem:s22+$0xA010] =	vst v4;
	v7 =	vmul.f32 v10, v7  }
0x3b4: {  	v4 =	vld [tilespmem:s24+$0xA010];
	[tilespmem:s22+$0xA020] =	vst v3;
	v5 =	vmov v9  }
0x3b5: {  	s23 =	sadd.s32 $0x200, s23;
	v3 =	vld [tilespmem:s24+$0xA020];
	[tilespmem:s22+$0xA030] =	vst v7;
	v6 =	vmov v11;
	s22 =	smov.u32 s24  }
0x3b6: {  	v7 =	vld [tilespmem:s22+$0xA030];
	_ =	sdelay $0x1  }
0x3b7: {  	v2 =	vmul.f32 v5, v2  }
0x3b8: {  	v4 =	vmul.f32 v6, v4  }
0x3b9: {  	[tilespmem:s22+$0xA000] =	vst v2;
	v1 =	vmul.f32 v1, v3  }
0x3ba: {  	[tilespmem:s22+$0xA010] =	vst v4;
	v0 =	vmul.f32 v0, v7  }
0x3bb: {  	[tilespmem:s22+$0xA020] =	vst v1  }
0x3bc: {  	s24 =	simm.s32 $0x0;
	[tilespmem:s22+$0xA030] =	vst v0  }
0x3bd: {  	[hbm4b:s31+s24] =	stream.linear.scatter [tilespmem:s15], [sflag:$0x6], $0x4000, $0x38;
	[tilespmem:$0x14000] =	vst v63  }
0x3be: {  	_ =	swait.ge [sflag:s13], $0x4000  }
0x3bf: {  	[sflag:s13] =	ssyncset.done $0x0  }
0x3c0: {  	[sflag:s13] =	ssyncadd.s32 $0xFFFFC000  }
0x3c1: {  	_ =	swait.ge [sflag:s14], $0x4000  }
0x3c2: {  	[sflag:s14] =	ssyncset.done $0x0  }
0x3c3: {  	[sflag:s14] =	ssyncadd.s32 $0xFFFFC000  }
0x3c4: {  	_ =	swait.ge [sflag:s20], $0x4000  }
0x3c5: {  	[sflag:s20] =	ssyncset.done $0x0  }
0x3c6: {  	s23 =	simm.s32 $0xD80;
	[sflag:s20] =	ssyncadd.s32 $0xFFFFC000  }
0x3c7: {  	[tilespmem:s15], [sflag:$0x3] =	stream.indirect.gather [spmem:s1], $0x80, s23, s10, $0xb8;
	[tilespmem:$0x14000] =	vst v63  }
0x3c8: {  	s22 =	simm.s32 $0x0;
	s24 =	simm.s32 $0x1D80  }
0x3c9: {  	[tilespmem:s16], [sflag:$0x4] =	stream.indirect.gather [spmem:s1], $0x80, s24, s10, $0xb8;
	[tilespmem:$0x14000] =	vst v63  }
0x3ca: {  	v5 =	vld [tilespmem:s22+$0x6000]  }
0x3cb: {  	v6 =	vld [tilespmem:s22+$0x6010]  }
0x3cc: {  	v1 =	vld [tilespmem:s22+$0x6020]  }
0x3cd: {  	v0 =	vld [tilespmem:s22+$0x6030]  }
0x3ce: {  	v2 =	vld [tilespmem:s22+$0x2000]  }
0x3cf: {  	v4 =	vld [tilespmem:s22+$0x2010]  }
0x3d0: {  	s23 =	simm.s32 $0x200;
	v3 =	vld [tilespmem:s22+$0x2020]  }
.LBB2_54:
0x3d1: {  	s24 =	sshra.s32 s23, $0x2;
	p1 =	sne.s32 s23, $0xFE00;
	v7 =	vld [tilespmem:s22+$0x2030];
	v8 =	vmov v1  }
0x3d2: {  	v9 =	vld [tilespmem:s24+$0x6000];
	v10 =	vmov v0  }
0x3d3: {  	v11 =	vld [tilespmem:s24+$0x6010];
	v2 =	vmul.f32 v5, v2  }
.Ltmp26:
0x3d4: {  	v1 =	vld [tilespmem:s24+$0x6020];
	v4 =	vmul.f32 v6, v4;
	(pc) =	sbr.rel @p1 .LBB2_54-.Ltmp26, $4  }
0x3d5: {  	v0 =	vld [tilespmem:s24+$0x6030];
	[tilespmem:s22+$0x2000] =	vst v2;
	v3 =	vmul.f32 v8, v3  }
0x3d6: {  	v2 =	vld [tilespmem:s24+$0x2000];
	[tilespmem:s22+$0x2010] =	vst v4;
	v7 =	vmul.f32 v10, v7  }
0x3d7: {  	v4 =	vld [tilespmem:s24+$0x2010];
	[tilespmem:s22+$0x2020] =	vst v3;
	v5 =	vmov v9  }
0x3d8: {  	s23 =	sadd.s32 $0x200, s23;
	v3 =	vld [tilespmem:s24+$0x2020];
	[tilespmem:s22+$0x2030] =	vst v7;
	v6 =	vmov v11;
	s22 =	smov.u32 s24  }
0x3d9: {  	v7 =	vld [tilespmem:s22+$0x2030];
	_ =	sdelay $0x1  }
0x3da: {  	v2 =	vmul.f32 v5, v2  }
0x3db: {  	v4 =	vmul.f32 v6, v4  }
0x3dc: {  	[tilespmem:s22+$0x2000] =	vst v2;
	v1 =	vmul.f32 v1, v3  }
0x3dd: {  	[tilespmem:s22+$0x2010] =	vst v4;
	v0 =	vmul.f32 v0, v7  }
0x3de: {  	[tilespmem:s22+$0x2020] =	vst v1  }
0x3df: {  	s24 =	simm.s32 $0x0;
	[tilespmem:s22+$0x2030] =	vst v0  }
0x3e0: {  	[hbm4b:s0+s24] =	stream.linear.scatter [tilespmem:s11], [sflag:$0x5], $0x4000, $0x38;
	[tilespmem:$0x14000] =	vst v63  }
0x3e1: {  	_ =	swait.ge [sflag:s17], $0x4000  }
0x3e2: {  	[sflag:s17] =	ssyncset.done $0x0  }
0x3e3: {  	[sflag:s17] =	ssyncadd.s32 $0xFFFFC000  }
0x3e4: {  	_ =	swait.ge [sflag:s18], $0x4000  }
0x3e5: {  	[sflag:s18] =	ssyncset.done $0x0  }
0x3e6: {  	[sflag:s18] =	ssyncadd.s32 $0xFFFFC000  }
0x3e7: {  	_ =	swait.ge [sflag:s19], $0x4000  }
0x3e8: {  	[sflag:s19] =	ssyncset.done $0x0  }
0x3e9: {  	s23 =	simm.s32 $0xE00;
	[sflag:s19] =	ssyncadd.s32 $0xFFFFC000  }
0x3ea: {  	[tilespmem:s11], [sflag:$0x1] =	stream.indirect.gather [spmem:s1], $0x80, s23, s10, $0xb8;
	[tilespmem:$0x14000] =	vst v63  }
0x3eb: {  	s22 =	simm.s32 $0x0;
	s24 =	simm.s32 $0x1E00  }
0x3ec: {  	[tilespmem:s12], [sflag:$0x2] =	stream.indirect.gather [spmem:s1], $0x80, s24, s10, $0xb8;
	[tilespmem:$0x14000] =	vst v63  }
0x3ed: {  	v5 =	vld [tilespmem:s22+$0xE000]  }
0x3ee: {  	v6 =	vld [tilespmem:s22+$0xE010]  }
0x3ef: {  	v1 =	vld [tilespmem:s22+$0xE020]  }
0x3f0: {  	v0 =	vld [tilespmem:s22+$0xE030]  }
0x3f1: {  	v2 =	vld [tilespmem:s22+$0xA000]  }
0x3f2: {  	v4 =	vld [tilespmem:s22+$0xA010]  }
0x3f3: {  	s23 =	simm.s32 $0x200;
	v3 =	vld [tilespmem:s22+$0xA020]  }
.LBB2_56:
0x3f4: {  	s24 =	sshra.s32 s23, $0x2;
	p1 =	sne.s32 s23, $0xFE00;
	v7 =	vld [tilespmem:s22+$0xA030];
	v8 =	vmov v1  }
0x3f5: {  	v9 =	vld [tilespmem:s24+$0xE000];
	v10 =	vmov v0  }
0x3f6: {  	v11 =	vld [tilespmem:s24+$0xE010];
	v2 =	vmul.f32 v5, v2  }
.Ltmp27:
0x3f7: {  	v1 =	vld [tilespmem:s24+$0xE020];
	v4 =	vmul.f32 v6, v4;
	(pc) =	sbr.rel @p1 .LBB2_56-.Ltmp27, $4  }
0x3f8: {  	v0 =	vld [tilespmem:s24+$0xE030];
	[tilespmem:s22+$0xA000] =	vst v2;
	v3 =	vmul.f32 v8, v3  }
0x3f9: {  	v2 =	vld [tilespmem:s24+$0xA000];
	[tilespmem:s22+$0xA010] =	vst v4;
	v7 =	vmul.f32 v10, v7  }
0x3fa: {  	v4 =	vld [tilespmem:s24+$0xA010];
	[tilespmem:s22+$0xA020] =	vst v3;
	v5 =	vmov v9  }
0x3fb: {  	s23 =	sadd.s32 $0x200, s23;
	v3 =	vld [tilespmem:s24+$0xA020];
	[tilespmem:s22+$0xA030] =	vst v7;
	v6 =	vmov v11;
	s22 =	smov.u32 s24  }
0x3fc: {  	v7 =	vld [tilespmem:s22+$0xA030];
	_ =	sdelay $0x1  }
0x3fd: {  	v2 =	vmul.f32 v5, v2  }
0x3fe: {  	v4 =	vmul.f32 v6, v4  }
0x3ff: {  	[tilespmem:s22+$0xA000] =	vst v2;
	v1 =	vmul.f32 v1, v3  }
0x400: {  	[tilespmem:s22+$0xA010] =	vst v4;
	v0 =	vmul.f32 v0, v7  }
0x401: {  	[tilespmem:s22+$0xA020] =	vst v1  }
0x402: {  	s24 =	simm.s32 $0x0;
	[tilespmem:s22+$0xA030] =	vst v0  }
0x403: {  	[hbm4b:s3+s24] =	stream.linear.scatter [tilespmem:s15], [sflag:$0x6], $0x4000, $0x38;
	[tilespmem:$0x14000] =	vst v63  }
0x404: {  	_ =	swait.ge [sflag:s13], $0x4000  }
0x405: {  	[sflag:s13] =	ssyncset.done $0x0  }
0x406: {  	[sflag:s13] =	ssyncadd.s32 $0xFFFFC000  }
0x407: {  	_ =	swait.ge [sflag:s14], $0x4000  }
0x408: {  	[sflag:s14] =	ssyncset.done $0x0  }
0x409: {  	[sflag:s14] =	ssyncadd.s32 $0xFFFFC000  }
0x40a: {  	_ =	swait.ge [sflag:s20], $0x4000  }
0x40b: {  	[sflag:s20] =	ssyncset.done $0x0  }
0x40c: {  	s23 =	simm.s32 $0xE80;
	[sflag:s20] =	ssyncadd.s32 $0xFFFFC000  }
0x40d: {  	[tilespmem:s15], [sflag:$0x3] =	stream.indirect.gather [spmem:s1], $0x80, s23, s10, $0xb8;
	[tilespmem:$0x14000] =	vst v63  }
0x40e: {  	s22 =	simm.s32 $0x0;
	s24 =	simm.s32 $0x1E80  }
0x40f: {  	[tilespmem:s16], [sflag:$0x4] =	stream.indirect.gather [spmem:s1], $0x80, s24, s10, $0xb8;
	[tilespmem:$0x14000] =	vst v63  }
0x410: {  	v5 =	vld [tilespmem:s22+$0x6000]  }
0x411: {  	v6 =	vld [tilespmem:s22+$0x6010]  }
0x412: {  	v1 =	vld [tilespmem:s22+$0x6020]  }
0x413: {  	v0 =	vld [tilespmem:s22+$0x6030]  }
0x414: {  	v2 =	vld [tilespmem:s22+$0x2000]  }
0x415: {  	v4 =	vld [tilespmem:s22+$0x2010]  }
0x416: {  	s23 =	simm.s32 $0x200;
	v3 =	vld [tilespmem:s22+$0x2020]  }
.LBB2_58:
0x417: {  	s24 =	sshra.s32 s23, $0x2;
	p1 =	sne.s32 s23, $0xFE00;
	v7 =	vld [tilespmem:s22+$0x2030];
	v8 =	vmov v1  }
0x418: {  	v9 =	vld [tilespmem:s24+$0x6000];
	v10 =	vmov v0  }
0x419: {  	v11 =	vld [tilespmem:s24+$0x6010];
	v2 =	vmul.f32 v5, v2  }
.Ltmp28:
0x41a: {  	v1 =	vld [tilespmem:s24+$0x6020];
	v4 =	vmul.f32 v6, v4;
	(pc) =	sbr.rel @p1 .LBB2_58-.Ltmp28, $4  }
0x41b: {  	v0 =	vld [tilespmem:s24+$0x6030];
	[tilespmem:s22+$0x2000] =	vst v2;
	v3 =	vmul.f32 v8, v3  }
0x41c: {  	v2 =	vld [tilespmem:s24+$0x2000];
	[tilespmem:s22+$0x2010] =	vst v4;
	v7 =	vmul.f32 v10, v7  }
0x41d: {  	v4 =	vld [tilespmem:s24+$0x2010];
	[tilespmem:s22+$0x2020] =	vst v3;
	v5 =	vmov v9  }
0x41e: {  	s23 =	sadd.s32 $0x200, s23;
	v3 =	vld [tilespmem:s24+$0x2020];
	[tilespmem:s22+$0x2030] =	vst v7;
	v6 =	vmov v11;
	s22 =	smov.u32 s24  }
0x41f: {  	v7 =	vld [tilespmem:s22+$0x2030];
	_ =	sdelay $0x1  }
0x420: {  	v2 =	vmul.f32 v5, v2  }
0x421: {  	v4 =	vmul.f32 v6, v4  }
0x422: {  	[tilespmem:s22+$0x2000] =	vst v2;
	v1 =	vmul.f32 v1, v3  }
0x423: {  	[tilespmem:s22+$0x2010] =	vst v4;
	v0 =	vmul.f32 v0, v7  }
0x424: {  	[tilespmem:s22+$0x2020] =	vst v1  }
0x425: {  	s24 =	simm.s32 $0x0;
	[tilespmem:s22+$0x2030] =	vst v0  }
0x426: {  	[hbm4b:s4+s24] =	stream.linear.scatter [tilespmem:s11], [sflag:$0x5], $0x4000, $0x38;
	[tilespmem:$0x14000] =	vst v63  }
0x427: {  	_ =	swait.ge [sflag:s17], $0x4000  }
0x428: {  	[sflag:s17] =	ssyncset.done $0x0  }
0x429: {  	[sflag:s17] =	ssyncadd.s32 $0xFFFFC000  }
0x42a: {  	_ =	swait.ge [sflag:s18], $0x4000  }
0x42b: {  	[sflag:s18] =	ssyncset.done $0x0  }
0x42c: {  	[sflag:s18] =	ssyncadd.s32 $0xFFFFC000  }
0x42d: {  	_ =	swait.ge [sflag:s19], $0x4000  }
0x42e: {  	[sflag:s19] =	ssyncset.done $0x0  }
0x42f: {  	s23 =	simm.s32 $0xF00;
	[sflag:s19] =	ssyncadd.s32 $0xFFFFC000  }
0x430: {  	[tilespmem:s11], [sflag:$0x1] =	stream.indirect.gather [spmem:s1], $0x80, s23, s10, $0xb8;
	[tilespmem:$0x14000] =	vst v63  }
0x431: {  	s22 =	simm.s32 $0x0;
	s24 =	simm.s32 $0x1F00  }
0x432: {  	[tilespmem:s12], [sflag:$0x2] =	stream.indirect.gather [spmem:s1], $0x80, s24, s10, $0xb8;
	[tilespmem:$0x14000] =	vst v63  }
0x433: {  	v5 =	vld [tilespmem:s22+$0xE000]  }
0x434: {  	v6 =	vld [tilespmem:s22+$0xE010]  }
0x435: {  	v1 =	vld [tilespmem:s22+$0xE020]  }
0x436: {  	v0 =	vld [tilespmem:s22+$0xE030]  }
0x437: {  	v2 =	vld [tilespmem:s22+$0xA000]  }
0x438: {  	v4 =	vld [tilespmem:s22+$0xA010]  }
0x439: {  	s23 =	simm.s32 $0x200;
	v3 =	vld [tilespmem:s22+$0xA020]  }
.LBB2_60:
0x43a: {  	s24 =	sshra.s32 s23, $0x2;
	p1 =	sne.s32 s23, $0xFE00;
	v7 =	vld [tilespmem:s22+$0xA030];
	v8 =	vmov v1  }
0x43b: {  	v9 =	vld [tilespmem:s24+$0xE000];
	v10 =	vmov v0  }
0x43c: {  	v11 =	vld [tilespmem:s24+$0xE010];
	v2 =	vmul.f32 v5, v2  }
.Ltmp29:
0x43d: {  	v1 =	vld [tilespmem:s24+$0xE020];
	v4 =	vmul.f32 v6, v4;
	(pc) =	sbr.rel @p1 .LBB2_60-.Ltmp29, $4  }
0x43e: {  	v0 =	vld [tilespmem:s24+$0xE030];
	[tilespmem:s22+$0xA000] =	vst v2;
	v3 =	vmul.f32 v8, v3  }
0x43f: {  	v2 =	vld [tilespmem:s24+$0xA000];
	[tilespmem:s22+$0xA010] =	vst v4;
	v7 =	vmul.f32 v10, v7  }
0x440: {  	v4 =	vld [tilespmem:s24+$0xA010];
	[tilespmem:s22+$0xA020] =	vst v3;
	v5 =	vmov v9  }
0x441: {  	s23 =	sadd.s32 $0x200, s23;
	v3 =	vld [tilespmem:s24+$0xA020];
	[tilespmem:s22+$0xA030] =	vst v7;
	v6 =	vmov v11;
	s22 =	smov.u32 s24  }
0x442: {  	v7 =	vld [tilespmem:s22+$0xA030];
	_ =	sdelay $0x1  }
0x443: {  	v2 =	vmul.f32 v5, v2  }
0x444: {  	v4 =	vmul.f32 v6, v4  }
0x445: {  	[tilespmem:s22+$0xA000] =	vst v2;
	v1 =	vmul.f32 v1, v3  }
0x446: {  	[tilespmem:s22+$0xA010] =	vst v4;
	v0 =	vmul.f32 v0, v7  }
0x447: {  	[tilespmem:s22+$0xA020] =	vst v1  }
0x448: {  	s24 =	simm.s32 $0x0;
	[tilespmem:s22+$0xA030] =	vst v0  }
0x449: {  	[hbm4b:s5+s24] =	stream.linear.scatter [tilespmem:s15], [sflag:$0x6], $0x4000, $0x38;
	[tilespmem:$0x14000] =	vst v63  }
0x44a: {  	_ =	swait.ge [sflag:s13], $0x4000  }
0x44b: {  	[sflag:s13] =	ssyncset.done $0x0  }
0x44c: {  	[sflag:s13] =	ssyncadd.s32 $0xFFFFC000  }
0x44d: {  	_ =	swait.ge [sflag:s14], $0x4000  }
0x44e: {  	[sflag:s14] =	ssyncset.done $0x0  }
0x44f: {  	[sflag:s14] =	ssyncadd.s32 $0xFFFFC000  }
0x450: {  	_ =	swait.ge [sflag:s20], $0x4000  }
0x451: {  	[sflag:s20] =	ssyncset.done $0x0  }
0x452: {  	s23 =	simm.s32 $0xF80;
	[sflag:s20] =	ssyncadd.s32 $0xFFFFC000  }
0x453: {  	[tilespmem:s15], [sflag:$0x3] =	stream.indirect.gather [spmem:s1], $0x80, s23, s10, $0xb8;
	[tilespmem:$0x14000] =	vst v63  }
0x454: {  	s22 =	simm.s32 $0x0;
	s24 =	simm.s32 $0x1F80  }
0x455: {  	[tilespmem:s16], [sflag:$0x4] =	stream.indirect.gather [spmem:s1], $0x80, s24, s10, $0xb8;
	[tilespmem:$0x14000] =	vst v63  }
0x456: {  	v5 =	vld [tilespmem:s22+$0x6000]  }
0x457: {  	v6 =	vld [tilespmem:s22+$0x6010]  }
0x458: {  	v1 =	vld [tilespmem:s22+$0x6020]  }
0x459: {  	v0 =	vld [tilespmem:s22+$0x6030]  }
0x45a: {  	v2 =	vld [tilespmem:s22+$0x2000]  }
0x45b: {  	v4 =	vld [tilespmem:s22+$0x2010]  }
0x45c: {  	s23 =	simm.s32 $0x200;
	v3 =	vld [tilespmem:s22+$0x2020]  }
.LBB2_62:
0x45d: {  	s24 =	sshra.s32 s23, $0x2;
	p1 =	sne.s32 s23, $0xFE00;
	v7 =	vld [tilespmem:s22+$0x2030];
	v8 =	vmov v1  }
0x45e: {  	v9 =	vld [tilespmem:s24+$0x6000];
	v10 =	vmov v0  }
0x45f: {  	v11 =	vld [tilespmem:s24+$0x6010];
	v2 =	vmul.f32 v5, v2  }
.Ltmp30:
0x460: {  	v1 =	vld [tilespmem:s24+$0x6020];
	v4 =	vmul.f32 v6, v4;
	(pc) =	sbr.rel @p1 .LBB2_62-.Ltmp30, $4  }
0x461: {  	v0 =	vld [tilespmem:s24+$0x6030];
	[tilespmem:s22+$0x2000] =	vst v2;
	v3 =	vmul.f32 v8, v3  }
0x462: {  	v2 =	vld [tilespmem:s24+$0x2000];
	[tilespmem:s22+$0x2010] =	vst v4;
	v7 =	vmul.f32 v10, v7  }
0x463: {  	v4 =	vld [tilespmem:s24+$0x2010];
	[tilespmem:s22+$0x2020] =	vst v3;
	v5 =	vmov v9  }
0x464: {  	s23 =	sadd.s32 $0x200, s23;
	v3 =	vld [tilespmem:s24+$0x2020];
	[tilespmem:s22+$0x2030] =	vst v7;
	v6 =	vmov v11;
	s22 =	smov.u32 s24  }
0x465: {  	v7 =	vld [tilespmem:s22+$0x2030];
	_ =	sdelay $0x1  }
0x466: {  	v2 =	vmul.f32 v5, v2  }
0x467: {  	v4 =	vmul.f32 v6, v4  }
0x468: {  	[tilespmem:s22+$0x2000] =	vst v2;
	v1 =	vmul.f32 v1, v3  }
0x469: {  	[tilespmem:s22+$0x2010] =	vst v4;
	v0 =	vmul.f32 v0, v7  }
0x46a: {  	[tilespmem:s22+$0x2020] =	vst v1  }
0x46b: {  	s24 =	simm.s32 $0x0;
	[tilespmem:s22+$0x2030] =	vst v0  }
0x46c: {  	[hbm4b:s6+s24] =	stream.linear.scatter [tilespmem:s11], [sflag:$0x5], $0x4000, $0x38;
	[tilespmem:$0x14000] =	vst v63  }
0x46d: {  	_ =	swait.ge [sflag:s17], $0x4000  }
0x46e: {  	[sflag:s17] =	ssyncset.done $0x0  }
0x46f: {  	[sflag:s17] =	ssyncadd.s32 $0xFFFFC000  }
0x470: {  	_ =	swait.ge [sflag:s18], $0x4000  }
0x471: {  	[sflag:s18] =	ssyncset.done $0x0  }
0x472: {  	s22 =	simm.s32 $0x0;
	[sflag:s18] =	ssyncadd.s32 $0xFFFFC000  }
0x473: {  	v5 =	vld [tilespmem:s22+$0xE000]  }
0x474: {  	v6 =	vld [tilespmem:s22+$0xE010]  }
0x475: {  	v1 =	vld [tilespmem:s22+$0xE020]  }
0x476: {  	v0 =	vld [tilespmem:s22+$0xE030]  }
0x477: {  	v2 =	vld [tilespmem:s22+$0xA000]  }
0x478: {  	v4 =	vld [tilespmem:s22+$0xA010]  }
0x479: {  	s23 =	simm.s32 $0x200;
	v3 =	vld [tilespmem:s22+$0xA020]  }
.LBB2_64:
0x47a: {  	s24 =	sshra.s32 s23, $0x2;
	p1 =	sne.s32 s23, $0xFE00;
	v7 =	vld [tilespmem:s22+$0xA030];
	v8 =	vmov v1  }
0x47b: {  	v9 =	vld [tilespmem:s24+$0xE000];
	v10 =	vmov v0  }
0x47c: {  	v11 =	vld [tilespmem:s24+$0xE010];
	v2 =	vmul.f32 v5, v2  }
.Ltmp31:
0x47d: {  	v1 =	vld [tilespmem:s24+$0xE020];
	v4 =	vmul.f32 v6, v4;
	(pc) =	sbr.rel @p1 .LBB2_64-.Ltmp31, $4  }
0x47e: {  	v0 =	vld [tilespmem:s24+$0xE030];
	[tilespmem:s22+$0xA000] =	vst v2;
	v3 =	vmul.f32 v8, v3  }
0x47f: {  	v2 =	vld [tilespmem:s24+$0xA000];
	[tilespmem:s22+$0xA010] =	vst v4;
	v7 =	vmul.f32 v10, v7  }
0x480: {  	v4 =	vld [tilespmem:s24+$0xA010];
	[tilespmem:s22+$0xA020] =	vst v3;
	v5 =	vmov v9  }
0x481: {  	s23 =	sadd.s32 $0x200, s23;
	v3 =	vld [tilespmem:s24+$0xA020];
	[tilespmem:s22+$0xA030] =	vst v7;
	v6 =	vmov v11;
	s22 =	smov.u32 s24  }
0x482: {  	v7 =	vld [tilespmem:s22+$0xA030];
	_ =	sdelay $0x1  }
0x483: {  	v2 =	vmul.f32 v5, v2  }
0x484: {  	v4 =	vmul.f32 v6, v4  }
0x485: {  	[tilespmem:s22+$0xA000] =	vst v2;
	v1 =	vmul.f32 v1, v3  }
0x486: {  	[tilespmem:s22+$0xA010] =	vst v4;
	v0 =	vmul.f32 v0, v7  }
0x487: {  	[tilespmem:s22+$0xA020] =	vst v1  }
0x488: {  	s21 =	sadd.s32 $0x1, s21;
	[tilespmem:s22+$0xA030] =	vst v0  }
0x489: {  	[hbm4b:s7+s2] =	stream.linear.scatter [tilespmem:s15], [sflag:$0x6], $0x4000, $0x38;
	[tilespmem:$0x14000] =	vst v63  }
0x48a: {  	p1 =	sne.s32 s21, s8;
	_ =	swait.ge [sflag:s19], $0x4000  }
.Ltmp32:
0x48b: {  	[sflag:s19] =	ssyncset.done $0x0;
	(pc) =	sbr.rel @p1 .LBB2_1-.Ltmp32, $4  }
0x48c: {  	[sflag:s19] =	ssyncadd.s32 $0xFFFFC000  }
0x48d: {  	_ =	swait.ge [sflag:s20], $0x4000  }
0x48e: {  	[sflag:s20] =	ssyncset.done $0x0  }
0x48f: {  	[sflag:s20] =	ssyncadd.s32 $0xFFFFC000  }
0x490: {  	_ =	sfence.sel $0x180000  }
0x491: {  	[bflag:$0x0] =	sbarrier.arrive $0xFFFF  }
0x492: {  	_ =	strace $0x90000047  }
0x493: {  	[bflag:$0x2] =	sbarrier.arrive $0xFFFF  }
0x494: {  	s0 =	rddreg [dreg:$0x3]  }
0x495: {  	s0 =	sadd.s32 @!p0 $0x100000, s0  }
0x496: {  	[sflag:s0] =	ssyncadd.tile.s32 @!p0 $0x1;
	_ =	shalt  }
.Lfunc_end2:
_tile_overlayer_lowered:
.L_overlay_start_2:
0x497: {  	(tag) =	ssettag $0x2  }
0x498: {  	s0 =	rddreg [dreg:$0x0];
	s2 =	stileid.u32  }
0x499: {  	s1 =	rddreg [dreg:$0x1];
	p0 =	sne.s32 s2, $0x0  }
0x49a: {  	s3 =	rddreg [dreg:$0x2];
	[bflag:$0x3] =	sbarrier.arrive $0xFFFF;
	s2 =	simm.s32 @!p0 $0x1C07  }
0x49b: {  	[timem:s3], [sflag:s2] =	dma.local @!p0 [hbm:s0], s1  }
0x49c: {  	s0 =	simm.s32 @!p0 $0x7  }
0x49d: {  	_ =	swait.ge @!p0 [sflag:s0], s1  }
0x49e: {  	s1 =	ssub.s32 @!p0 $0x0, s1;
	[sflag:s0] =	ssyncset.done @!p0 $0x0  }
0x49f: {  	[sflag:s0] =	ssyncadd.s32 @!p0 s1  }
0x4a0: {  	[bflag:$0x3] =	sbarrier.arrive $0xFFFF  }
0x4a1: {  	_ =	shalt  }

</sc_bundles>
